<compile_context>
chip_gen: v7x
topology: tpu7x:2x2x1
jax: 0.10.2.dev20260603
libtpu: 0.0.44.dev20260713+nightly
codegen_flags: <defaults>
</compile_context>

<pallas_src>
import functools

import jax
import jax.numpy as jnp
from jax import lax
from jax.experimental import pallas as pl
from jax.experimental.pallas import tpu as pltpu
from jax.experimental.pallas import tpu_sc as plsc

_N = 10000
_NP = 10240
_E = 320000
_NC = 2
_NS = 16
_NW = _NC * _NS
_EPW = _E // _NW
_K = 125
_NBAT = _EPW // _K
_RPT = _NP // _NS
_NBUF = 8


@functools.lru_cache(maxsize=None)
def _mesh():
    return plsc.VectorSubcoreMesh(
        core_axis_name="c", subcore_axis_name="s", num_cores=_NC, num_subcores=_NS
    )


@functools.lru_cache(maxsize=None)
def _make_agg(F):
    nbuf = _NBUF

    @functools.partial(
        pl.kernel,
        out_type=jax.ShapeDtypeStruct((_NC, _NP, F), jnp.float32),
        mesh=_mesh(),
        compiler_params=pltpu.CompilerParams(use_tc_tiling_on_sc=False),
        scratch_types=[
            pltpu.VMEM((_NBAT, _K), jnp.int32),
            pltpu.VMEM((_NBAT, _K), jnp.int32),
            [pltpu.VMEM((_K, F), jnp.float32)] * nbuf,
            [pltpu.SemaphoreType.DMA] * nbuf,
            [pltpu.SemaphoreType.DMA] * nbuf,
            pltpu.VMEM_SHARED((_NP, F), jnp.float32),
        ],
    )
    def agg(ei_hbm, zt_hbm, zeros_hbm, out_hbm, src_v, dst_v, rows, gsem,
            ssem, acc):
        c = lax.axis_index("c")
        s = lax.axis_index("s")
        wid = s * _NC + c
        row0 = pl.multiple_of(s * _RPT, _RPT)
        pltpu.sync_copy(ei_hbm.at[wid], src_v)
        pltpu.sync_copy(ei_hbm.at[_NW + wid], dst_v)

        @pl.when(c == 0)
        def _():
            pltpu.sync_copy(zt_hbm.at[pl.ds(row0, _RPT)],
                            acc.at[pl.ds(row0, _RPT)])

        @pl.when(c == 1)
        def _():
            pltpu.sync_copy(zeros_hbm.at[pl.ds(row0, _RPT)],
                            acc.at[pl.ds(row0, _RPT)])

        plsc.subcore_barrier()

        for b in range(nbuf):
            pltpu.async_copy(zt_hbm.at[src_v.at[b]], rows[b], gsem[b])

        def body(j, carry):
            for b in range(nbuf):
                i = nbuf * j + b
                pltpu.make_async_copy(zt_hbm.at[src_v.at[i]], rows[b],
                                      gsem[b]).wait()
                pltpu.async_copy(rows[b], acc.at[dst_v.at[i]], ssem[b],
                                 add=True)

                @pl.when(i + nbuf < _NBAT)
                def _():
                    pltpu.make_async_copy(rows[b], acc.at[dst_v.at[i]],
                                          ssem[b]).wait()
                    pltpu.async_copy(zt_hbm.at[src_v.at[i + nbuf]], rows[b],
                                     gsem[b])

            return carry

        lax.fori_loop(0, _NBAT // nbuf, body, 0)
        for b in range(nbuf):
            i = _NBAT - nbuf + b
            pltpu.make_async_copy(rows[b], acc.at[dst_v.at[i]], ssem[b]).wait()
        plsc.subcore_barrier()
        pltpu.sync_copy(acc.at[pl.ds(row0, _RPT)], out_hbm.at[c, pl.ds(row0, _RPT)])

    return agg


@functools.lru_cache(maxsize=None)
def _make_deg():
    @functools.partial(
        pl.kernel,
        out_type=jax.ShapeDtypeStruct((_NC, _NP, 16), jnp.float32),
        mesh=_mesh(),
        compiler_params=pltpu.CompilerParams(use_tc_tiling_on_sc=False),
        scratch_types=[
            pltpu.VMEM((_NBAT, _K), jnp.int32),
            pltpu.VMEM((_K, 16), jnp.float32),
            pltpu.VMEM_SHARED((_NP, 16), jnp.float32),
            pltpu.SemaphoreType.DMA,
        ],
    )
    def deg_kernel(ei_hbm, ones_hbm, zeros_hbm, out_hbm, dst_v, ones_v, acc,
                   sem):
        c = lax.axis_index("c")
        s = lax.axis_index("s")
        wid = s * _NC + c
        row0 = pl.multiple_of(s * _RPT, _RPT)
        pltpu.sync_copy(ei_hbm.at[_NW + wid], dst_v)
        pltpu.sync_copy(ones_hbm, ones_v)
        pltpu.sync_copy(zeros_hbm.at[pl.ds(row0, _RPT)], acc.at[pl.ds(row0, _RPT)])
        plsc.subcore_barrier()

        def body(j, carry):
            for t in range(16):
                pltpu.async_copy(ones_v, acc.at[dst_v.at[16 * j + t]], sem,
                                 add=True)
            for t in range(16):
                pltpu.make_async_copy(ones_v, acc.at[dst_v.at[16 * j + t]],
                                      sem).wait()
            return carry

        lax.fori_loop(0, _NBAT // 16, body, 0)
        plsc.subcore_barrier()
        pltpu.sync_copy(acc.at[pl.ds(row0, _RPT)], out_hbm.at[c, pl.ds(row0, _RPT)])

    return deg_kernel


def _mm_body(x_ref, w_ref, o_ref):
    o_ref[...] = jnp.dot(x_ref[...], w_ref[...], preferred_element_type=jnp.float32)


def _scale_body(degp_ref, y_ref, o_ref, dis_ref):
    deg = degp_ref[0, :, 0:1] + degp_ref[1, :, 0:1] + 1.0
    dis = lax.rsqrt(deg)
    dis_ref[...] = jnp.broadcast_to(dis, (_NP, 64))
    o_ref[0:_N, :] = dis[0:_N] * y_ref[...]
    o_ref[_N:, :] = jnp.zeros((_NP - _N, o_ref.shape[1]), jnp.float32)


def _bn_relu_scale_body(dis_ref, p_ref, g_ref, be_ref, b_ref, o_ref):
    dis = dis_ref[0:_N, :]
    t = dis * (p_ref[0, 0:_N, :] + p_ref[1, 0:_N, :]) + b_ref[...]
    mu = jnp.mean(t, axis=0, keepdims=True)
    var = jnp.mean((t - mu) ** 2, axis=0, keepdims=True)
    h = (t - mu) * lax.rsqrt(var + 1e-5) * g_ref[...] + be_ref[...]
    o_ref[0:_N, :] = dis * jnp.maximum(h, 0.0)
    o_ref[_N:, :] = jnp.zeros((_NP - _N, o_ref.shape[1]), jnp.float32)


def _layer2_body(dis_ref, p_ref, w2_ref, b2_ref, g2_ref, be2_ref,
                 w3_ref, o_ref):
    dis = dis_ref[0:_N, :]
    u = dis * (p_ref[0, 0:_N, :] + p_ref[1, 0:_N, :])
    t = jnp.dot(u, w2_ref[...], preferred_element_type=jnp.float32) + b2_ref[...]
    mu = jnp.mean(t, axis=0, keepdims=True)
    var = jnp.mean((t - mu) ** 2, axis=0, keepdims=True)
    h = (t - mu) * lax.rsqrt(var + 1e-5) * g2_ref[...] + be2_ref[...]
    h = jnp.maximum(h, 0.0)
    o_ref[0:_N, 0:10] = dis[:, 0:10] * jnp.dot(
        h, w3_ref[...], preferred_element_type=jnp.float32)
    o_ref[0:_N, 10:16] = jnp.zeros((_N, 6), jnp.float32)
    o_ref[_N:, :] = jnp.zeros((_NP - _N, o_ref.shape[1]), jnp.float32)


def _pool_body(dis_ref, p_ref, batch_ref, b3_ref, o_ref):
    t3 = dis_ref[0:_N, 0:16] * (p_ref[0, 0:_N, :] + p_ref[1, 0:_N, :])
    gids = lax.broadcasted_iota(jnp.int32, (64, 1), 0)
    oht = (gids == batch_ref[...]).astype(jnp.float32)
    sums = jnp.dot(oht, t3, preferred_element_type=jnp.float32)
    counts = jnp.dot(oht, jnp.ones((_N, 1), jnp.float32),
                     preferred_element_type=jnp.float32)
    pooled = sums[:, :10] / jnp.maximum(counts, 1.0) + b3_ref[...]
    m = jnp.max(pooled, axis=1, keepdims=True)
    lse = jnp.log(jnp.sum(jnp.exp(pooled - m), axis=1, keepdims=True)) + m
    o_ref[...] = pooled - lse


def _tc(body, out_shape, *args):
    return pl.pallas_call(body, out_shape=out_shape)(*args)


def kernel(x, edge_index, batch, W1, b1, g1, be1, W2, b2, g2, be2, W3, b3):
    f32 = jnp.float32
    ei3 = edge_index.reshape(2 * _NW, _NBAT, _K)
    ones_k = jnp.ones((_K, 16), f32)
    zeros_n16 = jnp.zeros((_NP, 16), f32)
    zeros_n64 = jnp.zeros((_NP, 64), f32)

    degp = _make_deg()(ei3, ones_k, zeros_n16)
    y1 = _tc(_mm_body, jax.ShapeDtypeStruct((_N, 64), f32), x, W1)
    zt1, dis64 = _tc(_scale_body,
                     (jax.ShapeDtypeStruct((_NP, 64), f32),
                      jax.ShapeDtypeStruct((_NP, 64), f32)),
                     degp, y1)

    p1 = _make_agg(64)(ei3, zt1, zeros_n64)
    zt2 = _tc(_bn_relu_scale_body, jax.ShapeDtypeStruct((_NP, 64), f32),
              dis64, p1, g1.reshape(1, -1), be1.reshape(1, -1),
              b1.reshape(1, -1))

    p2 = _make_agg(64)(ei3, zt2, zeros_n64)
    zt3 = _tc(_layer2_body, jax.ShapeDtypeStruct((_NP, 16), f32),
              dis64, p2, W2, b2.reshape(1, -1), g2.reshape(1, -1),
              be2.reshape(1, -1), W3)

    p3 = _make_agg(16)(ei3, zt3, zeros_n16)
    out = _tc(_pool_body, jax.ShapeDtypeStruct((64, 10), f32),
              dis64, p3, batch.reshape(1, _N), b3.reshape(1, -1))
    return out

# --- scband reference (transcript-rebuilt; emitter-appended) ---
"""Pipeline reference for scband-gcn-7481833030015 (READ-ONLY COPY).

The authoritative reference and input builder live on the scoring server;
editing this copy changes nothing except your own understanding.
"""

import jax, jax.numpy as jnp
import numpy as np

N = 10000
E = 320000
F_IN = 128
H1 = 64
H2 = 128
C = 10
G = 64


def setup_inputs(seed: int = 0) -> dict:
    key = jax.random.key(seed)
    ks = jax.random.split(key, 8)
    x = jax.random.normal(ks[0], (N, F_IN), dtype=jnp.float32)
    edge_index = jax.random.randint(ks[1], (2, E), 0, N, dtype=jnp.int32)
    batch = jnp.sort(jax.random.randint(ks[2], (N,), 0, G, dtype=jnp.int32))
    W1 = jax.random.normal(ks[3], (F_IN, H1), dtype=jnp.float32) * (1.0 / np.sqrt(F_IN))
    b1 = jnp.zeros((H1,), dtype=jnp.float32)
    g1 = jnp.ones((H1,), dtype=jnp.float32)
    be1 = jnp.zeros((H1,), dtype=jnp.float32)
    W2 = jax.random.normal(ks[4], (H1, H2), dtype=jnp.float32) * (1.0 / np.sqrt(H1))
    b2 = jnp.zeros((H2,), dtype=jnp.float32)
    g2 = jnp.ones((H2,), dtype=jnp.float32)
    be2 = jnp.zeros((H2,), dtype=jnp.float32)
    W3 = jax.random.normal(ks[5], (H2, C), dtype=jnp.float32) * (1.0 / np.sqrt(H2))
    b3 = jnp.zeros((C,), dtype=jnp.float32)
    return {"x": x, "edge_index": edge_index, "batch": batch,
            "W1": W1, "b1": b1, "g1": g1, "be1": be1,
            "W2": W2, "b2": b2, "g2": g2, "be2": be2,
            "W3": W3, "b3": b3}


def _gcn_conv(x, src, dst, W, b, num_nodes):
    # GCNConv: D^{-1/2} (A + I) D^{-1/2} X W + b
    loop = jnp.arange(num_nodes, dtype=src.dtype)
    s = jnp.concatenate([src, loop])
    d = jnp.concatenate([dst, loop])
    deg = jnp.zeros((num_nodes,), dtype=x.dtype).at[d].add(1.0)
    dis = jax.lax.rsqrt(jnp.maximum(deg, 1e-12))
    norm = dis[s] * dis[d]
    xw = x @ W
    msg = xw[s] * norm[:, None]
    out = jnp.zeros((num_nodes, W.shape[1]), dtype=x.dtype).at[d].add(msg)
    return out + b


def _bn(x, gamma, beta, eps=1e-5):
    # BatchNorm1d in training mode: batch statistics, biased variance
    mu = jnp.mean(x, axis=0)
    var = jnp.var(x, axis=0)
    return (x - mu) * jax.lax.rsqrt(var + eps) * gamma + beta


def reference(x, edge_index, batch, W1, b1, g1, be1, W2, b2, g2, be2, W3, b3):
    src = edge_index[0]
    dst = edge_index[1]
    h = jax.nn.relu(_bn(_gcn_conv(x, src, dst, W1, b1, N), g1, be1))
    # dropout treated as identity (deterministic reference)
    h = jax.nn.relu(_bn(_gcn_conv(h, src, dst, W2, b2, N), g2, be2))
    h = _gcn_conv(h, src, dst, W3, b3, N)
    sums = jax.ops.segment_sum(h, batch, num_segments=G)
    counts = jax.ops.segment_sum(jnp.ones((N,), dtype=h.dtype), batch, num_segments=G)
    pooled = sums / jnp.maximum(counts, 1.0)[:, None]
    return jax.nn.log_softmax(pooled, axis=1)

if __name__ == "__main__":
    import jax
    _d = setup_inputs()
    print(jax.jit(kernel)(*tuple(_d.values())))

</pallas_src>

<mosaic_0001>
#map = affine_map<(d0, d1) -> (0, 0, 0)>
#map1 = affine_map<(d0, d1) -> (0, 0)>
module attributes {stable_mosaic.version = 14 : i64} {
  func.func @agg(%arg0: i32, %arg1: i32, %arg2: memref<64x80x125xi32, #tpu.memory_space<hbm>>, %arg3: memref<10240x64xf32, #tpu.memory_space<hbm>>, %arg4: memref<10240x64xf32, #tpu.memory_space<hbm>>, %arg5: memref<2x10240x64xf32, #tpu.memory_space<hbm>>, %arg6: memref<80x125xi32, #tpu.memory_space<vmem>>, %arg7: memref<80x125xi32, #tpu.memory_space<vmem>>, %arg8: memref<125x64xf32, #tpu.memory_space<vmem>>, %arg9: memref<125x64xf32, #tpu.memory_space<vmem>>, %arg10: memref<125x64xf32, #tpu.memory_space<vmem>>, %arg11: memref<125x64xf32, #tpu.memory_space<vmem>>, %arg12: memref<125x64xf32, #tpu.memory_space<vmem>>, %arg13: memref<125x64xf32, #tpu.memory_space<vmem>>, %arg14: memref<125x64xf32, #tpu.memory_space<vmem>>, %arg15: memref<125x64xf32, #tpu.memory_space<vmem>>, %arg16: memref<!tpu.dma_semaphore, #tpu.memory_space<semaphore_mem>>, %arg17: memref<!tpu.dma_semaphore, #tpu.memory_space<semaphore_mem>>, %arg18: memref<!tpu.dma_semaphore, #tpu.memory_space<semaphore_mem>>, %arg19: memref<!tpu.dma_semaphore, #tpu.memory_space<semaphore_mem>>, %arg20: memref<!tpu.dma_semaphore, #tpu.memory_space<semaphore_mem>>, %arg21: memref<!tpu.dma_semaphore, #tpu.memory_space<semaphore_mem>>, %arg22: memref<!tpu.dma_semaphore, #tpu.memory_space<semaphore_mem>>, %arg23: memref<!tpu.dma_semaphore, #tpu.memory_space<semaphore_mem>>, %arg24: memref<!tpu.dma_semaphore, #tpu.memory_space<semaphore_mem>>, %arg25: memref<!tpu.dma_semaphore, #tpu.memory_space<semaphore_mem>>, %arg26: memref<!tpu.dma_semaphore, #tpu.memory_space<semaphore_mem>>, %arg27: memref<!tpu.dma_semaphore, #tpu.memory_space<semaphore_mem>>, %arg28: memref<!tpu.dma_semaphore, #tpu.memory_space<semaphore_mem>>, %arg29: memref<!tpu.dma_semaphore, #tpu.memory_space<semaphore_mem>>, %arg30: memref<!tpu.dma_semaphore, #tpu.memory_space<semaphore_mem>>, %arg31: memref<!tpu.dma_semaphore, #tpu.memory_space<semaphore_mem>>, %arg32: memref<10240x64xf32, #tpu.memory_space<vmem_shared>>) attributes {dimension_semantics = [#tpu.dimension_semantics<core_parallel>, #tpu.dimension_semantics<subcore_parallel>], iteration_bounds = array<i64: 2, 16>, scalar_prefetch = 0 : i64, scratch_operands = 27 : i64, tpu.core_type = #tpu.core_type<sc_vector_subcore>, window_params = [{transform_indices = #map}, {transform_indices = #map1}, {transform_indices = #map1}, {transform_indices = #map}]} {
    %mul3A = arith.constant 2 : i32
    %mul3A_0 = arith.muli %arg1, %mul3A : i32
    %add3A = arith.addi %mul3A_0, %arg0 : i32
    %mul3A_1 = arith.constant 640 : i32
    %mul3A_2 = arith.muli %arg1, %mul3A_1 : i32
    %multiple_of3A = tpu.assume_multiple %mul3A_2, 640 : i32
    "tpu.region"() ({
      %run_scoped3A = tpu.sem_alloc : memref<!tpu.dma_semaphore, #tpu.memory_space<semaphore_mem>>
      %dma_start3A_128 = arith.constant 0 : i32
      %dma_start3A_129 = arith.constant 0 : i32
      %dma_start3A_130 = tpu.memref_slice %arg2[%add3A, %dma_start3A_128, %dma_start3A_129] : memref<64x80x125xi32, #tpu.memory_space<hbm>> -> memref<1x80x125xi32, #tpu.memory_space<hbm>>
      %dma_start3A_131 = tpu.memref_squeeze %dma_start3A_130 : memref<1x80x125xi32, #tpu.memory_space<hbm>> -> memref<80x125xi32, #tpu.memory_space<hbm>>
      %dma_start3A_132 = arith.constant 0 : i32
      %dma_start3A_133 = arith.constant 0 : i32
      %dma_start3A_134 = tpu.memref_slice %arg2[%add3A, %dma_start3A_132, %dma_start3A_133] : memref<64x80x125xi32, #tpu.memory_space<hbm>> -> memref<1x80x125xi32, #tpu.memory_space<hbm>>
      %dma_start3A_135 = tpu.memref_squeeze %dma_start3A_134 : memref<1x80x125xi32, #tpu.memory_space<hbm>> -> memref<80x125xi32, #tpu.memory_space<hbm>>
      tpu.enqueue_dma source(%dma_start3A_135 : memref<80x125xi32, #tpu.memory_space<hbm>>) target(%arg6 : memref<80x125xi32, #tpu.memory_space<vmem>>) target_semaphore(%run_scoped3A : memref<!tpu.dma_semaphore, #tpu.memory_space<semaphore_mem>>)
      %dma_wait3A_136 = arith.constant 0 : i32
      %dma_wait3A_137 = arith.constant 0 : i32
      %dma_wait3A_138 = tpu.memref_slice %arg2[%add3A, %dma_wait3A_136, %dma_wait3A_137] : memref<64x80x125xi32, #tpu.memory_space<hbm>> -> memref<1x80x125xi32, #tpu.memory_space<hbm>>
      %dma_wait3A_139 = tpu.memref_squeeze %dma_wait3A_138 : memref<1x80x125xi32, #tpu.memory_space<hbm>> -> memref<80x125xi32, #tpu.memory_space<hbm>>
      %dma_wait3A_140 = arith.constant 0 : i32
      %dma_wait3A_141 = arith.constant 0 : i32
      %dma_wait3A_142 = tpu.memref_slice %arg2[%add3A, %dma_wait3A_140, %dma_wait3A_141] : memref<64x80x125xi32, #tpu.memory_space<hbm>> -> memref<1x80x125xi32, #tpu.memory_space<hbm>>
      %dma_wait3A_143 = tpu.memref_squeeze %dma_wait3A_142 : memref<1x80x125xi32, #tpu.memory_space<hbm>> -> memref<80x125xi32, #tpu.memory_space<hbm>>
      tpu.wait_dma2 semaphore(%run_scoped3A : memref<!tpu.dma_semaphore, #tpu.memory_space<semaphore_mem>>) src(%dma_wait3A_143 : memref<80x125xi32, #tpu.memory_space<hbm>>) dst(%arg6 : memref<80x125xi32, #tpu.memory_space<vmem>>)
      tpu.yield
    }) : () -> ()
    %add3A_3 = arith.constant 32 : i32
    %add3A_4 = arith.addi %add3A_3, %add3A : i32
    "tpu.region"() ({
      %run_scoped3A = tpu.sem_alloc : memref<!tpu.dma_semaphore, #tpu.memory_space<semaphore_mem>>
      %dma_start3A_128 = arith.constant 0 : i32
      %dma_start3A_129 = arith.constant 0 : i32
      %dma_start3A_130 = tpu.memref_slice %arg2[%add3A_4, %dma_start3A_128, %dma_start3A_129] : memref<64x80x125xi32, #tpu.memory_space<hbm>> -> memref<1x80x125xi32, #tpu.memory_space<hbm>>
      %dma_start3A_131 = tpu.memref_squeeze %dma_start3A_130 : memref<1x80x125xi32, #tpu.memory_space<hbm>> -> memref<80x125xi32, #tpu.memory_space<hbm>>
      %dma_start3A_132 = arith.constant 0 : i32
      %dma_start3A_133 = arith.constant 0 : i32
      %dma_start3A_134 = tpu.memref_slice %arg2[%add3A_4, %dma_start3A_132, %dma_start3A_133] : memref<64x80x125xi32, #tpu.memory_space<hbm>> -> memref<1x80x125xi32, #tpu.memory_space<hbm>>
      %dma_start3A_135 = tpu.memref_squeeze %dma_start3A_134 : memref<1x80x125xi32, #tpu.memory_space<hbm>> -> memref<80x125xi32, #tpu.memory_space<hbm>>
      tpu.enqueue_dma source(%dma_start3A_135 : memref<80x125xi32, #tpu.memory_space<hbm>>) target(%arg7 : memref<80x125xi32, #tpu.memory_space<vmem>>) target_semaphore(%run_scoped3A : memref<!tpu.dma_semaphore, #tpu.memory_space<semaphore_mem>>)
      %dma_wait3A_136 = arith.constant 0 : i32
      %dma_wait3A_137 = arith.constant 0 : i32
      %dma_wait3A_138 = tpu.memref_slice %arg2[%add3A_4, %dma_wait3A_136, %dma_wait3A_137] : memref<64x80x125xi32, #tpu.memory_space<hbm>> -> memref<1x80x125xi32, #tpu.memory_space<hbm>>
      %dma_wait3A_139 = tpu.memref_squeeze %dma_wait3A_138 : memref<1x80x125xi32, #tpu.memory_space<hbm>> -> memref<80x125xi32, #tpu.memory_space<hbm>>
      %dma_wait3A_140 = arith.constant 0 : i32
      %dma_wait3A_141 = arith.constant 0 : i32
      %dma_wait3A_142 = tpu.memref_slice %arg2[%add3A_4, %dma_wait3A_140, %dma_wait3A_141] : memref<64x80x125xi32, #tpu.memory_space<hbm>> -> memref<1x80x125xi32, #tpu.memory_space<hbm>>
      %dma_wait3A_143 = tpu.memref_squeeze %dma_wait3A_142 : memref<1x80x125xi32, #tpu.memory_space<hbm>> -> memref<80x125xi32, #tpu.memory_space<hbm>>
      tpu.wait_dma2 semaphore(%run_scoped3A : memref<!tpu.dma_semaphore, #tpu.memory_space<semaphore_mem>>) src(%dma_wait3A_143 : memref<80x125xi32, #tpu.memory_space<hbm>>) dst(%arg7 : memref<80x125xi32, #tpu.memory_space<vmem>>)
      tpu.yield
    }) : () -> ()
    %eq3A = arith.constant 0 : i32
    %eq3A_5 = arith.cmpi eq, %arg0, %eq3A : i32
    %convert_element_type3A = arith.extui %eq3A_5 : i1 to i32
    %cond3A = arith.constant 0 : i32
    %cond3A_6 = arith.cmpi ne, %convert_element_type3A, %cond3A : i32
    scf.if %cond3A_6 {
      "tpu.region"() ({
        %run_scoped3A = tpu.sem_alloc : memref<!tpu.dma_semaphore, #tpu.memory_space<semaphore_mem>>
        %dma_start3A_128 = arith.constant 0 : i32
        %dma_start3A_129 = tpu.memref_slice %arg32[%multiple_of3A, %dma_start3A_128] : memref<10240x64xf32, #tpu.memory_space<vmem_shared>> -> memref<640x64xf32, #tpu.memory_space<vmem_shared>>
        %dma_start3A_130 = arith.constant 0 : i32
        %dma_start3A_131 = tpu.memref_slice %arg3[%multiple_of3A, %dma_start3A_130] : memref<10240x64xf32, #tpu.memory_space<hbm>> -> memref<640x64xf32, #tpu.memory_space<hbm>>
        tpu.enqueue_dma source(%dma_start3A_131 : memref<640x64xf32, #tpu.memory_space<hbm>>) target(%dma_start3A_129 : memref<640x64xf32, #tpu.memory_space<vmem_shared>>) target_semaphore(%run_scoped3A : memref<!tpu.dma_semaphore, #tpu.memory_space<semaphore_mem>>)
        %dma_wait3A_132 = arith.constant 0 : i32
        %dma_wait3A_133 = tpu.memref_slice %arg32[%multiple_of3A, %dma_wait3A_132] : memref<10240x64xf32, #tpu.memory_space<vmem_shared>> -> memref<640x64xf32, #tpu.memory_space<vmem_shared>>
        %dma_wait3A_134 = arith.constant 0 : i32
        %dma_wait3A_135 = tpu.memref_slice %arg3[%multiple_of3A, %dma_wait3A_134] : memref<10240x64xf32, #tpu.memory_space<hbm>> -> memref<640x64xf32, #tpu.memory_space<hbm>>
        tpu.wait_dma2 semaphore(%run_scoped3A : memref<!tpu.dma_semaphore, #tpu.memory_space<semaphore_mem>>) src(%dma_wait3A_135 : memref<640x64xf32, #tpu.memory_space<hbm>>) dst(%dma_wait3A_133 : memref<640x64xf32, #tpu.memory_space<vmem_shared>>)
        tpu.yield
      }) : () -> ()
    } else {
    }
    %eq3A_7 = arith.constant 1 : i32
    %eq3A_8 = arith.cmpi eq, %arg0, %eq3A_7 : i32
    %convert_element_type3A_9 = arith.extui %eq3A_8 : i1 to i32
    %cond3A_10 = arith.constant 0 : i32
    %cond3A_11 = arith.cmpi ne, %convert_element_type3A_9, %cond3A_10 : i32
    scf.if %cond3A_11 {
      "tpu.region"() ({
        %run_scoped3A = tpu.sem_alloc : memref<!tpu.dma_semaphore, #tpu.memory_space<semaphore_mem>>
        %dma_start3A_128 = arith.constant 0 : i32
        %dma_start3A_129 = tpu.memref_slice %arg32[%multiple_of3A, %dma_start3A_128] : memref<10240x64xf32, #tpu.memory_space<vmem_shared>> -> memref<640x64xf32, #tpu.memory_space<vmem_shared>>
        %dma_start3A_130 = arith.constant 0 : i32
        %dma_start3A_131 = tpu.memref_slice %arg4[%multiple_of3A, %dma_start3A_130] : memref<10240x64xf32, #tpu.memory_space<hbm>> -> memref<640x64xf32, #tpu.memory_space<hbm>>
        tpu.enqueue_dma source(%dma_start3A_131 : memref<640x64xf32, #tpu.memory_space<hbm>>) target(%dma_start3A_129 : memref<640x64xf32, #tpu.memory_space<vmem_shared>>) target_semaphore(%run_scoped3A : memref<!tpu.dma_semaphore, #tpu.memory_space<semaphore_mem>>)
        %dma_wait3A_132 = arith.constant 0 : i32
        %dma_wait3A_133 = tpu.memref_slice %arg32[%multiple_of3A, %dma_wait3A_132] : memref<10240x64xf32, #tpu.memory_space<vmem_shared>> -> memref<640x64xf32, #tpu.memory_space<vmem_shared>>
        %dma_wait3A_134 = arith.constant 0 : i32
        %dma_wait3A_135 = tpu.memref_slice %arg4[%multiple_of3A, %dma_wait3A_134] : memref<10240x64xf32, #tpu.memory_space<hbm>> -> memref<640x64xf32, #tpu.memory_space<hbm>>
        tpu.wait_dma2 semaphore(%run_scoped3A : memref<!tpu.dma_semaphore, #tpu.memory_space<semaphore_mem>>) src(%dma_wait3A_135 : memref<640x64xf32, #tpu.memory_space<hbm>>) dst(%dma_wait3A_133 : memref<640x64xf32, #tpu.memory_space<vmem_shared>>)
        tpu.yield
      }) : () -> ()
    } else {
    }
    %barrier3A = arith.constant 0 : index
    tpu.barrier barrier_id(%barrier3A)
    %dma_start3A = arith.constant 0 : i32
    %dma_start3A_12 = arith.constant 0 : i32
    %dma_start3A_13 = tpu.memref_slice %arg6[%dma_start3A, %dma_start3A_12] : memref<80x125xi32, #tpu.memory_space<vmem>> -> memref<1x125xi32, #tpu.memory_space<vmem>>
    %dma_start3A_14 = tpu.memref_squeeze %dma_start3A_13 : memref<1x125xi32, #tpu.memory_space<vmem>> -> memref<125xi32, #tpu.memory_space<vmem>>
    %dma_start3A_15 = arith.constant 0 : i32
    %dma_start3A_16 = arith.constant 0 : i32
    %dma_start3A_17 = tpu.memref_slice %arg3[%dma_start3A_15, %dma_start3A_16] : memref<10240x64xf32, #tpu.memory_space<hbm>> -> memref<10240x64xf32, #tpu.memory_space<hbm>>
    tpu.enqueue_indirect_dma source(%dma_start3A_17 : memref<10240x64xf32, #tpu.memory_space<hbm>>) target(%arg8 : memref<125x64xf32, #tpu.memory_space<vmem>>) offsets(%dma_start3A_14 : memref<125xi32, #tpu.memory_space<vmem>>) semaphore(%arg16 : memref<!tpu.dma_semaphore, #tpu.memory_space<semaphore_mem>>)
    %dma_start3A_18 = arith.constant 1 : i32
    %dma_start3A_19 = arith.constant 0 : i32
    %dma_start3A_20 = tpu.memref_slice %arg6[%dma_start3A_18, %dma_start3A_19] : memref<80x125xi32, #tpu.memory_space<vmem>> -> memref<1x125xi32, #tpu.memory_space<vmem>>
    %dma_start3A_21 = tpu.memref_squeeze %dma_start3A_20 : memref<1x125xi32, #tpu.memory_space<vmem>> -> memref<125xi32, #tpu.memory_space<vmem>>
    %dma_start3A_22 = arith.constant 0 : i32
    %dma_start3A_23 = arith.constant 0 : i32
    %dma_start3A_24 = tpu.memref_slice %arg3[%dma_start3A_22, %dma_start3A_23] : memref<10240x64xf32, #tpu.memory_space<hbm>> -> memref<10240x64xf32, #tpu.memory_space<hbm>>
    tpu.enqueue_indirect_dma source(%dma_start3A_24 : memref<10240x64xf32, #tpu.memory_space<hbm>>) target(%arg9 : memref<125x64xf32, #tpu.memory_space<vmem>>) offsets(%dma_start3A_21 : memref<125xi32, #tpu.memory_space<vmem>>) semaphore(%arg17 : memref<!tpu.dma_semaphore, #tpu.memory_space<semaphore_mem>>)
    %dma_start3A_25 = arith.constant 2 : i32
    %dma_start3A_26 = arith.constant 0 : i32
    %dma_start3A_27 = tpu.memref_slice %arg6[%dma_start3A_25, %dma_start3A_26] : memref<80x125xi32, #tpu.memory_space<vmem>> -> memref<1x125xi32, #tpu.memory_space<vmem>>
    %dma_start3A_28 = tpu.memref_squeeze %dma_start3A_27 : memref<1x125xi32, #tpu.memory_space<vmem>> -> memref<125xi32, #tpu.memory_space<vmem>>
    %dma_start3A_29 = arith.constant 0 : i32
    %dma_start3A_30 = arith.constant 0 : i32
    %dma_start3A_31 = tpu.memref_slice %arg3[%dma_start3A_29, %dma_start3A_30] : memref<10240x64xf32, #tpu.memory_space<hbm>> -> memref<10240x64xf32, #tpu.memory_space<hbm>>
    tpu.enqueue_indirect_dma source(%dma_start3A_31 : memref<10240x64xf32, #tpu.memory_space<hbm>>) target(%arg10 : memref<125x64xf32, #tpu.memory_space<vmem>>) offsets(%dma_start3A_28 : memref<125xi32, #tpu.memory_space<vmem>>) semaphore(%arg18 : memref<!tpu.dma_semaphore, #tpu.memory_space<semaphore_mem>>)
    %dma_start3A_32 = arith.constant 3 : i32
    %dma_start3A_33 = arith.constant 0 : i32
    %dma_start3A_34 = tpu.memref_slice %arg6[%dma_start3A_32, %dma_start3A_33] : memref<80x125xi32, #tpu.memory_space<vmem>> -> memref<1x125xi32, #tpu.memory_space<vmem>>
    %dma_start3A_35 = tpu.memref_squeeze %dma_start3A_34 : memref<1x125xi32, #tpu.memory_space<vmem>> -> memref<125xi32, #tpu.memory_space<vmem>>
    %dma_start3A_36 = arith.constant 0 : i32
    %dma_start3A_37 = arith.constant 0 : i32
    %dma_start3A_38 = tpu.memref_slice %arg3[%dma_start3A_36, %dma_start3A_37] : memref<10240x64xf32, #tpu.memory_space<hbm>> -> memref<10240x64xf32, #tpu.memory_space<hbm>>
    tpu.enqueue_indirect_dma source(%dma_start3A_38 : memref<10240x64xf32, #tpu.memory_space<hbm>>) target(%arg11 : memref<125x64xf32, #tpu.memory_space<vmem>>) offsets(%dma_start3A_35 : memref<125xi32, #tpu.memory_space<vmem>>) semaphore(%arg19 : memref<!tpu.dma_semaphore, #tpu.memory_space<semaphore_mem>>)
    %dma_start3A_39 = arith.constant 4 : i32
    %dma_start3A_40 = arith.constant 0 : i32
    %dma_start3A_41 = tpu.memref_slice %arg6[%dma_start3A_39, %dma_start3A_40] : memref<80x125xi32, #tpu.memory_space<vmem>> -> memref<1x125xi32, #tpu.memory_space<vmem>>
    %dma_start3A_42 = tpu.memref_squeeze %dma_start3A_41 : memref<1x125xi32, #tpu.memory_space<vmem>> -> memref<125xi32, #tpu.memory_space<vmem>>
    %dma_start3A_43 = arith.constant 0 : i32
    %dma_start3A_44 = arith.constant 0 : i32
    %dma_start3A_45 = tpu.memref_slice %arg3[%dma_start3A_43, %dma_start3A_44] : memref<10240x64xf32, #tpu.memory_space<hbm>> -> memref<10240x64xf32, #tpu.memory_space<hbm>>
    tpu.enqueue_indirect_dma source(%dma_start3A_45 : memref<10240x64xf32, #tpu.memory_space<hbm>>) target(%arg12 : memref<125x64xf32, #tpu.memory_space<vmem>>) offsets(%dma_start3A_42 : memref<125xi32, #tpu.memory_space<vmem>>) semaphore(%arg20 : memref<!tpu.dma_semaphore, #tpu.memory_space<semaphore_mem>>)
    %dma_start3A_46 = arith.constant 5 : i32
    %dma_start3A_47 = arith.constant 0 : i32
    %dma_start3A_48 = tpu.memref_slice %arg6[%dma_start3A_46, %dma_start3A_47] : memref<80x125xi32, #tpu.memory_space<vmem>> -> memref<1x125xi32, #tpu.memory_space<vmem>>
    %dma_start3A_49 = tpu.memref_squeeze %dma_start3A_48 : memref<1x125xi32, #tpu.memory_space<vmem>> -> memref<125xi32, #tpu.memory_space<vmem>>
    %dma_start3A_50 = arith.constant 0 : i32
    %dma_start3A_51 = arith.constant 0 : i32
    %dma_start3A_52 = tpu.memref_slice %arg3[%dma_start3A_50, %dma_start3A_51] : memref<10240x64xf32, #tpu.memory_space<hbm>> -> memref<10240x64xf32, #tpu.memory_space<hbm>>
    tpu.enqueue_indirect_dma source(%dma_start3A_52 : memref<10240x64xf32, #tpu.memory_space<hbm>>) target(%arg13 : memref<125x64xf32, #tpu.memory_space<vmem>>) offsets(%dma_start3A_49 : memref<125xi32, #tpu.memory_space<vmem>>) semaphore(%arg21 : memref<!tpu.dma_semaphore, #tpu.memory_space<semaphore_mem>>)
    %dma_start3A_53 = arith.constant 6 : i32
    %dma_start3A_54 = arith.constant 0 : i32
    %dma_start3A_55 = tpu.memref_slice %arg6[%dma_start3A_53, %dma_start3A_54] : memref<80x125xi32, #tpu.memory_space<vmem>> -> memref<1x125xi32, #tpu.memory_space<vmem>>
    %dma_start3A_56 = tpu.memref_squeeze %dma_start3A_55 : memref<1x125xi32, #tpu.memory_space<vmem>> -> memref<125xi32, #tpu.memory_space<vmem>>
    %dma_start3A_57 = arith.constant 0 : i32
    %dma_start3A_58 = arith.constant 0 : i32
    %dma_start3A_59 = tpu.memref_slice %arg3[%dma_start3A_57, %dma_start3A_58] : memref<10240x64xf32, #tpu.memory_space<hbm>> -> memref<10240x64xf32, #tpu.memory_space<hbm>>
    tpu.enqueue_indirect_dma source(%dma_start3A_59 : memref<10240x64xf32, #tpu.memory_space<hbm>>) target(%arg14 : memref<125x64xf32, #tpu.memory_space<vmem>>) offsets(%dma_start3A_56 : memref<125xi32, #tpu.memory_space<vmem>>) semaphore(%arg22 : memref<!tpu.dma_semaphore, #tpu.memory_space<semaphore_mem>>)
    %dma_start3A_60 = arith.constant 7 : i32
    %dma_start3A_61 = arith.constant 0 : i32
    %dma_start3A_62 = tpu.memref_slice %arg6[%dma_start3A_60, %dma_start3A_61] : memref<80x125xi32, #tpu.memory_space<vmem>> -> memref<1x125xi32, #tpu.memory_space<vmem>>
    %dma_start3A_63 = tpu.memref_squeeze %dma_start3A_62 : memref<1x125xi32, #tpu.memory_space<vmem>> -> memref<125xi32, #tpu.memory_space<vmem>>
    %dma_start3A_64 = arith.constant 0 : i32
    %dma_start3A_65 = arith.constant 0 : i32
    %dma_start3A_66 = tpu.memref_slice %arg3[%dma_start3A_64, %dma_start3A_65] : memref<10240x64xf32, #tpu.memory_space<hbm>> -> memref<10240x64xf32, #tpu.memory_space<hbm>>
    tpu.enqueue_indirect_dma source(%dma_start3A_66 : memref<10240x64xf32, #tpu.memory_space<hbm>>) target(%arg15 : memref<125x64xf32, #tpu.memory_space<vmem>>) offsets(%dma_start3A_63 : memref<125xi32, #tpu.memory_space<vmem>>) semaphore(%arg23 : memref<!tpu.dma_semaphore, #tpu.memory_space<semaphore_mem>>)
    %scan3A = arith.constant 0 : i32
    %scan3A_67 = arith.constant 0 : i32
    %scan3A_68 = arith.constant 10 : i32
    %scan3A_69 = arith.addi %scan3A_67, %scan3A_68 : i32
    %scan3A_70 = arith.constant 1 : i32
    scf.for %scan3A_128 = %scan3A_67 to %scan3A_69 step %scan3A_70  : i32 {
      %mul3A_129 = arith.constant 8 : i32
      %mul3A_130 = arith.muli %mul3A_129, %scan3A_128 : i32
      %add3A_131 = arith.constant 0 : i32
      %add3A_132 = arith.addi %mul3A_130, %add3A_131 : i32
      %dma_wait3A_133 = arith.constant 0 : i32
      %dma_wait3A_134 = tpu.memref_slice %arg6[%add3A_132, %dma_wait3A_133] : memref<80x125xi32, #tpu.memory_space<vmem>> -> memref<1x125xi32, #tpu.memory_space<vmem>>
      %dma_wait3A_135 = tpu.memref_squeeze %dma_wait3A_134 : memref<1x125xi32, #tpu.memory_space<vmem>> -> memref<125xi32, #tpu.memory_space<vmem>>
      %dma_wait3A_136 = arith.constant 0 : i32
      %dma_wait3A_137 = arith.constant 0 : i32
      %dma_wait3A_138 = tpu.memref_slice %arg3[%dma_wait3A_136, %dma_wait3A_137] : memref<10240x64xf32, #tpu.memory_space<hbm>> -> memref<10240x64xf32, #tpu.memory_space<hbm>>
      tpu.wait_indirect_dma semaphore(%arg16 : memref<!tpu.dma_semaphore, #tpu.memory_space<semaphore_mem>>) src(%dma_wait3A_138 : memref<10240x64xf32, #tpu.memory_space<hbm>>) dst(%arg8 : memref<125x64xf32, #tpu.memory_space<vmem>>)
      %dma_start3A_139 = arith.constant 0 : i32
      %dma_start3A_140 = tpu.memref_slice %arg7[%add3A_132, %dma_start3A_139] : memref<80x125xi32, #tpu.memory_space<vmem>> -> memref<1x125xi32, #tpu.memory_space<vmem>>
      %dma_start3A_141 = tpu.memref_squeeze %dma_start3A_140 : memref<1x125xi32, #tpu.memory_space<vmem>> -> memref<125xi32, #tpu.memory_space<vmem>>
      %dma_start3A_142 = arith.constant 0 : i32
      %dma_start3A_143 = arith.constant 0 : i32
      %dma_start3A_144 = tpu.memref_slice %arg32[%dma_start3A_142, %dma_start3A_143] : memref<10240x64xf32, #tpu.memory_space<vmem_shared>> -> memref<10240x64xf32, #tpu.memory_space<vmem_shared>>
      tpu.enqueue_indirect_dma source(%arg8 : memref<125x64xf32, #tpu.memory_space<vmem>>) target(%dma_start3A_144 : memref<10240x64xf32, #tpu.memory_space<vmem_shared>>) offsets(%dma_start3A_141 : memref<125xi32, #tpu.memory_space<vmem>>) semaphore(%arg24 : memref<!tpu.dma_semaphore, #tpu.memory_space<semaphore_mem>>) {add = true}
      %add3A_145 = arith.constant 8 : i32
      %add3A_146 = arith.addi %add3A_132, %add3A_145 : i32
      %lt3A = arith.constant 80 : i32
      %lt3A_147 = arith.cmpi slt, %add3A_146, %lt3A : i32
      %convert_element_type3A_148 = arith.extui %lt3A_147 : i1 to i32
      %cond3A_149 = arith.constant 0 : i32
      %cond3A_150 = arith.cmpi ne, %convert_element_type3A_148, %cond3A_149 : i32
      scf.if %cond3A_150 {
        %dma_wait3A_312 = arith.constant 0 : i32
        %dma_wait3A_313 = tpu.memref_slice %arg7[%add3A_132, %dma_wait3A_312] : memref<80x125xi32, #tpu.memory_space<vmem>> -> memref<1x125xi32, #tpu.memory_space<vmem>>
        %dma_wait3A_314 = tpu.memref_squeeze %dma_wait3A_313 : memref<1x125xi32, #tpu.memory_space<vmem>> -> memref<125xi32, #tpu.memory_space<vmem>>
        %dma_wait3A_315 = arith.constant 0 : i32
        %dma_wait3A_316 = arith.constant 0 : i32
        %dma_wait3A_317 = tpu.memref_slice %arg32[%dma_wait3A_315, %dma_wait3A_316] : memref<10240x64xf32, #tpu.memory_space<vmem_shared>> -> memref<10240x64xf32, #tpu.memory_space<vmem_shared>>
        tpu.wait_indirect_dma semaphore(%arg24 : memref<!tpu.dma_semaphore, #tpu.memory_space<semaphore_mem>>) src(%arg8 : memref<125x64xf32, #tpu.memory_space<vmem>>) dst(%dma_wait3A_317 : memref<10240x64xf32, #tpu.memory_space<vmem_shared>>)
        %add3A_318 = arith.constant 8 : i32
        %add3A_319 = arith.addi %add3A_132, %add3A_318 : i32
        %dma_start3A_320 = arith.constant 0 : i32
        %dma_start3A_321 = tpu.memref_slice %arg6[%add3A_319, %dma_start3A_320] : memref<80x125xi32, #tpu.memory_space<vmem>> -> memref<1x125xi32, #tpu.memory_space<vmem>>
        %dma_start3A_322 = tpu.memref_squeeze %dma_start3A_321 : memref<1x125xi32, #tpu.memory_space<vmem>> -> memref<125xi32, #tpu.memory_space<vmem>>
        %dma_start3A_323 = arith.constant 0 : i32
        %dma_start3A_324 = arith.constant 0 : i32
        %dma_start3A_325 = tpu.memref_slice %arg3[%dma_start3A_323, %dma_start3A_324] : memref<10240x64xf32, #tpu.memory_space<hbm>> -> memref<10240x64xf32, #tpu.memory_space<hbm>>
        tpu.enqueue_indirect_dma source(%dma_start3A_325 : memref<10240x64xf32, #tpu.memory_space<hbm>>) target(%arg8 : memref<125x64xf32, #tpu.memory_space<vmem>>) offsets(%dma_start3A_322 : memref<125xi32, #tpu.memory_space<vmem>>) semaphore(%arg16 : memref<!tpu.dma_semaphore, #tpu.memory_space<semaphore_mem>>)
      } else {
      }
      %mul3A_151 = arith.constant 8 : i32
      %mul3A_152 = arith.muli %mul3A_151, %scan3A_128 : i32
      %add3A_153 = arith.constant 1 : i32
      %add3A_154 = arith.addi %mul3A_152, %add3A_153 : i32
      %dma_wait3A_155 = arith.constant 0 : i32
      %dma_wait3A_156 = tpu.memref_slice %arg6[%add3A_154, %dma_wait3A_155] : memref<80x125xi32, #tpu.memory_space<vmem>> -> memref<1x125xi32, #tpu.memory_space<vmem>>
      %dma_wait3A_157 = tpu.memref_squeeze %dma_wait3A_156 : memref<1x125xi32, #tpu.memory_space<vmem>> -> memref<125xi32, #tpu.memory_space<vmem>>
      %dma_wait3A_158 = arith.constant 0 : i32
      %dma_wait3A_159 = arith.constant 0 : i32
      %dma_wait3A_160 = tpu.memref_slice %arg3[%dma_wait3A_158, %dma_wait3A_159] : memref<10240x64xf32, #tpu.memory_space<hbm>> -> memref<10240x64xf32, #tpu.memory_space<hbm>>
      tpu.wait_indirect_dma semaphore(%arg17 : memref<!tpu.dma_semaphore, #tpu.memory_space<semaphore_mem>>) src(%dma_wait3A_160 : memref<10240x64xf32, #tpu.memory_space<hbm>>) dst(%arg9 : memref<125x64xf32, #tpu.memory_space<vmem>>)
      %dma_start3A_161 = arith.constant 0 : i32
      %dma_start3A_162 = tpu.memref_slice %arg7[%add3A_154, %dma_start3A_161] : memref<80x125xi32, #tpu.memory_space<vmem>> -> memref<1x125xi32, #tpu.memory_space<vmem>>
      %dma_start3A_163 = tpu.memref_squeeze %dma_start3A_162 : memref<1x125xi32, #tpu.memory_space<vmem>> -> memref<125xi32, #tpu.memory_space<vmem>>
      %dma_start3A_164 = arith.constant 0 : i32
      %dma_start3A_165 = arith.constant 0 : i32
      %dma_start3A_166 = tpu.memref_slice %arg32[%dma_start3A_164, %dma_start3A_165] : memref<10240x64xf32, #tpu.memory_space<vmem_shared>> -> memref<10240x64xf32, #tpu.memory_space<vmem_shared>>
      tpu.enqueue_indirect_dma source(%arg9 : memref<125x64xf32, #tpu.memory_space<vmem>>) target(%dma_start3A_166 : memref<10240x64xf32, #tpu.memory_space<vmem_shared>>) offsets(%dma_start3A_163 : memref<125xi32, #tpu.memory_space<vmem>>) semaphore(%arg25 : memref<!tpu.dma_semaphore, #tpu.memory_space<semaphore_mem>>) {add = true}
      %add3A_167 = arith.constant 8 : i32
      %add3A_168 = arith.addi %add3A_154, %add3A_167 : i32
      %lt3A_169 = arith.constant 80 : i32
      %lt3A_170 = arith.cmpi slt, %add3A_168, %lt3A_169 : i32
      %convert_element_type3A_171 = arith.extui %lt3A_170 : i1 to i32
      %cond3A_172 = arith.constant 0 : i32
      %cond3A_173 = arith.cmpi ne, %convert_element_type3A_171, %cond3A_172 : i32
      scf.if %cond3A_173 {
        %dma_wait3A_312 = arith.constant 0 : i32
        %dma_wait3A_313 = tpu.memref_slice %arg7[%add3A_154, %dma_wait3A_312] : memref<80x125xi32, #tpu.memory_space<vmem>> -> memref<1x125xi32, #tpu.memory_space<vmem>>
        %dma_wait3A_314 = tpu.memref_squeeze %dma_wait3A_313 : memref<1x125xi32, #tpu.memory_space<vmem>> -> memref<125xi32, #tpu.memory_space<vmem>>
        %dma_wait3A_315 = arith.constant 0 : i32
        %dma_wait3A_316 = arith.constant 0 : i32
        %dma_wait3A_317 = tpu.memref_slice %arg32[%dma_wait3A_315, %dma_wait3A_316] : memref<10240x64xf32, #tpu.memory_space<vmem_shared>> -> memref<10240x64xf32, #tpu.memory_space<vmem_shared>>
        tpu.wait_indirect_dma semaphore(%arg25 : memref<!tpu.dma_semaphore, #tpu.memory_space<semaphore_mem>>) src(%arg9 : memref<125x64xf32, #tpu.memory_space<vmem>>) dst(%dma_wait3A_317 : memref<10240x64xf32, #tpu.memory_space<vmem_shared>>)
        %add3A_318 = arith.constant 8 : i32
        %add3A_319 = arith.addi %add3A_154, %add3A_318 : i32
        %dma_start3A_320 = arith.constant 0 : i32
        %dma_start3A_321 = tpu.memref_slice %arg6[%add3A_319, %dma_start3A_320] : memref<80x125xi32, #tpu.memory_space<vmem>> -> memref<1x125xi32, #tpu.memory_space<vmem>>
        %dma_start3A_322 = tpu.memref_squeeze %dma_start3A_321 : memref<1x125xi32, #tpu.memory_space<vmem>> -> memref<125xi32, #tpu.memory_space<vmem>>
        %dma_start3A_323 = arith.constant 0 : i32
        %dma_start3A_324 = arith.constant 0 : i32
        %dma_start3A_325 = tpu.memref_slice %arg3[%dma_start3A_323, %dma_start3A_324] : memref<10240x64xf32, #tpu.memory_space<hbm>> -> memref<10240x64xf32, #tpu.memory_space<hbm>>
        tpu.enqueue_indirect_dma source(%dma_start3A_325 : memref<10240x64xf32, #tpu.memory_space<hbm>>) target(%arg9 : memref<125x64xf32, #tpu.memory_space<vmem>>) offsets(%dma_start3A_322 : memref<125xi32, #tpu.memory_space<vmem>>) semaphore(%arg17 : memref<!tpu.dma_semaphore, #tpu.memory_space<semaphore_mem>>)
      } else {
      }
      %mul3A_174 = arith.constant 8 : i32
      %mul3A_175 = arith.muli %mul3A_174, %scan3A_128 : i32
      %add3A_176 = arith.constant 2 : i32
      %add3A_177 = arith.addi %mul3A_175, %add3A_176 : i32
      %dma_wait3A_178 = arith.constant 0 : i32
      %dma_wait3A_179 = tpu.memref_slice %arg6[%add3A_177, %dma_wait3A_178] : memref<80x125xi32, #tpu.memory_space<vmem>> -> memref<1x125xi32, #tpu.memory_space<vmem>>
      %dma_wait3A_180 = tpu.memref_squeeze %dma_wait3A_179 : memref<1x125xi32, #tpu.memory_space<vmem>> -> memref<125xi32, #tpu.memory_space<vmem>>
      %dma_wait3A_181 = arith.constant 0 : i32
      %dma_wait3A_182 = arith.constant 0 : i32
      %dma_wait3A_183 = tpu.memref_slice %arg3[%dma_wait3A_181, %dma_wait3A_182] : memref<10240x64xf32, #tpu.memory_space<hbm>> -> memref<10240x64xf32, #tpu.memory_space<hbm>>
      tpu.wait_indirect_dma semaphore(%arg18 : memref<!tpu.dma_semaphore, #tpu.memory_space<semaphore_mem>>) src(%dma_wait3A_183 : memref<10240x64xf32, #tpu.memory_space<hbm>>) dst(%arg10 : memref<125x64xf32, #tpu.memory_space<vmem>>)
      %dma_start3A_184 = arith.constant 0 : i32
      %dma_start3A_185 = tpu.memref_slice %arg7[%add3A_177, %dma_start3A_184] : memref<80x125xi32, #tpu.memory_space<vmem>> -> memref<1x125xi32, #tpu.memory_space<vmem>>
      %dma_start3A_186 = tpu.memref_squeeze %dma_start3A_185 : memref<1x125xi32, #tpu.memory_space<vmem>> -> memref<125xi32, #tpu.memory_space<vmem>>
      %dma_start3A_187 = arith.constant 0 : i32
      %dma_start3A_188 = arith.constant 0 : i32
      %dma_start3A_189 = tpu.memref_slice %arg32[%dma_start3A_187, %dma_start3A_188] : memref<10240x64xf32, #tpu.memory_space<vmem_shared>> -> memref<10240x64xf32, #tpu.memory_space<vmem_shared>>
      tpu.enqueue_indirect_dma source(%arg10 : memref<125x64xf32, #tpu.memory_space<vmem>>) target(%dma_start3A_189 : memref<10240x64xf32, #tpu.memory_space<vmem_shared>>) offsets(%dma_start3A_186 : memref<125xi32, #tpu.memory_space<vmem>>) semaphore(%arg26 : memref<!tpu.dma_semaphore, #tpu.memory_space<semaphore_mem>>) {add = true}
      %add3A_190 = arith.constant 8 : i32
      %add3A_191 = arith.addi %add3A_177, %add3A_190 : i32
      %lt3A_192 = arith.constant 80 : i32
      %lt3A_193 = arith.cmpi slt, %add3A_191, %lt3A_192 : i32
      %convert_element_type3A_194 = arith.extui %lt3A_193 : i1 to i32
      %cond3A_195 = arith.constant 0 : i32
      %cond3A_196 = arith.cmpi ne, %convert_element_type3A_194, %cond3A_195 : i32
      scf.if %cond3A_196 {
        %dma_wait3A_312 = arith.constant 0 : i32
        %dma_wait3A_313 = tpu.memref_slice %arg7[%add3A_177, %dma_wait3A_312] : memref<80x125xi32, #tpu.memory_space<vmem>> -> memref<1x125xi32, #tpu.memory_space<vmem>>
        %dma_wait3A_314 = tpu.memref_squeeze %dma_wait3A_313 : memref<1x125xi32, #tpu.memory_space<vmem>> -> memref<125xi32, #tpu.memory_space<vmem>>
        %dma_wait3A_315 = arith.constant 0 : i32
        %dma_wait3A_316 = arith.constant 0 : i32
        %dma_wait3A_317 = tpu.memref_slice %arg32[%dma_wait3A_315, %dma_wait3A_316] : memref<10240x64xf32, #tpu.memory_space<vmem_shared>> -> memref<10240x64xf32, #tpu.memory_space<vmem_shared>>
        tpu.wait_indirect_dma semaphore(%arg26 : memref<!tpu.dma_semaphore, #tpu.memory_space<semaphore_mem>>) src(%arg10 : memref<125x64xf32, #tpu.memory_space<vmem>>) dst(%dma_wait3A_317 : memref<10240x64xf32, #tpu.memory_space<vmem_shared>>)
        %add3A_318 = arith.constant 8 : i32
        %add3A_319 = arith.addi %add3A_177, %add3A_318 : i32
        %dma_start3A_320 = arith.constant 0 : i32
        %dma_start3A_321 = tpu.memref_slice %arg6[%add3A_319, %dma_start3A_320] : memref<80x125xi32, #tpu.memory_space<vmem>> -> memref<1x125xi32, #tpu.memory_space<vmem>>
        %dma_start3A_322 = tpu.memref_squeeze %dma_start3A_321 : memref<1x125xi32, #tpu.memory_space<vmem>> -> memref<125xi32, #tpu.memory_space<vmem>>
        %dma_start3A_323 = arith.constant 0 : i32
        %dma_start3A_324 = arith.constant 0 : i32
        %dma_start3A_325 = tpu.memref_slice %arg3[%dma_start3A_323, %dma_start3A_324] : memref<10240x64xf32, #tpu.memory_space<hbm>> -> memref<10240x64xf32, #tpu.memory_space<hbm>>
        tpu.enqueue_indirect_dma source(%dma_start3A_325 : memref<10240x64xf32, #tpu.memory_space<hbm>>) target(%arg10 : memref<125x64xf32, #tpu.memory_space<vmem>>) offsets(%dma_start3A_322 : memref<125xi32, #tpu.memory_space<vmem>>) semaphore(%arg18 : memref<!tpu.dma_semaphore, #tpu.memory_space<semaphore_mem>>)
      } else {
      }
      %mul3A_197 = arith.constant 8 : i32
      %mul3A_198 = arith.muli %mul3A_197, %scan3A_128 : i32
      %add3A_199 = arith.constant 3 : i32
      %add3A_200 = arith.addi %mul3A_198, %add3A_199 : i32
      %dma_wait3A_201 = arith.constant 0 : i32
      %dma_wait3A_202 = tpu.memref_slice %arg6[%add3A_200, %dma_wait3A_201] : memref<80x125xi32, #tpu.memory_space<vmem>> -> memref<1x125xi32, #tpu.memory_space<vmem>>
      %dma_wait3A_203 = tpu.memref_squeeze %dma_wait3A_202 : memref<1x125xi32, #tpu.memory_space<vmem>> -> memref<125xi32, #tpu.memory_space<vmem>>
      %dma_wait3A_204 = arith.constant 0 : i32
      %dma_wait3A_205 = arith.constant 0 : i32
      %dma_wait3A_206 = tpu.memref_slice %arg3[%dma_wait3A_204, %dma_wait3A_205] : memref<10240x64xf32, #tpu.memory_space<hbm>> -> memref<10240x64xf32, #tpu.memory_space<hbm>>
      tpu.wait_indirect_dma semaphore(%arg19 : memref<!tpu.dma_semaphore, #tpu.memory_space<semaphore_mem>>) src(%dma_wait3A_206 : memref<10240x64xf32, #tpu.memory_space<hbm>>) dst(%arg11 : memref<125x64xf32, #tpu.memory_space<vmem>>)
      %dma_start3A_207 = arith.constant 0 : i32
      %dma_start3A_208 = tpu.memref_slice %arg7[%add3A_200, %dma_start3A_207] : memref<80x125xi32, #tpu.memory_space<vmem>> -> memref<1x125xi32, #tpu.memory_space<vmem>>
      %dma_start3A_209 = tpu.memref_squeeze %dma_start3A_208 : memref<1x125xi32, #tpu.memory_space<vmem>> -> memref<125xi32, #tpu.memory_space<vmem>>
      %dma_start3A_210 = arith.constant 0 : i32
      %dma_start3A_211 = arith.constant 0 : i32
      %dma_start3A_212 = tpu.memref_slice %arg32[%dma_start3A_210, %dma_start3A_211] : memref<10240x64xf32, #tpu.memory_space<vmem_shared>> -> memref<10240x64xf32, #tpu.memory_space<vmem_shared>>
      tpu.enqueue_indirect_dma source(%arg11 : memref<125x64xf32, #tpu.memory_space<vmem>>) target(%dma_start3A_212 : memref<10240x64xf32, #tpu.memory_space<vmem_shared>>) offsets(%dma_start3A_209 : memref<125xi32, #tpu.memory_space<vmem>>) semaphore(%arg27 : memref<!tpu.dma_semaphore, #tpu.memory_space<semaphore_mem>>) {add = true}
      %add3A_213 = arith.constant 8 : i32
      %add3A_214 = arith.addi %add3A_200, %add3A_213 : i32
      %lt3A_215 = arith.constant 80 : i32
      %lt3A_216 = arith.cmpi slt, %add3A_214, %lt3A_215 : i32
      %convert_element_type3A_217 = arith.extui %lt3A_216 : i1 to i32
      %cond3A_218 = arith.constant 0 : i32
      %cond3A_219 = arith.cmpi ne, %convert_element_type3A_217, %cond3A_218 : i32
      scf.if %cond3A_219 {
        %dma_wait3A_312 = arith.constant 0 : i32
        %dma_wait3A_313 = tpu.memref_slice %arg7[%add3A_200, %dma_wait3A_312] : memref<80x125xi32, #tpu.memory_space<vmem>> -> memref<1x125xi32, #tpu.memory_space<vmem>>
        %dma_wait3A_314 = tpu.memref_squeeze %dma_wait3A_313 : memref<1x125xi32, #tpu.memory_space<vmem>> -> memref<125xi32, #tpu.memory_space<vmem>>
        %dma_wait3A_315 = arith.constant 0 : i32
        %dma_wait3A_316 = arith.constant 0 : i32
        %dma_wait3A_317 = tpu.memref_slice %arg32[%dma_wait3A_315, %dma_wait3A_316] : memref<10240x64xf32, #tpu.memory_space<vmem_shared>> -> memref<10240x64xf32, #tpu.memory_space<vmem_shared>>
        tpu.wait_indirect_dma semaphore(%arg27 : memref<!tpu.dma_semaphore, #tpu.memory_space<semaphore_mem>>) src(%arg11 : memref<125x64xf32, #tpu.memory_space<vmem>>) dst(%dma_wait3A_317 : memref<10240x64xf32, #tpu.memory_space<vmem_shared>>)
        %add3A_318 = arith.constant 8 : i32
        %add3A_319 = arith.addi %add3A_200, %add3A_318 : i32
        %dma_start3A_320 = arith.constant 0 : i32
        %dma_start3A_321 = tpu.memref_slice %arg6[%add3A_319, %dma_start3A_320] : memref<80x125xi32, #tpu.memory_space<vmem>> -> memref<1x125xi32, #tpu.memory_space<vmem>>
        %dma_start3A_322 = tpu.memref_squeeze %dma_start3A_321 : memref<1x125xi32, #tpu.memory_space<vmem>> -> memref<125xi32, #tpu.memory_space<vmem>>
        %dma_start3A_323 = arith.constant 0 : i32
        %dma_start3A_324 = arith.constant 0 : i32
        %dma_start3A_325 = tpu.memref_slice %arg3[%dma_start3A_323, %dma_start3A_324] : memref<10240x64xf32, #tpu.memory_space<hbm>> -> memref<10240x64xf32, #tpu.memory_space<hbm>>
        tpu.enqueue_indirect_dma source(%dma_start3A_325 : memref<10240x64xf32, #tpu.memory_space<hbm>>) target(%arg11 : memref<125x64xf32, #tpu.memory_space<vmem>>) offsets(%dma_start3A_322 : memref<125xi32, #tpu.memory_space<vmem>>) semaphore(%arg19 : memref<!tpu.dma_semaphore, #tpu.memory_space<semaphore_mem>>)
      } else {
      }
      %mul3A_220 = arith.constant 8 : i32
      %mul3A_221 = arith.muli %mul3A_220, %scan3A_128 : i32
      %add3A_222 = arith.constant 4 : i32
      %add3A_223 = arith.addi %mul3A_221, %add3A_222 : i32
      %dma_wait3A_224 = arith.constant 0 : i32
      %dma_wait3A_225 = tpu.memref_slice %arg6[%add3A_223, %dma_wait3A_224] : memref<80x125xi32, #tpu.memory_space<vmem>> -> memref<1x125xi32, #tpu.memory_space<vmem>>
      %dma_wait3A_226 = tpu.memref_squeeze %dma_wait3A_225 : memref<1x125xi32, #tpu.memory_space<vmem>> -> memref<125xi32, #tpu.memory_space<vmem>>
      %dma_wait3A_227 = arith.constant 0 : i32
      %dma_wait3A_228 = arith.constant 0 : i32
      %dma_wait3A_229 = tpu.memref_slice %arg3[%dma_wait3A_227, %dma_wait3A_228] : memref<10240x64xf32, #tpu.memory_space<hbm>> -> memref<10240x64xf32, #tpu.memory_space<hbm>>
      tpu.wait_indirect_dma semaphore(%arg20 : memref<!tpu.dma_semaphore, #tpu.memory_space<semaphore_mem>>) src(%dma_wait3A_229 : memref<10240x64xf32, #tpu.memory_space<hbm>>) dst(%arg12 : memref<125x64xf32, #tpu.memory_space<vmem>>)
      %dma_start3A_230 = arith.constant 0 : i32
      %dma_start3A_231 = tpu.memref_slice %arg7[%add3A_223, %dma_start3A_230] : memref<80x125xi32, #tpu.memory_space<vmem>> -> memref<1x125xi32, #tpu.memory_space<vmem>>
      %dma_start3A_232 = tpu.memref_squeeze %dma_start3A_231 : memref<1x125xi32, #tpu.memory_space<vmem>> -> memref<125xi32, #tpu.memory_space<vmem>>
      %dma_start3A_233 = arith.constant 0 : i32
      %dma_start3A_234 = arith.constant 0 : i32
      %dma_start3A_235 = tpu.memref_slice %arg32[%dma_start3A_233, %dma_start3A_234] : memref<10240x64xf32, #tpu.memory_space<vmem_shared>> -> memref<10240x64xf32, #tpu.memory_space<vmem_shared>>
      tpu.enqueue_indirect_dma source(%arg12 : memref<125x64xf32, #tpu.memory_space<vmem>>) target(%dma_start3A_235 : memref<10240x64xf32, #tpu.memory_space<vmem_shared>>) offsets(%dma_start3A_232 : memref<125xi32, #tpu.memory_space<vmem>>) semaphore(%arg28 : memref<!tpu.dma_semaphore, #tpu.memory_space<semaphore_mem>>) {add = true}
      %add3A_236 = arith.constant 8 : i32
      %add3A_237 = arith.addi %add3A_223, %add3A_236 : i32
      %lt3A_238 = arith.constant 80 : i32
      %lt3A_239 = arith.cmpi slt, %add3A_237, %lt3A_238 : i32
      %convert_element_type3A_240 = arith.extui %lt3A_239 : i1 to i32
      %cond3A_241 = arith.constant 0 : i32
      %cond3A_242 = arith.cmpi ne, %convert_element_type3A_240, %cond3A_241 : i32
      scf.if %cond3A_242 {
        %dma_wait3A_312 = arith.constant 0 : i32
        %dma_wait3A_313 = tpu.memref_slice %arg7[%add3A_223, %dma_wait3A_312] : memref<80x125xi32, #tpu.memory_space<vmem>> -> memref<1x125xi32, #tpu.memory_space<vmem>>
        %dma_wait3A_314 = tpu.memref_squeeze %dma_wait3A_313 : memref<1x125xi32, #tpu.memory_space<vmem>> -> memref<125xi32, #tpu.memory_space<vmem>>
        %dma_wait3A_315 = arith.constant 0 : i32
        %dma_wait3A_316 = arith.constant 0 : i32
        %dma_wait3A_317 = tpu.memref_slice %arg32[%dma_wait3A_315, %dma_wait3A_316] : memref<10240x64xf32, #tpu.memory_space<vmem_shared>> -> memref<10240x64xf32, #tpu.memory_space<vmem_shared>>
        tpu.wait_indirect_dma semaphore(%arg28 : memref<!tpu.dma_semaphore, #tpu.memory_space<semaphore_mem>>) src(%arg12 : memref<125x64xf32, #tpu.memory_space<vmem>>) dst(%dma_wait3A_317 : memref<10240x64xf32, #tpu.memory_space<vmem_shared>>)
        %add3A_318 = arith.constant 8 : i32
        %add3A_319 = arith.addi %add3A_223, %add3A_318 : i32
        %dma_start3A_320 = arith.constant 0 : i32
        %dma_start3A_321 = tpu.memref_slice %arg6[%add3A_319, %dma_start3A_320] : memref<80x125xi32, #tpu.memory_space<vmem>> -> memref<1x125xi32, #tpu.memory_space<vmem>>
        %dma_start3A_322 = tpu.memref_squeeze %dma_start3A_321 : memref<1x125xi32, #tpu.memory_space<vmem>> -> memref<125xi32, #tpu.memory_space<vmem>>
        %dma_start3A_323 = arith.constant 0 : i32
        %dma_start3A_324 = arith.constant 0 : i32
        %dma_start3A_325 = tpu.memref_slice %arg3[%dma_start3A_323, %dma_start3A_324] : memref<10240x64xf32, #tpu.memory_space<hbm>> -> memref<10240x64xf32, #tpu.memory_space<hbm>>
        tpu.enqueue_indirect_dma source(%dma_start3A_325 : memref<10240x64xf32, #tpu.memory_space<hbm>>) target(%arg12 : memref<125x64xf32, #tpu.memory_space<vmem>>) offsets(%dma_start3A_322 : memref<125xi32, #tpu.memory_space<vmem>>) semaphore(%arg20 : memref<!tpu.dma_semaphore, #tpu.memory_space<semaphore_mem>>)
      } else {
      }
      %mul3A_243 = arith.constant 8 : i32
      %mul3A_244 = arith.muli %mul3A_243, %scan3A_128 : i32
      %add3A_245 = arith.constant 5 : i32
      %add3A_246 = arith.addi %mul3A_244, %add3A_245 : i32
      %dma_wait3A_247 = arith.constant 0 : i32
      %dma_wait3A_248 = tpu.memref_slice %arg6[%add3A_246, %dma_wait3A_247] : memref<80x125xi32, #tpu.memory_space<vmem>> -> memref<1x125xi32, #tpu.memory_space<vmem>>
      %dma_wait3A_249 = tpu.memref_squeeze %dma_wait3A_248 : memref<1x125xi32, #tpu.memory_space<vmem>> -> memref<125xi32, #tpu.memory_space<vmem>>
      %dma_wait3A_250 = arith.constant 0 : i32
      %dma_wait3A_251 = arith.constant 0 : i32
      %dma_wait3A_252 = tpu.memref_slice %arg3[%dma_wait3A_250, %dma_wait3A_251] : memref<10240x64xf32, #tpu.memory_space<hbm>> -> memref<10240x64xf32, #tpu.memory_space<hbm>>
      tpu.wait_indirect_dma semaphore(%arg21 : memref<!tpu.dma_semaphore, #tpu.memory_space<semaphore_mem>>) src(%dma_wait3A_252 : memref<10240x64xf32, #tpu.memory_space<hbm>>) dst(%arg13 : memref<125x64xf32, #tpu.memory_space<vmem>>)
      %dma_start3A_253 = arith.constant 0 : i32
      %dma_start3A_254 = tpu.memref_slice %arg7[%add3A_246, %dma_start3A_253] : memref<80x125xi32, #tpu.memory_space<vmem>> -> memref<1x125xi32, #tpu.memory_space<vmem>>
      %dma_start3A_255 = tpu.memref_squeeze %dma_start3A_254 : memref<1x125xi32, #tpu.memory_space<vmem>> -> memref<125xi32, #tpu.memory_space<vmem>>
      %dma_start3A_256 = arith.constant 0 : i32
      %dma_start3A_257 = arith.constant 0 : i32
      %dma_start3A_258 = tpu.memref_slice %arg32[%dma_start3A_256, %dma_start3A_257] : memref<10240x64xf32, #tpu.memory_space<vmem_shared>> -> memref<10240x64xf32, #tpu.memory_space<vmem_shared>>
      tpu.enqueue_indirect_dma source(%arg13 : memref<125x64xf32, #tpu.memory_space<vmem>>) target(%dma_start3A_258 : memref<10240x64xf32, #tpu.memory_space<vmem_shared>>) offsets(%dma_start3A_255 : memref<125xi32, #tpu.memory_space<vmem>>) semaphore(%arg29 : memref<!tpu.dma_semaphore, #tpu.memory_space<semaphore_mem>>) {add = true}
      %add3A_259 = arith.constant 8 : i32
      %add3A_260 = arith.addi %add3A_246, %add3A_259 : i32
      %lt3A_261 = arith.constant 80 : i32
      %lt3A_262 = arith.cmpi slt, %add3A_260, %lt3A_261 : i32
      %convert_element_type3A_263 = arith.extui %lt3A_262 : i1 to i32
      %cond3A_264 = arith.constant 0 : i32
      %cond3A_265 = arith.cmpi ne, %convert_element_type3A_263, %cond3A_264 : i32
      scf.if %cond3A_265 {
        %dma_wait3A_312 = arith.constant 0 : i32
        %dma_wait3A_313 = tpu.memref_slice %arg7[%add3A_246, %dma_wait3A_312] : memref<80x125xi32, #tpu.memory_space<vmem>> -> memref<1x125xi32, #tpu.memory_space<vmem>>
        %dma_wait3A_314 = tpu.memref_squeeze %dma_wait3A_313 : memref<1x125xi32, #tpu.memory_space<vmem>> -> memref<125xi32, #tpu.memory_space<vmem>>
        %dma_wait3A_315 = arith.constant 0 : i32
        %dma_wait3A_316 = arith.constant 0 : i32
        %dma_wait3A_317 = tpu.memref_slice %arg32[%dma_wait3A_315, %dma_wait3A_316] : memref<10240x64xf32, #tpu.memory_space<vmem_shared>> -> memref<10240x64xf32, #tpu.memory_space<vmem_shared>>
        tpu.wait_indirect_dma semaphore(%arg29 : memref<!tpu.dma_semaphore, #tpu.memory_space<semaphore_mem>>) src(%arg13 : memref<125x64xf32, #tpu.memory_space<vmem>>) dst(%dma_wait3A_317 : memref<10240x64xf32, #tpu.memory_space<vmem_shared>>)
        %add3A_318 = arith.constant 8 : i32
        %add3A_319 = arith.addi %add3A_246, %add3A_318 : i32
        %dma_start3A_320 = arith.constant 0 : i32
        %dma_start3A_321 = tpu.memref_slice %arg6[%add3A_319, %dma_start3A_320] : memref<80x125xi32, #tpu.memory_space<vmem>> -> memref<1x125xi32, #tpu.memory_space<vmem>>
        %dma_start3A_322 = tpu.memref_squeeze %dma_start3A_321 : memref<1x125xi32, #tpu.memory_space<vmem>> -> memref<125xi32, #tpu.memory_space<vmem>>
        %dma_start3A_323 = arith.constant 0 : i32
        %dma_start3A_324 = arith.constant 0 : i32
        %dma_start3A_325 = tpu.memref_slice %arg3[%dma_start3A_323, %dma_start3A_324] : memref<10240x64xf32, #tpu.memory_space<hbm>> -> memref<10240x64xf32, #tpu.memory_space<hbm>>
        tpu.enqueue_indirect_dma source(%dma_start3A_325 : memref<10240x64xf32, #tpu.memory_space<hbm>>) target(%arg13 : memref<125x64xf32, #tpu.memory_space<vmem>>) offsets(%dma_start3A_322 : memref<125xi32, #tpu.memory_space<vmem>>) semaphore(%arg21 : memref<!tpu.dma_semaphore, #tpu.memory_space<semaphore_mem>>)
      } else {
      }
      %mul3A_266 = arith.constant 8 : i32
      %mul3A_267 = arith.muli %mul3A_266, %scan3A_128 : i32
      %add3A_268 = arith.constant 6 : i32
      %add3A_269 = arith.addi %mul3A_267, %add3A_268 : i32
      %dma_wait3A_270 = arith.constant 0 : i32
      %dma_wait3A_271 = tpu.memref_slice %arg6[%add3A_269, %dma_wait3A_270] : memref<80x125xi32, #tpu.memory_space<vmem>> -> memref<1x125xi32, #tpu.memory_space<vmem>>
      %dma_wait3A_272 = tpu.memref_squeeze %dma_wait3A_271 : memref<1x125xi32, #tpu.memory_space<vmem>> -> memref<125xi32, #tpu.memory_space<vmem>>
      %dma_wait3A_273 = arith.constant 0 : i32
      %dma_wait3A_274 = arith.constant 0 : i32
      %dma_wait3A_275 = tpu.memref_slice %arg3[%dma_wait3A_273, %dma_wait3A_274] : memref<10240x64xf32, #tpu.memory_space<hbm>> -> memref<10240x64xf32, #tpu.memory_space<hbm>>
      tpu.wait_indirect_dma semaphore(%arg22 : memref<!tpu.dma_semaphore, #tpu.memory_space<semaphore_mem>>) src(%dma_wait3A_275 : memref<10240x64xf32, #tpu.memory_space<hbm>>) dst(%arg14 : memref<125x64xf32, #tpu.memory_space<vmem>>)
      %dma_start3A_276 = arith.constant 0 : i32
      %dma_start3A_277 = tpu.memref_slice %arg7[%add3A_269, %dma_start3A_276] : memref<80x125xi32, #tpu.memory_space<vmem>> -> memref<1x125xi32, #tpu.memory_space<vmem>>
      %dma_start3A_278 = tpu.memref_squeeze %dma_start3A_277 : memref<1x125xi32, #tpu.memory_space<vmem>> -> memref<125xi32, #tpu.memory_space<vmem>>
      %dma_start3A_279 = arith.constant 0 : i32
      %dma_start3A_280 = arith.constant 0 : i32
      %dma_start3A_281 = tpu.memref_slice %arg32[%dma_start3A_279, %dma_start3A_280] : memref<10240x64xf32, #tpu.memory_space<vmem_shared>> -> memref<10240x64xf32, #tpu.memory_space<vmem_shared>>
      tpu.enqueue_indirect_dma source(%arg14 : memref<125x64xf32, #tpu.memory_space<vmem>>) target(%dma_start3A_281 : memref<10240x64xf32, #tpu.memory_space<vmem_shared>>) offsets(%dma_start3A_278 : memref<125xi32, #tpu.memory_space<vmem>>) semaphore(%arg30 : memref<!tpu.dma_semaphore, #tpu.memory_space<semaphore_mem>>) {add = true}
      %add3A_282 = arith.constant 8 : i32
      %add3A_283 = arith.addi %add3A_269, %add3A_282 : i32
      %lt3A_284 = arith.constant 80 : i32
      %lt3A_285 = arith.cmpi slt, %add3A_283, %lt3A_284 : i32
      %convert_element_type3A_286 = arith.extui %lt3A_285 : i1 to i32
      %cond3A_287 = arith.constant 0 : i32
      %cond3A_288 = arith.cmpi ne, %convert_element_type3A_286, %cond3A_287 : i32
      scf.if %cond3A_288 {
        %dma_wait3A_312 = arith.constant 0 : i32
        %dma_wait3A_313 = tpu.memref_slice %arg7[%add3A_269, %dma_wait3A_312] : memref<80x125xi32, #tpu.memory_space<vmem>> -> memref<1x125xi32, #tpu.memory_space<vmem>>
        %dma_wait3A_314 = tpu.memref_squeeze %dma_wait3A_313 : memref<1x125xi32, #tpu.memory_space<vmem>> -> memref<125xi32, #tpu.memory_space<vmem>>
        %dma_wait3A_315 = arith.constant 0 : i32
        %dma_wait3A_316 = arith.constant 0 : i32
        %dma_wait3A_317 = tpu.memref_slice %arg32[%dma_wait3A_315, %dma_wait3A_316] : memref<10240x64xf32, #tpu.memory_space<vmem_shared>> -> memref<10240x64xf32, #tpu.memory_space<vmem_shared>>
        tpu.wait_indirect_dma semaphore(%arg30 : memref<!tpu.dma_semaphore, #tpu.memory_space<semaphore_mem>>) src(%arg14 : memref<125x64xf32, #tpu.memory_space<vmem>>) dst(%dma_wait3A_317 : memref<10240x64xf32, #tpu.memory_space<vmem_shared>>)
        %add3A_318 = arith.constant 8 : i32
        %add3A_319 = arith.addi %add3A_269, %add3A_318 : i32
        %dma_start3A_320 = arith.constant 0 : i32
        %dma_start3A_321 = tpu.memref_slice %arg6[%add3A_319, %dma_start3A_320] : memref<80x125xi32, #tpu.memory_space<vmem>> -> memref<1x125xi32, #tpu.memory_space<vmem>>
        %dma_start3A_322 = tpu.memref_squeeze %dma_start3A_321 : memref<1x125xi32, #tpu.memory_space<vmem>> -> memref<125xi32, #tpu.memory_space<vmem>>
        %dma_start3A_323 = arith.constant 0 : i32
        %dma_start3A_324 = arith.constant 0 : i32
        %dma_start3A_325 = tpu.memref_slice %arg3[%dma_start3A_323, %dma_start3A_324] : memref<10240x64xf32, #tpu.memory_space<hbm>> -> memref<10240x64xf32, #tpu.memory_space<hbm>>
        tpu.enqueue_indirect_dma source(%dma_start3A_325 : memref<10240x64xf32, #tpu.memory_space<hbm>>) target(%arg14 : memref<125x64xf32, #tpu.memory_space<vmem>>) offsets(%dma_start3A_322 : memref<125xi32, #tpu.memory_space<vmem>>) semaphore(%arg22 : memref<!tpu.dma_semaphore, #tpu.memory_space<semaphore_mem>>)
      } else {
      }
      %mul3A_289 = arith.constant 8 : i32
      %mul3A_290 = arith.muli %mul3A_289, %scan3A_128 : i32
      %add3A_291 = arith.constant 7 : i32
      %add3A_292 = arith.addi %mul3A_290, %add3A_291 : i32
      %dma_wait3A_293 = arith.constant 0 : i32
      %dma_wait3A_294 = tpu.memref_slice %arg6[%add3A_292, %dma_wait3A_293] : memref<80x125xi32, #tpu.memory_space<vmem>> -> memref<1x125xi32, #tpu.memory_space<vmem>>
      %dma_wait3A_295 = tpu.memref_squeeze %dma_wait3A_294 : memref<1x125xi32, #tpu.memory_space<vmem>> -> memref<125xi32, #tpu.memory_space<vmem>>
      %dma_wait3A_296 = arith.constant 0 : i32
      %dma_wait3A_297 = arith.constant 0 : i32
      %dma_wait3A_298 = tpu.memref_slice %arg3[%dma_wait3A_296, %dma_wait3A_297] : memref<10240x64xf32, #tpu.memory_space<hbm>> -> memref<10240x64xf32, #tpu.memory_space<hbm>>
      tpu.wait_indirect_dma semaphore(%arg23 : memref<!tpu.dma_semaphore, #tpu.memory_space<semaphore_mem>>) src(%dma_wait3A_298 : memref<10240x64xf32, #tpu.memory_space<hbm>>) dst(%arg15 : memref<125x64xf32, #tpu.memory_space<vmem>>)
      %dma_start3A_299 = arith.constant 0 : i32
      %dma_start3A_300 = tpu.memref_slice %arg7[%add3A_292, %dma_start3A_299] : memref<80x125xi32, #tpu.memory_space<vmem>> -> memref<1x125xi32, #tpu.memory_space<vmem>>
      %dma_start3A_301 = tpu.memref_squeeze %dma_start3A_300 : memref<1x125xi32, #tpu.memory_space<vmem>> -> memref<125xi32, #tpu.memory_space<vmem>>
      %dma_start3A_302 = arith.constant 0 : i32
      %dma_start3A_303 = arith.constant 0 : i32
      %dma_start3A_304 = tpu.memref_slice %arg32[%dma_start3A_302, %dma_start3A_303] : memref<10240x64xf32, #tpu.memory_space<vmem_shared>> -> memref<10240x64xf32, #tpu.memory_space<vmem_shared>>
      tpu.enqueue_indirect_dma source(%arg15 : memref<125x64xf32, #tpu.memory_space<vmem>>) target(%dma_start3A_304 : memref<10240x64xf32, #tpu.memory_space<vmem_shared>>) offsets(%dma_start3A_301 : memref<125xi32, #tpu.memory_space<vmem>>) semaphore(%arg31 : memref<!tpu.dma_semaphore, #tpu.memory_space<semaphore_mem>>) {add = true}
      %add3A_305 = arith.constant 8 : i32
      %add3A_306 = arith.addi %add3A_292, %add3A_305 : i32
      %lt3A_307 = arith.constant 80 : i32
      %lt3A_308 = arith.cmpi slt, %add3A_306, %lt3A_307 : i32
      %convert_element_type3A_309 = arith.extui %lt3A_308 : i1 to i32
      %cond3A_310 = arith.constant 0 : i32
      %cond3A_311 = arith.cmpi ne, %convert_element_type3A_309, %cond3A_310 : i32
      scf.if %cond3A_311 {
        %dma_wait3A_312 = arith.constant 0 : i32
        %dma_wait3A_313 = tpu.memref_slice %arg7[%add3A_292, %dma_wait3A_312] : memref<80x125xi32, #tpu.memory_space<vmem>> -> memref<1x125xi32, #tpu.memory_space<vmem>>
        %dma_wait3A_314 = tpu.memref_squeeze %dma_wait3A_313 : memref<1x125xi32, #tpu.memory_space<vmem>> -> memref<125xi32, #tpu.memory_space<vmem>>
        %dma_wait3A_315 = arith.constant 0 : i32
        %dma_wait3A_316 = arith.constant 0 : i32
        %dma_wait3A_317 = tpu.memref_slice %arg32[%dma_wait3A_315, %dma_wait3A_316] : memref<10240x64xf32, #tpu.memory_space<vmem_shared>> -> memref<10240x64xf32, #tpu.memory_space<vmem_shared>>
        tpu.wait_indirect_dma semaphore(%arg31 : memref<!tpu.dma_semaphore, #tpu.memory_space<semaphore_mem>>) src(%arg15 : memref<125x64xf32, #tpu.memory_space<vmem>>) dst(%dma_wait3A_317 : memref<10240x64xf32, #tpu.memory_space<vmem_shared>>)
        %add3A_318 = arith.constant 8 : i32
        %add3A_319 = arith.addi %add3A_292, %add3A_318 : i32
        %dma_start3A_320 = arith.constant 0 : i32
        %dma_start3A_321 = tpu.memref_slice %arg6[%add3A_319, %dma_start3A_320] : memref<80x125xi32, #tpu.memory_space<vmem>> -> memref<1x125xi32, #tpu.memory_space<vmem>>
        %dma_start3A_322 = tpu.memref_squeeze %dma_start3A_321 : memref<1x125xi32, #tpu.memory_space<vmem>> -> memref<125xi32, #tpu.memory_space<vmem>>
        %dma_start3A_323 = arith.constant 0 : i32
        %dma_start3A_324 = arith.constant 0 : i32
        %dma_start3A_325 = tpu.memref_slice %arg3[%dma_start3A_323, %dma_start3A_324] : memref<10240x64xf32, #tpu.memory_space<hbm>> -> memref<10240x64xf32, #tpu.memory_space<hbm>>
        tpu.enqueue_indirect_dma source(%dma_start3A_325 : memref<10240x64xf32, #tpu.memory_space<hbm>>) target(%arg15 : memref<125x64xf32, #tpu.memory_space<vmem>>) offsets(%dma_start3A_322 : memref<125xi32, #tpu.memory_space<vmem>>) semaphore(%arg23 : memref<!tpu.dma_semaphore, #tpu.memory_space<semaphore_mem>>)
      } else {
      }
    }
    %scan3A_71 = arith.constant 10 : i32
    %dma_wait3A = arith.constant 72 : i32
    %dma_wait3A_72 = arith.constant 0 : i32
    %dma_wait3A_73 = tpu.memref_slice %arg7[%dma_wait3A, %dma_wait3A_72] : memref<80x125xi32, #tpu.memory_space<vmem>> -> memref<1x125xi32, #tpu.memory_space<vmem>>
    %dma_wait3A_74 = tpu.memref_squeeze %dma_wait3A_73 : memref<1x125xi32, #tpu.memory_space<vmem>> -> memref<125xi32, #tpu.memory_space<vmem>>
    %dma_wait3A_75 = arith.constant 0 : i32
    %dma_wait3A_76 = arith.constant 0 : i32
    %dma_wait3A_77 = tpu.memref_slice %arg32[%dma_wait3A_75, %dma_wait3A_76] : memref<10240x64xf32, #tpu.memory_space<vmem_shared>> -> memref<10240x64xf32, #tpu.memory_space<vmem_shared>>
    tpu.wait_indirect_dma semaphore(%arg24 : memref<!tpu.dma_semaphore, #tpu.memory_space<semaphore_mem>>) src(%arg8 : memref<125x64xf32, #tpu.memory_space<vmem>>) dst(%dma_wait3A_77 : memref<10240x64xf32, #tpu.memory_space<vmem_shared>>)
    %dma_wait3A_78 = arith.constant 73 : i32
    %dma_wait3A_79 = arith.constant 0 : i32
    %dma_wait3A_80 = tpu.memref_slice %arg7[%dma_wait3A_78, %dma_wait3A_79] : memref<80x125xi32, #tpu.memory_space<vmem>> -> memref<1x125xi32, #tpu.memory_space<vmem>>
    %dma_wait3A_81 = tpu.memref_squeeze %dma_wait3A_80 : memref<1x125xi32, #tpu.memory_space<vmem>> -> memref<125xi32, #tpu.memory_space<vmem>>
    %dma_wait3A_82 = arith.constant 0 : i32
    %dma_wait3A_83 = arith.constant 0 : i32
    %dma_wait3A_84 = tpu.memref_slice %arg32[%dma_wait3A_82, %dma_wait3A_83] : memref<10240x64xf32, #tpu.memory_space<vmem_shared>> -> memref<10240x64xf32, #tpu.memory_space<vmem_shared>>
    tpu.wait_indirect_dma semaphore(%arg25 : memref<!tpu.dma_semaphore, #tpu.memory_space<semaphore_mem>>) src(%arg9 : memref<125x64xf32, #tpu.memory_space<vmem>>) dst(%dma_wait3A_84 : memref<10240x64xf32, #tpu.memory_space<vmem_shared>>)
    %dma_wait3A_85 = arith.constant 74 : i32
    %dma_wait3A_86 = arith.constant 0 : i32
    %dma_wait3A_87 = tpu.memref_slice %arg7[%dma_wait3A_85, %dma_wait3A_86] : memref<80x125xi32, #tpu.memory_space<vmem>> -> memref<1x125xi32, #tpu.memory_space<vmem>>
    %dma_wait3A_88 = tpu.memref_squeeze %dma_wait3A_87 : memref<1x125xi32, #tpu.memory_space<vmem>> -> memref<125xi32, #tpu.memory_space<vmem>>
    %dma_wait3A_89 = arith.constant 0 : i32
    %dma_wait3A_90 = arith.constant 0 : i32
    %dma_wait3A_91 = tpu.memref_slice %arg32[%dma_wait3A_89, %dma_wait3A_90] : memref<10240x64xf32, #tpu.memory_space<vmem_shared>> -> memref<10240x64xf32, #tpu.memory_space<vmem_shared>>
    tpu.wait_indirect_dma semaphore(%arg26 : memref<!tpu.dma_semaphore, #tpu.memory_space<semaphore_mem>>) src(%arg10 : memref<125x64xf32, #tpu.memory_space<vmem>>) dst(%dma_wait3A_91 : memref<10240x64xf32, #tpu.memory_space<vmem_shared>>)
    %dma_wait3A_92 = arith.constant 75 : i32
    %dma_wait3A_93 = arith.constant 0 : i32
    %dma_wait3A_94 = tpu.memref_slice %arg7[%dma_wait3A_92, %dma_wait3A_93] : memref<80x125xi32, #tpu.memory_space<vmem>> -> memref<1x125xi32, #tpu.memory_space<vmem>>
    %dma_wait3A_95 = tpu.memref_squeeze %dma_wait3A_94 : memref<1x125xi32, #tpu.memory_space<vmem>> -> memref<125xi32, #tpu.memory_space<vmem>>
    %dma_wait3A_96 = arith.constant 0 : i32
    %dma_wait3A_97 = arith.constant 0 : i32
    %dma_wait3A_98 = tpu.memref_slice %arg32[%dma_wait3A_96, %dma_wait3A_97] : memref<10240x64xf32, #tpu.memory_space<vmem_shared>> -> memref<10240x64xf32, #tpu.memory_space<vmem_shared>>
    tpu.wait_indirect_dma semaphore(%arg27 : memref<!tpu.dma_semaphore, #tpu.memory_space<semaphore_mem>>) src(%arg11 : memref<125x64xf32, #tpu.memory_space<vmem>>) dst(%dma_wait3A_98 : memref<10240x64xf32, #tpu.memory_space<vmem_shared>>)
    %dma_wait3A_99 = arith.constant 76 : i32
    %dma_wait3A_100 = arith.constant 0 : i32
    %dma_wait3A_101 = tpu.memref_slice %arg7[%dma_wait3A_99, %dma_wait3A_100] : memref<80x125xi32, #tpu.memory_space<vmem>> -> memref<1x125xi32, #tpu.memory_space<vmem>>
    %dma_wait3A_102 = tpu.memref_squeeze %dma_wait3A_101 : memref<1x125xi32, #tpu.memory_space<vmem>> -> memref<125xi32, #tpu.memory_space<vmem>>
    %dma_wait3A_103 = arith.constant 0 : i32
    %dma_wait3A_104 = arith.constant 0 : i32
    %dma_wait3A_105 = tpu.memref_slice %arg32[%dma_wait3A_103, %dma_wait3A_104] : memref<10240x64xf32, #tpu.memory_space<vmem_shared>> -> memref<10240x64xf32, #tpu.memory_space<vmem_shared>>
    tpu.wait_indirect_dma semaphore(%arg28 : memref<!tpu.dma_semaphore, #tpu.memory_space<semaphore_mem>>) src(%arg12 : memref<125x64xf32, #tpu.memory_space<vmem>>) dst(%dma_wait3A_105 : memref<10240x64xf32, #tpu.memory_space<vmem_shared>>)
    %dma_wait3A_106 = arith.constant 77 : i32
    %dma_wait3A_107 = arith.constant 0 : i32
    %dma_wait3A_108 = tpu.memref_slice %arg7[%dma_wait3A_106, %dma_wait3A_107] : memref<80x125xi32, #tpu.memory_space<vmem>> -> memref<1x125xi32, #tpu.memory_space<vmem>>
    %dma_wait3A_109 = tpu.memref_squeeze %dma_wait3A_108 : memref<1x125xi32, #tpu.memory_space<vmem>> -> memref<125xi32, #tpu.memory_space<vmem>>
    %dma_wait3A_110 = arith.constant 0 : i32
    %dma_wait3A_111 = arith.constant 0 : i32
    %dma_wait3A_112 = tpu.memref_slice %arg32[%dma_wait3A_110, %dma_wait3A_111] : memref<10240x64xf32, #tpu.memory_space<vmem_shared>> -> memref<10240x64xf32, #tpu.memory_space<vmem_shared>>
    tpu.wait_indirect_dma semaphore(%arg29 : memref<!tpu.dma_semaphore, #tpu.memory_space<semaphore_mem>>) src(%arg13 : memref<125x64xf32, #tpu.memory_space<vmem>>) dst(%dma_wait3A_112 : memref<10240x64xf32, #tpu.memory_space<vmem_shared>>)
    %dma_wait3A_113 = arith.constant 78 : i32
    %dma_wait3A_114 = arith.constant 0 : i32
    %dma_wait3A_115 = tpu.memref_slice %arg7[%dma_wait3A_113, %dma_wait3A_114] : memref<80x125xi32, #tpu.memory_space<vmem>> -> memref<1x125xi32, #tpu.memory_space<vmem>>
    %dma_wait3A_116 = tpu.memref_squeeze %dma_wait3A_115 : memref<1x125xi32, #tpu.memory_space<vmem>> -> memref<125xi32, #tpu.memory_space<vmem>>
    %dma_wait3A_117 = arith.constant 0 : i32
    %dma_wait3A_118 = arith.constant 0 : i32
    %dma_wait3A_119 = tpu.memref_slice %arg32[%dma_wait3A_117, %dma_wait3A_118] : memref<10240x64xf32, #tpu.memory_space<vmem_shared>> -> memref<10240x64xf32, #tpu.memory_space<vmem_shared>>
    tpu.wait_indirect_dma semaphore(%arg30 : memref<!tpu.dma_semaphore, #tpu.memory_space<semaphore_mem>>) src(%arg14 : memref<125x64xf32, #tpu.memory_space<vmem>>) dst(%dma_wait3A_119 : memref<10240x64xf32, #tpu.memory_space<vmem_shared>>)
    %dma_wait3A_120 = arith.constant 79 : i32
    %dma_wait3A_121 = arith.constant 0 : i32
    %dma_wait3A_122 = tpu.memref_slice %arg7[%dma_wait3A_120, %dma_wait3A_121] : memref<80x125xi32, #tpu.memory_space<vmem>> -> memref<1x125xi32, #tpu.memory_space<vmem>>
    %dma_wait3A_123 = tpu.memref_squeeze %dma_wait3A_122 : memref<1x125xi32, #tpu.memory_space<vmem>> -> memref<125xi32, #tpu.memory_space<vmem>>
    %dma_wait3A_124 = arith.constant 0 : i32
    %dma_wait3A_125 = arith.constant 0 : i32
    %dma_wait3A_126 = tpu.memref_slice %arg32[%dma_wait3A_124, %dma_wait3A_125] : memref<10240x64xf32, #tpu.memory_space<vmem_shared>> -> memref<10240x64xf32, #tpu.memory_space<vmem_shared>>
    tpu.wait_indirect_dma semaphore(%arg31 : memref<!tpu.dma_semaphore, #tpu.memory_space<semaphore_mem>>) src(%arg15 : memref<125x64xf32, #tpu.memory_space<vmem>>) dst(%dma_wait3A_126 : memref<10240x64xf32, #tpu.memory_space<vmem_shared>>)
    %barrier3A_127 = arith.constant 0 : index
    tpu.barrier barrier_id(%barrier3A_127)
    "tpu.region"() ({
      %run_scoped3A = tpu.sem_alloc : memref<!tpu.dma_semaphore, #tpu.memory_space<semaphore_mem>>
      %dma_start3A_128 = arith.constant 0 : i32
      %dma_start3A_129 = tpu.memref_slice %arg5[%arg0, %multiple_of3A, %dma_start3A_128] : memref<2x10240x64xf32, #tpu.memory_space<hbm>> -> memref<1x640x64xf32, #tpu.memory_space<hbm>>
      %dma_start3A_130 = tpu.memref_squeeze %dma_start3A_129 : memref<1x640x64xf32, #tpu.memory_space<hbm>> -> memref<640x64xf32, #tpu.memory_space<hbm>>
      %dma_start3A_131 = arith.constant 0 : i32
      %dma_start3A_132 = tpu.memref_slice %arg32[%multiple_of3A, %dma_start3A_131] : memref<10240x64xf32, #tpu.memory_space<vmem_shared>> -> memref<640x64xf32, #tpu.memory_space<vmem_shared>>
      tpu.enqueue_dma source(%dma_start3A_132 : memref<640x64xf32, #tpu.memory_space<vmem_shared>>) target(%dma_start3A_130 : memref<640x64xf32, #tpu.memory_space<hbm>>) target_semaphore(%run_scoped3A : memref<!tpu.dma_semaphore, #tpu.memory_space<semaphore_mem>>)
      %dma_wait3A_133 = arith.constant 0 : i32
      %dma_wait3A_134 = tpu.memref_slice %arg5[%arg0, %multiple_of3A, %dma_wait3A_133] : memref<2x10240x64xf32, #tpu.memory_space<hbm>> -> memref<1x640x64xf32, #tpu.memory_space<hbm>>
      %dma_wait3A_135 = tpu.memref_squeeze %dma_wait3A_134 : memref<1x640x64xf32, #tpu.memory_space<hbm>> -> memref<640x64xf32, #tpu.memory_space<hbm>>
      %dma_wait3A_136 = arith.constant 0 : i32
      %dma_wait3A_137 = tpu.memref_slice %arg32[%multiple_of3A, %dma_wait3A_136] : memref<10240x64xf32, #tpu.memory_space<vmem_shared>> -> memref<640x64xf32, #tpu.memory_space<vmem_shared>>
      tpu.wait_dma2 semaphore(%run_scoped3A : memref<!tpu.dma_semaphore, #tpu.memory_space<semaphore_mem>>) src(%dma_wait3A_137 : memref<640x64xf32, #tpu.memory_space<vmem_shared>>) dst(%dma_wait3A_135 : memref<640x64xf32, #tpu.memory_space<hbm>>)
      tpu.yield
    }) : () -> ()
    return
  }
}

#map = affine_map<(d0, d1) -> (0, 0, 0)>
#map1 = affine_map<(d0, d1) -> (0, 0)>
module attributes {stable_mosaic.version = 14 : i64} {
  func.func @agg(%arg0: i32, %arg1: i32, %arg2: memref<64x80x125xi32, #tpu.memory_space<hbm>>, %arg3: memref<10240x16xf32, #tpu.memory_space<hbm>>, %arg4: memref<10240x16xf32, #tpu.memory_space<hbm>>, %arg5: memref<2x10240x16xf32, #tpu.memory_space<hbm>>, %arg6: memref<80x125xi32, #tpu.memory_space<vmem>>, %arg7: memref<80x125xi32, #tpu.memory_space<vmem>>, %arg8: memref<125x16xf32, #tpu.memory_space<vmem>>, %arg9: memref<125x16xf32, #tpu.memory_space<vmem>>, %arg10: memref<125x16xf32, #tpu.memory_space<vmem>>, %arg11: memref<125x16xf32, #tpu.memory_space<vmem>>, %arg12: memref<125x16xf32, #tpu.memory_space<vmem>>, %arg13: memref<125x16xf32, #tpu.memory_space<vmem>>, %arg14: memref<125x16xf32, #tpu.memory_space<vmem>>, %arg15: memref<125x16xf32, #tpu.memory_space<vmem>>, %arg16: memref<!tpu.dma_semaphore, #tpu.memory_space<semaphore_mem>>, %arg17: memref<!tpu.dma_semaphore, #tpu.memory_space<semaphore_mem>>, %arg18: memref<!tpu.dma_semaphore, #tpu.memory_space<semaphore_mem>>, %arg19: memref<!tpu.dma_semaphore, #tpu.memory_space<semaphore_mem>>, %arg20: memref<!tpu.dma_semaphore, #tpu.memory_space<semaphore_mem>>, %arg21: memref<!tpu.dma_semaphore, #tpu.memory_space<semaphore_mem>>, %arg22: memref<!tpu.dma_semaphore, #tpu.memory_space<semaphore_mem>>, %arg23: memref<!tpu.dma_semaphore, #tpu.memory_space<semaphore_mem>>, %arg24: memref<!tpu.dma_semaphore, #tpu.memory_space<semaphore_mem>>, %arg25: memref<!tpu.dma_semaphore, #tpu.memory_space<semaphore_mem>>, %arg26: memref<!tpu.dma_semaphore, #tpu.memory_space<semaphore_mem>>, %arg27: memref<!tpu.dma_semaphore, #tpu.memory_space<semaphore_mem>>, %arg28: memref<!tpu.dma_semaphore, #tpu.memory_space<semaphore_mem>>, %arg29: memref<!tpu.dma_semaphore, #tpu.memory_space<semaphore_mem>>, %arg30: memref<!tpu.dma_semaphore, #tpu.memory_space<semaphore_mem>>, %arg31: memref<!tpu.dma_semaphore, #tpu.memory_space<semaphore_mem>>, %arg32: memref<10240x16xf32, #tpu.memory_space<vmem_shared>>) attributes {dimension_semantics = [#tpu.dimension_semantics<core_parallel>, #tpu.dimension_semantics<subcore_parallel>], iteration_bounds = array<i64: 2, 16>, scalar_prefetch = 0 : i64, scratch_operands = 27 : i64, tpu.core_type = #tpu.core_type<sc_vector_subcore>, window_params = [{transform_indices = #map}, {transform_indices = #map1}, {transform_indices = #map1}, {transform_indices = #map}]} {
    %mul3A = arith.constant 2 : i32
    %mul3A_0 = arith.muli %arg1, %mul3A : i32
    %add3A = arith.addi %mul3A_0, %arg0 : i32
    %mul3A_1 = arith.constant 640 : i32
    %mul3A_2 = arith.muli %arg1, %mul3A_1 : i32
    %multiple_of3A = tpu.assume_multiple %mul3A_2, 640 : i32
    "tpu.region"() ({
      %run_scoped3A = tpu.sem_alloc : memref<!tpu.dma_semaphore, #tpu.memory_space<semaphore_mem>>
      %dma_start3A_128 = arith.constant 0 : i32
      %dma_start3A_129 = arith.constant 0 : i32
      %dma_start3A_130 = tpu.memref_slice %arg2[%add3A, %dma_start3A_128, %dma_start3A_129] : memref<64x80x125xi32, #tpu.memory_space<hbm>> -> memref<1x80x125xi32, #tpu.memory_space<hbm>>
      %dma_start3A_131 = tpu.memref_squeeze %dma_start3A_130 : memref<1x80x125xi32, #tpu.memory_space<hbm>> -> memref<80x125xi32, #tpu.memory_space<hbm>>
      %dma_start3A_132 = arith.constant 0 : i32
      %dma_start3A_133 = arith.constant 0 : i32
      %dma_start3A_134 = tpu.memref_slice %arg2[%add3A, %dma_start3A_132, %dma_start3A_133] : memref<64x80x125xi32, #tpu.memory_space<hbm>> -> memref<1x80x125xi32, #tpu.memory_space<hbm>>
      %dma_start3A_135 = tpu.memref_squeeze %dma_start3A_134 : memref<1x80x125xi32, #tpu.memory_space<hbm>> -> memref<80x125xi32, #tpu.memory_space<hbm>>
      tpu.enqueue_dma source(%dma_start3A_135 : memref<80x125xi32, #tpu.memory_space<hbm>>) target(%arg6 : memref<80x125xi32, #tpu.memory_space<vmem>>) target_semaphore(%run_scoped3A : memref<!tpu.dma_semaphore, #tpu.memory_space<semaphore_mem>>)
      %dma_wait3A_136 = arith.constant 0 : i32
      %dma_wait3A_137 = arith.constant 0 : i32
      %dma_wait3A_138 = tpu.memref_slice %arg2[%add3A, %dma_wait3A_136, %dma_wait3A_137] : memref<64x80x125xi32, #tpu.memory_space<hbm>> -> memref<1x80x125xi32, #tpu.memory_space<hbm>>
      %dma_wait3A_139 = tpu.memref_squeeze %dma_wait3A_138 : memref<1x80x125xi32, #tpu.memory_space<hbm>> -> memref<80x125xi32, #tpu.memory_space<hbm>>
      %dma_wait3A_140 = arith.constant 0 : i32
      %dma_wait3A_141 = arith.constant 0 : i32
      %dma_wait3A_142 = tpu.memref_slice %arg2[%add3A, %dma_wait3A_140, %dma_wait3A_141] : memref<64x80x125xi32, #tpu.memory_space<hbm>> -> memref<1x80x125xi32, #tpu.memory_space<hbm>>
      %dma_wait3A_143 = tpu.memref_squeeze %dma_wait3A_142 : memref<1x80x125xi32, #tpu.memory_space<hbm>> -> memref<80x125xi32, #tpu.memory_space<hbm>>
      tpu.wait_dma2 semaphore(%run_scoped3A : memref<!tpu.dma_semaphore, #tpu.memory_space<semaphore_mem>>) src(%dma_wait3A_143 : memref<80x125xi32, #tpu.memory_space<hbm>>) dst(%arg6 : memref<80x125xi32, #tpu.memory_space<vmem>>)
      tpu.yield
    }) : () -> ()
    %add3A_3 = arith.constant 32 : i32
    %add3A_4 = arith.addi %add3A_3, %add3A : i32
    "tpu.region"() ({
      %run_scoped3A = tpu.sem_alloc : memref<!tpu.dma_semaphore, #tpu.memory_space<semaphore_mem>>
      %dma_start3A_128 = arith.constant 0 : i32
      %dma_start3A_129 = arith.constant 0 : i32
      %dma_start3A_130 = tpu.memref_slice %arg2[%add3A_4, %dma_start3A_128, %dma_start3A_129] : memref<64x80x125xi32, #tpu.memory_space<hbm>> -> memref<1x80x125xi32, #tpu.memory_space<hbm>>
      %dma_start3A_131 = tpu.memref_squeeze %dma_start3A_130 : memref<1x80x125xi32, #tpu.memory_space<hbm>> -> memref<80x125xi32, #tpu.memory_space<hbm>>
      %dma_start3A_132 = arith.constant 0 : i32
      %dma_start3A_133 = arith.constant 0 : i32
      %dma_start3A_134 = tpu.memref_slice %arg2[%add3A_4, %dma_start3A_132, %dma_start3A_133] : memref<64x80x125xi32, #tpu.memory_space<hbm>> -> memref<1x80x125xi32, #tpu.memory_space<hbm>>
      %dma_start3A_135 = tpu.memref_squeeze %dma_start3A_134 : memref<1x80x125xi32, #tpu.memory_space<hbm>> -> memref<80x125xi32, #tpu.memory_space<hbm>>
      tpu.enqueue_dma source(%dma_start3A_135 : memref<80x125xi32, #tpu.memory_space<hbm>>) target(%arg7 : memref<80x125xi32, #tpu.memory_space<vmem>>) target_semaphore(%run_scoped3A : memref<!tpu.dma_semaphore, #tpu.memory_space<semaphore_mem>>)
      %dma_wait3A_136 = arith.constant 0 : i32
      %dma_wait3A_137 = arith.constant 0 : i32
      %dma_wait3A_138 = tpu.memref_slice %arg2[%add3A_4, %dma_wait3A_136, %dma_wait3A_137] : memref<64x80x125xi32, #tpu.memory_space<hbm>> -> memref<1x80x125xi32, #tpu.memory_space<hbm>>
      %dma_wait3A_139 = tpu.memref_squeeze %dma_wait3A_138 : memref<1x80x125xi32, #tpu.memory_space<hbm>> -> memref<80x125xi32, #tpu.memory_space<hbm>>
      %dma_wait3A_140 = arith.constant 0 : i32
      %dma_wait3A_141 = arith.constant 0 : i32
      %dma_wait3A_142 = tpu.memref_slice %arg2[%add3A_4, %dma_wait3A_140, %dma_wait3A_141] : memref<64x80x125xi32, #tpu.memory_space<hbm>> -> memref<1x80x125xi32, #tpu.memory_space<hbm>>
      %dma_wait3A_143 = tpu.memref_squeeze %dma_wait3A_142 : memref<1x80x125xi32, #tpu.memory_space<hbm>> -> memref<80x125xi32, #tpu.memory_space<hbm>>
      tpu.wait_dma2 semaphore(%run_scoped3A : memref<!tpu.dma_semaphore, #tpu.memory_space<semaphore_mem>>) src(%dma_wait3A_143 : memref<80x125xi32, #tpu.memory_space<hbm>>) dst(%arg7 : memref<80x125xi32, #tpu.memory_space<vmem>>)
      tpu.yield
    }) : () -> ()
    %eq3A = arith.constant 0 : i32
    %eq3A_5 = arith.cmpi eq, %arg0, %eq3A : i32
    %convert_element_type3A = arith.extui %eq3A_5 : i1 to i32
    %cond3A = arith.constant 0 : i32
    %cond3A_6 = arith.cmpi ne, %convert_element_type3A, %cond3A : i32
    scf.if %cond3A_6 {
      "tpu.region"() ({
        %run_scoped3A = tpu.sem_alloc : memref<!tpu.dma_semaphore, #tpu.memory_space<semaphore_mem>>
        %dma_start3A_128 = arith.constant 0 : i32
        %dma_start3A_129 = tpu.memref_slice %arg32[%multiple_of3A, %dma_start3A_128] : memref<10240x16xf32, #tpu.memory_space<vmem_shared>> -> memref<640x16xf32, #tpu.memory_space<vmem_shared>>
        %dma_start3A_130 = arith.constant 0 : i32
        %dma_start3A_131 = tpu.memref_slice %arg3[%multiple_of3A, %dma_start3A_130] : memref<10240x16xf32, #tpu.memory_space<hbm>> -> memref<640x16xf32, #tpu.memory_space<hbm>>
        tpu.enqueue_dma source(%dma_start3A_131 : memref<640x16xf32, #tpu.memory_space<hbm>>) target(%dma_start3A_129 : memref<640x16xf32, #tpu.memory_space<vmem_shared>>) target_semaphore(%run_scoped3A : memref<!tpu.dma_semaphore, #tpu.memory_space<semaphore_mem>>)
        %dma_wait3A_132 = arith.constant 0 : i32
        %dma_wait3A_133 = tpu.memref_slice %arg32[%multiple_of3A, %dma_wait3A_132] : memref<10240x16xf32, #tpu.memory_space<vmem_shared>> -> memref<640x16xf32, #tpu.memory_space<vmem_shared>>
        %dma_wait3A_134 = arith.constant 0 : i32
        %dma_wait3A_135 = tpu.memref_slice %arg3[%multiple_of3A, %dma_wait3A_134] : memref<10240x16xf32, #tpu.memory_space<hbm>> -> memref<640x16xf32, #tpu.memory_space<hbm>>
        tpu.wait_dma2 semaphore(%run_scoped3A : memref<!tpu.dma_semaphore, #tpu.memory_space<semaphore_mem>>) src(%dma_wait3A_135 : memref<640x16xf32, #tpu.memory_space<hbm>>) dst(%dma_wait3A_133 : memref<640x16xf32, #tpu.memory_space<vmem_shared>>)
        tpu.yield
      }) : () -> ()
    } else {
    }
    %eq3A_7 = arith.constant 1 : i32
    %eq3A_8 = arith.cmpi eq, %arg0, %eq3A_7 : i32
    %convert_element_type3A_9 = arith.extui %eq3A_8 : i1 to i32
    %cond3A_10 = arith.constant 0 : i32
    %cond3A_11 = arith.cmpi ne, %convert_element_type3A_9, %cond3A_10 : i32
    scf.if %cond3A_11 {
      "tpu.region"() ({
        %run_scoped3A = tpu.sem_alloc : memref<!tpu.dma_semaphore, #tpu.memory_space<semaphore_mem>>
        %dma_start3A_128 = arith.constant 0 : i32
        %dma_start3A_129 = tpu.memref_slice %arg32[%multiple_of3A, %dma_start3A_128] : memref<10240x16xf32, #tpu.memory_space<vmem_shared>> -> memref<640x16xf32, #tpu.memory_space<vmem_shared>>
        %dma_start3A_130 = arith.constant 0 : i32
        %dma_start3A_131 = tpu.memref_slice %arg4[%multiple_of3A, %dma_start3A_130] : memref<10240x16xf32, #tpu.memory_space<hbm>> -> memref<640x16xf32, #tpu.memory_space<hbm>>
        tpu.enqueue_dma source(%dma_start3A_131 : memref<640x16xf32, #tpu.memory_space<hbm>>) target(%dma_start3A_129 : memref<640x16xf32, #tpu.memory_space<vmem_shared>>) target_semaphore(%run_scoped3A : memref<!tpu.dma_semaphore, #tpu.memory_space<semaphore_mem>>)
        %dma_wait3A_132 = arith.constant 0 : i32
        %dma_wait3A_133 = tpu.memref_slice %arg32[%multiple_of3A, %dma_wait3A_132] : memref<10240x16xf32, #tpu.memory_space<vmem_shared>> -> memref<640x16xf32, #tpu.memory_space<vmem_shared>>
        %dma_wait3A_134 = arith.constant 0 : i32
        %dma_wait3A_135 = tpu.memref_slice %arg4[%multiple_of3A, %dma_wait3A_134] : memref<10240x16xf32, #tpu.memory_space<hbm>> -> memref<640x16xf32, #tpu.memory_space<hbm>>
        tpu.wait_dma2 semaphore(%run_scoped3A : memref<!tpu.dma_semaphore, #tpu.memory_space<semaphore_mem>>) src(%dma_wait3A_135 : memref<640x16xf32, #tpu.memory_space<hbm>>) dst(%dma_wait3A_133 : memref<640x16xf32, #tpu.memory_space<vmem_shared>>)
        tpu.yield
      }) : () -> ()
    } else {
    }
    %barrier3A = arith.constant 0 : index
    tpu.barrier barrier_id(%barrier3A)
    %dma_start3A = arith.constant 0 : i32
    %dma_start3A_12 = arith.constant 0 : i32
    %dma_start3A_13 = tpu.memref_slice %arg6[%dma_start3A, %dma_start3A_12] : memref<80x125xi32, #tpu.memory_space<vmem>> -> memref<1x125xi32, #tpu.memory_space<vmem>>
    %dma_start3A_14 = tpu.memref_squeeze %dma_start3A_13 : memref<1x125xi32, #tpu.memory_space<vmem>> -> memref<125xi32, #tpu.memory_space<vmem>>
    %dma_start3A_15 = arith.constant 0 : i32
    %dma_start3A_16 = arith.constant 0 : i32
    %dma_start3A_17 = tpu.memref_slice %arg3[%dma_start3A_15, %dma_start3A_16] : memref<10240x16xf32, #tpu.memory_space<hbm>> -> memref<10240x16xf32, #tpu.memory_space<hbm>>
    tpu.enqueue_indirect_dma source(%dma_start3A_17 : memref<10240x16xf32, #tpu.memory_space<hbm>>) target(%arg8 : memref<125x16xf32, #tpu.memory_space<vmem>>) offsets(%dma_start3A_14 : memref<125xi32, #tpu.memory_space<vmem>>) semaphore(%arg16 : memref<!tpu.dma_semaphore, #tpu.memory_space<semaphore_mem>>)
    %dma_start3A_18 = arith.constant 1 : i32
    %dma_start3A_19 = arith.constant 0 : i32
    %dma_start3A_20 = tpu.memref_slice %arg6[%dma_start3A_18, %dma_start3A_19] : memref<80x125xi32, #tpu.memory_space<vmem>> -> memref<1x125xi32, #tpu.memory_space<vmem>>
    %dma_start3A_21 = tpu.memref_squeeze %dma_start3A_20 : memref<1x125xi32, #tpu.memory_space<vmem>> -> memref<125xi32, #tpu.memory_space<vmem>>
    %dma_start3A_22 = arith.constant 0 : i32
    %dma_start3A_23 = arith.constant 0 : i32
    %dma_start3A_24 = tpu.memref_slice %arg3[%dma_start3A_22, %dma_start3A_23] : memref<10240x16xf32, #tpu.memory_space<hbm>> -> memref<10240x16xf32, #tpu.memory_space<hbm>>
    tpu.enqueue_indirect_dma source(%dma_start3A_24 : memref<10240x16xf32, #tpu.memory_space<hbm>>) target(%arg9 : memref<125x16xf32, #tpu.memory_space<vmem>>) offsets(%dma_start3A_21 : memref<125xi32, #tpu.memory_space<vmem>>) semaphore(%arg17 : memref<!tpu.dma_semaphore, #tpu.memory_space<semaphore_mem>>)
    %dma_start3A_25 = arith.constant 2 : i32
    %dma_start3A_26 = arith.constant 0 : i32
    %dma_start3A_27 = tpu.memref_slice %arg6[%dma_start3A_25, %dma_start3A_26] : memref<80x125xi32, #tpu.memory_space<vmem>> -> memref<1x125xi32, #tpu.memory_space<vmem>>
    %dma_start3A_28 = tpu.memref_squeeze %dma_start3A_27 : memref<1x125xi32, #tpu.memory_space<vmem>> -> memref<125xi32, #tpu.memory_space<vmem>>
    %dma_start3A_29 = arith.constant 0 : i32
    %dma_start3A_30 = arith.constant 0 : i32
    %dma_start3A_31 = tpu.memref_slice %arg3[%dma_start3A_29, %dma_start3A_30] : memref<10240x16xf32, #tpu.memory_space<hbm>> -> memref<10240x16xf32, #tpu.memory_space<hbm>>
    tpu.enqueue_indirect_dma source(%dma_start3A_31 : memref<10240x16xf32, #tpu.memory_space<hbm>>) target(%arg10 : memref<125x16xf32, #tpu.memory_space<vmem>>) offsets(%dma_start3A_28 : memref<125xi32, #tpu.memory_space<vmem>>) semaphore(%arg18 : memref<!tpu.dma_semaphore, #tpu.memory_space<semaphore_mem>>)
    %dma_start3A_32 = arith.constant 3 : i32
    %dma_start3A_33 = arith.constant 0 : i32
    %dma_start3A_34 = tpu.memref_slice %arg6[%dma_start3A_32, %dma_start3A_33] : memref<80x125xi32, #tpu.memory_space<vmem>> -> memref<1x125xi32, #tpu.memory_space<vmem>>
    %dma_start3A_35 = tpu.memref_squeeze %dma_start3A_34 : memref<1x125xi32, #tpu.memory_space<vmem>> -> memref<125xi32, #tpu.memory_space<vmem>>
    %dma_start3A_36 = arith.constant 0 : i32
    %dma_start3A_37 = arith.constant 0 : i32
    %dma_start3A_38 = tpu.memref_slice %arg3[%dma_start3A_36, %dma_start3A_37] : memref<10240x16xf32, #tpu.memory_space<hbm>> -> memref<10240x16xf32, #tpu.memory_space<hbm>>
    tpu.enqueue_indirect_dma source(%dma_start3A_38 : memref<10240x16xf32, #tpu.memory_space<hbm>>) target(%arg11 : memref<125x16xf32, #tpu.memory_space<vmem>>) offsets(%dma_start3A_35 : memref<125xi32, #tpu.memory_space<vmem>>) semaphore(%arg19 : memref<!tpu.dma_semaphore, #tpu.memory_space<semaphore_mem>>)
    %dma_start3A_39 = arith.constant 4 : i32
    %dma_start3A_40 = arith.constant 0 : i32
    %dma_start3A_41 = tpu.memref_slice %arg6[%dma_start3A_39, %dma_start3A_40] : memref<80x125xi32, #tpu.memory_space<vmem>> -> memref<1x125xi32, #tpu.memory_space<vmem>>
    %dma_start3A_42 = tpu.memref_squeeze %dma_start3A_41 : memref<1x125xi32, #tpu.memory_space<vmem>> -> memref<125xi32, #tpu.memory_space<vmem>>
    %dma_start3A_43 = arith.constant 0 : i32
    %dma_start3A_44 = arith.constant 0 : i32
    %dma_start3A_45 = tpu.memref_slice %arg3[%dma_start3A_43, %dma_start3A_44] : memref<10240x16xf32, #tpu.memory_space<hbm>> -> memref<10240x16xf32, #tpu.memory_space<hbm>>
    tpu.enqueue_indirect_dma source(%dma_start3A_45 : memref<10240x16xf32, #tpu.memory_space<hbm>>) target(%arg12 : memref<125x16xf32, #tpu.memory_space<vmem>>) offsets(%dma_start3A_42 : memref<125xi32, #tpu.memory_space<vmem>>) semaphore(%arg20 : memref<!tpu.dma_semaphore, #tpu.memory_space<semaphore_mem>>)
    %dma_start3A_46 = arith.constant 5 : i32
    %dma_start3A_47 = arith.constant 0 : i32
    %dma_start3A_48 = tpu.memref_slice %arg6[%dma_start3A_46, %dma_start3A_47] : memref<80x125xi32, #tpu.memory_space<vmem>> -> memref<1x125xi32, #tpu.memory_space<vmem>>
    %dma_start3A_49 = tpu.memref_squeeze %dma_start3A_48 : memref<1x125xi32, #tpu.memory_space<vmem>> -> memref<125xi32, #tpu.memory_space<vmem>>
    %dma_start3A_50 = arith.constant 0 : i32
    %dma_start3A_51 = arith.constant 0 : i32
    %dma_start3A_52 = tpu.memref_slice %arg3[%dma_start3A_50, %dma_start3A_51] : memref<10240x16xf32, #tpu.memory_space<hbm>> -> memref<10240x16xf32, #tpu.memory_space<hbm>>
    tpu.enqueue_indirect_dma source(%dma_start3A_52 : memref<10240x16xf32, #tpu.memory_space<hbm>>) target(%arg13 : memref<125x16xf32, #tpu.memory_space<vmem>>) offsets(%dma_start3A_49 : memref<125xi32, #tpu.memory_space<vmem>>) semaphore(%arg21 : memref<!tpu.dma_semaphore, #tpu.memory_space<semaphore_mem>>)
    %dma_start3A_53 = arith.constant 6 : i32
    %dma_start3A_54 = arith.constant 0 : i32
    %dma_start3A_55 = tpu.memref_slice %arg6[%dma_start3A_53, %dma_start3A_54] : memref<80x125xi32, #tpu.memory_space<vmem>> -> memref<1x125xi32, #tpu.memory_space<vmem>>
    %dma_start3A_56 = tpu.memref_squeeze %dma_start3A_55 : memref<1x125xi32, #tpu.memory_space<vmem>> -> memref<125xi32, #tpu.memory_space<vmem>>
    %dma_start3A_57 = arith.constant 0 : i32
    %dma_start3A_58 = arith.constant 0 : i32
    %dma_start3A_59 = tpu.memref_slice %arg3[%dma_start3A_57, %dma_start3A_58] : memref<10240x16xf32, #tpu.memory_space<hbm>> -> memref<10240x16xf32, #tpu.memory_space<hbm>>
    tpu.enqueue_indirect_dma source(%dma_start3A_59 : memref<10240x16xf32, #tpu.memory_space<hbm>>) target(%arg14 : memref<125x16xf32, #tpu.memory_space<vmem>>) offsets(%dma_start3A_56 : memref<125xi32, #tpu.memory_space<vmem>>) semaphore(%arg22 : memref<!tpu.dma_semaphore, #tpu.memory_space<semaphore_mem>>)
    %dma_start3A_60 = arith.constant 7 : i32
    %dma_start3A_61 = arith.constant 0 : i32
    %dma_start3A_62 = tpu.memref_slice %arg6[%dma_start3A_60, %dma_start3A_61] : memref<80x125xi32, #tpu.memory_space<vmem>> -> memref<1x125xi32, #tpu.memory_space<vmem>>
    %dma_start3A_63 = tpu.memref_squeeze %dma_start3A_62 : memref<1x125xi32, #tpu.memory_space<vmem>> -> memref<125xi32, #tpu.memory_space<vmem>>
    %dma_start3A_64 = arith.constant 0 : i32
    %dma_start3A_65 = arith.constant 0 : i32
    %dma_start3A_66 = tpu.memref_slice %arg3[%dma_start3A_64, %dma_start3A_65] : memref<10240x16xf32, #tpu.memory_space<hbm>> -> memref<10240x16xf32, #tpu.memory_space<hbm>>
    tpu.enqueue_indirect_dma source(%dma_start3A_66 : memref<10240x16xf32, #tpu.memory_space<hbm>>) target(%arg15 : memref<125x16xf32, #tpu.memory_space<vmem>>) offsets(%dma_start3A_63 : memref<125xi32, #tpu.memory_space<vmem>>) semaphore(%arg23 : memref<!tpu.dma_semaphore, #tpu.memory_space<semaphore_mem>>)
    %scan3A = arith.constant 0 : i32
    %scan3A_67 = arith.constant 0 : i32
    %scan3A_68 = arith.constant 10 : i32
    %scan3A_69 = arith.addi %scan3A_67, %scan3A_68 : i32
    %scan3A_70 = arith.constant 1 : i32
    scf.for %scan3A_128 = %scan3A_67 to %scan3A_69 step %scan3A_70  : i32 {
      %mul3A_129 = arith.constant 8 : i32
      %mul3A_130 = arith.muli %mul3A_129, %scan3A_128 : i32
      %add3A_131 = arith.constant 0 : i32
      %add3A_132 = arith.addi %mul3A_130, %add3A_131 : i32
      %dma_wait3A_133 = arith.constant 0 : i32
      %dma_wait3A_134 = tpu.memref_slice %arg6[%add3A_132, %dma_wait3A_133] : memref<80x125xi32, #tpu.memory_space<vmem>> -> memref<1x125xi32, #tpu.memory_space<vmem>>
      %dma_wait3A_135 = tpu.memref_squeeze %dma_wait3A_134 : memref<1x125xi32, #tpu.memory_space<vmem>> -> memref<125xi32, #tpu.memory_space<vmem>>
      %dma_wait3A_136 = arith.constant 0 : i32
      %dma_wait3A_137 = arith.constant 0 : i32
      %dma_wait3A_138 = tpu.memref_slice %arg3[%dma_wait3A_136, %dma_wait3A_137] : memref<10240x16xf32, #tpu.memory_space<hbm>> -> memref<10240x16xf32, #tpu.memory_space<hbm>>
      tpu.wait_indirect_dma semaphore(%arg16 : memref<!tpu.dma_semaphore, #tpu.memory_space<semaphore_mem>>) src(%dma_wait3A_138 : memref<10240x16xf32, #tpu.memory_space<hbm>>) dst(%arg8 : memref<125x16xf32, #tpu.memory_space<vmem>>)
      %dma_start3A_139 = arith.constant 0 : i32
      %dma_start3A_140 = tpu.memref_slice %arg7[%add3A_132, %dma_start3A_139] : memref<80x125xi32, #tpu.memory_space<vmem>> -> memref<1x125xi32, #tpu.memory_space<vmem>>
      %dma_start3A_141 = tpu.memref_squeeze %dma_start3A_140 : memref<1x125xi32, #tpu.memory_space<vmem>> -> memref<125xi32, #tpu.memory_space<vmem>>
      %dma_start3A_142 = arith.constant 0 : i32
      %dma_start3A_143 = arith.constant 0 : i32
      %dma_start3A_144 = tpu.memref_slice %arg32[%dma_start3A_142, %dma_start3A_143] : memref<10240x16xf32, #tpu.memory_space<vmem_shared>> -> memref<10240x16xf32, #tpu.memory_space<vmem_shared>>
      tpu.enqueue_indirect_dma source(%arg8 : memref<125x16xf32, #tpu.memory_space<vmem>>) target(%dma_start3A_144 : memref<10240x16xf32, #tpu.memory_space<vmem_shared>>) offsets(%dma_start3A_141 : memref<125xi32, #tpu.memory_space<vmem>>) semaphore(%arg24 : memref<!tpu.dma_semaphore, #tpu.memory_space<semaphore_mem>>) {add = true}
      %add3A_145 = arith.constant 8 : i32
      %add3A_146 = arith.addi %add3A_132, %add3A_145 : i32
      %lt3A = arith.constant 80 : i32
      %lt3A_147 = arith.cmpi slt, %add3A_146, %lt3A : i32
      %convert_element_type3A_148 = arith.extui %lt3A_147 : i1 to i32
      %cond3A_149 = arith.constant 0 : i32
      %cond3A_150 = arith.cmpi ne, %convert_element_type3A_148, %cond3A_149 : i32
      scf.if %cond3A_150 {
        %dma_wait3A_312 = arith.constant 0 : i32
        %dma_wait3A_313 = tpu.memref_slice %arg7[%add3A_132, %dma_wait3A_312] : memref<80x125xi32, #tpu.memory_space<vmem>> -> memref<1x125xi32, #tpu.memory_space<vmem>>
        %dma_wait3A_314 = tpu.memref_squeeze %dma_wait3A_313 : memref<1x125xi32, #tpu.memory_space<vmem>> -> memref<125xi32, #tpu.memory_space<vmem>>
        %dma_wait3A_315 = arith.constant 0 : i32
        %dma_wait3A_316 = arith.constant 0 : i32
        %dma_wait3A_317 = tpu.memref_slice %arg32[%dma_wait3A_315, %dma_wait3A_316] : memref<10240x16xf32, #tpu.memory_space<vmem_shared>> -> memref<10240x16xf32, #tpu.memory_space<vmem_shared>>
        tpu.wait_indirect_dma semaphore(%arg24 : memref<!tpu.dma_semaphore, #tpu.memory_space<semaphore_mem>>) src(%arg8 : memref<125x16xf32, #tpu.memory_space<vmem>>) dst(%dma_wait3A_317 : memref<10240x16xf32, #tpu.memory_space<vmem_shared>>)
        %add3A_318 = arith.constant 8 : i32
        %add3A_319 = arith.addi %add3A_132, %add3A_318 : i32
        %dma_start3A_320 = arith.constant 0 : i32
        %dma_start3A_321 = tpu.memref_slice %arg6[%add3A_319, %dma_start3A_320] : memref<80x125xi32, #tpu.memory_space<vmem>> -> memref<1x125xi32, #tpu.memory_space<vmem>>
        %dma_start3A_322 = tpu.memref_squeeze %dma_start3A_321 : memref<1x125xi32, #tpu.memory_space<vmem>> -> memref<125xi32, #tpu.memory_space<vmem>>
        %dma_start3A_323 = arith.constant 0 : i32
        %dma_start3A_324 = arith.constant 0 : i32
        %dma_start3A_325 = tpu.memref_slice %arg3[%dma_start3A_323, %dma_start3A_324] : memref<10240x16xf32, #tpu.memory_space<hbm>> -> memref<10240x16xf32, #tpu.memory_space<hbm>>
        tpu.enqueue_indirect_dma source(%dma_start3A_325 : memref<10240x16xf32, #tpu.memory_space<hbm>>) target(%arg8 : memref<125x16xf32, #tpu.memory_space<vmem>>) offsets(%dma_start3A_322 : memref<125xi32, #tpu.memory_space<vmem>>) semaphore(%arg16 : memref<!tpu.dma_semaphore, #tpu.memory_space<semaphore_mem>>)
      } else {
      }
      %mul3A_151 = arith.constant 8 : i32
      %mul3A_152 = arith.muli %mul3A_151, %scan3A_128 : i32
      %add3A_153 = arith.constant 1 : i32
      %add3A_154 = arith.addi %mul3A_152, %add3A_153 : i32
      %dma_wait3A_155 = arith.constant 0 : i32
      %dma_wait3A_156 = tpu.memref_slice %arg6[%add3A_154, %dma_wait3A_155] : memref<80x125xi32, #tpu.memory_space<vmem>> -> memref<1x125xi32, #tpu.memory_space<vmem>>
      %dma_wait3A_157 = tpu.memref_squeeze %dma_wait3A_156 : memref<1x125xi32, #tpu.memory_space<vmem>> -> memref<125xi32, #tpu.memory_space<vmem>>
      %dma_wait3A_158 = arith.constant 0 : i32
      %dma_wait3A_159 = arith.constant 0 : i32
      %dma_wait3A_160 = tpu.memref_slice %arg3[%dma_wait3A_158, %dma_wait3A_159] : memref<10240x16xf32, #tpu.memory_space<hbm>> -> memref<10240x16xf32, #tpu.memory_space<hbm>>
      tpu.wait_indirect_dma semaphore(%arg17 : memref<!tpu.dma_semaphore, #tpu.memory_space<semaphore_mem>>) src(%dma_wait3A_160 : memref<10240x16xf32, #tpu.memory_space<hbm>>) dst(%arg9 : memref<125x16xf32, #tpu.memory_space<vmem>>)
      %dma_start3A_161 = arith.constant 0 : i32
      %dma_start3A_162 = tpu.memref_slice %arg7[%add3A_154, %dma_start3A_161] : memref<80x125xi32, #tpu.memory_space<vmem>> -> memref<1x125xi32, #tpu.memory_space<vmem>>
      %dma_start3A_163 = tpu.memref_squeeze %dma_start3A_162 : memref<1x125xi32, #tpu.memory_space<vmem>> -> memref<125xi32, #tpu.memory_space<vmem>>
      %dma_start3A_164 = arith.constant 0 : i32
      %dma_start3A_165 = arith.constant 0 : i32
      %dma_start3A_166 = tpu.memref_slice %arg32[%dma_start3A_164, %dma_start3A_165] : memref<10240x16xf32, #tpu.memory_space<vmem_shared>> -> memref<10240x16xf32, #tpu.memory_space<vmem_shared>>
      tpu.enqueue_indirect_dma source(%arg9 : memref<125x16xf32, #tpu.memory_space<vmem>>) target(%dma_start3A_166 : memref<10240x16xf32, #tpu.memory_space<vmem_shared>>) offsets(%dma_start3A_163 : memref<125xi32, #tpu.memory_space<vmem>>) semaphore(%arg25 : memref<!tpu.dma_semaphore, #tpu.memory_space<semaphore_mem>>) {add = true}
      %add3A_167 = arith.constant 8 : i32
      %add3A_168 = arith.addi %add3A_154, %add3A_167 : i32
      %lt3A_169 = arith.constant 80 : i32
      %lt3A_170 = arith.cmpi slt, %add3A_168, %lt3A_169 : i32
      %convert_element_type3A_171 = arith.extui %lt3A_170 : i1 to i32
      %cond3A_172 = arith.constant 0 : i32
      %cond3A_173 = arith.cmpi ne, %convert_element_type3A_171, %cond3A_172 : i32
      scf.if %cond3A_173 {
        %dma_wait3A_312 = arith.constant 0 : i32
        %dma_wait3A_313 = tpu.memref_slice %arg7[%add3A_154, %dma_wait3A_312] : memref<80x125xi32, #tpu.memory_space<vmem>> -> memref<1x125xi32, #tpu.memory_space<vmem>>
        %dma_wait3A_314 = tpu.memref_squeeze %dma_wait3A_313 : memref<1x125xi32, #tpu.memory_space<vmem>> -> memref<125xi32, #tpu.memory_space<vmem>>
        %dma_wait3A_315 = arith.constant 0 : i32
        %dma_wait3A_316 = arith.constant 0 : i32
        %dma_wait3A_317 = tpu.memref_slice %arg32[%dma_wait3A_315, %dma_wait3A_316] : memref<10240x16xf32, #tpu.memory_space<vmem_shared>> -> memref<10240x16xf32, #tpu.memory_space<vmem_shared>>
        tpu.wait_indirect_dma semaphore(%arg25 : memref<!tpu.dma_semaphore, #tpu.memory_space<semaphore_mem>>) src(%arg9 : memref<125x16xf32, #tpu.memory_space<vmem>>) dst(%dma_wait3A_317 : memref<10240x16xf32, #tpu.memory_space<vmem_shared>>)
        %add3A_318 = arith.constant 8 : i32
        %add3A_319 = arith.addi %add3A_154, %add3A_318 : i32
        %dma_start3A_320 = arith.constant 0 : i32
        %dma_start3A_321 = tpu.memref_slice %arg6[%add3A_319, %dma_start3A_320] : memref<80x125xi32, #tpu.memory_space<vmem>> -> memref<1x125xi32, #tpu.memory_space<vmem>>
        %dma_start3A_322 = tpu.memref_squeeze %dma_start3A_321 : memref<1x125xi32, #tpu.memory_space<vmem>> -> memref<125xi32, #tpu.memory_space<vmem>>
        %dma_start3A_323 = arith.constant 0 : i32
        %dma_start3A_324 = arith.constant 0 : i32
        %dma_start3A_325 = tpu.memref_slice %arg3[%dma_start3A_323, %dma_start3A_324] : memref<10240x16xf32, #tpu.memory_space<hbm>> -> memref<10240x16xf32, #tpu.memory_space<hbm>>
        tpu.enqueue_indirect_dma source(%dma_start3A_325 : memref<10240x16xf32, #tpu.memory_space<hbm>>) target(%arg9 : memref<125x16xf32, #tpu.memory_space<vmem>>) offsets(%dma_start3A_322 : memref<125xi32, #tpu.memory_space<vmem>>) semaphore(%arg17 : memref<!tpu.dma_semaphore, #tpu.memory_space<semaphore_mem>>)
      } else {
      }
      %mul3A_174 = arith.constant 8 : i32
      %mul3A_175 = arith.muli %mul3A_174, %scan3A_128 : i32
      %add3A_176 = arith.constant 2 : i32
      %add3A_177 = arith.addi %mul3A_175, %add3A_176 : i32
      %dma_wait3A_178 = arith.constant 0 : i32
      %dma_wait3A_179 = tpu.memref_slice %arg6[%add3A_177, %dma_wait3A_178] : memref<80x125xi32, #tpu.memory_space<vmem>> -> memref<1x125xi32, #tpu.memory_space<vmem>>
      %dma_wait3A_180 = tpu.memref_squeeze %dma_wait3A_179 : memref<1x125xi32, #tpu.memory_space<vmem>> -> memref<125xi32, #tpu.memory_space<vmem>>
      %dma_wait3A_181 = arith.constant 0 : i32
      %dma_wait3A_182 = arith.constant 0 : i32
      %dma_wait3A_183 = tpu.memref_slice %arg3[%dma_wait3A_181, %dma_wait3A_182] : memref<10240x16xf32, #tpu.memory_space<hbm>> -> memref<10240x16xf32, #tpu.memory_space<hbm>>
      tpu.wait_indirect_dma semaphore(%arg18 : memref<!tpu.dma_semaphore, #tpu.memory_space<semaphore_mem>>) src(%dma_wait3A_183 : memref<10240x16xf32, #tpu.memory_space<hbm>>) dst(%arg10 : memref<125x16xf32, #tpu.memory_space<vmem>>)
      %dma_start3A_184 = arith.constant 0 : i32
      %dma_start3A_185 = tpu.memref_slice %arg7[%add3A_177, %dma_start3A_184] : memref<80x125xi32, #tpu.memory_space<vmem>> -> memref<1x125xi32, #tpu.memory_space<vmem>>
      %dma_start3A_186 = tpu.memref_squeeze %dma_start3A_185 : memref<1x125xi32, #tpu.memory_space<vmem>> -> memref<125xi32, #tpu.memory_space<vmem>>
      %dma_start3A_187 = arith.constant 0 : i32
      %dma_start3A_188 = arith.constant 0 : i32
      %dma_start3A_189 = tpu.memref_slice %arg32[%dma_start3A_187, %dma_start3A_188] : memref<10240x16xf32, #tpu.memory_space<vmem_shared>> -> memref<10240x16xf32, #tpu.memory_space<vmem_shared>>
      tpu.enqueue_indirect_dma source(%arg10 : memref<125x16xf32, #tpu.memory_space<vmem>>) target(%dma_start3A_189 : memref<10240x16xf32, #tpu.memory_space<vmem_shared>>) offsets(%dma_start3A_186 : memref<125xi32, #tpu.memory_space<vmem>>) semaphore(%arg26 : memref<!tpu.dma_semaphore, #tpu.memory_space<semaphore_mem>>) {add = true}
      %add3A_190 = arith.constant 8 : i32
      %add3A_191 = arith.addi %add3A_177, %add3A_190 : i32
      %lt3A_192 = arith.constant 80 : i32
      %lt3A_193 = arith.cmpi slt, %add3A_191, %lt3A_192 : i32
      %convert_element_type3A_194 = arith.extui %lt3A_193 : i1 to i32
      %cond3A_195 = arith.constant 0 : i32
      %cond3A_196 = arith.cmpi ne, %convert_element_type3A_194, %cond3A_195 : i32
      scf.if %cond3A_196 {
        %dma_wait3A_312 = arith.constant 0 : i32
        %dma_wait3A_313 = tpu.memref_slice %arg7[%add3A_177, %dma_wait3A_312] : memref<80x125xi32, #tpu.memory_space<vmem>> -> memref<1x125xi32, #tpu.memory_space<vmem>>
        %dma_wait3A_314 = tpu.memref_squeeze %dma_wait3A_313 : memref<1x125xi32, #tpu.memory_space<vmem>> -> memref<125xi32, #tpu.memory_space<vmem>>
        %dma_wait3A_315 = arith.constant 0 : i32
        %dma_wait3A_316 = arith.constant 0 : i32
        %dma_wait3A_317 = tpu.memref_slice %arg32[%dma_wait3A_315, %dma_wait3A_316] : memref<10240x16xf32, #tpu.memory_space<vmem_shared>> -> memref<10240x16xf32, #tpu.memory_space<vmem_shared>>
        tpu.wait_indirect_dma semaphore(%arg26 : memref<!tpu.dma_semaphore, #tpu.memory_space<semaphore_mem>>) src(%arg10 : memref<125x16xf32, #tpu.memory_space<vmem>>) dst(%dma_wait3A_317 : memref<10240x16xf32, #tpu.memory_space<vmem_shared>>)
        %add3A_318 = arith.constant 8 : i32
        %add3A_319 = arith.addi %add3A_177, %add3A_318 : i32
        %dma_start3A_320 = arith.constant 0 : i32
        %dma_start3A_321 = tpu.memref_slice %arg6[%add3A_319, %dma_start3A_320] : memref<80x125xi32, #tpu.memory_space<vmem>> -> memref<1x125xi32, #tpu.memory_space<vmem>>
        %dma_start3A_322 = tpu.memref_squeeze %dma_start3A_321 : memref<1x125xi32, #tpu.memory_space<vmem>> -> memref<125xi32, #tpu.memory_space<vmem>>
        %dma_start3A_323 = arith.constant 0 : i32
        %dma_start3A_324 = arith.constant 0 : i32
        %dma_start3A_325 = tpu.memref_slice %arg3[%dma_start3A_323, %dma_start3A_324] : memref<10240x16xf32, #tpu.memory_space<hbm>> -> memref<10240x16xf32, #tpu.memory_space<hbm>>
        tpu.enqueue_indirect_dma source(%dma_start3A_325 : memref<10240x16xf32, #tpu.memory_space<hbm>>) target(%arg10 : memref<125x16xf32, #tpu.memory_space<vmem>>) offsets(%dma_start3A_322 : memref<125xi32, #tpu.memory_space<vmem>>) semaphore(%arg18 : memref<!tpu.dma_semaphore, #tpu.memory_space<semaphore_mem>>)
      } else {
      }
      %mul3A_197 = arith.constant 8 : i32
      %mul3A_198 = arith.muli %mul3A_197, %scan3A_128 : i32
      %add3A_199 = arith.constant 3 : i32
      %add3A_200 = arith.addi %mul3A_198, %add3A_199 : i32
      %dma_wait3A_201 = arith.constant 0 : i32
      %dma_wait3A_202 = tpu.memref_slice %arg6[%add3A_200, %dma_wait3A_201] : memref<80x125xi32, #tpu.memory_space<vmem>> -> memref<1x125xi32, #tpu.memory_space<vmem>>
      %dma_wait3A_203 = tpu.memref_squeeze %dma_wait3A_202 : memref<1x125xi32, #tpu.memory_space<vmem>> -> memref<125xi32, #tpu.memory_space<vmem>>
      %dma_wait3A_204 = arith.constant 0 : i32
      %dma_wait3A_205 = arith.constant 0 : i32
      %dma_wait3A_206 = tpu.memref_slice %arg3[%dma_wait3A_204, %dma_wait3A_205] : memref<10240x16xf32, #tpu.memory_space<hbm>> -> memref<10240x16xf32, #tpu.memory_space<hbm>>
      tpu.wait_indirect_dma semaphore(%arg19 : memref<!tpu.dma_semaphore, #tpu.memory_space<semaphore_mem>>) src(%dma_wait3A_206 : memref<10240x16xf32, #tpu.memory_space<hbm>>) dst(%arg11 : memref<125x16xf32, #tpu.memory_space<vmem>>)
      %dma_start3A_207 = arith.constant 0 : i32
      %dma_start3A_208 = tpu.memref_slice %arg7[%add3A_200, %dma_start3A_207] : memref<80x125xi32, #tpu.memory_space<vmem>> -> memref<1x125xi32, #tpu.memory_space<vmem>>
      %dma_start3A_209 = tpu.memref_squeeze %dma_start3A_208 : memref<1x125xi32, #tpu.memory_space<vmem>> -> memref<125xi32, #tpu.memory_space<vmem>>
      %dma_start3A_210 = arith.constant 0 : i32
      %dma_start3A_211 = arith.constant 0 : i32
      %dma_start3A_212 = tpu.memref_slice %arg32[%dma_start3A_210, %dma_start3A_211] : memref<10240x16xf32, #tpu.memory_space<vmem_shared>> -> memref<10240x16xf32, #tpu.memory_space<vmem_shared>>
      tpu.enqueue_indirect_dma source(%arg11 : memref<125x16xf32, #tpu.memory_space<vmem>>) target(%dma_start3A_212 : memref<10240x16xf32, #tpu.memory_space<vmem_shared>>) offsets(%dma_start3A_209 : memref<125xi32, #tpu.memory_space<vmem>>) semaphore(%arg27 : memref<!tpu.dma_semaphore, #tpu.memory_space<semaphore_mem>>) {add = true}
      %add3A_213 = arith.constant 8 : i32
      %add3A_214 = arith.addi %add3A_200, %add3A_213 : i32
      %lt3A_215 = arith.constant 80 : i32
      %lt3A_216 = arith.cmpi slt, %add3A_214, %lt3A_215 : i32
      %convert_element_type3A_217 = arith.extui %lt3A_216 : i1 to i32
      %cond3A_218 = arith.constant 0 : i32
      %cond3A_219 = arith.cmpi ne, %convert_element_type3A_217, %cond3A_218 : i32
      scf.if %cond3A_219 {
        %dma_wait3A_312 = arith.constant 0 : i32
        %dma_wait3A_313 = tpu.memref_slice %arg7[%add3A_200, %dma_wait3A_312] : memref<80x125xi32, #tpu.memory_space<vmem>> -> memref<1x125xi32, #tpu.memory_space<vmem>>
        %dma_wait3A_314 = tpu.memref_squeeze %dma_wait3A_313 : memref<1x125xi32, #tpu.memory_space<vmem>> -> memref<125xi32, #tpu.memory_space<vmem>>
        %dma_wait3A_315 = arith.constant 0 : i32
        %dma_wait3A_316 = arith.constant 0 : i32
        %dma_wait3A_317 = tpu.memref_slice %arg32[%dma_wait3A_315, %dma_wait3A_316] : memref<10240x16xf32, #tpu.memory_space<vmem_shared>> -> memref<10240x16xf32, #tpu.memory_space<vmem_shared>>
        tpu.wait_indirect_dma semaphore(%arg27 : memref<!tpu.dma_semaphore, #tpu.memory_space<semaphore_mem>>) src(%arg11 : memref<125x16xf32, #tpu.memory_space<vmem>>) dst(%dma_wait3A_317 : memref<10240x16xf32, #tpu.memory_space<vmem_shared>>)
        %add3A_318 = arith.constant 8 : i32
        %add3A_319 = arith.addi %add3A_200, %add3A_318 : i32
        %dma_start3A_320 = arith.constant 0 : i32
        %dma_start3A_321 = tpu.memref_slice %arg6[%add3A_319, %dma_start3A_320] : memref<80x125xi32, #tpu.memory_space<vmem>> -> memref<1x125xi32, #tpu.memory_space<vmem>>
        %dma_start3A_322 = tpu.memref_squeeze %dma_start3A_321 : memref<1x125xi32, #tpu.memory_space<vmem>> -> memref<125xi32, #tpu.memory_space<vmem>>
        %dma_start3A_323 = arith.constant 0 : i32
        %dma_start3A_324 = arith.constant 0 : i32
        %dma_start3A_325 = tpu.memref_slice %arg3[%dma_start3A_323, %dma_start3A_324] : memref<10240x16xf32, #tpu.memory_space<hbm>> -> memref<10240x16xf32, #tpu.memory_space<hbm>>
        tpu.enqueue_indirect_dma source(%dma_start3A_325 : memref<10240x16xf32, #tpu.memory_space<hbm>>) target(%arg11 : memref<125x16xf32, #tpu.memory_space<vmem>>) offsets(%dma_start3A_322 : memref<125xi32, #tpu.memory_space<vmem>>) semaphore(%arg19 : memref<!tpu.dma_semaphore, #tpu.memory_space<semaphore_mem>>)
      } else {
      }
      %mul3A_220 = arith.constant 8 : i32
      %mul3A_221 = arith.muli %mul3A_220, %scan3A_128 : i32
      %add3A_222 = arith.constant 4 : i32
      %add3A_223 = arith.addi %mul3A_221, %add3A_222 : i32
      %dma_wait3A_224 = arith.constant 0 : i32
      %dma_wait3A_225 = tpu.memref_slice %arg6[%add3A_223, %dma_wait3A_224] : memref<80x125xi32, #tpu.memory_space<vmem>> -> memref<1x125xi32, #tpu.memory_space<vmem>>
      %dma_wait3A_226 = tpu.memref_squeeze %dma_wait3A_225 : memref<1x125xi32, #tpu.memory_space<vmem>> -> memref<125xi32, #tpu.memory_space<vmem>>
      %dma_wait3A_227 = arith.constant 0 : i32
      %dma_wait3A_228 = arith.constant 0 : i32
      %dma_wait3A_229 = tpu.memref_slice %arg3[%dma_wait3A_227, %dma_wait3A_228] : memref<10240x16xf32, #tpu.memory_space<hbm>> -> memref<10240x16xf32, #tpu.memory_space<hbm>>
      tpu.wait_indirect_dma semaphore(%arg20 : memref<!tpu.dma_semaphore, #tpu.memory_space<semaphore_mem>>) src(%dma_wait3A_229 : memref<10240x16xf32, #tpu.memory_space<hbm>>) dst(%arg12 : memref<125x16xf32, #tpu.memory_space<vmem>>)
      %dma_start3A_230 = arith.constant 0 : i32
      %dma_start3A_231 = tpu.memref_slice %arg7[%add3A_223, %dma_start3A_230] : memref<80x125xi32, #tpu.memory_space<vmem>> -> memref<1x125xi32, #tpu.memory_space<vmem>>
      %dma_start3A_232 = tpu.memref_squeeze %dma_start3A_231 : memref<1x125xi32, #tpu.memory_space<vmem>> -> memref<125xi32, #tpu.memory_space<vmem>>
      %dma_start3A_233 = arith.constant 0 : i32
      %dma_start3A_234 = arith.constant 0 : i32
      %dma_start3A_235 = tpu.memref_slice %arg32[%dma_start3A_233, %dma_start3A_234] : memref<10240x16xf32, #tpu.memory_space<vmem_shared>> -> memref<10240x16xf32, #tpu.memory_space<vmem_shared>>
      tpu.enqueue_indirect_dma source(%arg12 : memref<125x16xf32, #tpu.memory_space<vmem>>) target(%dma_start3A_235 : memref<10240x16xf32, #tpu.memory_space<vmem_shared>>) offsets(%dma_start3A_232 : memref<125xi32, #tpu.memory_space<vmem>>) semaphore(%arg28 : memref<!tpu.dma_semaphore, #tpu.memory_space<semaphore_mem>>) {add = true}
      %add3A_236 = arith.constant 8 : i32
      %add3A_237 = arith.addi %add3A_223, %add3A_236 : i32
      %lt3A_238 = arith.constant 80 : i32
      %lt3A_239 = arith.cmpi slt, %add3A_237, %lt3A_238 : i32
      %convert_element_type3A_240 = arith.extui %lt3A_239 : i1 to i32
      %cond3A_241 = arith.constant 0 : i32
      %cond3A_242 = arith.cmpi ne, %convert_element_type3A_240, %cond3A_241 : i32
      scf.if %cond3A_242 {
        %dma_wait3A_312 = arith.constant 0 : i32
        %dma_wait3A_313 = tpu.memref_slice %arg7[%add3A_223, %dma_wait3A_312] : memref<80x125xi32, #tpu.memory_space<vmem>> -> memref<1x125xi32, #tpu.memory_space<vmem>>
        %dma_wait3A_314 = tpu.memref_squeeze %dma_wait3A_313 : memref<1x125xi32, #tpu.memory_space<vmem>> -> memref<125xi32, #tpu.memory_space<vmem>>
        %dma_wait3A_315 = arith.constant 0 : i32
        %dma_wait3A_316 = arith.constant 0 : i32
        %dma_wait3A_317 = tpu.memref_slice %arg32[%dma_wait3A_315, %dma_wait3A_316] : memref<10240x16xf32, #tpu.memory_space<vmem_shared>> -> memref<10240x16xf32, #tpu.memory_space<vmem_shared>>
        tpu.wait_indirect_dma semaphore(%arg28 : memref<!tpu.dma_semaphore, #tpu.memory_space<semaphore_mem>>) src(%arg12 : memref<125x16xf32, #tpu.memory_space<vmem>>) dst(%dma_wait3A_317 : memref<10240x16xf32, #tpu.memory_space<vmem_shared>>)
        %add3A_318 = arith.constant 8 : i32
        %add3A_319 = arith.addi %add3A_223, %add3A_318 : i32
        %dma_start3A_320 = arith.constant 0 : i32
        %dma_start3A_321 = tpu.memref_slice %arg6[%add3A_319, %dma_start3A_320] : memref<80x125xi32, #tpu.memory_space<vmem>> -> memref<1x125xi32, #tpu.memory_space<vmem>>
        %dma_start3A_322 = tpu.memref_squeeze %dma_start3A_321 : memref<1x125xi32, #tpu.memory_space<vmem>> -> memref<125xi32, #tpu.memory_space<vmem>>
        %dma_start3A_323 = arith.constant 0 : i32
        %dma_start3A_324 = arith.constant 0 : i32
        %dma_start3A_325 = tpu.memref_slice %arg3[%dma_start3A_323, %dma_start3A_324] : memref<10240x16xf32, #tpu.memory_space<hbm>> -> memref<10240x16xf32, #tpu.memory_space<hbm>>
        tpu.enqueue_indirect_dma source(%dma_start3A_325 : memref<10240x16xf32, #tpu.memory_space<hbm>>) target(%arg12 : memref<125x16xf32, #tpu.memory_space<vmem>>) offsets(%dma_start3A_322 : memref<125xi32, #tpu.memory_space<vmem>>) semaphore(%arg20 : memref<!tpu.dma_semaphore, #tpu.memory_space<semaphore_mem>>)
      } else {
      }
      %mul3A_243 = arith.constant 8 : i32
      %mul3A_244 = arith.muli %mul3A_243, %scan3A_128 : i32
      %add3A_245 = arith.constant 5 : i32
      %add3A_246 = arith.addi %mul3A_244, %add3A_245 : i32
      %dma_wait3A_247 = arith.constant 0 : i32
      %dma_wait3A_248 = tpu.memref_slice %arg6[%add3A_246, %dma_wait3A_247] : memref<80x125xi32, #tpu.memory_space<vmem>> -> memref<1x125xi32, #tpu.memory_space<vmem>>
      %dma_wait3A_249 = tpu.memref_squeeze %dma_wait3A_248 : memref<1x125xi32, #tpu.memory_space<vmem>> -> memref<125xi32, #tpu.memory_space<vmem>>
      %dma_wait3A_250 = arith.constant 0 : i32
      %dma_wait3A_251 = arith.constant 0 : i32
      %dma_wait3A_252 = tpu.memref_slice %arg3[%dma_wait3A_250, %dma_wait3A_251] : memref<10240x16xf32, #tpu.memory_space<hbm>> -> memref<10240x16xf32, #tpu.memory_space<hbm>>
      tpu.wait_indirect_dma semaphore(%arg21 : memref<!tpu.dma_semaphore, #tpu.memory_space<semaphore_mem>>) src(%dma_wait3A_252 : memref<10240x16xf32, #tpu.memory_space<hbm>>) dst(%arg13 : memref<125x16xf32, #tpu.memory_space<vmem>>)
      %dma_start3A_253 = arith.constant 0 : i32
      %dma_start3A_254 = tpu.memref_slice %arg7[%add3A_246, %dma_start3A_253] : memref<80x125xi32, #tpu.memory_space<vmem>> -> memref<1x125xi32, #tpu.memory_space<vmem>>
      %dma_start3A_255 = tpu.memref_squeeze %dma_start3A_254 : memref<1x125xi32, #tpu.memory_space<vmem>> -> memref<125xi32, #tpu.memory_space<vmem>>
      %dma_start3A_256 = arith.constant 0 : i32
      %dma_start3A_257 = arith.constant 0 : i32
      %dma_start3A_258 = tpu.memref_slice %arg32[%dma_start3A_256, %dma_start3A_257] : memref<10240x16xf32, #tpu.memory_space<vmem_shared>> -> memref<10240x16xf32, #tpu.memory_space<vmem_shared>>
      tpu.enqueue_indirect_dma source(%arg13 : memref<125x16xf32, #tpu.memory_space<vmem>>) target(%dma_start3A_258 : memref<10240x16xf32, #tpu.memory_space<vmem_shared>>) offsets(%dma_start3A_255 : memref<125xi32, #tpu.memory_space<vmem>>) semaphore(%arg29 : memref<!tpu.dma_semaphore, #tpu.memory_space<semaphore_mem>>) {add = true}
      %add3A_259 = arith.constant 8 : i32
      %add3A_260 = arith.addi %add3A_246, %add3A_259 : i32
      %lt3A_261 = arith.constant 80 : i32
      %lt3A_262 = arith.cmpi slt, %add3A_260, %lt3A_261 : i32
      %convert_element_type3A_263 = arith.extui %lt3A_262 : i1 to i32
      %cond3A_264 = arith.constant 0 : i32
      %cond3A_265 = arith.cmpi ne, %convert_element_type3A_263, %cond3A_264 : i32
      scf.if %cond3A_265 {
        %dma_wait3A_312 = arith.constant 0 : i32
        %dma_wait3A_313 = tpu.memref_slice %arg7[%add3A_246, %dma_wait3A_312] : memref<80x125xi32, #tpu.memory_space<vmem>> -> memref<1x125xi32, #tpu.memory_space<vmem>>
        %dma_wait3A_314 = tpu.memref_squeeze %dma_wait3A_313 : memref<1x125xi32, #tpu.memory_space<vmem>> -> memref<125xi32, #tpu.memory_space<vmem>>
        %dma_wait3A_315 = arith.constant 0 : i32
        %dma_wait3A_316 = arith.constant 0 : i32
        %dma_wait3A_317 = tpu.memref_slice %arg32[%dma_wait3A_315, %dma_wait3A_316] : memref<10240x16xf32, #tpu.memory_space<vmem_shared>> -> memref<10240x16xf32, #tpu.memory_space<vmem_shared>>
        tpu.wait_indirect_dma semaphore(%arg29 : memref<!tpu.dma_semaphore, #tpu.memory_space<semaphore_mem>>) src(%arg13 : memref<125x16xf32, #tpu.memory_space<vmem>>) dst(%dma_wait3A_317 : memref<10240x16xf32, #tpu.memory_space<vmem_shared>>)
        %add3A_318 = arith.constant 8 : i32
        %add3A_319 = arith.addi %add3A_246, %add3A_318 : i32
        %dma_start3A_320 = arith.constant 0 : i32
        %dma_start3A_321 = tpu.memref_slice %arg6[%add3A_319, %dma_start3A_320] : memref<80x125xi32, #tpu.memory_space<vmem>> -> memref<1x125xi32, #tpu.memory_space<vmem>>
        %dma_start3A_322 = tpu.memref_squeeze %dma_start3A_321 : memref<1x125xi32, #tpu.memory_space<vmem>> -> memref<125xi32, #tpu.memory_space<vmem>>
        %dma_start3A_323 = arith.constant 0 : i32
        %dma_start3A_324 = arith.constant 0 : i32
        %dma_start3A_325 = tpu.memref_slice %arg3[%dma_start3A_323, %dma_start3A_324] : memref<10240x16xf32, #tpu.memory_space<hbm>> -> memref<10240x16xf32, #tpu.memory_space<hbm>>
        tpu.enqueue_indirect_dma source(%dma_start3A_325 : memref<10240x16xf32, #tpu.memory_space<hbm>>) target(%arg13 : memref<125x16xf32, #tpu.memory_space<vmem>>) offsets(%dma_start3A_322 : memref<125xi32, #tpu.memory_space<vmem>>) semaphore(%arg21 : memref<!tpu.dma_semaphore, #tpu.memory_space<semaphore_mem>>)
      } else {
      }
      %mul3A_266 = arith.constant 8 : i32
      %mul3A_267 = arith.muli %mul3A_266, %scan3A_128 : i32
      %add3A_268 = arith.constant 6 : i32
      %add3A_269 = arith.addi %mul3A_267, %add3A_268 : i32
      %dma_wait3A_270 = arith.constant 0 : i32
      %dma_wait3A_271 = tpu.memref_slice %arg6[%add3A_269, %dma_wait3A_270] : memref<80x125xi32, #tpu.memory_space<vmem>> -> memref<1x125xi32, #tpu.memory_space<vmem>>
      %dma_wait3A_272 = tpu.memref_squeeze %dma_wait3A_271 : memref<1x125xi32, #tpu.memory_space<vmem>> -> memref<125xi32, #tpu.memory_space<vmem>>
      %dma_wait3A_273 = arith.constant 0 : i32
      %dma_wait3A_274 = arith.constant 0 : i32
      %dma_wait3A_275 = tpu.memref_slice %arg3[%dma_wait3A_273, %dma_wait3A_274] : memref<10240x16xf32, #tpu.memory_space<hbm>> -> memref<10240x16xf32, #tpu.memory_space<hbm>>
      tpu.wait_indirect_dma semaphore(%arg22 : memref<!tpu.dma_semaphore, #tpu.memory_space<semaphore_mem>>) src(%dma_wait3A_275 : memref<10240x16xf32, #tpu.memory_space<hbm>>) dst(%arg14 : memref<125x16xf32, #tpu.memory_space<vmem>>)
      %dma_start3A_276 = arith.constant 0 : i32
      %dma_start3A_277 = tpu.memref_slice %arg7[%add3A_269, %dma_start3A_276] : memref<80x125xi32, #tpu.memory_space<vmem>> -> memref<1x125xi32, #tpu.memory_space<vmem>>
      %dma_start3A_278 = tpu.memref_squeeze %dma_start3A_277 : memref<1x125xi32, #tpu.memory_space<vmem>> -> memref<125xi32, #tpu.memory_space<vmem>>
      %dma_start3A_279 = arith.constant 0 : i32
      %dma_start3A_280 = arith.constant 0 : i32
      %dma_start3A_281 = tpu.memref_slice %arg32[%dma_start3A_279, %dma_start3A_280] : memref<10240x16xf32, #tpu.memory_space<vmem_shared>> -> memref<10240x16xf32, #tpu.memory_space<vmem_shared>>
      tpu.enqueue_indirect_dma source(%arg14 : memref<125x16xf32, #tpu.memory_space<vmem>>) target(%dma_start3A_281 : memref<10240x16xf32, #tpu.memory_space<vmem_shared>>) offsets(%dma_start3A_278 : memref<125xi32, #tpu.memory_space<vmem>>) semaphore(%arg30 : memref<!tpu.dma_semaphore, #tpu.memory_space<semaphore_mem>>) {add = true}
      %add3A_282 = arith.constant 8 : i32
      %add3A_283 = arith.addi %add3A_269, %add3A_282 : i32
      %lt3A_284 = arith.constant 80 : i32
      %lt3A_285 = arith.cmpi slt, %add3A_283, %lt3A_284 : i32
      %convert_element_type3A_286 = arith.extui %lt3A_285 : i1 to i32
      %cond3A_287 = arith.constant 0 : i32
      %cond3A_288 = arith.cmpi ne, %convert_element_type3A_286, %cond3A_287 : i32
      scf.if %cond3A_288 {
        %dma_wait3A_312 = arith.constant 0 : i32
        %dma_wait3A_313 = tpu.memref_slice %arg7[%add3A_269, %dma_wait3A_312] : memref<80x125xi32, #tpu.memory_space<vmem>> -> memref<1x125xi32, #tpu.memory_space<vmem>>
        %dma_wait3A_314 = tpu.memref_squeeze %dma_wait3A_313 : memref<1x125xi32, #tpu.memory_space<vmem>> -> memref<125xi32, #tpu.memory_space<vmem>>
        %dma_wait3A_315 = arith.constant 0 : i32
        %dma_wait3A_316 = arith.constant 0 : i32
        %dma_wait3A_317 = tpu.memref_slice %arg32[%dma_wait3A_315, %dma_wait3A_316] : memref<10240x16xf32, #tpu.memory_space<vmem_shared>> -> memref<10240x16xf32, #tpu.memory_space<vmem_shared>>
        tpu.wait_indirect_dma semaphore(%arg30 : memref<!tpu.dma_semaphore, #tpu.memory_space<semaphore_mem>>) src(%arg14 : memref<125x16xf32, #tpu.memory_space<vmem>>) dst(%dma_wait3A_317 : memref<10240x16xf32, #tpu.memory_space<vmem_shared>>)
        %add3A_318 = arith.constant 8 : i32
        %add3A_319 = arith.addi %add3A_269, %add3A_318 : i32
        %dma_start3A_320 = arith.constant 0 : i32
        %dma_start3A_321 = tpu.memref_slice %arg6[%add3A_319, %dma_start3A_320] : memref<80x125xi32, #tpu.memory_space<vmem>> -> memref<1x125xi32, #tpu.memory_space<vmem>>
        %dma_start3A_322 = tpu.memref_squeeze %dma_start3A_321 : memref<1x125xi32, #tpu.memory_space<vmem>> -> memref<125xi32, #tpu.memory_space<vmem>>
        %dma_start3A_323 = arith.constant 0 : i32
        %dma_start3A_324 = arith.constant 0 : i32
        %dma_start3A_325 = tpu.memref_slice %arg3[%dma_start3A_323, %dma_start3A_324] : memref<10240x16xf32, #tpu.memory_space<hbm>> -> memref<10240x16xf32, #tpu.memory_space<hbm>>
        tpu.enqueue_indirect_dma source(%dma_start3A_325 : memref<10240x16xf32, #tpu.memory_space<hbm>>) target(%arg14 : memref<125x16xf32, #tpu.memory_space<vmem>>) offsets(%dma_start3A_322 : memref<125xi32, #tpu.memory_space<vmem>>) semaphore(%arg22 : memref<!tpu.dma_semaphore, #tpu.memory_space<semaphore_mem>>)
      } else {
      }
      %mul3A_289 = arith.constant 8 : i32
      %mul3A_290 = arith.muli %mul3A_289, %scan3A_128 : i32
      %add3A_291 = arith.constant 7 : i32
      %add3A_292 = arith.addi %mul3A_290, %add3A_291 : i32
      %dma_wait3A_293 = arith.constant 0 : i32
      %dma_wait3A_294 = tpu.memref_slice %arg6[%add3A_292, %dma_wait3A_293] : memref<80x125xi32, #tpu.memory_space<vmem>> -> memref<1x125xi32, #tpu.memory_space<vmem>>
      %dma_wait3A_295 = tpu.memref_squeeze %dma_wait3A_294 : memref<1x125xi32, #tpu.memory_space<vmem>> -> memref<125xi32, #tpu.memory_space<vmem>>
      %dma_wait3A_296 = arith.constant 0 : i32
      %dma_wait3A_297 = arith.constant 0 : i32
      %dma_wait3A_298 = tpu.memref_slice %arg3[%dma_wait3A_296, %dma_wait3A_297] : memref<10240x16xf32, #tpu.memory_space<hbm>> -> memref<10240x16xf32, #tpu.memory_space<hbm>>
      tpu.wait_indirect_dma semaphore(%arg23 : memref<!tpu.dma_semaphore, #tpu.memory_space<semaphore_mem>>) src(%dma_wait3A_298 : memref<10240x16xf32, #tpu.memory_space<hbm>>) dst(%arg15 : memref<125x16xf32, #tpu.memory_space<vmem>>)
      %dma_start3A_299 = arith.constant 0 : i32
      %dma_start3A_300 = tpu.memref_slice %arg7[%add3A_292, %dma_start3A_299] : memref<80x125xi32, #tpu.memory_space<vmem>> -> memref<1x125xi32, #tpu.memory_space<vmem>>
      %dma_start3A_301 = tpu.memref_squeeze %dma_start3A_300 : memref<1x125xi32, #tpu.memory_space<vmem>> -> memref<125xi32, #tpu.memory_space<vmem>>
      %dma_start3A_302 = arith.constant 0 : i32
      %dma_start3A_303 = arith.constant 0 : i32
      %dma_start3A_304 = tpu.memref_slice %arg32[%dma_start3A_302, %dma_start3A_303] : memref<10240x16xf32, #tpu.memory_space<vmem_shared>> -> memref<10240x16xf32, #tpu.memory_space<vmem_shared>>
      tpu.enqueue_indirect_dma source(%arg15 : memref<125x16xf32, #tpu.memory_space<vmem>>) target(%dma_start3A_304 : memref<10240x16xf32, #tpu.memory_space<vmem_shared>>) offsets(%dma_start3A_301 : memref<125xi32, #tpu.memory_space<vmem>>) semaphore(%arg31 : memref<!tpu.dma_semaphore, #tpu.memory_space<semaphore_mem>>) {add = true}
      %add3A_305 = arith.constant 8 : i32
      %add3A_306 = arith.addi %add3A_292, %add3A_305 : i32
      %lt3A_307 = arith.constant 80 : i32
      %lt3A_308 = arith.cmpi slt, %add3A_306, %lt3A_307 : i32
      %convert_element_type3A_309 = arith.extui %lt3A_308 : i1 to i32
      %cond3A_310 = arith.constant 0 : i32
      %cond3A_311 = arith.cmpi ne, %convert_element_type3A_309, %cond3A_310 : i32
      scf.if %cond3A_311 {
        %dma_wait3A_312 = arith.constant 0 : i32
        %dma_wait3A_313 = tpu.memref_slice %arg7[%add3A_292, %dma_wait3A_312] : memref<80x125xi32, #tpu.memory_space<vmem>> -> memref<1x125xi32, #tpu.memory_space<vmem>>
        %dma_wait3A_314 = tpu.memref_squeeze %dma_wait3A_313 : memref<1x125xi32, #tpu.memory_space<vmem>> -> memref<125xi32, #tpu.memory_space<vmem>>
        %dma_wait3A_315 = arith.constant 0 : i32
        %dma_wait3A_316 = arith.constant 0 : i32
        %dma_wait3A_317 = tpu.memref_slice %arg32[%dma_wait3A_315, %dma_wait3A_316] : memref<10240x16xf32, #tpu.memory_space<vmem_shared>> -> memref<10240x16xf32, #tpu.memory_space<vmem_shared>>
        tpu.wait_indirect_dma semaphore(%arg31 : memref<!tpu.dma_semaphore, #tpu.memory_space<semaphore_mem>>) src(%arg15 : memref<125x16xf32, #tpu.memory_space<vmem>>) dst(%dma_wait3A_317 : memref<10240x16xf32, #tpu.memory_space<vmem_shared>>)
        %add3A_318 = arith.constant 8 : i32
        %add3A_319 = arith.addi %add3A_292, %add3A_318 : i32
        %dma_start3A_320 = arith.constant 0 : i32
        %dma_start3A_321 = tpu.memref_slice %arg6[%add3A_319, %dma_start3A_320] : memref<80x125xi32, #tpu.memory_space<vmem>> -> memref<1x125xi32, #tpu.memory_space<vmem>>
        %dma_start3A_322 = tpu.memref_squeeze %dma_start3A_321 : memref<1x125xi32, #tpu.memory_space<vmem>> -> memref<125xi32, #tpu.memory_space<vmem>>
        %dma_start3A_323 = arith.constant 0 : i32
        %dma_start3A_324 = arith.constant 0 : i32
        %dma_start3A_325 = tpu.memref_slice %arg3[%dma_start3A_323, %dma_start3A_324] : memref<10240x16xf32, #tpu.memory_space<hbm>> -> memref<10240x16xf32, #tpu.memory_space<hbm>>
        tpu.enqueue_indirect_dma source(%dma_start3A_325 : memref<10240x16xf32, #tpu.memory_space<hbm>>) target(%arg15 : memref<125x16xf32, #tpu.memory_space<vmem>>) offsets(%dma_start3A_322 : memref<125xi32, #tpu.memory_space<vmem>>) semaphore(%arg23 : memref<!tpu.dma_semaphore, #tpu.memory_space<semaphore_mem>>)
      } else {
      }
    }
    %scan3A_71 = arith.constant 10 : i32
    %dma_wait3A = arith.constant 72 : i32
    %dma_wait3A_72 = arith.constant 0 : i32
    %dma_wait3A_73 = tpu.memref_slice %arg7[%dma_wait3A, %dma_wait3A_72] : memref<80x125xi32, #tpu.memory_space<vmem>> -> memref<1x125xi32, #tpu.memory_space<vmem>>
    %dma_wait3A_74 = tpu.memref_squeeze %dma_wait3A_73 : memref<1x125xi32, #tpu.memory_space<vmem>> -> memref<125xi32, #tpu.memory_space<vmem>>
    %dma_wait3A_75 = arith.constant 0 : i32
    %dma_wait3A_76 = arith.constant 0 : i32
    %dma_wait3A_77 = tpu.memref_slice %arg32[%dma_wait3A_75, %dma_wait3A_76] : memref<10240x16xf32, #tpu.memory_space<vmem_shared>> -> memref<10240x16xf32, #tpu.memory_space<vmem_shared>>
    tpu.wait_indirect_dma semaphore(%arg24 : memref<!tpu.dma_semaphore, #tpu.memory_space<semaphore_mem>>) src(%arg8 : memref<125x16xf32, #tpu.memory_space<vmem>>) dst(%dma_wait3A_77 : memref<10240x16xf32, #tpu.memory_space<vmem_shared>>)
    %dma_wait3A_78 = arith.constant 73 : i32
    %dma_wait3A_79 = arith.constant 0 : i32
    %dma_wait3A_80 = tpu.memref_slice %arg7[%dma_wait3A_78, %dma_wait3A_79] : memref<80x125xi32, #tpu.memory_space<vmem>> -> memref<1x125xi32, #tpu.memory_space<vmem>>
    %dma_wait3A_81 = tpu.memref_squeeze %dma_wait3A_80 : memref<1x125xi32, #tpu.memory_space<vmem>> -> memref<125xi32, #tpu.memory_space<vmem>>
    %dma_wait3A_82 = arith.constant 0 : i32
    %dma_wait3A_83 = arith.constant 0 : i32
    %dma_wait3A_84 = tpu.memref_slice %arg32[%dma_wait3A_82, %dma_wait3A_83] : memref<10240x16xf32, #tpu.memory_space<vmem_shared>> -> memref<10240x16xf32, #tpu.memory_space<vmem_shared>>
    tpu.wait_indirect_dma semaphore(%arg25 : memref<!tpu.dma_semaphore, #tpu.memory_space<semaphore_mem>>) src(%arg9 : memref<125x16xf32, #tpu.memory_space<vmem>>) dst(%dma_wait3A_84 : memref<10240x16xf32, #tpu.memory_space<vmem_shared>>)
    %dma_wait3A_85 = arith.constant 74 : i32
    %dma_wait3A_86 = arith.constant 0 : i32
    %dma_wait3A_87 = tpu.memref_slice %arg7[%dma_wait3A_85, %dma_wait3A_86] : memref<80x125xi32, #tpu.memory_space<vmem>> -> memref<1x125xi32, #tpu.memory_space<vmem>>
    %dma_wait3A_88 = tpu.memref_squeeze %dma_wait3A_87 : memref<1x125xi32, #tpu.memory_space<vmem>> -> memref<125xi32, #tpu.memory_space<vmem>>
    %dma_wait3A_89 = arith.constant 0 : i32
    %dma_wait3A_90 = arith.constant 0 : i32
    %dma_wait3A_91 = tpu.memref_slice %arg32[%dma_wait3A_89, %dma_wait3A_90] : memref<10240x16xf32, #tpu.memory_space<vmem_shared>> -> memref<10240x16xf32, #tpu.memory_space<vmem_shared>>
    tpu.wait_indirect_dma semaphore(%arg26 : memref<!tpu.dma_semaphore, #tpu.memory_space<semaphore_mem>>) src(%arg10 : memref<125x16xf32, #tpu.memory_space<vmem>>) dst(%dma_wait3A_91 : memref<10240x16xf32, #tpu.memory_space<vmem_shared>>)
    %dma_wait3A_92 = arith.constant 75 : i32
    %dma_wait3A_93 = arith.constant 0 : i32
    %dma_wait3A_94 = tpu.memref_slice %arg7[%dma_wait3A_92, %dma_wait3A_93] : memref<80x125xi32, #tpu.memory_space<vmem>> -> memref<1x125xi32, #tpu.memory_space<vmem>>
    %dma_wait3A_95 = tpu.memref_squeeze %dma_wait3A_94 : memref<1x125xi32, #tpu.memory_space<vmem>> -> memref<125xi32, #tpu.memory_space<vmem>>
    %dma_wait3A_96 = arith.constant 0 : i32
    %dma_wait3A_97 = arith.constant 0 : i32
    %dma_wait3A_98 = tpu.memref_slice %arg32[%dma_wait3A_96, %dma_wait3A_97] : memref<10240x16xf32, #tpu.memory_space<vmem_shared>> -> memref<10240x16xf32, #tpu.memory_space<vmem_shared>>
    tpu.wait_indirect_dma semaphore(%arg27 : memref<!tpu.dma_semaphore, #tpu.memory_space<semaphore_mem>>) src(%arg11 : memref<125x16xf32, #tpu.memory_space<vmem>>) dst(%dma_wait3A_98 : memref<10240x16xf32, #tpu.memory_space<vmem_shared>>)
    %dma_wait3A_99 = arith.constant 76 : i32
    %dma_wait3A_100 = arith.constant 0 : i32
    %dma_wait3A_101 = tpu.memref_slice %arg7[%dma_wait3A_99, %dma_wait3A_100] : memref<80x125xi32, #tpu.memory_space<vmem>> -> memref<1x125xi32, #tpu.memory_space<vmem>>
    %dma_wait3A_102 = tpu.memref_squeeze %dma_wait3A_101 : memref<1x125xi32, #tpu.memory_space<vmem>> -> memref<125xi32, #tpu.memory_space<vmem>>
    %dma_wait3A_103 = arith.constant 0 : i32
    %dma_wait3A_104 = arith.constant 0 : i32
    %dma_wait3A_105 = tpu.memref_slice %arg32[%dma_wait3A_103, %dma_wait3A_104] : memref<10240x16xf32, #tpu.memory_space<vmem_shared>> -> memref<10240x16xf32, #tpu.memory_space<vmem_shared>>
    tpu.wait_indirect_dma semaphore(%arg28 : memref<!tpu.dma_semaphore, #tpu.memory_space<semaphore_mem>>) src(%arg12 : memref<125x16xf32, #tpu.memory_space<vmem>>) dst(%dma_wait3A_105 : memref<10240x16xf32, #tpu.memory_space<vmem_shared>>)
    %dma_wait3A_106 = arith.constant 77 : i32
    %dma_wait3A_107 = arith.constant 0 : i32
    %dma_wait3A_108 = tpu.memref_slice %arg7[%dma_wait3A_106, %dma_wait3A_107] : memref<80x125xi32, #tpu.memory_space<vmem>> -> memref<1x125xi32, #tpu.memory_space<vmem>>
    %dma_wait3A_109 = tpu.memref_squeeze %dma_wait3A_108 : memref<1x125xi32, #tpu.memory_space<vmem>> -> memref<125xi32, #tpu.memory_space<vmem>>
    %dma_wait3A_110 = arith.constant 0 : i32
    %dma_wait3A_111 = arith.constant 0 : i32
    %dma_wait3A_112 = tpu.memref_slice %arg32[%dma_wait3A_110, %dma_wait3A_111] : memref<10240x16xf32, #tpu.memory_space<vmem_shared>> -> memref<10240x16xf32, #tpu.memory_space<vmem_shared>>
    tpu.wait_indirect_dma semaphore(%arg29 : memref<!tpu.dma_semaphore, #tpu.memory_space<semaphore_mem>>) src(%arg13 : memref<125x16xf32, #tpu.memory_space<vmem>>) dst(%dma_wait3A_112 : memref<10240x16xf32, #tpu.memory_space<vmem_shared>>)
    %dma_wait3A_113 = arith.constant 78 : i32
    %dma_wait3A_114 = arith.constant 0 : i32
    %dma_wait3A_115 = tpu.memref_slice %arg7[%dma_wait3A_113, %dma_wait3A_114] : memref<80x125xi32, #tpu.memory_space<vmem>> -> memref<1x125xi32, #tpu.memory_space<vmem>>
    %dma_wait3A_116 = tpu.memref_squeeze %dma_wait3A_115 : memref<1x125xi32, #tpu.memory_space<vmem>> -> memref<125xi32, #tpu.memory_space<vmem>>
    %dma_wait3A_117 = arith.constant 0 : i32
    %dma_wait3A_118 = arith.constant 0 : i32
    %dma_wait3A_119 = tpu.memref_slice %arg32[%dma_wait3A_117, %dma_wait3A_118] : memref<10240x16xf32, #tpu.memory_space<vmem_shared>> -> memref<10240x16xf32, #tpu.memory_space<vmem_shared>>
    tpu.wait_indirect_dma semaphore(%arg30 : memref<!tpu.dma_semaphore, #tpu.memory_space<semaphore_mem>>) src(%arg14 : memref<125x16xf32, #tpu.memory_space<vmem>>) dst(%dma_wait3A_119 : memref<10240x16xf32, #tpu.memory_space<vmem_shared>>)
    %dma_wait3A_120 = arith.constant 79 : i32
    %dma_wait3A_121 = arith.constant 0 : i32
    %dma_wait3A_122 = tpu.memref_slice %arg7[%dma_wait3A_120, %dma_wait3A_121] : memref<80x125xi32, #tpu.memory_space<vmem>> -> memref<1x125xi32, #tpu.memory_space<vmem>>
    %dma_wait3A_123 = tpu.memref_squeeze %dma_wait3A_122 : memref<1x125xi32, #tpu.memory_space<vmem>> -> memref<125xi32, #tpu.memory_space<vmem>>
    %dma_wait3A_124 = arith.constant 0 : i32
    %dma_wait3A_125 = arith.constant 0 : i32
    %dma_wait3A_126 = tpu.memref_slice %arg32[%dma_wait3A_124, %dma_wait3A_125] : memref<10240x16xf32, #tpu.memory_space<vmem_shared>> -> memref<10240x16xf32, #tpu.memory_space<vmem_shared>>
    tpu.wait_indirect_dma semaphore(%arg31 : memref<!tpu.dma_semaphore, #tpu.memory_space<semaphore_mem>>) src(%arg15 : memref<125x16xf32, #tpu.memory_space<vmem>>) dst(%dma_wait3A_126 : memref<10240x16xf32, #tpu.memory_space<vmem_shared>>)
    %barrier3A_127 = arith.constant 0 : index
    tpu.barrier barrier_id(%barrier3A_127)
    "tpu.region"() ({
      %run_scoped3A = tpu.sem_alloc : memref<!tpu.dma_semaphore, #tpu.memory_space<semaphore_mem>>
      %dma_start3A_128 = arith.constant 0 : i32
      %dma_start3A_129 = tpu.memref_slice %arg5[%arg0, %multiple_of3A, %dma_start3A_128] : memref<2x10240x16xf32, #tpu.memory_space<hbm>> -> memref<1x640x16xf32, #tpu.memory_space<hbm>>
      %dma_start3A_130 = tpu.memref_squeeze %dma_start3A_129 : memref<1x640x16xf32, #tpu.memory_space<hbm>> -> memref<640x16xf32, #tpu.memory_space<hbm>>
      %dma_start3A_131 = arith.constant 0 : i32
      %dma_start3A_132 = tpu.memref_slice %arg32[%multiple_of3A, %dma_start3A_131] : memref<10240x16xf32, #tpu.memory_space<vmem_shared>> -> memref<640x16xf32, #tpu.memory_space<vmem_shared>>
      tpu.enqueue_dma source(%dma_start3A_132 : memref<640x16xf32, #tpu.memory_space<vmem_shared>>) target(%dma_start3A_130 : memref<640x16xf32, #tpu.memory_space<hbm>>) target_semaphore(%run_scoped3A : memref<!tpu.dma_semaphore, #tpu.memory_space<semaphore_mem>>)
      %dma_wait3A_133 = arith.constant 0 : i32
      %dma_wait3A_134 = tpu.memref_slice %arg5[%arg0, %multiple_of3A, %dma_wait3A_133] : memref<2x10240x16xf32, #tpu.memory_space<hbm>> -> memref<1x640x16xf32, #tpu.memory_space<hbm>>
      %dma_wait3A_135 = tpu.memref_squeeze %dma_wait3A_134 : memref<1x640x16xf32, #tpu.memory_space<hbm>> -> memref<640x16xf32, #tpu.memory_space<hbm>>
      %dma_wait3A_136 = arith.constant 0 : i32
      %dma_wait3A_137 = tpu.memref_slice %arg32[%multiple_of3A, %dma_wait3A_136] : memref<10240x16xf32, #tpu.memory_space<vmem_shared>> -> memref<640x16xf32, #tpu.memory_space<vmem_shared>>
      tpu.wait_dma2 semaphore(%run_scoped3A : memref<!tpu.dma_semaphore, #tpu.memory_space<semaphore_mem>>) src(%dma_wait3A_137 : memref<640x16xf32, #tpu.memory_space<vmem_shared>>) dst(%dma_wait3A_135 : memref<640x16xf32, #tpu.memory_space<hbm>>)
      tpu.yield
    }) : () -> ()
    return
  }
}

#map = affine_map<(d0, d1) -> (0, 0, 0)>
#map1 = affine_map<(d0, d1) -> (0, 0)>
module attributes {stable_mosaic.version = 14 : i64} {
  func.func @agg(%arg0: i32, %arg1: i32, %arg2: memref<64x80x125xi32, #tpu.memory_space<hbm>>, %arg3: memref<10240x64xf32, #tpu.memory_space<hbm>>, %arg4: memref<10240x64xf32, #tpu.memory_space<hbm>>, %arg5: memref<2x10240x64xf32, #tpu.memory_space<hbm>>, %arg6: memref<80x125xi32, #tpu.memory_space<vmem>>, %arg7: memref<80x125xi32, #tpu.memory_space<vmem>>, %arg8: memref<125x64xf32, #tpu.memory_space<vmem>>, %arg9: memref<125x64xf32, #tpu.memory_space<vmem>>, %arg10: memref<125x64xf32, #tpu.memory_space<vmem>>, %arg11: memref<125x64xf32, #tpu.memory_space<vmem>>, %arg12: memref<125x64xf32, #tpu.memory_space<vmem>>, %arg13: memref<125x64xf32, #tpu.memory_space<vmem>>, %arg14: memref<125x64xf32, #tpu.memory_space<vmem>>, %arg15: memref<125x64xf32, #tpu.memory_space<vmem>>, %arg16: memref<!tpu.dma_semaphore, #tpu.memory_space<semaphore_mem>>, %arg17: memref<!tpu.dma_semaphore, #tpu.memory_space<semaphore_mem>>, %arg18: memref<!tpu.dma_semaphore, #tpu.memory_space<semaphore_mem>>, %arg19: memref<!tpu.dma_semaphore, #tpu.memory_space<semaphore_mem>>, %arg20: memref<!tpu.dma_semaphore, #tpu.memory_space<semaphore_mem>>, %arg21: memref<!tpu.dma_semaphore, #tpu.memory_space<semaphore_mem>>, %arg22: memref<!tpu.dma_semaphore, #tpu.memory_space<semaphore_mem>>, %arg23: memref<!tpu.dma_semaphore, #tpu.memory_space<semaphore_mem>>, %arg24: memref<!tpu.dma_semaphore, #tpu.memory_space<semaphore_mem>>, %arg25: memref<!tpu.dma_semaphore, #tpu.memory_space<semaphore_mem>>, %arg26: memref<!tpu.dma_semaphore, #tpu.memory_space<semaphore_mem>>, %arg27: memref<!tpu.dma_semaphore, #tpu.memory_space<semaphore_mem>>, %arg28: memref<!tpu.dma_semaphore, #tpu.memory_space<semaphore_mem>>, %arg29: memref<!tpu.dma_semaphore, #tpu.memory_space<semaphore_mem>>, %arg30: memref<!tpu.dma_semaphore, #tpu.memory_space<semaphore_mem>>, %arg31: memref<!tpu.dma_semaphore, #tpu.memory_space<semaphore_mem>>, %arg32: memref<10240x64xf32, #tpu.memory_space<vmem_shared>>) attributes {dimension_semantics = [#tpu.dimension_semantics<core_parallel>, #tpu.dimension_semantics<subcore_parallel>], iteration_bounds = array<i64: 2, 16>, scalar_prefetch = 0 : i64, scratch_operands = 27 : i64, tpu.core_type = #tpu.core_type<sc_vector_subcore>, window_params = [{transform_indices = #map}, {transform_indices = #map1}, {transform_indices = #map1}, {transform_indices = #map}]} {
    %mul3A = arith.constant 2 : i32
    %mul3A_0 = arith.muli %arg1, %mul3A : i32
    %add3A = arith.addi %mul3A_0, %arg0 : i32
    %mul3A_1 = arith.constant 640 : i32
    %mul3A_2 = arith.muli %arg1, %mul3A_1 : i32
    %multiple_of3A = tpu.assume_multiple %mul3A_2, 640 : i32
    "tpu.region"() ({
      %run_scoped3A = tpu.sem_alloc : memref<!tpu.dma_semaphore, #tpu.memory_space<semaphore_mem>>
      %dma_start3A_128 = arith.constant 0 : i32
      %dma_start3A_129 = arith.constant 0 : i32
      %dma_start3A_130 = tpu.memref_slice %arg2[%add3A, %dma_start3A_128, %dma_start3A_129] : memref<64x80x125xi32, #tpu.memory_space<hbm>> -> memref<1x80x125xi32, #tpu.memory_space<hbm>>
      %dma_start3A_131 = tpu.memref_squeeze %dma_start3A_130 : memref<1x80x125xi32, #tpu.memory_space<hbm>> -> memref<80x125xi32, #tpu.memory_space<hbm>>
      %dma_start3A_132 = arith.constant 0 : i32
      %dma_start3A_133 = arith.constant 0 : i32
      %dma_start3A_134 = tpu.memref_slice %arg2[%add3A, %dma_start3A_132, %dma_start3A_133] : memref<64x80x125xi32, #tpu.memory_space<hbm>> -> memref<1x80x125xi32, #tpu.memory_space<hbm>>
      %dma_start3A_135 = tpu.memref_squeeze %dma_start3A_134 : memref<1x80x125xi32, #tpu.memory_space<hbm>> -> memref<80x125xi32, #tpu.memory_space<hbm>>
      tpu.enqueue_dma source(%dma_start3A_135 : memref<80x125xi32, #tpu.memory_space<hbm>>) target(%arg6 : memref<80x125xi32, #tpu.memory_space<vmem>>) target_semaphore(%run_scoped3A : memref<!tpu.dma_semaphore, #tpu.memory_space<semaphore_mem>>)
      %dma_wait3A_136 = arith.constant 0 : i32
      %dma_wait3A_137 = arith.constant 0 : i32
      %dma_wait3A_138 = tpu.memref_slice %arg2[%add3A, %dma_wait3A_136, %dma_wait3A_137] : memref<64x80x125xi32, #tpu.memory_space<hbm>> -> memref<1x80x125xi32, #tpu.memory_space<hbm>>
      %dma_wait3A_139 = tpu.memref_squeeze %dma_wait3A_138 : memref<1x80x125xi32, #tpu.memory_space<hbm>> -> memref<80x125xi32, #tpu.memory_space<hbm>>
      %dma_wait3A_140 = arith.constant 0 : i32
      %dma_wait3A_141 = arith.constant 0 : i32
      %dma_wait3A_142 = tpu.memref_slice %arg2[%add3A, %dma_wait3A_140, %dma_wait3A_141] : memref<64x80x125xi32, #tpu.memory_space<hbm>> -> memref<1x80x125xi32, #tpu.memory_space<hbm>>
      %dma_wait3A_143 = tpu.memref_squeeze %dma_wait3A_142 : memref<1x80x125xi32, #tpu.memory_space<hbm>> -> memref<80x125xi32, #tpu.memory_space<hbm>>
      tpu.wait_dma2 semaphore(%run_scoped3A : memref<!tpu.dma_semaphore, #tpu.memory_space<semaphore_mem>>) src(%dma_wait3A_143 : memref<80x125xi32, #tpu.memory_space<hbm>>) dst(%arg6 : memref<80x125xi32, #tpu.memory_space<vmem>>)
      tpu.yield
    }) : () -> ()
    %add3A_3 = arith.constant 32 : i32
    %add3A_4 = arith.addi %add3A_3, %add3A : i32
    "tpu.region"() ({
      %run_scoped3A = tpu.sem_alloc : memref<!tpu.dma_semaphore, #tpu.memory_space<semaphore_mem>>
      %dma_start3A_128 = arith.constant 0 : i32
      %dma_start3A_129 = arith.constant 0 : i32
      %dma_start3A_130 = tpu.memref_slice %arg2[%add3A_4, %dma_start3A_128, %dma_start3A_129] : memref<64x80x125xi32, #tpu.memory_space<hbm>> -> memref<1x80x125xi32, #tpu.memory_space<hbm>>
      %dma_start3A_131 = tpu.memref_squeeze %dma_start3A_130 : memref<1x80x125xi32, #tpu.memory_space<hbm>> -> memref<80x125xi32, #tpu.memory_space<hbm>>
      %dma_start3A_132 = arith.constant 0 : i32
      %dma_start3A_133 = arith.constant 0 : i32
      %dma_start3A_134 = tpu.memref_slice %arg2[%add3A_4, %dma_start3A_132, %dma_start3A_133] : memref<64x80x125xi32, #tpu.memory_space<hbm>> -> memref<1x80x125xi32, #tpu.memory_space<hbm>>
      %dma_start3A_135 = tpu.memref_squeeze %dma_start3A_134 : memref<1x80x125xi32, #tpu.memory_space<hbm>> -> memref<80x125xi32, #tpu.memory_space<hbm>>
      tpu.enqueue_dma source(%dma_start3A_135 : memref<80x125xi32, #tpu.memory_space<hbm>>) target(%arg7 : memref<80x125xi32, #tpu.memory_space<vmem>>) target_semaphore(%run_scoped3A : memref<!tpu.dma_semaphore, #tpu.memory_space<semaphore_mem>>)
      %dma_wait3A_136 = arith.constant 0 : i32
      %dma_wait3A_137 = arith.constant 0 : i32
      %dma_wait3A_138 = tpu.memref_slice %arg2[%add3A_4, %dma_wait3A_136, %dma_wait3A_137] : memref<64x80x125xi32, #tpu.memory_space<hbm>> -> memref<1x80x125xi32, #tpu.memory_space<hbm>>
      %dma_wait3A_139 = tpu.memref_squeeze %dma_wait3A_138 : memref<1x80x125xi32, #tpu.memory_space<hbm>> -> memref<80x125xi32, #tpu.memory_space<hbm>>
      %dma_wait3A_140 = arith.constant 0 : i32
      %dma_wait3A_141 = arith.constant 0 : i32
      %dma_wait3A_142 = tpu.memref_slice %arg2[%add3A_4, %dma_wait3A_140, %dma_wait3A_141] : memref<64x80x125xi32, #tpu.memory_space<hbm>> -> memref<1x80x125xi32, #tpu.memory_space<hbm>>
      %dma_wait3A_143 = tpu.memref_squeeze %dma_wait3A_142 : memref<1x80x125xi32, #tpu.memory_space<hbm>> -> memref<80x125xi32, #tpu.memory_space<hbm>>
      tpu.wait_dma2 semaphore(%run_scoped3A : memref<!tpu.dma_semaphore, #tpu.memory_space<semaphore_mem>>) src(%dma_wait3A_143 : memref<80x125xi32, #tpu.memory_space<hbm>>) dst(%arg7 : memref<80x125xi32, #tpu.memory_space<vmem>>)
      tpu.yield
    }) : () -> ()
    %eq3A = arith.constant 0 : i32
    %eq3A_5 = arith.cmpi eq, %arg0, %eq3A : i32
    %convert_element_type3A = arith.extui %eq3A_5 : i1 to i32
    %cond3A = arith.constant 0 : i32
    %cond3A_6 = arith.cmpi ne, %convert_element_type3A, %cond3A : i32
    scf.if %cond3A_6 {
      "tpu.region"() ({
        %run_scoped3A = tpu.sem_alloc : memref<!tpu.dma_semaphore, #tpu.memory_space<semaphore_mem>>
        %dma_start3A_128 = arith.constant 0 : i32
        %dma_start3A_129 = tpu.memref_slice %arg32[%multiple_of3A, %dma_start3A_128] : memref<10240x64xf32, #tpu.memory_space<vmem_shared>> -> memref<640x64xf32, #tpu.memory_space<vmem_shared>>
        %dma_start3A_130 = arith.constant 0 : i32
        %dma_start3A_131 = tpu.memref_slice %arg3[%multiple_of3A, %dma_start3A_130] : memref<10240x64xf32, #tpu.memory_space<hbm>> -> memref<640x64xf32, #tpu.memory_space<hbm>>
        tpu.enqueue_dma source(%dma_start3A_131 : memref<640x64xf32, #tpu.memory_space<hbm>>) target(%dma_start3A_129 : memref<640x64xf32, #tpu.memory_space<vmem_shared>>) target_semaphore(%run_scoped3A : memref<!tpu.dma_semaphore, #tpu.memory_space<semaphore_mem>>)
        %dma_wait3A_132 = arith.constant 0 : i32
        %dma_wait3A_133 = tpu.memref_slice %arg32[%multiple_of3A, %dma_wait3A_132] : memref<10240x64xf32, #tpu.memory_space<vmem_shared>> -> memref<640x64xf32, #tpu.memory_space<vmem_shared>>
        %dma_wait3A_134 = arith.constant 0 : i32
        %dma_wait3A_135 = tpu.memref_slice %arg3[%multiple_of3A, %dma_wait3A_134] : memref<10240x64xf32, #tpu.memory_space<hbm>> -> memref<640x64xf32, #tpu.memory_space<hbm>>
        tpu.wait_dma2 semaphore(%run_scoped3A : memref<!tpu.dma_semaphore, #tpu.memory_space<semaphore_mem>>) src(%dma_wait3A_135 : memref<640x64xf32, #tpu.memory_space<hbm>>) dst(%dma_wait3A_133 : memref<640x64xf32, #tpu.memory_space<vmem_shared>>)
        tpu.yield
      }) : () -> ()
    } else {
    }
    %eq3A_7 = arith.constant 1 : i32
    %eq3A_8 = arith.cmpi eq, %arg0, %eq3A_7 : i32
    %convert_element_type3A_9 = arith.extui %eq3A_8 : i1 to i32
    %cond3A_10 = arith.constant 0 : i32
    %cond3A_11 = arith.cmpi ne, %convert_element_type3A_9, %cond3A_10 : i32
    scf.if %cond3A_11 {
      "tpu.region"() ({
        %run_scoped3A = tpu.sem_alloc : memref<!tpu.dma_semaphore, #tpu.memory_space<semaphore_mem>>
        %dma_start3A_128 = arith.constant 0 : i32
        %dma_start3A_129 = tpu.memref_slice %arg32[%multiple_of3A, %dma_start3A_128] : memref<10240x64xf32, #tpu.memory_space<vmem_shared>> -> memref<640x64xf32, #tpu.memory_space<vmem_shared>>
        %dma_start3A_130 = arith.constant 0 : i32
        %dma_start3A_131 = tpu.memref_slice %arg4[%multiple_of3A, %dma_start3A_130] : memref<10240x64xf32, #tpu.memory_space<hbm>> -> memref<640x64xf32, #tpu.memory_space<hbm>>
        tpu.enqueue_dma source(%dma_start3A_131 : memref<640x64xf32, #tpu.memory_space<hbm>>) target(%dma_start3A_129 : memref<640x64xf32, #tpu.memory_space<vmem_shared>>) target_semaphore(%run_scoped3A : memref<!tpu.dma_semaphore, #tpu.memory_space<semaphore_mem>>)
        %dma_wait3A_132 = arith.constant 0 : i32
        %dma_wait3A_133 = tpu.memref_slice %arg32[%multiple_of3A, %dma_wait3A_132] : memref<10240x64xf32, #tpu.memory_space<vmem_shared>> -> memref<640x64xf32, #tpu.memory_space<vmem_shared>>
        %dma_wait3A_134 = arith.constant 0 : i32
        %dma_wait3A_135 = tpu.memref_slice %arg4[%multiple_of3A, %dma_wait3A_134] : memref<10240x64xf32, #tpu.memory_space<hbm>> -> memref<640x64xf32, #tpu.memory_space<hbm>>
        tpu.wait_dma2 semaphore(%run_scoped3A : memref<!tpu.dma_semaphore, #tpu.memory_space<semaphore_mem>>) src(%dma_wait3A_135 : memref<640x64xf32, #tpu.memory_space<hbm>>) dst(%dma_wait3A_133 : memref<640x64xf32, #tpu.memory_space<vmem_shared>>)
        tpu.yield
      }) : () -> ()
    } else {
    }
    %barrier3A = arith.constant 0 : index
    tpu.barrier barrier_id(%barrier3A)
    %dma_start3A = arith.constant 0 : i32
    %dma_start3A_12 = arith.constant 0 : i32
    %dma_start3A_13 = tpu.memref_slice %arg6[%dma_start3A, %dma_start3A_12] : memref<80x125xi32, #tpu.memory_space<vmem>> -> memref<1x125xi32, #tpu.memory_space<vmem>>
    %dma_start3A_14 = tpu.memref_squeeze %dma_start3A_13 : memref<1x125xi32, #tpu.memory_space<vmem>> -> memref<125xi32, #tpu.memory_space<vmem>>
    %dma_start3A_15 = arith.constant 0 : i32
    %dma_start3A_16 = arith.constant 0 : i32
    %dma_start3A_17 = tpu.memref_slice %arg3[%dma_start3A_15, %dma_start3A_16] : memref<10240x64xf32, #tpu.memory_space<hbm>> -> memref<10240x64xf32, #tpu.memory_space<hbm>>
    tpu.enqueue_indirect_dma source(%dma_start3A_17 : memref<10240x64xf32, #tpu.memory_space<hbm>>) target(%arg8 : memref<125x64xf32, #tpu.memory_space<vmem>>) offsets(%dma_start3A_14 : memref<125xi32, #tpu.memory_space<vmem>>) semaphore(%arg16 : memref<!tpu.dma_semaphore, #tpu.memory_space<semaphore_mem>>)
    %dma_start3A_18 = arith.constant 1 : i32
    %dma_start3A_19 = arith.constant 0 : i32
    %dma_start3A_20 = tpu.memref_slice %arg6[%dma_start3A_18, %dma_start3A_19] : memref<80x125xi32, #tpu.memory_space<vmem>> -> memref<1x125xi32, #tpu.memory_space<vmem>>
    %dma_start3A_21 = tpu.memref_squeeze %dma_start3A_20 : memref<1x125xi32, #tpu.memory_space<vmem>> -> memref<125xi32, #tpu.memory_space<vmem>>
    %dma_start3A_22 = arith.constant 0 : i32
    %dma_start3A_23 = arith.constant 0 : i32
    %dma_start3A_24 = tpu.memref_slice %arg3[%dma_start3A_22, %dma_start3A_23] : memref<10240x64xf32, #tpu.memory_space<hbm>> -> memref<10240x64xf32, #tpu.memory_space<hbm>>
    tpu.enqueue_indirect_dma source(%dma_start3A_24 : memref<10240x64xf32, #tpu.memory_space<hbm>>) target(%arg9 : memref<125x64xf32, #tpu.memory_space<vmem>>) offsets(%dma_start3A_21 : memref<125xi32, #tpu.memory_space<vmem>>) semaphore(%arg17 : memref<!tpu.dma_semaphore, #tpu.memory_space<semaphore_mem>>)
    %dma_start3A_25 = arith.constant 2 : i32
    %dma_start3A_26 = arith.constant 0 : i32
    %dma_start3A_27 = tpu.memref_slice %arg6[%dma_start3A_25, %dma_start3A_26] : memref<80x125xi32, #tpu.memory_space<vmem>> -> memref<1x125xi32, #tpu.memory_space<vmem>>
    %dma_start3A_28 = tpu.memref_squeeze %dma_start3A_27 : memref<1x125xi32, #tpu.memory_space<vmem>> -> memref<125xi32, #tpu.memory_space<vmem>>
    %dma_start3A_29 = arith.constant 0 : i32
    %dma_start3A_30 = arith.constant 0 : i32
    %dma_start3A_31 = tpu.memref_slice %arg3[%dma_start3A_29, %dma_start3A_30] : memref<10240x64xf32, #tpu.memory_space<hbm>> -> memref<10240x64xf32, #tpu.memory_space<hbm>>
    tpu.enqueue_indirect_dma source(%dma_start3A_31 : memref<10240x64xf32, #tpu.memory_space<hbm>>) target(%arg10 : memref<125x64xf32, #tpu.memory_space<vmem>>) offsets(%dma_start3A_28 : memref<125xi32, #tpu.memory_space<vmem>>) semaphore(%arg18 : memref<!tpu.dma_semaphore, #tpu.memory_space<semaphore_mem>>)
    %dma_start3A_32 = arith.constant 3 : i32
    %dma_start3A_33 = arith.constant 0 : i32
    %dma_start3A_34 = tpu.memref_slice %arg6[%dma_start3A_32, %dma_start3A_33] : memref<80x125xi32, #tpu.memory_space<vmem>> -> memref<1x125xi32, #tpu.memory_space<vmem>>
    %dma_start3A_35 = tpu.memref_squeeze %dma_start3A_34 : memref<1x125xi32, #tpu.memory_space<vmem>> -> memref<125xi32, #tpu.memory_space<vmem>>
    %dma_start3A_36 = arith.constant 0 : i32
    %dma_start3A_37 = arith.constant 0 : i32
    %dma_start3A_38 = tpu.memref_slice %arg3[%dma_start3A_36, %dma_start3A_37] : memref<10240x64xf32, #tpu.memory_space<hbm>> -> memref<10240x64xf32, #tpu.memory_space<hbm>>
    tpu.enqueue_indirect_dma source(%dma_start3A_38 : memref<10240x64xf32, #tpu.memory_space<hbm>>) target(%arg11 : memref<125x64xf32, #tpu.memory_space<vmem>>) offsets(%dma_start3A_35 : memref<125xi32, #tpu.memory_space<vmem>>) semaphore(%arg19 : memref<!tpu.dma_semaphore, #tpu.memory_space<semaphore_mem>>)
    %dma_start3A_39 = arith.constant 4 : i32
    %dma_start3A_40 = arith.constant 0 : i32
    %dma_start3A_41 = tpu.memref_slice %arg6[%dma_start3A_39, %dma_start3A_40] : memref<80x125xi32, #tpu.memory_space<vmem>> -> memref<1x125xi32, #tpu.memory_space<vmem>>
    %dma_start3A_42 = tpu.memref_squeeze %dma_start3A_41 : memref<1x125xi32, #tpu.memory_space<vmem>> -> memref<125xi32, #tpu.memory_space<vmem>>
    %dma_start3A_43 = arith.constant 0 : i32
    %dma_start3A_44 = arith.constant 0 : i32
    %dma_start3A_45 = tpu.memref_slice %arg3[%dma_start3A_43, %dma_start3A_44] : memref<10240x64xf32, #tpu.memory_space<hbm>> -> memref<10240x64xf32, #tpu.memory_space<hbm>>
    tpu.enqueue_indirect_dma source(%dma_start3A_45 : memref<10240x64xf32, #tpu.memory_space<hbm>>) target(%arg12 : memref<125x64xf32, #tpu.memory_space<vmem>>) offsets(%dma_start3A_42 : memref<125xi32, #tpu.memory_space<vmem>>) semaphore(%arg20 : memref<!tpu.dma_semaphore, #tpu.memory_space<semaphore_mem>>)
    %dma_start3A_46 = arith.constant 5 : i32
    %dma_start3A_47 = arith.constant 0 : i32
    %dma_start3A_48 = tpu.memref_slice %arg6[%dma_start3A_46, %dma_start3A_47] : memref<80x125xi32, #tpu.memory_space<vmem>> -> memref<1x125xi32, #tpu.memory_space<vmem>>
    %dma_start3A_49 = tpu.memref_squeeze %dma_start3A_48 : memref<1x125xi32, #tpu.memory_space<vmem>> -> memref<125xi32, #tpu.memory_space<vmem>>
    %dma_start3A_50 = arith.constant 0 : i32
    %dma_start3A_51 = arith.constant 0 : i32
    %dma_start3A_52 = tpu.memref_slice %arg3[%dma_start3A_50, %dma_start3A_51] : memref<10240x64xf32, #tpu.memory_space<hbm>> -> memref<10240x64xf32, #tpu.memory_space<hbm>>
    tpu.enqueue_indirect_dma source(%dma_start3A_52 : memref<10240x64xf32, #tpu.memory_space<hbm>>) target(%arg13 : memref<125x64xf32, #tpu.memory_space<vmem>>) offsets(%dma_start3A_49 : memref<125xi32, #tpu.memory_space<vmem>>) semaphore(%arg21 : memref<!tpu.dma_semaphore, #tpu.memory_space<semaphore_mem>>)
    %dma_start3A_53 = arith.constant 6 : i32
    %dma_start3A_54 = arith.constant 0 : i32
    %dma_start3A_55 = tpu.memref_slice %arg6[%dma_start3A_53, %dma_start3A_54] : memref<80x125xi32, #tpu.memory_space<vmem>> -> memref<1x125xi32, #tpu.memory_space<vmem>>
    %dma_start3A_56 = tpu.memref_squeeze %dma_start3A_55 : memref<1x125xi32, #tpu.memory_space<vmem>> -> memref<125xi32, #tpu.memory_space<vmem>>
    %dma_start3A_57 = arith.constant 0 : i32
    %dma_start3A_58 = arith.constant 0 : i32
    %dma_start3A_59 = tpu.memref_slice %arg3[%dma_start3A_57, %dma_start3A_58] : memref<10240x64xf32, #tpu.memory_space<hbm>> -> memref<10240x64xf32, #tpu.memory_space<hbm>>
    tpu.enqueue_indirect_dma source(%dma_start3A_59 : memref<10240x64xf32, #tpu.memory_space<hbm>>) target(%arg14 : memref<125x64xf32, #tpu.memory_space<vmem>>) offsets(%dma_start3A_56 : memref<125xi32, #tpu.memory_space<vmem>>) semaphore(%arg22 : memref<!tpu.dma_semaphore, #tpu.memory_space<semaphore_mem>>)
    %dma_start3A_60 = arith.constant 7 : i32
    %dma_start3A_61 = arith.constant 0 : i32
    %dma_start3A_62 = tpu.memref_slice %arg6[%dma_start3A_60, %dma_start3A_61] : memref<80x125xi32, #tpu.memory_space<vmem>> -> memref<1x125xi32, #tpu.memory_space<vmem>>
    %dma_start3A_63 = tpu.memref_squeeze %dma_start3A_62 : memref<1x125xi32, #tpu.memory_space<vmem>> -> memref<125xi32, #tpu.memory_space<vmem>>
    %dma_start3A_64 = arith.constant 0 : i32
    %dma_start3A_65 = arith.constant 0 : i32
    %dma_start3A_66 = tpu.memref_slice %arg3[%dma_start3A_64, %dma_start3A_65] : memref<10240x64xf32, #tpu.memory_space<hbm>> -> memref<10240x64xf32, #tpu.memory_space<hbm>>
    tpu.enqueue_indirect_dma source(%dma_start3A_66 : memref<10240x64xf32, #tpu.memory_space<hbm>>) target(%arg15 : memref<125x64xf32, #tpu.memory_space<vmem>>) offsets(%dma_start3A_63 : memref<125xi32, #tpu.memory_space<vmem>>) semaphore(%arg23 : memref<!tpu.dma_semaphore, #tpu.memory_space<semaphore_mem>>)
    %scan3A = arith.constant 0 : i32
    %scan3A_67 = arith.constant 0 : i32
    %scan3A_68 = arith.constant 10 : i32
    %scan3A_69 = arith.addi %scan3A_67, %scan3A_68 : i32
    %scan3A_70 = arith.constant 1 : i32
    scf.for %scan3A_128 = %scan3A_67 to %scan3A_69 step %scan3A_70  : i32 {
      %mul3A_129 = arith.constant 8 : i32
      %mul3A_130 = arith.muli %mul3A_129, %scan3A_128 : i32
      %add3A_131 = arith.constant 0 : i32
      %add3A_132 = arith.addi %mul3A_130, %add3A_131 : i32
      %dma_wait3A_133 = arith.constant 0 : i32
      %dma_wait3A_134 = tpu.memref_slice %arg6[%add3A_132, %dma_wait3A_133] : memref<80x125xi32, #tpu.memory_space<vmem>> -> memref<1x125xi32, #tpu.memory_space<vmem>>
      %dma_wait3A_135 = tpu.memref_squeeze %dma_wait3A_134 : memref<1x125xi32, #tpu.memory_space<vmem>> -> memref<125xi32, #tpu.memory_space<vmem>>
      %dma_wait3A_136 = arith.constant 0 : i32
      %dma_wait3A_137 = arith.constant 0 : i32
      %dma_wait3A_138 = tpu.memref_slice %arg3[%dma_wait3A_136, %dma_wait3A_137] : memref<10240x64xf32, #tpu.memory_space<hbm>> -> memref<10240x64xf32, #tpu.memory_space<hbm>>
      tpu.wait_indirect_dma semaphore(%arg16 : memref<!tpu.dma_semaphore, #tpu.memory_space<semaphore_mem>>) src(%dma_wait3A_138 : memref<10240x64xf32, #tpu.memory_space<hbm>>) dst(%arg8 : memref<125x64xf32, #tpu.memory_space<vmem>>)
      %dma_start3A_139 = arith.constant 0 : i32
      %dma_start3A_140 = tpu.memref_slice %arg7[%add3A_132, %dma_start3A_139] : memref<80x125xi32, #tpu.memory_space<vmem>> -> memref<1x125xi32, #tpu.memory_space<vmem>>
      %dma_start3A_141 = tpu.memref_squeeze %dma_start3A_140 : memref<1x125xi32, #tpu.memory_space<vmem>> -> memref<125xi32, #tpu.memory_space<vmem>>
      %dma_start3A_142 = arith.constant 0 : i32
      %dma_start3A_143 = arith.constant 0 : i32
      %dma_start3A_144 = tpu.memref_slice %arg32[%dma_start3A_142, %dma_start3A_143] : memref<10240x64xf32, #tpu.memory_space<vmem_shared>> -> memref<10240x64xf32, #tpu.memory_space<vmem_shared>>
      tpu.enqueue_indirect_dma source(%arg8 : memref<125x64xf32, #tpu.memory_space<vmem>>) target(%dma_start3A_144 : memref<10240x64xf32, #tpu.memory_space<vmem_shared>>) offsets(%dma_start3A_141 : memref<125xi32, #tpu.memory_space<vmem>>) semaphore(%arg24 : memref<!tpu.dma_semaphore, #tpu.memory_space<semaphore_mem>>) {add = true}
      %add3A_145 = arith.constant 8 : i32
      %add3A_146 = arith.addi %add3A_132, %add3A_145 : i32
      %lt3A = arith.constant 80 : i32
      %lt3A_147 = arith.cmpi slt, %add3A_146, %lt3A : i32
      %convert_element_type3A_148 = arith.extui %lt3A_147 : i1 to i32
      %cond3A_149 = arith.constant 0 : i32
      %cond3A_150 = arith.cmpi ne, %convert_element_type3A_148, %cond3A_149 : i32
      scf.if %cond3A_150 {
        %dma_wait3A_312 = arith.constant 0 : i32
        %dma_wait3A_313 = tpu.memref_slice %arg7[%add3A_132, %dma_wait3A_312] : memref<80x125xi32, #tpu.memory_space<vmem>> -> memref<1x125xi32, #tpu.memory_space<vmem>>
        %dma_wait3A_314 = tpu.memref_squeeze %dma_wait3A_313 : memref<1x125xi32, #tpu.memory_space<vmem>> -> memref<125xi32, #tpu.memory_space<vmem>>
        %dma_wait3A_315 = arith.constant 0 : i32
        %dma_wait3A_316 = arith.constant 0 : i32
        %dma_wait3A_317 = tpu.memref_slice %arg32[%dma_wait3A_315, %dma_wait3A_316] : memref<10240x64xf32, #tpu.memory_space<vmem_shared>> -> memref<10240x64xf32, #tpu.memory_space<vmem_shared>>
        tpu.wait_indirect_dma semaphore(%arg24 : memref<!tpu.dma_semaphore, #tpu.memory_space<semaphore_mem>>) src(%arg8 : memref<125x64xf32, #tpu.memory_space<vmem>>) dst(%dma_wait3A_317 : memref<10240x64xf32, #tpu.memory_space<vmem_shared>>)
        %add3A_318 = arith.constant 8 : i32
        %add3A_319 = arith.addi %add3A_132, %add3A_318 : i32
        %dma_start3A_320 = arith.constant 0 : i32
        %dma_start3A_321 = tpu.memref_slice %arg6[%add3A_319, %dma_start3A_320] : memref<80x125xi32, #tpu.memory_space<vmem>> -> memref<1x125xi32, #tpu.memory_space<vmem>>
        %dma_start3A_322 = tpu.memref_squeeze %dma_start3A_321 : memref<1x125xi32, #tpu.memory_space<vmem>> -> memref<125xi32, #tpu.memory_space<vmem>>
        %dma_start3A_323 = arith.constant 0 : i32
        %dma_start3A_324 = arith.constant 0 : i32
        %dma_start3A_325 = tpu.memref_slice %arg3[%dma_start3A_323, %dma_start3A_324] : memref<10240x64xf32, #tpu.memory_space<hbm>> -> memref<10240x64xf32, #tpu.memory_space<hbm>>
        tpu.enqueue_indirect_dma source(%dma_start3A_325 : memref<10240x64xf32, #tpu.memory_space<hbm>>) target(%arg8 : memref<125x64xf32, #tpu.memory_space<vmem>>) offsets(%dma_start3A_322 : memref<125xi32, #tpu.memory_space<vmem>>) semaphore(%arg16 : memref<!tpu.dma_semaphore, #tpu.memory_space<semaphore_mem>>)
      } else {
      }
      %mul3A_151 = arith.constant 8 : i32
      %mul3A_152 = arith.muli %mul3A_151, %scan3A_128 : i32
      %add3A_153 = arith.constant 1 : i32
      %add3A_154 = arith.addi %mul3A_152, %add3A_153 : i32
      %dma_wait3A_155 = arith.constant 0 : i32
      %dma_wait3A_156 = tpu.memref_slice %arg6[%add3A_154, %dma_wait3A_155] : memref<80x125xi32, #tpu.memory_space<vmem>> -> memref<1x125xi32, #tpu.memory_space<vmem>>
      %dma_wait3A_157 = tpu.memref_squeeze %dma_wait3A_156 : memref<1x125xi32, #tpu.memory_space<vmem>> -> memref<125xi32, #tpu.memory_space<vmem>>
      %dma_wait3A_158 = arith.constant 0 : i32
      %dma_wait3A_159 = arith.constant 0 : i32
      %dma_wait3A_160 = tpu.memref_slice %arg3[%dma_wait3A_158, %dma_wait3A_159] : memref<10240x64xf32, #tpu.memory_space<hbm>> -> memref<10240x64xf32, #tpu.memory_space<hbm>>
      tpu.wait_indirect_dma semaphore(%arg17 : memref<!tpu.dma_semaphore, #tpu.memory_space<semaphore_mem>>) src(%dma_wait3A_160 : memref<10240x64xf32, #tpu.memory_space<hbm>>) dst(%arg9 : memref<125x64xf32, #tpu.memory_space<vmem>>)
      %dma_start3A_161 = arith.constant 0 : i32
      %dma_start3A_162 = tpu.memref_slice %arg7[%add3A_154, %dma_start3A_161] : memref<80x125xi32, #tpu.memory_space<vmem>> -> memref<1x125xi32, #tpu.memory_space<vmem>>
      %dma_start3A_163 = tpu.memref_squeeze %dma_start3A_162 : memref<1x125xi32, #tpu.memory_space<vmem>> -> memref<125xi32, #tpu.memory_space<vmem>>
      %dma_start3A_164 = arith.constant 0 : i32
      %dma_start3A_165 = arith.constant 0 : i32
      %dma_start3A_166 = tpu.memref_slice %arg32[%dma_start3A_164, %dma_start3A_165] : memref<10240x64xf32, #tpu.memory_space<vmem_shared>> -> memref<10240x64xf32, #tpu.memory_space<vmem_shared>>
      tpu.enqueue_indirect_dma source(%arg9 : memref<125x64xf32, #tpu.memory_space<vmem>>) target(%dma_start3A_166 : memref<10240x64xf32, #tpu.memory_space<vmem_shared>>) offsets(%dma_start3A_163 : memref<125xi32, #tpu.memory_space<vmem>>) semaphore(%arg25 : memref<!tpu.dma_semaphore, #tpu.memory_space<semaphore_mem>>) {add = true}
      %add3A_167 = arith.constant 8 : i32
      %add3A_168 = arith.addi %add3A_154, %add3A_167 : i32
      %lt3A_169 = arith.constant 80 : i32
      %lt3A_170 = arith.cmpi slt, %add3A_168, %lt3A_169 : i32
      %convert_element_type3A_171 = arith.extui %lt3A_170 : i1 to i32
      %cond3A_172 = arith.constant 0 : i32
      %cond3A_173 = arith.cmpi ne, %convert_element_type3A_171, %cond3A_172 : i32
      scf.if %cond3A_173 {
        %dma_wait3A_312 = arith.constant 0 : i32
        %dma_wait3A_313 = tpu.memref_slice %arg7[%add3A_154, %dma_wait3A_312] : memref<80x125xi32, #tpu.memory_space<vmem>> -> memref<1x125xi32, #tpu.memory_space<vmem>>
        %dma_wait3A_314 = tpu.memref_squeeze %dma_wait3A_313 : memref<1x125xi32, #tpu.memory_space<vmem>> -> memref<125xi32, #tpu.memory_space<vmem>>
        %dma_wait3A_315 = arith.constant 0 : i32
        %dma_wait3A_316 = arith.constant 0 : i32
        %dma_wait3A_317 = tpu.memref_slice %arg32[%dma_wait3A_315, %dma_wait3A_316] : memref<10240x64xf32, #tpu.memory_space<vmem_shared>> -> memref<10240x64xf32, #tpu.memory_space<vmem_shared>>
        tpu.wait_indirect_dma semaphore(%arg25 : memref<!tpu.dma_semaphore, #tpu.memory_space<semaphore_mem>>) src(%arg9 : memref<125x64xf32, #tpu.memory_space<vmem>>) dst(%dma_wait3A_317 : memref<10240x64xf32, #tpu.memory_space<vmem_shared>>)
        %add3A_318 = arith.constant 8 : i32
        %add3A_319 = arith.addi %add3A_154, %add3A_318 : i32
        %dma_start3A_320 = arith.constant 0 : i32
        %dma_start3A_321 = tpu.memref_slice %arg6[%add3A_319, %dma_start3A_320] : memref<80x125xi32, #tpu.memory_space<vmem>> -> memref<1x125xi32, #tpu.memory_space<vmem>>
        %dma_start3A_322 = tpu.memref_squeeze %dma_start3A_321 : memref<1x125xi32, #tpu.memory_space<vmem>> -> memref<125xi32, #tpu.memory_space<vmem>>
        %dma_start3A_323 = arith.constant 0 : i32
        %dma_start3A_324 = arith.constant 0 : i32
        %dma_start3A_325 = tpu.memref_slice %arg3[%dma_start3A_323, %dma_start3A_324] : memref<10240x64xf32, #tpu.memory_space<hbm>> -> memref<10240x64xf32, #tpu.memory_space<hbm>>
        tpu.enqueue_indirect_dma source(%dma_start3A_325 : memref<10240x64xf32, #tpu.memory_space<hbm>>) target(%arg9 : memref<125x64xf32, #tpu.memory_space<vmem>>) offsets(%dma_start3A_322 : memref<125xi32, #tpu.memory_space<vmem>>) semaphore(%arg17 : memref<!tpu.dma_semaphore, #tpu.memory_space<semaphore_mem>>)
      } else {
      }
      %mul3A_174 = arith.constant 8 : i32
      %mul3A_175 = arith.muli %mul3A_174, %scan3A_128 : i32
      %add3A_176 = arith.constant 2 : i32
      %add3A_177 = arith.addi %mul3A_175, %add3A_176 : i32
      %dma_wait3A_178 = arith.constant 0 : i32
      %dma_wait3A_179 = tpu.memref_slice %arg6[%add3A_177, %dma_wait3A_178] : memref<80x125xi32, #tpu.memory_space<vmem>> -> memref<1x125xi32, #tpu.memory_space<vmem>>
      %dma_wait3A_180 = tpu.memref_squeeze %dma_wait3A_179 : memref<1x125xi32, #tpu.memory_space<vmem>> -> memref<125xi32, #tpu.memory_space<vmem>>
      %dma_wait3A_181 = arith.constant 0 : i32
      %dma_wait3A_182 = arith.constant 0 : i32
      %dma_wait3A_183 = tpu.memref_slice %arg3[%dma_wait3A_181, %dma_wait3A_182] : memref<10240x64xf32, #tpu.memory_space<hbm>> -> memref<10240x64xf32, #tpu.memory_space<hbm>>
      tpu.wait_indirect_dma semaphore(%arg18 : memref<!tpu.dma_semaphore, #tpu.memory_space<semaphore_mem>>) src(%dma_wait3A_183 : memref<10240x64xf32, #tpu.memory_space<hbm>>) dst(%arg10 : memref<125x64xf32, #tpu.memory_space<vmem>>)
      %dma_start3A_184 = arith.constant 0 : i32
      %dma_start3A_185 = tpu.memref_slice %arg7[%add3A_177, %dma_start3A_184] : memref<80x125xi32, #tpu.memory_space<vmem>> -> memref<1x125xi32, #tpu.memory_space<vmem>>
      %dma_start3A_186 = tpu.memref_squeeze %dma_start3A_185 : memref<1x125xi32, #tpu.memory_space<vmem>> -> memref<125xi32, #tpu.memory_space<vmem>>
      %dma_start3A_187 = arith.constant 0 : i32
      %dma_start3A_188 = arith.constant 0 : i32
      %dma_start3A_189 = tpu.memref_slice %arg32[%dma_start3A_187, %dma_start3A_188] : memref<10240x64xf32, #tpu.memory_space<vmem_shared>> -> memref<10240x64xf32, #tpu.memory_space<vmem_shared>>
      tpu.enqueue_indirect_dma source(%arg10 : memref<125x64xf32, #tpu.memory_space<vmem>>) target(%dma_start3A_189 : memref<10240x64xf32, #tpu.memory_space<vmem_shared>>) offsets(%dma_start3A_186 : memref<125xi32, #tpu.memory_space<vmem>>) semaphore(%arg26 : memref<!tpu.dma_semaphore, #tpu.memory_space<semaphore_mem>>) {add = true}
      %add3A_190 = arith.constant 8 : i32
      %add3A_191 = arith.addi %add3A_177, %add3A_190 : i32
      %lt3A_192 = arith.constant 80 : i32
      %lt3A_193 = arith.cmpi slt, %add3A_191, %lt3A_192 : i32
      %convert_element_type3A_194 = arith.extui %lt3A_193 : i1 to i32
      %cond3A_195 = arith.constant 0 : i32
      %cond3A_196 = arith.cmpi ne, %convert_element_type3A_194, %cond3A_195 : i32
      scf.if %cond3A_196 {
        %dma_wait3A_312 = arith.constant 0 : i32
        %dma_wait3A_313 = tpu.memref_slice %arg7[%add3A_177, %dma_wait3A_312] : memref<80x125xi32, #tpu.memory_space<vmem>> -> memref<1x125xi32, #tpu.memory_space<vmem>>
        %dma_wait3A_314 = tpu.memref_squeeze %dma_wait3A_313 : memref<1x125xi32, #tpu.memory_space<vmem>> -> memref<125xi32, #tpu.memory_space<vmem>>
        %dma_wait3A_315 = arith.constant 0 : i32
        %dma_wait3A_316 = arith.constant 0 : i32
        %dma_wait3A_317 = tpu.memref_slice %arg32[%dma_wait3A_315, %dma_wait3A_316] : memref<10240x64xf32, #tpu.memory_space<vmem_shared>> -> memref<10240x64xf32, #tpu.memory_space<vmem_shared>>
        tpu.wait_indirect_dma semaphore(%arg26 : memref<!tpu.dma_semaphore, #tpu.memory_space<semaphore_mem>>) src(%arg10 : memref<125x64xf32, #tpu.memory_space<vmem>>) dst(%dma_wait3A_317 : memref<10240x64xf32, #tpu.memory_space<vmem_shared>>)
        %add3A_318 = arith.constant 8 : i32
        %add3A_319 = arith.addi %add3A_177, %add3A_318 : i32
        %dma_start3A_320 = arith.constant 0 : i32
        %dma_start3A_321 = tpu.memref_slice %arg6[%add3A_319, %dma_start3A_320] : memref<80x125xi32, #tpu.memory_space<vmem>> -> memref<1x125xi32, #tpu.memory_space<vmem>>
        %dma_start3A_322 = tpu.memref_squeeze %dma_start3A_321 : memref<1x125xi32, #tpu.memory_space<vmem>> -> memref<125xi32, #tpu.memory_space<vmem>>
        %dma_start3A_323 = arith.constant 0 : i32
        %dma_start3A_324 = arith.constant 0 : i32
        %dma_start3A_325 = tpu.memref_slice %arg3[%dma_start3A_323, %dma_start3A_324] : memref<10240x64xf32, #tpu.memory_space<hbm>> -> memref<10240x64xf32, #tpu.memory_space<hbm>>
        tpu.enqueue_indirect_dma source(%dma_start3A_325 : memref<10240x64xf32, #tpu.memory_space<hbm>>) target(%arg10 : memref<125x64xf32, #tpu.memory_space<vmem>>) offsets(%dma_start3A_322 : memref<125xi32, #tpu.memory_space<vmem>>) semaphore(%arg18 : memref<!tpu.dma_semaphore, #tpu.memory_space<semaphore_mem>>)
      } else {
      }
      %mul3A_197 = arith.constant 8 : i32
      %mul3A_198 = arith.muli %mul3A_197, %scan3A_128 : i32
      %add3A_199 = arith.constant 3 : i32
      %add3A_200 = arith.addi %mul3A_198, %add3A_199 : i32
      %dma_wait3A_201 = arith.constant 0 : i32
      %dma_wait3A_202 = tpu.memref_slice %arg6[%add3A_200, %dma_wait3A_201] : memref<80x125xi32, #tpu.memory_space<vmem>> -> memref<1x125xi32, #tpu.memory_space<vmem>>
      %dma_wait3A_203 = tpu.memref_squeeze %dma_wait3A_202 : memref<1x125xi32, #tpu.memory_space<vmem>> -> memref<125xi32, #tpu.memory_space<vmem>>
      %dma_wait3A_204 = arith.constant 0 : i32
      %dma_wait3A_205 = arith.constant 0 : i32
      %dma_wait3A_206 = tpu.memref_slice %arg3[%dma_wait3A_204, %dma_wait3A_205] : memref<10240x64xf32, #tpu.memory_space<hbm>> -> memref<10240x64xf32, #tpu.memory_space<hbm>>
      tpu.wait_indirect_dma semaphore(%arg19 : memref<!tpu.dma_semaphore, #tpu.memory_space<semaphore_mem>>) src(%dma_wait3A_206 : memref<10240x64xf32, #tpu.memory_space<hbm>>) dst(%arg11 : memref<125x64xf32, #tpu.memory_space<vmem>>)
      %dma_start3A_207 = arith.constant 0 : i32
      %dma_start3A_208 = tpu.memref_slice %arg7[%add3A_200, %dma_start3A_207] : memref<80x125xi32, #tpu.memory_space<vmem>> -> memref<1x125xi32, #tpu.memory_space<vmem>>
      %dma_start3A_209 = tpu.memref_squeeze %dma_start3A_208 : memref<1x125xi32, #tpu.memory_space<vmem>> -> memref<125xi32, #tpu.memory_space<vmem>>
      %dma_start3A_210 = arith.constant 0 : i32
      %dma_start3A_211 = arith.constant 0 : i32
      %dma_start3A_212 = tpu.memref_slice %arg32[%dma_start3A_210, %dma_start3A_211] : memref<10240x64xf32, #tpu.memory_space<vmem_shared>> -> memref<10240x64xf32, #tpu.memory_space<vmem_shared>>
      tpu.enqueue_indirect_dma source(%arg11 : memref<125x64xf32, #tpu.memory_space<vmem>>) target(%dma_start3A_212 : memref<10240x64xf32, #tpu.memory_space<vmem_shared>>) offsets(%dma_start3A_209 : memref<125xi32, #tpu.memory_space<vmem>>) semaphore(%arg27 : memref<!tpu.dma_semaphore, #tpu.memory_space<semaphore_mem>>) {add = true}
      %add3A_213 = arith.constant 8 : i32
      %add3A_214 = arith.addi %add3A_200, %add3A_213 : i32
      %lt3A_215 = arith.constant 80 : i32
      %lt3A_216 = arith.cmpi slt, %add3A_214, %lt3A_215 : i32
      %convert_element_type3A_217 = arith.extui %lt3A_216 : i1 to i32
      %cond3A_218 = arith.constant 0 : i32
      %cond3A_219 = arith.cmpi ne, %convert_element_type3A_217, %cond3A_218 : i32
      scf.if %cond3A_219 {
        %dma_wait3A_312 = arith.constant 0 : i32
        %dma_wait3A_313 = tpu.memref_slice %arg7[%add3A_200, %dma_wait3A_312] : memref<80x125xi32, #tpu.memory_space<vmem>> -> memref<1x125xi32, #tpu.memory_space<vmem>>
        %dma_wait3A_314 = tpu.memref_squeeze %dma_wait3A_313 : memref<1x125xi32, #tpu.memory_space<vmem>> -> memref<125xi32, #tpu.memory_space<vmem>>
        %dma_wait3A_315 = arith.constant 0 : i32
        %dma_wait3A_316 = arith.constant 0 : i32
        %dma_wait3A_317 = tpu.memref_slice %arg32[%dma_wait3A_315, %dma_wait3A_316] : memref<10240x64xf32, #tpu.memory_space<vmem_shared>> -> memref<10240x64xf32, #tpu.memory_space<vmem_shared>>
        tpu.wait_indirect_dma semaphore(%arg27 : memref<!tpu.dma_semaphore, #tpu.memory_space<semaphore_mem>>) src(%arg11 : memref<125x64xf32, #tpu.memory_space<vmem>>) dst(%dma_wait3A_317 : memref<10240x64xf32, #tpu.memory_space<vmem_shared>>)
        %add3A_318 = arith.constant 8 : i32
        %add3A_319 = arith.addi %add3A_200, %add3A_318 : i32
        %dma_start3A_320 = arith.constant 0 : i32
        %dma_start3A_321 = tpu.memref_slice %arg6[%add3A_319, %dma_start3A_320] : memref<80x125xi32, #tpu.memory_space<vmem>> -> memref<1x125xi32, #tpu.memory_space<vmem>>
        %dma_start3A_322 = tpu.memref_squeeze %dma_start3A_321 : memref<1x125xi32, #tpu.memory_space<vmem>> -> memref<125xi32, #tpu.memory_space<vmem>>
        %dma_start3A_323 = arith.constant 0 : i32
        %dma_start3A_324 = arith.constant 0 : i32
        %dma_start3A_325 = tpu.memref_slice %arg3[%dma_start3A_323, %dma_start3A_324] : memref<10240x64xf32, #tpu.memory_space<hbm>> -> memref<10240x64xf32, #tpu.memory_space<hbm>>
        tpu.enqueue_indirect_dma source(%dma_start3A_325 : memref<10240x64xf32, #tpu.memory_space<hbm>>) target(%arg11 : memref<125x64xf32, #tpu.memory_space<vmem>>) offsets(%dma_start3A_322 : memref<125xi32, #tpu.memory_space<vmem>>) semaphore(%arg19 : memref<!tpu.dma_semaphore, #tpu.memory_space<semaphore_mem>>)
      } else {
      }
      %mul3A_220 = arith.constant 8 : i32
      %mul3A_221 = arith.muli %mul3A_220, %scan3A_128 : i32
      %add3A_222 = arith.constant 4 : i32
      %add3A_223 = arith.addi %mul3A_221, %add3A_222 : i32
      %dma_wait3A_224 = arith.constant 0 : i32
      %dma_wait3A_225 = tpu.memref_slice %arg6[%add3A_223, %dma_wait3A_224] : memref<80x125xi32, #tpu.memory_space<vmem>> -> memref<1x125xi32, #tpu.memory_space<vmem>>
      %dma_wait3A_226 = tpu.memref_squeeze %dma_wait3A_225 : memref<1x125xi32, #tpu.memory_space<vmem>> -> memref<125xi32, #tpu.memory_space<vmem>>
      %dma_wait3A_227 = arith.constant 0 : i32
      %dma_wait3A_228 = arith.constant 0 : i32
      %dma_wait3A_229 = tpu.memref_slice %arg3[%dma_wait3A_227, %dma_wait3A_228] : memref<10240x64xf32, #tpu.memory_space<hbm>> -> memref<10240x64xf32, #tpu.memory_space<hbm>>
      tpu.wait_indirect_dma semaphore(%arg20 : memref<!tpu.dma_semaphore, #tpu.memory_space<semaphore_mem>>) src(%dma_wait3A_229 : memref<10240x64xf32, #tpu.memory_space<hbm>>) dst(%arg12 : memref<125x64xf32, #tpu.memory_space<vmem>>)
      %dma_start3A_230 = arith.constant 0 : i32
      %dma_start3A_231 = tpu.memref_slice %arg7[%add3A_223, %dma_start3A_230] : memref<80x125xi32, #tpu.memory_space<vmem>> -> memref<1x125xi32, #tpu.memory_space<vmem>>
      %dma_start3A_232 = tpu.memref_squeeze %dma_start3A_231 : memref<1x125xi32, #tpu.memory_space<vmem>> -> memref<125xi32, #tpu.memory_space<vmem>>
      %dma_start3A_233 = arith.constant 0 : i32
      %dma_start3A_234 = arith.constant 0 : i32
      %dma_start3A_235 = tpu.memref_slice %arg32[%dma_start3A_233, %dma_start3A_234] : memref<10240x64xf32, #tpu.memory_space<vmem_shared>> -> memref<10240x64xf32, #tpu.memory_space<vmem_shared>>
      tpu.enqueue_indirect_dma source(%arg12 : memref<125x64xf32, #tpu.memory_space<vmem>>) target(%dma_start3A_235 : memref<10240x64xf32, #tpu.memory_space<vmem_shared>>) offsets(%dma_start3A_232 : memref<125xi32, #tpu.memory_space<vmem>>) semaphore(%arg28 : memref<!tpu.dma_semaphore, #tpu.memory_space<semaphore_mem>>) {add = true}
      %add3A_236 = arith.constant 8 : i32
      %add3A_237 = arith.addi %add3A_223, %add3A_236 : i32
      %lt3A_238 = arith.constant 80 : i32
      %lt3A_239 = arith.cmpi slt, %add3A_237, %lt3A_238 : i32
      %convert_element_type3A_240 = arith.extui %lt3A_239 : i1 to i32
      %cond3A_241 = arith.constant 0 : i32
      %cond3A_242 = arith.cmpi ne, %convert_element_type3A_240, %cond3A_241 : i32
      scf.if %cond3A_242 {
        %dma_wait3A_312 = arith.constant 0 : i32
        %dma_wait3A_313 = tpu.memref_slice %arg7[%add3A_223, %dma_wait3A_312] : memref<80x125xi32, #tpu.memory_space<vmem>> -> memref<1x125xi32, #tpu.memory_space<vmem>>
        %dma_wait3A_314 = tpu.memref_squeeze %dma_wait3A_313 : memref<1x125xi32, #tpu.memory_space<vmem>> -> memref<125xi32, #tpu.memory_space<vmem>>
        %dma_wait3A_315 = arith.constant 0 : i32
        %dma_wait3A_316 = arith.constant 0 : i32
        %dma_wait3A_317 = tpu.memref_slice %arg32[%dma_wait3A_315, %dma_wait3A_316] : memref<10240x64xf32, #tpu.memory_space<vmem_shared>> -> memref<10240x64xf32, #tpu.memory_space<vmem_shared>>
        tpu.wait_indirect_dma semaphore(%arg28 : memref<!tpu.dma_semaphore, #tpu.memory_space<semaphore_mem>>) src(%arg12 : memref<125x64xf32, #tpu.memory_space<vmem>>) dst(%dma_wait3A_317 : memref<10240x64xf32, #tpu.memory_space<vmem_shared>>)
        %add3A_318 = arith.constant 8 : i32
        %add3A_319 = arith.addi %add3A_223, %add3A_318 : i32
        %dma_start3A_320 = arith.constant 0 : i32
        %dma_start3A_321 = tpu.memref_slice %arg6[%add3A_319, %dma_start3A_320] : memref<80x125xi32, #tpu.memory_space<vmem>> -> memref<1x125xi32, #tpu.memory_space<vmem>>
        %dma_start3A_322 = tpu.memref_squeeze %dma_start3A_321 : memref<1x125xi32, #tpu.memory_space<vmem>> -> memref<125xi32, #tpu.memory_space<vmem>>
        %dma_start3A_323 = arith.constant 0 : i32
        %dma_start3A_324 = arith.constant 0 : i32
        %dma_start3A_325 = tpu.memref_slice %arg3[%dma_start3A_323, %dma_start3A_324] : memref<10240x64xf32, #tpu.memory_space<hbm>> -> memref<10240x64xf32, #tpu.memory_space<hbm>>
        tpu.enqueue_indirect_dma source(%dma_start3A_325 : memref<10240x64xf32, #tpu.memory_space<hbm>>) target(%arg12 : memref<125x64xf32, #tpu.memory_space<vmem>>) offsets(%dma_start3A_322 : memref<125xi32, #tpu.memory_space<vmem>>) semaphore(%arg20 : memref<!tpu.dma_semaphore, #tpu.memory_space<semaphore_mem>>)
      } else {
      }
      %mul3A_243 = arith.constant 8 : i32
      %mul3A_244 = arith.muli %mul3A_243, %scan3A_128 : i32
      %add3A_245 = arith.constant 5 : i32
      %add3A_246 = arith.addi %mul3A_244, %add3A_245 : i32
      %dma_wait3A_247 = arith.constant 0 : i32
      %dma_wait3A_248 = tpu.memref_slice %arg6[%add3A_246, %dma_wait3A_247] : memref<80x125xi32, #tpu.memory_space<vmem>> -> memref<1x125xi32, #tpu.memory_space<vmem>>
      %dma_wait3A_249 = tpu.memref_squeeze %dma_wait3A_248 : memref<1x125xi32, #tpu.memory_space<vmem>> -> memref<125xi32, #tpu.memory_space<vmem>>
      %dma_wait3A_250 = arith.constant 0 : i32
      %dma_wait3A_251 = arith.constant 0 : i32
      %dma_wait3A_252 = tpu.memref_slice %arg3[%dma_wait3A_250, %dma_wait3A_251] : memref<10240x64xf32, #tpu.memory_space<hbm>> -> memref<10240x64xf32, #tpu.memory_space<hbm>>
      tpu.wait_indirect_dma semaphore(%arg21 : memref<!tpu.dma_semaphore, #tpu.memory_space<semaphore_mem>>) src(%dma_wait3A_252 : memref<10240x64xf32, #tpu.memory_space<hbm>>) dst(%arg13 : memref<125x64xf32, #tpu.memory_space<vmem>>)
      %dma_start3A_253 = arith.constant 0 : i32
      %dma_start3A_254 = tpu.memref_slice %arg7[%add3A_246, %dma_start3A_253] : memref<80x125xi32, #tpu.memory_space<vmem>> -> memref<1x125xi32, #tpu.memory_space<vmem>>
      %dma_start3A_255 = tpu.memref_squeeze %dma_start3A_254 : memref<1x125xi32, #tpu.memory_space<vmem>> -> memref<125xi32, #tpu.memory_space<vmem>>
      %dma_start3A_256 = arith.constant 0 : i32
      %dma_start3A_257 = arith.constant 0 : i32
      %dma_start3A_258 = tpu.memref_slice %arg32[%dma_start3A_256, %dma_start3A_257] : memref<10240x64xf32, #tpu.memory_space<vmem_shared>> -> memref<10240x64xf32, #tpu.memory_space<vmem_shared>>
      tpu.enqueue_indirect_dma source(%arg13 : memref<125x64xf32, #tpu.memory_space<vmem>>) target(%dma_start3A_258 : memref<10240x64xf32, #tpu.memory_space<vmem_shared>>) offsets(%dma_start3A_255 : memref<125xi32, #tpu.memory_space<vmem>>) semaphore(%arg29 : memref<!tpu.dma_semaphore, #tpu.memory_space<semaphore_mem>>) {add = true}
      %add3A_259 = arith.constant 8 : i32
      %add3A_260 = arith.addi %add3A_246, %add3A_259 : i32
      %lt3A_261 = arith.constant 80 : i32
      %lt3A_262 = arith.cmpi slt, %add3A_260, %lt3A_261 : i32
      %convert_element_type3A_263 = arith.extui %lt3A_262 : i1 to i32
      %cond3A_264 = arith.constant 0 : i32
      %cond3A_265 = arith.cmpi ne, %convert_element_type3A_263, %cond3A_264 : i32
      scf.if %cond3A_265 {
        %dma_wait3A_312 = arith.constant 0 : i32
        %dma_wait3A_313 = tpu.memref_slice %arg7[%add3A_246, %dma_wait3A_312] : memref<80x125xi32, #tpu.memory_space<vmem>> -> memref<1x125xi32, #tpu.memory_space<vmem>>
        %dma_wait3A_314 = tpu.memref_squeeze %dma_wait3A_313 : memref<1x125xi32, #tpu.memory_space<vmem>> -> memref<125xi32, #tpu.memory_space<vmem>>
        %dma_wait3A_315 = arith.constant 0 : i32
        %dma_wait3A_316 = arith.constant 0 : i32
        %dma_wait3A_317 = tpu.memref_slice %arg32[%dma_wait3A_315, %dma_wait3A_316] : memref<10240x64xf32, #tpu.memory_space<vmem_shared>> -> memref<10240x64xf32, #tpu.memory_space<vmem_shared>>
        tpu.wait_indirect_dma semaphore(%arg29 : memref<!tpu.dma_semaphore, #tpu.memory_space<semaphore_mem>>) src(%arg13 : memref<125x64xf32, #tpu.memory_space<vmem>>) dst(%dma_wait3A_317 : memref<10240x64xf32, #tpu.memory_space<vmem_shared>>)
        %add3A_318 = arith.constant 8 : i32
        %add3A_319 = arith.addi %add3A_246, %add3A_318 : i32
        %dma_start3A_320 = arith.constant 0 : i32
        %dma_start3A_321 = tpu.memref_slice %arg6[%add3A_319, %dma_start3A_320] : memref<80x125xi32, #tpu.memory_space<vmem>> -> memref<1x125xi32, #tpu.memory_space<vmem>>
        %dma_start3A_322 = tpu.memref_squeeze %dma_start3A_321 : memref<1x125xi32, #tpu.memory_space<vmem>> -> memref<125xi32, #tpu.memory_space<vmem>>
        %dma_start3A_323 = arith.constant 0 : i32
        %dma_start3A_324 = arith.constant 0 : i32
        %dma_start3A_325 = tpu.memref_slice %arg3[%dma_start3A_323, %dma_start3A_324] : memref<10240x64xf32, #tpu.memory_space<hbm>> -> memref<10240x64xf32, #tpu.memory_space<hbm>>
        tpu.enqueue_indirect_dma source(%dma_start3A_325 : memref<10240x64xf32, #tpu.memory_space<hbm>>) target(%arg13 : memref<125x64xf32, #tpu.memory_space<vmem>>) offsets(%dma_start3A_322 : memref<125xi32, #tpu.memory_space<vmem>>) semaphore(%arg21 : memref<!tpu.dma_semaphore, #tpu.memory_space<semaphore_mem>>)
      } else {
      }
      %mul3A_266 = arith.constant 8 : i32
      %mul3A_267 = arith.muli %mul3A_266, %scan3A_128 : i32
      %add3A_268 = arith.constant 6 : i32
      %add3A_269 = arith.addi %mul3A_267, %add3A_268 : i32
      %dma_wait3A_270 = arith.constant 0 : i32
      %dma_wait3A_271 = tpu.memref_slice %arg6[%add3A_269, %dma_wait3A_270] : memref<80x125xi32, #tpu.memory_space<vmem>> -> memref<1x125xi32, #tpu.memory_space<vmem>>
      %dma_wait3A_272 = tpu.memref_squeeze %dma_wait3A_271 : memref<1x125xi32, #tpu.memory_space<vmem>> -> memref<125xi32, #tpu.memory_space<vmem>>
      %dma_wait3A_273 = arith.constant 0 : i32
      %dma_wait3A_274 = arith.constant 0 : i32
      %dma_wait3A_275 = tpu.memref_slice %arg3[%dma_wait3A_273, %dma_wait3A_274] : memref<10240x64xf32, #tpu.memory_space<hbm>> -> memref<10240x64xf32, #tpu.memory_space<hbm>>
      tpu.wait_indirect_dma semaphore(%arg22 : memref<!tpu.dma_semaphore, #tpu.memory_space<semaphore_mem>>) src(%dma_wait3A_275 : memref<10240x64xf32, #tpu.memory_space<hbm>>) dst(%arg14 : memref<125x64xf32, #tpu.memory_space<vmem>>)
      %dma_start3A_276 = arith.constant 0 : i32
      %dma_start3A_277 = tpu.memref_slice %arg7[%add3A_269, %dma_start3A_276] : memref<80x125xi32, #tpu.memory_space<vmem>> -> memref<1x125xi32, #tpu.memory_space<vmem>>
      %dma_start3A_278 = tpu.memref_squeeze %dma_start3A_277 : memref<1x125xi32, #tpu.memory_space<vmem>> -> memref<125xi32, #tpu.memory_space<vmem>>
      %dma_start3A_279 = arith.constant 0 : i32
      %dma_start3A_280 = arith.constant 0 : i32
      %dma_start3A_281 = tpu.memref_slice %arg32[%dma_start3A_279, %dma_start3A_280] : memref<10240x64xf32, #tpu.memory_space<vmem_shared>> -> memref<10240x64xf32, #tpu.memory_space<vmem_shared>>
      tpu.enqueue_indirect_dma source(%arg14 : memref<125x64xf32, #tpu.memory_space<vmem>>) target(%dma_start3A_281 : memref<10240x64xf32, #tpu.memory_space<vmem_shared>>) offsets(%dma_start3A_278 : memref<125xi32, #tpu.memory_space<vmem>>) semaphore(%arg30 : memref<!tpu.dma_semaphore, #tpu.memory_space<semaphore_mem>>) {add = true}
      %add3A_282 = arith.constant 8 : i32
      %add3A_283 = arith.addi %add3A_269, %add3A_282 : i32
      %lt3A_284 = arith.constant 80 : i32
      %lt3A_285 = arith.cmpi slt, %add3A_283, %lt3A_284 : i32
      %convert_element_type3A_286 = arith.extui %lt3A_285 : i1 to i32
      %cond3A_287 = arith.constant 0 : i32
      %cond3A_288 = arith.cmpi ne, %convert_element_type3A_286, %cond3A_287 : i32
      scf.if %cond3A_288 {
        %dma_wait3A_312 = arith.constant 0 : i32
        %dma_wait3A_313 = tpu.memref_slice %arg7[%add3A_269, %dma_wait3A_312] : memref<80x125xi32, #tpu.memory_space<vmem>> -> memref<1x125xi32, #tpu.memory_space<vmem>>
        %dma_wait3A_314 = tpu.memref_squeeze %dma_wait3A_313 : memref<1x125xi32, #tpu.memory_space<vmem>> -> memref<125xi32, #tpu.memory_space<vmem>>
        %dma_wait3A_315 = arith.constant 0 : i32
        %dma_wait3A_316 = arith.constant 0 : i32
        %dma_wait3A_317 = tpu.memref_slice %arg32[%dma_wait3A_315, %dma_wait3A_316] : memref<10240x64xf32, #tpu.memory_space<vmem_shared>> -> memref<10240x64xf32, #tpu.memory_space<vmem_shared>>
        tpu.wait_indirect_dma semaphore(%arg30 : memref<!tpu.dma_semaphore, #tpu.memory_space<semaphore_mem>>) src(%arg14 : memref<125x64xf32, #tpu.memory_space<vmem>>) dst(%dma_wait3A_317 : memref<10240x64xf32, #tpu.memory_space<vmem_shared>>)
        %add3A_318 = arith.constant 8 : i32
        %add3A_319 = arith.addi %add3A_269, %add3A_318 : i32
        %dma_start3A_320 = arith.constant 0 : i32
        %dma_start3A_321 = tpu.memref_slice %arg6[%add3A_319, %dma_start3A_320] : memref<80x125xi32, #tpu.memory_space<vmem>> -> memref<1x125xi32, #tpu.memory_space<vmem>>
        %dma_start3A_322 = tpu.memref_squeeze %dma_start3A_321 : memref<1x125xi32, #tpu.memory_space<vmem>> -> memref<125xi32, #tpu.memory_space<vmem>>
        %dma_start3A_323 = arith.constant 0 : i32
        %dma_start3A_324 = arith.constant 0 : i32
        %dma_start3A_325 = tpu.memref_slice %arg3[%dma_start3A_323, %dma_start3A_324] : memref<10240x64xf32, #tpu.memory_space<hbm>> -> memref<10240x64xf32, #tpu.memory_space<hbm>>
        tpu.enqueue_indirect_dma source(%dma_start3A_325 : memref<10240x64xf32, #tpu.memory_space<hbm>>) target(%arg14 : memref<125x64xf32, #tpu.memory_space<vmem>>) offsets(%dma_start3A_322 : memref<125xi32, #tpu.memory_space<vmem>>) semaphore(%arg22 : memref<!tpu.dma_semaphore, #tpu.memory_space<semaphore_mem>>)
      } else {
      }
      %mul3A_289 = arith.constant 8 : i32
      %mul3A_290 = arith.muli %mul3A_289, %scan3A_128 : i32
      %add3A_291 = arith.constant 7 : i32
      %add3A_292 = arith.addi %mul3A_290, %add3A_291 : i32
      %dma_wait3A_293 = arith.constant 0 : i32
      %dma_wait3A_294 = tpu.memref_slice %arg6[%add3A_292, %dma_wait3A_293] : memref<80x125xi32, #tpu.memory_space<vmem>> -> memref<1x125xi32, #tpu.memory_space<vmem>>
      %dma_wait3A_295 = tpu.memref_squeeze %dma_wait3A_294 : memref<1x125xi32, #tpu.memory_space<vmem>> -> memref<125xi32, #tpu.memory_space<vmem>>
      %dma_wait3A_296 = arith.constant 0 : i32
      %dma_wait3A_297 = arith.constant 0 : i32
      %dma_wait3A_298 = tpu.memref_slice %arg3[%dma_wait3A_296, %dma_wait3A_297] : memref<10240x64xf32, #tpu.memory_space<hbm>> -> memref<10240x64xf32, #tpu.memory_space<hbm>>
      tpu.wait_indirect_dma semaphore(%arg23 : memref<!tpu.dma_semaphore, #tpu.memory_space<semaphore_mem>>) src(%dma_wait3A_298 : memref<10240x64xf32, #tpu.memory_space<hbm>>) dst(%arg15 : memref<125x64xf32, #tpu.memory_space<vmem>>)
      %dma_start3A_299 = arith.constant 0 : i32
      %dma_start3A_300 = tpu.memref_slice %arg7[%add3A_292, %dma_start3A_299] : memref<80x125xi32, #tpu.memory_space<vmem>> -> memref<1x125xi32, #tpu.memory_space<vmem>>
      %dma_start3A_301 = tpu.memref_squeeze %dma_start3A_300 : memref<1x125xi32, #tpu.memory_space<vmem>> -> memref<125xi32, #tpu.memory_space<vmem>>
      %dma_start3A_302 = arith.constant 0 : i32
      %dma_start3A_303 = arith.constant 0 : i32
      %dma_start3A_304 = tpu.memref_slice %arg32[%dma_start3A_302, %dma_start3A_303] : memref<10240x64xf32, #tpu.memory_space<vmem_shared>> -> memref<10240x64xf32, #tpu.memory_space<vmem_shared>>
      tpu.enqueue_indirect_dma source(%arg15 : memref<125x64xf32, #tpu.memory_space<vmem>>) target(%dma_start3A_304 : memref<10240x64xf32, #tpu.memory_space<vmem_shared>>) offsets(%dma_start3A_301 : memref<125xi32, #tpu.memory_space<vmem>>) semaphore(%arg31 : memref<!tpu.dma_semaphore, #tpu.memory_space<semaphore_mem>>) {add = true}
      %add3A_305 = arith.constant 8 : i32
      %add3A_306 = arith.addi %add3A_292, %add3A_305 : i32
      %lt3A_307 = arith.constant 80 : i32
      %lt3A_308 = arith.cmpi slt, %add3A_306, %lt3A_307 : i32
      %convert_element_type3A_309 = arith.extui %lt3A_308 : i1 to i32
      %cond3A_310 = arith.constant 0 : i32
      %cond3A_311 = arith.cmpi ne, %convert_element_type3A_309, %cond3A_310 : i32
      scf.if %cond3A_311 {
        %dma_wait3A_312 = arith.constant 0 : i32
        %dma_wait3A_313 = tpu.memref_slice %arg7[%add3A_292, %dma_wait3A_312] : memref<80x125xi32, #tpu.memory_space<vmem>> -> memref<1x125xi32, #tpu.memory_space<vmem>>
        %dma_wait3A_314 = tpu.memref_squeeze %dma_wait3A_313 : memref<1x125xi32, #tpu.memory_space<vmem>> -> memref<125xi32, #tpu.memory_space<vmem>>
        %dma_wait3A_315 = arith.constant 0 : i32
        %dma_wait3A_316 = arith.constant 0 : i32
        %dma_wait3A_317 = tpu.memref_slice %arg32[%dma_wait3A_315, %dma_wait3A_316] : memref<10240x64xf32, #tpu.memory_space<vmem_shared>> -> memref<10240x64xf32, #tpu.memory_space<vmem_shared>>
        tpu.wait_indirect_dma semaphore(%arg31 : memref<!tpu.dma_semaphore, #tpu.memory_space<semaphore_mem>>) src(%arg15 : memref<125x64xf32, #tpu.memory_space<vmem>>) dst(%dma_wait3A_317 : memref<10240x64xf32, #tpu.memory_space<vmem_shared>>)
        %add3A_318 = arith.constant 8 : i32
        %add3A_319 = arith.addi %add3A_292, %add3A_318 : i32
        %dma_start3A_320 = arith.constant 0 : i32
        %dma_start3A_321 = tpu.memref_slice %arg6[%add3A_319, %dma_start3A_320] : memref<80x125xi32, #tpu.memory_space<vmem>> -> memref<1x125xi32, #tpu.memory_space<vmem>>
        %dma_start3A_322 = tpu.memref_squeeze %dma_start3A_321 : memref<1x125xi32, #tpu.memory_space<vmem>> -> memref<125xi32, #tpu.memory_space<vmem>>
        %dma_start3A_323 = arith.constant 0 : i32
        %dma_start3A_324 = arith.constant 0 : i32
        %dma_start3A_325 = tpu.memref_slice %arg3[%dma_start3A_323, %dma_start3A_324] : memref<10240x64xf32, #tpu.memory_space<hbm>> -> memref<10240x64xf32, #tpu.memory_space<hbm>>
        tpu.enqueue_indirect_dma source(%dma_start3A_325 : memref<10240x64xf32, #tpu.memory_space<hbm>>) target(%arg15 : memref<125x64xf32, #tpu.memory_space<vmem>>) offsets(%dma_start3A_322 : memref<125xi32, #tpu.memory_space<vmem>>) semaphore(%arg23 : memref<!tpu.dma_semaphore, #tpu.memory_space<semaphore_mem>>)
      } else {
      }
    }
    %scan3A_71 = arith.constant 10 : i32
    %dma_wait3A = arith.constant 72 : i32
    %dma_wait3A_72 = arith.constant 0 : i32
    %dma_wait3A_73 = tpu.memref_slice %arg7[%dma_wait3A, %dma_wait3A_72] : memref<80x125xi32, #tpu.memory_space<vmem>> -> memref<1x125xi32, #tpu.memory_space<vmem>>
    %dma_wait3A_74 = tpu.memref_squeeze %dma_wait3A_73 : memref<1x125xi32, #tpu.memory_space<vmem>> -> memref<125xi32, #tpu.memory_space<vmem>>
    %dma_wait3A_75 = arith.constant 0 : i32
    %dma_wait3A_76 = arith.constant 0 : i32
    %dma_wait3A_77 = tpu.memref_slice %arg32[%dma_wait3A_75, %dma_wait3A_76] : memref<10240x64xf32, #tpu.memory_space<vmem_shared>> -> memref<10240x64xf32, #tpu.memory_space<vmem_shared>>
    tpu.wait_indirect_dma semaphore(%arg24 : memref<!tpu.dma_semaphore, #tpu.memory_space<semaphore_mem>>) src(%arg8 : memref<125x64xf32, #tpu.memory_space<vmem>>) dst(%dma_wait3A_77 : memref<10240x64xf32, #tpu.memory_space<vmem_shared>>)
    %dma_wait3A_78 = arith.constant 73 : i32
    %dma_wait3A_79 = arith.constant 0 : i32
    %dma_wait3A_80 = tpu.memref_slice %arg7[%dma_wait3A_78, %dma_wait3A_79] : memref<80x125xi32, #tpu.memory_space<vmem>> -> memref<1x125xi32, #tpu.memory_space<vmem>>
    %dma_wait3A_81 = tpu.memref_squeeze %dma_wait3A_80 : memref<1x125xi32, #tpu.memory_space<vmem>> -> memref<125xi32, #tpu.memory_space<vmem>>
    %dma_wait3A_82 = arith.constant 0 : i32
    %dma_wait3A_83 = arith.constant 0 : i32
    %dma_wait3A_84 = tpu.memref_slice %arg32[%dma_wait3A_82, %dma_wait3A_83] : memref<10240x64xf32, #tpu.memory_space<vmem_shared>> -> memref<10240x64xf32, #tpu.memory_space<vmem_shared>>
    tpu.wait_indirect_dma semaphore(%arg25 : memref<!tpu.dma_semaphore, #tpu.memory_space<semaphore_mem>>) src(%arg9 : memref<125x64xf32, #tpu.memory_space<vmem>>) dst(%dma_wait3A_84 : memref<10240x64xf32, #tpu.memory_space<vmem_shared>>)
    %dma_wait3A_85 = arith.constant 74 : i32
    %dma_wait3A_86 = arith.constant 0 : i32
    %dma_wait3A_87 = tpu.memref_slice %arg7[%dma_wait3A_85, %dma_wait3A_86] : memref<80x125xi32, #tpu.memory_space<vmem>> -> memref<1x125xi32, #tpu.memory_space<vmem>>
    %dma_wait3A_88 = tpu.memref_squeeze %dma_wait3A_87 : memref<1x125xi32, #tpu.memory_space<vmem>> -> memref<125xi32, #tpu.memory_space<vmem>>
    %dma_wait3A_89 = arith.constant 0 : i32
    %dma_wait3A_90 = arith.constant 0 : i32
    %dma_wait3A_91 = tpu.memref_slice %arg32[%dma_wait3A_89, %dma_wait3A_90] : memref<10240x64xf32, #tpu.memory_space<vmem_shared>> -> memref<10240x64xf32, #tpu.memory_space<vmem_shared>>
    tpu.wait_indirect_dma semaphore(%arg26 : memref<!tpu.dma_semaphore, #tpu.memory_space<semaphore_mem>>) src(%arg10 : memref<125x64xf32, #tpu.memory_space<vmem>>) dst(%dma_wait3A_91 : memref<10240x64xf32, #tpu.memory_space<vmem_shared>>)
    %dma_wait3A_92 = arith.constant 75 : i32
    %dma_wait3A_93 = arith.constant 0 : i32
    %dma_wait3A_94 = tpu.memref_slice %arg7[%dma_wait3A_92, %dma_wait3A_93] : memref<80x125xi32, #tpu.memory_space<vmem>> -> memref<1x125xi32, #tpu.memory_space<vmem>>
    %dma_wait3A_95 = tpu.memref_squeeze %dma_wait3A_94 : memref<1x125xi32, #tpu.memory_space<vmem>> -> memref<125xi32, #tpu.memory_space<vmem>>
    %dma_wait3A_96 = arith.constant 0 : i32
    %dma_wait3A_97 = arith.constant 0 : i32
    %dma_wait3A_98 = tpu.memref_slice %arg32[%dma_wait3A_96, %dma_wait3A_97] : memref<10240x64xf32, #tpu.memory_space<vmem_shared>> -> memref<10240x64xf32, #tpu.memory_space<vmem_shared>>
    tpu.wait_indirect_dma semaphore(%arg27 : memref<!tpu.dma_semaphore, #tpu.memory_space<semaphore_mem>>) src(%arg11 : memref<125x64xf32, #tpu.memory_space<vmem>>) dst(%dma_wait3A_98 : memref<10240x64xf32, #tpu.memory_space<vmem_shared>>)
    %dma_wait3A_99 = arith.constant 76 : i32
    %dma_wait3A_100 = arith.constant 0 : i32
    %dma_wait3A_101 = tpu.memref_slice %arg7[%dma_wait3A_99, %dma_wait3A_100] : memref<80x125xi32, #tpu.memory_space<vmem>> -> memref<1x125xi32, #tpu.memory_space<vmem>>
    %dma_wait3A_102 = tpu.memref_squeeze %dma_wait3A_101 : memref<1x125xi32, #tpu.memory_space<vmem>> -> memref<125xi32, #tpu.memory_space<vmem>>
    %dma_wait3A_103 = arith.constant 0 : i32
    %dma_wait3A_104 = arith.constant 0 : i32
    %dma_wait3A_105 = tpu.memref_slice %arg32[%dma_wait3A_103, %dma_wait3A_104] : memref<10240x64xf32, #tpu.memory_space<vmem_shared>> -> memref<10240x64xf32, #tpu.memory_space<vmem_shared>>
    tpu.wait_indirect_dma semaphore(%arg28 : memref<!tpu.dma_semaphore, #tpu.memory_space<semaphore_mem>>) src(%arg12 : memref<125x64xf32, #tpu.memory_space<vmem>>) dst(%dma_wait3A_105 : memref<10240x64xf32, #tpu.memory_space<vmem_shared>>)
    %dma_wait3A_106 = arith.constant 77 : i32
    %dma_wait3A_107 = arith.constant 0 : i32
    %dma_wait3A_108 = tpu.memref_slice %arg7[%dma_wait3A_106, %dma_wait3A_107] : memref<80x125xi32, #tpu.memory_space<vmem>> -> memref<1x125xi32, #tpu.memory_space<vmem>>
    %dma_wait3A_109 = tpu.memref_squeeze %dma_wait3A_108 : memref<1x125xi32, #tpu.memory_space<vmem>> -> memref<125xi32, #tpu.memory_space<vmem>>
    %dma_wait3A_110 = arith.constant 0 : i32
    %dma_wait3A_111 = arith.constant 0 : i32
    %dma_wait3A_112 = tpu.memref_slice %arg32[%dma_wait3A_110, %dma_wait3A_111] : memref<10240x64xf32, #tpu.memory_space<vmem_shared>> -> memref<10240x64xf32, #tpu.memory_space<vmem_shared>>
    tpu.wait_indirect_dma semaphore(%arg29 : memref<!tpu.dma_semaphore, #tpu.memory_space<semaphore_mem>>) src(%arg13 : memref<125x64xf32, #tpu.memory_space<vmem>>) dst(%dma_wait3A_112 : memref<10240x64xf32, #tpu.memory_space<vmem_shared>>)
    %dma_wait3A_113 = arith.constant 78 : i32
    %dma_wait3A_114 = arith.constant 0 : i32
    %dma_wait3A_115 = tpu.memref_slice %arg7[%dma_wait3A_113, %dma_wait3A_114] : memref<80x125xi32, #tpu.memory_space<vmem>> -> memref<1x125xi32, #tpu.memory_space<vmem>>
    %dma_wait3A_116 = tpu.memref_squeeze %dma_wait3A_115 : memref<1x125xi32, #tpu.memory_space<vmem>> -> memref<125xi32, #tpu.memory_space<vmem>>
    %dma_wait3A_117 = arith.constant 0 : i32
    %dma_wait3A_118 = arith.constant 0 : i32
    %dma_wait3A_119 = tpu.memref_slice %arg32[%dma_wait3A_117, %dma_wait3A_118] : memref<10240x64xf32, #tpu.memory_space<vmem_shared>> -> memref<10240x64xf32, #tpu.memory_space<vmem_shared>>
    tpu.wait_indirect_dma semaphore(%arg30 : memref<!tpu.dma_semaphore, #tpu.memory_space<semaphore_mem>>) src(%arg14 : memref<125x64xf32, #tpu.memory_space<vmem>>) dst(%dma_wait3A_119 : memref<10240x64xf32, #tpu.memory_space<vmem_shared>>)
    %dma_wait3A_120 = arith.constant 79 : i32
    %dma_wait3A_121 = arith.constant 0 : i32
    %dma_wait3A_122 = tpu.memref_slice %arg7[%dma_wait3A_120, %dma_wait3A_121] : memref<80x125xi32, #tpu.memory_space<vmem>> -> memref<1x125xi32, #tpu.memory_space<vmem>>
    %dma_wait3A_123 = tpu.memref_squeeze %dma_wait3A_122 : memref<1x125xi32, #tpu.memory_space<vmem>> -> memref<125xi32, #tpu.memory_space<vmem>>
    %dma_wait3A_124 = arith.constant 0 : i32
    %dma_wait3A_125 = arith.constant 0 : i32
    %dma_wait3A_126 = tpu.memref_slice %arg32[%dma_wait3A_124, %dma_wait3A_125] : memref<10240x64xf32, #tpu.memory_space<vmem_shared>> -> memref<10240x64xf32, #tpu.memory_space<vmem_shared>>
    tpu.wait_indirect_dma semaphore(%arg31 : memref<!tpu.dma_semaphore, #tpu.memory_space<semaphore_mem>>) src(%arg15 : memref<125x64xf32, #tpu.memory_space<vmem>>) dst(%dma_wait3A_126 : memref<10240x64xf32, #tpu.memory_space<vmem_shared>>)
    %barrier3A_127 = arith.constant 0 : index
    tpu.barrier barrier_id(%barrier3A_127)
    "tpu.region"() ({
      %run_scoped3A = tpu.sem_alloc : memref<!tpu.dma_semaphore, #tpu.memory_space<semaphore_mem>>
      %dma_start3A_128 = arith.constant 0 : i32
      %dma_start3A_129 = tpu.memref_slice %arg5[%arg0, %multiple_of3A, %dma_start3A_128] : memref<2x10240x64xf32, #tpu.memory_space<hbm>> -> memref<1x640x64xf32, #tpu.memory_space<hbm>>
      %dma_start3A_130 = tpu.memref_squeeze %dma_start3A_129 : memref<1x640x64xf32, #tpu.memory_space<hbm>> -> memref<640x64xf32, #tpu.memory_space<hbm>>
      %dma_start3A_131 = arith.constant 0 : i32
      %dma_start3A_132 = tpu.memref_slice %arg32[%multiple_of3A, %dma_start3A_131] : memref<10240x64xf32, #tpu.memory_space<vmem_shared>> -> memref<640x64xf32, #tpu.memory_space<vmem_shared>>
      tpu.enqueue_dma source(%dma_start3A_132 : memref<640x64xf32, #tpu.memory_space<vmem_shared>>) target(%dma_start3A_130 : memref<640x64xf32, #tpu.memory_space<hbm>>) target_semaphore(%run_scoped3A : memref<!tpu.dma_semaphore, #tpu.memory_space<semaphore_mem>>)
      %dma_wait3A_133 = arith.constant 0 : i32
      %dma_wait3A_134 = tpu.memref_slice %arg5[%arg0, %multiple_of3A, %dma_wait3A_133] : memref<2x10240x64xf32, #tpu.memory_space<hbm>> -> memref<1x640x64xf32, #tpu.memory_space<hbm>>
      %dma_wait3A_135 = tpu.memref_squeeze %dma_wait3A_134 : memref<1x640x64xf32, #tpu.memory_space<hbm>> -> memref<640x64xf32, #tpu.memory_space<hbm>>
      %dma_wait3A_136 = arith.constant 0 : i32
      %dma_wait3A_137 = tpu.memref_slice %arg32[%multiple_of3A, %dma_wait3A_136] : memref<10240x64xf32, #tpu.memory_space<vmem_shared>> -> memref<640x64xf32, #tpu.memory_space<vmem_shared>>
      tpu.wait_dma2 semaphore(%run_scoped3A : memref<!tpu.dma_semaphore, #tpu.memory_space<semaphore_mem>>) src(%dma_wait3A_137 : memref<640x64xf32, #tpu.memory_space<vmem_shared>>) dst(%dma_wait3A_135 : memref<640x64xf32, #tpu.memory_space<hbm>>)
      tpu.yield
    }) : () -> ()
    return
  }
}

#map = affine_map<(d0, d1) -> (0, 0, 0)>
#map1 = affine_map<(d0, d1) -> (0, 0)>
module attributes {stable_mosaic.version = 14 : i64} {
  func.func @deg_kernel(%arg0: i32, %arg1: i32, %arg2: memref<64x80x125xi32, #tpu.memory_space<hbm>>, %arg3: memref<125x16xf32, #tpu.memory_space<hbm>>, %arg4: memref<10240x16xf32, #tpu.memory_space<hbm>>, %arg5: memref<2x10240x16xf32, #tpu.memory_space<hbm>>, %arg6: memref<80x125xi32, #tpu.memory_space<vmem>>, %arg7: memref<125x16xf32, #tpu.memory_space<vmem>>, %arg8: memref<10240x16xf32, #tpu.memory_space<vmem_shared>>, %arg9: memref<!tpu.dma_semaphore, #tpu.memory_space<semaphore_mem>>) attributes {dimension_semantics = [#tpu.dimension_semantics<core_parallel>, #tpu.dimension_semantics<subcore_parallel>], iteration_bounds = array<i64: 2, 16>, scalar_prefetch = 0 : i64, scratch_operands = 4 : i64, tpu.core_type = #tpu.core_type<sc_vector_subcore>, window_params = [{transform_indices = #map}, {transform_indices = #map1}, {transform_indices = #map1}, {transform_indices = #map}]} {
    %mul3A = arith.constant 2 : i32
    %mul3A_0 = arith.muli %arg1, %mul3A : i32
    %add3A = arith.addi %mul3A_0, %arg0 : i32
    %mul3A_1 = arith.constant 640 : i32
    %mul3A_2 = arith.muli %arg1, %mul3A_1 : i32
    %multiple_of3A = tpu.assume_multiple %mul3A_2, 640 : i32
    %add3A_3 = arith.constant 32 : i32
    %add3A_4 = arith.addi %add3A_3, %add3A : i32
    "tpu.region"() ({
      %run_scoped3A = tpu.sem_alloc : memref<!tpu.dma_semaphore, #tpu.memory_space<semaphore_mem>>
      %dma_start3A = arith.constant 0 : i32
      %dma_start3A_11 = arith.constant 0 : i32
      %dma_start3A_12 = tpu.memref_slice %arg2[%add3A_4, %dma_start3A, %dma_start3A_11] : memref<64x80x125xi32, #tpu.memory_space<hbm>> -> memref<1x80x125xi32, #tpu.memory_space<hbm>>
      %dma_start3A_13 = tpu.memref_squeeze %dma_start3A_12 : memref<1x80x125xi32, #tpu.memory_space<hbm>> -> memref<80x125xi32, #tpu.memory_space<hbm>>
      %dma_start3A_14 = arith.constant 0 : i32
      %dma_start3A_15 = arith.constant 0 : i32
      %dma_start3A_16 = tpu.memref_slice %arg2[%add3A_4, %dma_start3A_14, %dma_start3A_15] : memref<64x80x125xi32, #tpu.memory_space<hbm>> -> memref<1x80x125xi32, #tpu.memory_space<hbm>>
      %dma_start3A_17 = tpu.memref_squeeze %dma_start3A_16 : memref<1x80x125xi32, #tpu.memory_space<hbm>> -> memref<80x125xi32, #tpu.memory_space<hbm>>
      tpu.enqueue_dma source(%dma_start3A_17 : memref<80x125xi32, #tpu.memory_space<hbm>>) target(%arg6 : memref<80x125xi32, #tpu.memory_space<vmem>>) target_semaphore(%run_scoped3A : memref<!tpu.dma_semaphore, #tpu.memory_space<semaphore_mem>>)
      %dma_wait3A = arith.constant 0 : i32
      %dma_wait3A_18 = arith.constant 0 : i32
      %dma_wait3A_19 = tpu.memref_slice %arg2[%add3A_4, %dma_wait3A, %dma_wait3A_18] : memref<64x80x125xi32, #tpu.memory_space<hbm>> -> memref<1x80x125xi32, #tpu.memory_space<hbm>>
      %dma_wait3A_20 = tpu.memref_squeeze %dma_wait3A_19 : memref<1x80x125xi32, #tpu.memory_space<hbm>> -> memref<80x125xi32, #tpu.memory_space<hbm>>
      %dma_wait3A_21 = arith.constant 0 : i32
      %dma_wait3A_22 = arith.constant 0 : i32
      %dma_wait3A_23 = tpu.memref_slice %arg2[%add3A_4, %dma_wait3A_21, %dma_wait3A_22] : memref<64x80x125xi32, #tpu.memory_space<hbm>> -> memref<1x80x125xi32, #tpu.memory_space<hbm>>
      %dma_wait3A_24 = tpu.memref_squeeze %dma_wait3A_23 : memref<1x80x125xi32, #tpu.memory_space<hbm>> -> memref<80x125xi32, #tpu.memory_space<hbm>>
      tpu.wait_dma2 semaphore(%run_scoped3A : memref<!tpu.dma_semaphore, #tpu.memory_space<semaphore_mem>>) src(%dma_wait3A_24 : memref<80x125xi32, #tpu.memory_space<hbm>>) dst(%arg6 : memref<80x125xi32, #tpu.memory_space<vmem>>)
      tpu.yield
    }) : () -> ()
    "tpu.region"() ({
      %run_scoped3A = tpu.sem_alloc : memref<!tpu.dma_semaphore, #tpu.memory_space<semaphore_mem>>
      tpu.enqueue_dma source(%arg3 : memref<125x16xf32, #tpu.memory_space<hbm>>) target(%arg7 : memref<125x16xf32, #tpu.memory_space<vmem>>) target_semaphore(%run_scoped3A : memref<!tpu.dma_semaphore, #tpu.memory_space<semaphore_mem>>)
      tpu.wait_dma2 semaphore(%run_scoped3A : memref<!tpu.dma_semaphore, #tpu.memory_space<semaphore_mem>>) src(%arg3 : memref<125x16xf32, #tpu.memory_space<hbm>>) dst(%arg7 : memref<125x16xf32, #tpu.memory_space<vmem>>)
      tpu.yield
    }) : () -> ()
    "tpu.region"() ({
      %run_scoped3A = tpu.sem_alloc : memref<!tpu.dma_semaphore, #tpu.memory_space<semaphore_mem>>
      %dma_start3A = arith.constant 0 : i32
      %dma_start3A_11 = tpu.memref_slice %arg8[%multiple_of3A, %dma_start3A] : memref<10240x16xf32, #tpu.memory_space<vmem_shared>> -> memref<640x16xf32, #tpu.memory_space<vmem_shared>>
      %dma_start3A_12 = arith.constant 0 : i32
      %dma_start3A_13 = tpu.memref_slice %arg4[%multiple_of3A, %dma_start3A_12] : memref<10240x16xf32, #tpu.memory_space<hbm>> -> memref<640x16xf32, #tpu.memory_space<hbm>>
      tpu.enqueue_dma source(%dma_start3A_13 : memref<640x16xf32, #tpu.memory_space<hbm>>) target(%dma_start3A_11 : memref<640x16xf32, #tpu.memory_space<vmem_shared>>) target_semaphore(%run_scoped3A : memref<!tpu.dma_semaphore, #tpu.memory_space<semaphore_mem>>)
      %dma_wait3A = arith.constant 0 : i32
      %dma_wait3A_14 = tpu.memref_slice %arg8[%multiple_of3A, %dma_wait3A] : memref<10240x16xf32, #tpu.memory_space<vmem_shared>> -> memref<640x16xf32, #tpu.memory_space<vmem_shared>>
      %dma_wait3A_15 = arith.constant 0 : i32
      %dma_wait3A_16 = tpu.memref_slice %arg4[%multiple_of3A, %dma_wait3A_15] : memref<10240x16xf32, #tpu.memory_space<hbm>> -> memref<640x16xf32, #tpu.memory_space<hbm>>
      tpu.wait_dma2 semaphore(%run_scoped3A : memref<!tpu.dma_semaphore, #tpu.memory_space<semaphore_mem>>) src(%dma_wait3A_16 : memref<640x16xf32, #tpu.memory_space<hbm>>) dst(%dma_wait3A_14 : memref<640x16xf32, #tpu.memory_space<vmem_shared>>)
      tpu.yield
    }) : () -> ()
    %barrier3A = arith.constant 0 : index
    tpu.barrier barrier_id(%barrier3A)
    %scan3A = arith.constant 0 : i32
    %scan3A_5 = arith.constant 0 : i32
    %scan3A_6 = arith.constant 5 : i32
    %scan3A_7 = arith.addi %scan3A_5, %scan3A_6 : i32
    %scan3A_8 = arith.constant 1 : i32
    scf.for %scan3A_11 = %scan3A_5 to %scan3A_7 step %scan3A_8  : i32 {
      %mul3A_12 = arith.constant 16 : i32
      %mul3A_13 = arith.muli %mul3A_12, %scan3A_11 : i32
      %add3A_14 = arith.constant 0 : i32
      %add3A_15 = arith.addi %mul3A_13, %add3A_14 : i32
      %dma_start3A = arith.constant 0 : i32
      %dma_start3A_16 = tpu.memref_slice %arg6[%add3A_15, %dma_start3A] : memref<80x125xi32, #tpu.memory_space<vmem>> -> memref<1x125xi32, #tpu.memory_space<vmem>>
      %dma_start3A_17 = tpu.memref_squeeze %dma_start3A_16 : memref<1x125xi32, #tpu.memory_space<vmem>> -> memref<125xi32, #tpu.memory_space<vmem>>
      %dma_start3A_18 = arith.constant 0 : i32
      %dma_start3A_19 = arith.constant 0 : i32
      %dma_start3A_20 = tpu.memref_slice %arg8[%dma_start3A_18, %dma_start3A_19] : memref<10240x16xf32, #tpu.memory_space<vmem_shared>> -> memref<10240x16xf32, #tpu.memory_space<vmem_shared>>
      tpu.enqueue_indirect_dma source(%arg7 : memref<125x16xf32, #tpu.memory_space<vmem>>) target(%dma_start3A_20 : memref<10240x16xf32, #tpu.memory_space<vmem_shared>>) offsets(%dma_start3A_17 : memref<125xi32, #tpu.memory_space<vmem>>) semaphore(%arg9 : memref<!tpu.dma_semaphore, #tpu.memory_space<semaphore_mem>>) {add = true}
      %mul3A_21 = arith.constant 16 : i32
      %mul3A_22 = arith.muli %mul3A_21, %scan3A_11 : i32
      %add3A_23 = arith.constant 1 : i32
      %add3A_24 = arith.addi %mul3A_22, %add3A_23 : i32
      %dma_start3A_25 = arith.constant 0 : i32
      %dma_start3A_26 = tpu.memref_slice %arg6[%add3A_24, %dma_start3A_25] : memref<80x125xi32, #tpu.memory_space<vmem>> -> memref<1x125xi32, #tpu.memory_space<vmem>>
      %dma_start3A_27 = tpu.memref_squeeze %dma_start3A_26 : memref<1x125xi32, #tpu.memory_space<vmem>> -> memref<125xi32, #tpu.memory_space<vmem>>
      %dma_start3A_28 = arith.constant 0 : i32
      %dma_start3A_29 = arith.constant 0 : i32
      %dma_start3A_30 = tpu.memref_slice %arg8[%dma_start3A_28, %dma_start3A_29] : memref<10240x16xf32, #tpu.memory_space<vmem_shared>> -> memref<10240x16xf32, #tpu.memory_space<vmem_shared>>
      tpu.enqueue_indirect_dma source(%arg7 : memref<125x16xf32, #tpu.memory_space<vmem>>) target(%dma_start3A_30 : memref<10240x16xf32, #tpu.memory_space<vmem_shared>>) offsets(%dma_start3A_27 : memref<125xi32, #tpu.memory_space<vmem>>) semaphore(%arg9 : memref<!tpu.dma_semaphore, #tpu.memory_space<semaphore_mem>>) {add = true}
      %mul3A_31 = arith.constant 16 : i32
      %mul3A_32 = arith.muli %mul3A_31, %scan3A_11 : i32
      %add3A_33 = arith.constant 2 : i32
      %add3A_34 = arith.addi %mul3A_32, %add3A_33 : i32
      %dma_start3A_35 = arith.constant 0 : i32
      %dma_start3A_36 = tpu.memref_slice %arg6[%add3A_34, %dma_start3A_35] : memref<80x125xi32, #tpu.memory_space<vmem>> -> memref<1x125xi32, #tpu.memory_space<vmem>>
      %dma_start3A_37 = tpu.memref_squeeze %dma_start3A_36 : memref<1x125xi32, #tpu.memory_space<vmem>> -> memref<125xi32, #tpu.memory_space<vmem>>
      %dma_start3A_38 = arith.constant 0 : i32
      %dma_start3A_39 = arith.constant 0 : i32
      %dma_start3A_40 = tpu.memref_slice %arg8[%dma_start3A_38, %dma_start3A_39] : memref<10240x16xf32, #tpu.memory_space<vmem_shared>> -> memref<10240x16xf32, #tpu.memory_space<vmem_shared>>
      tpu.enqueue_indirect_dma source(%arg7 : memref<125x16xf32, #tpu.memory_space<vmem>>) target(%dma_start3A_40 : memref<10240x16xf32, #tpu.memory_space<vmem_shared>>) offsets(%dma_start3A_37 : memref<125xi32, #tpu.memory_space<vmem>>) semaphore(%arg9 : memref<!tpu.dma_semaphore, #tpu.memory_space<semaphore_mem>>) {add = true}
      %mul3A_41 = arith.constant 16 : i32
      %mul3A_42 = arith.muli %mul3A_41, %scan3A_11 : i32
      %add3A_43 = arith.constant 3 : i32
      %add3A_44 = arith.addi %mul3A_42, %add3A_43 : i32
      %dma_start3A_45 = arith.constant 0 : i32
      %dma_start3A_46 = tpu.memref_slice %arg6[%add3A_44, %dma_start3A_45] : memref<80x125xi32, #tpu.memory_space<vmem>> -> memref<1x125xi32, #tpu.memory_space<vmem>>
      %dma_start3A_47 = tpu.memref_squeeze %dma_start3A_46 : memref<1x125xi32, #tpu.memory_space<vmem>> -> memref<125xi32, #tpu.memory_space<vmem>>
      %dma_start3A_48 = arith.constant 0 : i32
      %dma_start3A_49 = arith.constant 0 : i32
      %dma_start3A_50 = tpu.memref_slice %arg8[%dma_start3A_48, %dma_start3A_49] : memref<10240x16xf32, #tpu.memory_space<vmem_shared>> -> memref<10240x16xf32, #tpu.memory_space<vmem_shared>>
      tpu.enqueue_indirect_dma source(%arg7 : memref<125x16xf32, #tpu.memory_space<vmem>>) target(%dma_start3A_50 : memref<10240x16xf32, #tpu.memory_space<vmem_shared>>) offsets(%dma_start3A_47 : memref<125xi32, #tpu.memory_space<vmem>>) semaphore(%arg9 : memref<!tpu.dma_semaphore, #tpu.memory_space<semaphore_mem>>) {add = true}
      %mul3A_51 = arith.constant 16 : i32
      %mul3A_52 = arith.muli %mul3A_51, %scan3A_11 : i32
      %add3A_53 = arith.constant 4 : i32
      %add3A_54 = arith.addi %mul3A_52, %add3A_53 : i32
      %dma_start3A_55 = arith.constant 0 : i32
      %dma_start3A_56 = tpu.memref_slice %arg6[%add3A_54, %dma_start3A_55] : memref<80x125xi32, #tpu.memory_space<vmem>> -> memref<1x125xi32, #tpu.memory_space<vmem>>
      %dma_start3A_57 = tpu.memref_squeeze %dma_start3A_56 : memref<1x125xi32, #tpu.memory_space<vmem>> -> memref<125xi32, #tpu.memory_space<vmem>>
      %dma_start3A_58 = arith.constant 0 : i32
      %dma_start3A_59 = arith.constant 0 : i32
      %dma_start3A_60 = tpu.memref_slice %arg8[%dma_start3A_58, %dma_start3A_59] : memref<10240x16xf32, #tpu.memory_space<vmem_shared>> -> memref<10240x16xf32, #tpu.memory_space<vmem_shared>>
      tpu.enqueue_indirect_dma source(%arg7 : memref<125x16xf32, #tpu.memory_space<vmem>>) target(%dma_start3A_60 : memref<10240x16xf32, #tpu.memory_space<vmem_shared>>) offsets(%dma_start3A_57 : memref<125xi32, #tpu.memory_space<vmem>>) semaphore(%arg9 : memref<!tpu.dma_semaphore, #tpu.memory_space<semaphore_mem>>) {add = true}
      %mul3A_61 = arith.constant 16 : i32
      %mul3A_62 = arith.muli %mul3A_61, %scan3A_11 : i32
      %add3A_63 = arith.constant 5 : i32
      %add3A_64 = arith.addi %mul3A_62, %add3A_63 : i32
      %dma_start3A_65 = arith.constant 0 : i32
      %dma_start3A_66 = tpu.memref_slice %arg6[%add3A_64, %dma_start3A_65] : memref<80x125xi32, #tpu.memory_space<vmem>> -> memref<1x125xi32, #tpu.memory_space<vmem>>
      %dma_start3A_67 = tpu.memref_squeeze %dma_start3A_66 : memref<1x125xi32, #tpu.memory_space<vmem>> -> memref<125xi32, #tpu.memory_space<vmem>>
      %dma_start3A_68 = arith.constant 0 : i32
      %dma_start3A_69 = arith.constant 0 : i32
      %dma_start3A_70 = tpu.memref_slice %arg8[%dma_start3A_68, %dma_start3A_69] : memref<10240x16xf32, #tpu.memory_space<vmem_shared>> -> memref<10240x16xf32, #tpu.memory_space<vmem_shared>>
      tpu.enqueue_indirect_dma source(%arg7 : memref<125x16xf32, #tpu.memory_space<vmem>>) target(%dma_start3A_70 : memref<10240x16xf32, #tpu.memory_space<vmem_shared>>) offsets(%dma_start3A_67 : memref<125xi32, #tpu.memory_space<vmem>>) semaphore(%arg9 : memref<!tpu.dma_semaphore, #tpu.memory_space<semaphore_mem>>) {add = true}
      %mul3A_71 = arith.constant 16 : i32
      %mul3A_72 = arith.muli %mul3A_71, %scan3A_11 : i32
      %add3A_73 = arith.constant 6 : i32
      %add3A_74 = arith.addi %mul3A_72, %add3A_73 : i32
      %dma_start3A_75 = arith.constant 0 : i32
      %dma_start3A_76 = tpu.memref_slice %arg6[%add3A_74, %dma_start3A_75] : memref<80x125xi32, #tpu.memory_space<vmem>> -> memref<1x125xi32, #tpu.memory_space<vmem>>
      %dma_start3A_77 = tpu.memref_squeeze %dma_start3A_76 : memref<1x125xi32, #tpu.memory_space<vmem>> -> memref<125xi32, #tpu.memory_space<vmem>>
      %dma_start3A_78 = arith.constant 0 : i32
      %dma_start3A_79 = arith.constant 0 : i32
      %dma_start3A_80 = tpu.memref_slice %arg8[%dma_start3A_78, %dma_start3A_79] : memref<10240x16xf32, #tpu.memory_space<vmem_shared>> -> memref<10240x16xf32, #tpu.memory_space<vmem_shared>>
      tpu.enqueue_indirect_dma source(%arg7 : memref<125x16xf32, #tpu.memory_space<vmem>>) target(%dma_start3A_80 : memref<10240x16xf32, #tpu.memory_space<vmem_shared>>) offsets(%dma_start3A_77 : memref<125xi32, #tpu.memory_space<vmem>>) semaphore(%arg9 : memref<!tpu.dma_semaphore, #tpu.memory_space<semaphore_mem>>) {add = true}
      %mul3A_81 = arith.constant 16 : i32
      %mul3A_82 = arith.muli %mul3A_81, %scan3A_11 : i32
      %add3A_83 = arith.constant 7 : i32
      %add3A_84 = arith.addi %mul3A_82, %add3A_83 : i32
      %dma_start3A_85 = arith.constant 0 : i32
      %dma_start3A_86 = tpu.memref_slice %arg6[%add3A_84, %dma_start3A_85] : memref<80x125xi32, #tpu.memory_space<vmem>> -> memref<1x125xi32, #tpu.memory_space<vmem>>
      %dma_start3A_87 = tpu.memref_squeeze %dma_start3A_86 : memref<1x125xi32, #tpu.memory_space<vmem>> -> memref<125xi32, #tpu.memory_space<vmem>>
      %dma_start3A_88 = arith.constant 0 : i32
      %dma_start3A_89 = arith.constant 0 : i32
      %dma_start3A_90 = tpu.memref_slice %arg8[%dma_start3A_88, %dma_start3A_89] : memref<10240x16xf32, #tpu.memory_space<vmem_shared>> -> memref<10240x16xf32, #tpu.memory_space<vmem_shared>>
      tpu.enqueue_indirect_dma source(%arg7 : memref<125x16xf32, #tpu.memory_space<vmem>>) target(%dma_start3A_90 : memref<10240x16xf32, #tpu.memory_space<vmem_shared>>) offsets(%dma_start3A_87 : memref<125xi32, #tpu.memory_space<vmem>>) semaphore(%arg9 : memref<!tpu.dma_semaphore, #tpu.memory_space<semaphore_mem>>) {add = true}
      %mul3A_91 = arith.constant 16 : i32
      %mul3A_92 = arith.muli %mul3A_91, %scan3A_11 : i32
      %add3A_93 = arith.constant 8 : i32
      %add3A_94 = arith.addi %mul3A_92, %add3A_93 : i32
      %dma_start3A_95 = arith.constant 0 : i32
      %dma_start3A_96 = tpu.memref_slice %arg6[%add3A_94, %dma_start3A_95] : memref<80x125xi32, #tpu.memory_space<vmem>> -> memref<1x125xi32, #tpu.memory_space<vmem>>
      %dma_start3A_97 = tpu.memref_squeeze %dma_start3A_96 : memref<1x125xi32, #tpu.memory_space<vmem>> -> memref<125xi32, #tpu.memory_space<vmem>>
      %dma_start3A_98 = arith.constant 0 : i32
      %dma_start3A_99 = arith.constant 0 : i32
      %dma_start3A_100 = tpu.memref_slice %arg8[%dma_start3A_98, %dma_start3A_99] : memref<10240x16xf32, #tpu.memory_space<vmem_shared>> -> memref<10240x16xf32, #tpu.memory_space<vmem_shared>>
      tpu.enqueue_indirect_dma source(%arg7 : memref<125x16xf32, #tpu.memory_space<vmem>>) target(%dma_start3A_100 : memref<10240x16xf32, #tpu.memory_space<vmem_shared>>) offsets(%dma_start3A_97 : memref<125xi32, #tpu.memory_space<vmem>>) semaphore(%arg9 : memref<!tpu.dma_semaphore, #tpu.memory_space<semaphore_mem>>) {add = true}
      %mul3A_101 = arith.constant 16 : i32
      %mul3A_102 = arith.muli %mul3A_101, %scan3A_11 : i32
      %add3A_103 = arith.constant 9 : i32
      %add3A_104 = arith.addi %mul3A_102, %add3A_103 : i32
      %dma_start3A_105 = arith.constant 0 : i32
      %dma_start3A_106 = tpu.memref_slice %arg6[%add3A_104, %dma_start3A_105] : memref<80x125xi32, #tpu.memory_space<vmem>> -> memref<1x125xi32, #tpu.memory_space<vmem>>
      %dma_start3A_107 = tpu.memref_squeeze %dma_start3A_106 : memref<1x125xi32, #tpu.memory_space<vmem>> -> memref<125xi32, #tpu.memory_space<vmem>>
      %dma_start3A_108 = arith.constant 0 : i32
      %dma_start3A_109 = arith.constant 0 : i32
      %dma_start3A_110 = tpu.memref_slice %arg8[%dma_start3A_108, %dma_start3A_109] : memref<10240x16xf32, #tpu.memory_space<vmem_shared>> -> memref<10240x16xf32, #tpu.memory_space<vmem_shared>>
      tpu.enqueue_indirect_dma source(%arg7 : memref<125x16xf32, #tpu.memory_space<vmem>>) target(%dma_start3A_110 : memref<10240x16xf32, #tpu.memory_space<vmem_shared>>) offsets(%dma_start3A_107 : memref<125xi32, #tpu.memory_space<vmem>>) semaphore(%arg9 : memref<!tpu.dma_semaphore, #tpu.memory_space<semaphore_mem>>) {add = true}
      %mul3A_111 = arith.constant 16 : i32
      %mul3A_112 = arith.muli %mul3A_111, %scan3A_11 : i32
      %add3A_113 = arith.constant 10 : i32
      %add3A_114 = arith.addi %mul3A_112, %add3A_113 : i32
      %dma_start3A_115 = arith.constant 0 : i32
      %dma_start3A_116 = tpu.memref_slice %arg6[%add3A_114, %dma_start3A_115] : memref<80x125xi32, #tpu.memory_space<vmem>> -> memref<1x125xi32, #tpu.memory_space<vmem>>
      %dma_start3A_117 = tpu.memref_squeeze %dma_start3A_116 : memref<1x125xi32, #tpu.memory_space<vmem>> -> memref<125xi32, #tpu.memory_space<vmem>>
      %dma_start3A_118 = arith.constant 0 : i32
      %dma_start3A_119 = arith.constant 0 : i32
      %dma_start3A_120 = tpu.memref_slice %arg8[%dma_start3A_118, %dma_start3A_119] : memref<10240x16xf32, #tpu.memory_space<vmem_shared>> -> memref<10240x16xf32, #tpu.memory_space<vmem_shared>>
      tpu.enqueue_indirect_dma source(%arg7 : memref<125x16xf32, #tpu.memory_space<vmem>>) target(%dma_start3A_120 : memref<10240x16xf32, #tpu.memory_space<vmem_shared>>) offsets(%dma_start3A_117 : memref<125xi32, #tpu.memory_space<vmem>>) semaphore(%arg9 : memref<!tpu.dma_semaphore, #tpu.memory_space<semaphore_mem>>) {add = true}
      %mul3A_121 = arith.constant 16 : i32
      %mul3A_122 = arith.muli %mul3A_121, %scan3A_11 : i32
      %add3A_123 = arith.constant 11 : i32
      %add3A_124 = arith.addi %mul3A_122, %add3A_123 : i32
      %dma_start3A_125 = arith.constant 0 : i32
      %dma_start3A_126 = tpu.memref_slice %arg6[%add3A_124, %dma_start3A_125] : memref<80x125xi32, #tpu.memory_space<vmem>> -> memref<1x125xi32, #tpu.memory_space<vmem>>
      %dma_start3A_127 = tpu.memref_squeeze %dma_start3A_126 : memref<1x125xi32, #tpu.memory_space<vmem>> -> memref<125xi32, #tpu.memory_space<vmem>>
      %dma_start3A_128 = arith.constant 0 : i32
      %dma_start3A_129 = arith.constant 0 : i32
      %dma_start3A_130 = tpu.memref_slice %arg8[%dma_start3A_128, %dma_start3A_129] : memref<10240x16xf32, #tpu.memory_space<vmem_shared>> -> memref<10240x16xf32, #tpu.memory_space<vmem_shared>>
      tpu.enqueue_indirect_dma source(%arg7 : memref<125x16xf32, #tpu.memory_space<vmem>>) target(%dma_start3A_130 : memref<10240x16xf32, #tpu.memory_space<vmem_shared>>) offsets(%dma_start3A_127 : memref<125xi32, #tpu.memory_space<vmem>>) semaphore(%arg9 : memref<!tpu.dma_semaphore, #tpu.memory_space<semaphore_mem>>) {add = true}
      %mul3A_131 = arith.constant 16 : i32
      %mul3A_132 = arith.muli %mul3A_131, %scan3A_11 : i32
      %add3A_133 = arith.constant 12 : i32
      %add3A_134 = arith.addi %mul3A_132, %add3A_133 : i32
      %dma_start3A_135 = arith.constant 0 : i32
      %dma_start3A_136 = tpu.memref_slice %arg6[%add3A_134, %dma_start3A_135] : memref<80x125xi32, #tpu.memory_space<vmem>> -> memref<1x125xi32, #tpu.memory_space<vmem>>
      %dma_start3A_137 = tpu.memref_squeeze %dma_start3A_136 : memref<1x125xi32, #tpu.memory_space<vmem>> -> memref<125xi32, #tpu.memory_space<vmem>>
      %dma_start3A_138 = arith.constant 0 : i32
      %dma_start3A_139 = arith.constant 0 : i32
      %dma_start3A_140 = tpu.memref_slice %arg8[%dma_start3A_138, %dma_start3A_139] : memref<10240x16xf32, #tpu.memory_space<vmem_shared>> -> memref<10240x16xf32, #tpu.memory_space<vmem_shared>>
      tpu.enqueue_indirect_dma source(%arg7 : memref<125x16xf32, #tpu.memory_space<vmem>>) target(%dma_start3A_140 : memref<10240x16xf32, #tpu.memory_space<vmem_shared>>) offsets(%dma_start3A_137 : memref<125xi32, #tpu.memory_space<vmem>>) semaphore(%arg9 : memref<!tpu.dma_semaphore, #tpu.memory_space<semaphore_mem>>) {add = true}
      %mul3A_141 = arith.constant 16 : i32
      %mul3A_142 = arith.muli %mul3A_141, %scan3A_11 : i32
      %add3A_143 = arith.constant 13 : i32
      %add3A_144 = arith.addi %mul3A_142, %add3A_143 : i32
      %dma_start3A_145 = arith.constant 0 : i32
      %dma_start3A_146 = tpu.memref_slice %arg6[%add3A_144, %dma_start3A_145] : memref<80x125xi32, #tpu.memory_space<vmem>> -> memref<1x125xi32, #tpu.memory_space<vmem>>
      %dma_start3A_147 = tpu.memref_squeeze %dma_start3A_146 : memref<1x125xi32, #tpu.memory_space<vmem>> -> memref<125xi32, #tpu.memory_space<vmem>>
      %dma_start3A_148 = arith.constant 0 : i32
      %dma_start3A_149 = arith.constant 0 : i32
      %dma_start3A_150 = tpu.memref_slice %arg8[%dma_start3A_148, %dma_start3A_149] : memref<10240x16xf32, #tpu.memory_space<vmem_shared>> -> memref<10240x16xf32, #tpu.memory_space<vmem_shared>>
      tpu.enqueue_indirect_dma source(%arg7 : memref<125x16xf32, #tpu.memory_space<vmem>>) target(%dma_start3A_150 : memref<10240x16xf32, #tpu.memory_space<vmem_shared>>) offsets(%dma_start3A_147 : memref<125xi32, #tpu.memory_space<vmem>>) semaphore(%arg9 : memref<!tpu.dma_semaphore, #tpu.memory_space<semaphore_mem>>) {add = true}
      %mul3A_151 = arith.constant 16 : i32
      %mul3A_152 = arith.muli %mul3A_151, %scan3A_11 : i32
      %add3A_153 = arith.constant 14 : i32
      %add3A_154 = arith.addi %mul3A_152, %add3A_153 : i32
      %dma_start3A_155 = arith.constant 0 : i32
      %dma_start3A_156 = tpu.memref_slice %arg6[%add3A_154, %dma_start3A_155] : memref<80x125xi32, #tpu.memory_space<vmem>> -> memref<1x125xi32, #tpu.memory_space<vmem>>
      %dma_start3A_157 = tpu.memref_squeeze %dma_start3A_156 : memref<1x125xi32, #tpu.memory_space<vmem>> -> memref<125xi32, #tpu.memory_space<vmem>>
      %dma_start3A_158 = arith.constant 0 : i32
      %dma_start3A_159 = arith.constant 0 : i32
      %dma_start3A_160 = tpu.memref_slice %arg8[%dma_start3A_158, %dma_start3A_159] : memref<10240x16xf32, #tpu.memory_space<vmem_shared>> -> memref<10240x16xf32, #tpu.memory_space<vmem_shared>>
      tpu.enqueue_indirect_dma source(%arg7 : memref<125x16xf32, #tpu.memory_space<vmem>>) target(%dma_start3A_160 : memref<10240x16xf32, #tpu.memory_space<vmem_shared>>) offsets(%dma_start3A_157 : memref<125xi32, #tpu.memory_space<vmem>>) semaphore(%arg9 : memref<!tpu.dma_semaphore, #tpu.memory_space<semaphore_mem>>) {add = true}
      %mul3A_161 = arith.constant 16 : i32
      %mul3A_162 = arith.muli %mul3A_161, %scan3A_11 : i32
      %add3A_163 = arith.constant 15 : i32
      %add3A_164 = arith.addi %mul3A_162, %add3A_163 : i32
      %dma_start3A_165 = arith.constant 0 : i32
      %dma_start3A_166 = tpu.memref_slice %arg6[%add3A_164, %dma_start3A_165] : memref<80x125xi32, #tpu.memory_space<vmem>> -> memref<1x125xi32, #tpu.memory_space<vmem>>
      %dma_start3A_167 = tpu.memref_squeeze %dma_start3A_166 : memref<1x125xi32, #tpu.memory_space<vmem>> -> memref<125xi32, #tpu.memory_space<vmem>>
      %dma_start3A_168 = arith.constant 0 : i32
      %dma_start3A_169 = arith.constant 0 : i32
      %dma_start3A_170 = tpu.memref_slice %arg8[%dma_start3A_168, %dma_start3A_169] : memref<10240x16xf32, #tpu.memory_space<vmem_shared>> -> memref<10240x16xf32, #tpu.memory_space<vmem_shared>>
      tpu.enqueue_indirect_dma source(%arg7 : memref<125x16xf32, #tpu.memory_space<vmem>>) target(%dma_start3A_170 : memref<10240x16xf32, #tpu.memory_space<vmem_shared>>) offsets(%dma_start3A_167 : memref<125xi32, #tpu.memory_space<vmem>>) semaphore(%arg9 : memref<!tpu.dma_semaphore, #tpu.memory_space<semaphore_mem>>) {add = true}
      %mul3A_171 = arith.constant 16 : i32
      %mul3A_172 = arith.muli %mul3A_171, %scan3A_11 : i32
      %add3A_173 = arith.constant 0 : i32
      %add3A_174 = arith.addi %mul3A_172, %add3A_173 : i32
      %dma_wait3A = arith.constant 0 : i32
      %dma_wait3A_175 = tpu.memref_slice %arg6[%add3A_174, %dma_wait3A] : memref<80x125xi32, #tpu.memory_space<vmem>> -> memref<1x125xi32, #tpu.memory_space<vmem>>
      %dma_wait3A_176 = tpu.memref_squeeze %dma_wait3A_175 : memref<1x125xi32, #tpu.memory_space<vmem>> -> memref<125xi32, #tpu.memory_space<vmem>>
      %dma_wait3A_177 = arith.constant 0 : i32
      %dma_wait3A_178 = arith.constant 0 : i32
      %dma_wait3A_179 = tpu.memref_slice %arg8[%dma_wait3A_177, %dma_wait3A_178] : memref<10240x16xf32, #tpu.memory_space<vmem_shared>> -> memref<10240x16xf32, #tpu.memory_space<vmem_shared>>
      tpu.wait_indirect_dma semaphore(%arg9 : memref<!tpu.dma_semaphore, #tpu.memory_space<semaphore_mem>>) src(%arg7 : memref<125x16xf32, #tpu.memory_space<vmem>>) dst(%dma_wait3A_179 : memref<10240x16xf32, #tpu.memory_space<vmem_shared>>)
      %mul3A_180 = arith.constant 16 : i32
      %mul3A_181 = arith.muli %mul3A_180, %scan3A_11 : i32
      %add3A_182 = arith.constant 1 : i32
      %add3A_183 = arith.addi %mul3A_181, %add3A_182 : i32
      %dma_wait3A_184 = arith.constant 0 : i32
      %dma_wait3A_185 = tpu.memref_slice %arg6[%add3A_183, %dma_wait3A_184] : memref<80x125xi32, #tpu.memory_space<vmem>> -> memref<1x125xi32, #tpu.memory_space<vmem>>
      %dma_wait3A_186 = tpu.memref_squeeze %dma_wait3A_185 : memref<1x125xi32, #tpu.memory_space<vmem>> -> memref<125xi32, #tpu.memory_space<vmem>>
      %dma_wait3A_187 = arith.constant 0 : i32
      %dma_wait3A_188 = arith.constant 0 : i32
      %dma_wait3A_189 = tpu.memref_slice %arg8[%dma_wait3A_187, %dma_wait3A_188] : memref<10240x16xf32, #tpu.memory_space<vmem_shared>> -> memref<10240x16xf32, #tpu.memory_space<vmem_shared>>
      tpu.wait_indirect_dma semaphore(%arg9 : memref<!tpu.dma_semaphore, #tpu.memory_space<semaphore_mem>>) src(%arg7 : memref<125x16xf32, #tpu.memory_space<vmem>>) dst(%dma_wait3A_189 : memref<10240x16xf32, #tpu.memory_space<vmem_shared>>)
      %mul3A_190 = arith.constant 16 : i32
      %mul3A_191 = arith.muli %mul3A_190, %scan3A_11 : i32
      %add3A_192 = arith.constant 2 : i32
      %add3A_193 = arith.addi %mul3A_191, %add3A_192 : i32
      %dma_wait3A_194 = arith.constant 0 : i32
      %dma_wait3A_195 = tpu.memref_slice %arg6[%add3A_193, %dma_wait3A_194] : memref<80x125xi32, #tpu.memory_space<vmem>> -> memref<1x125xi32, #tpu.memory_space<vmem>>
      %dma_wait3A_196 = tpu.memref_squeeze %dma_wait3A_195 : memref<1x125xi32, #tpu.memory_space<vmem>> -> memref<125xi32, #tpu.memory_space<vmem>>
      %dma_wait3A_197 = arith.constant 0 : i32
      %dma_wait3A_198 = arith.constant 0 : i32
      %dma_wait3A_199 = tpu.memref_slice %arg8[%dma_wait3A_197, %dma_wait3A_198] : memref<10240x16xf32, #tpu.memory_space<vmem_shared>> -> memref<10240x16xf32, #tpu.memory_space<vmem_shared>>
      tpu.wait_indirect_dma semaphore(%arg9 : memref<!tpu.dma_semaphore, #tpu.memory_space<semaphore_mem>>) src(%arg7 : memref<125x16xf32, #tpu.memory_space<vmem>>) dst(%dma_wait3A_199 : memref<10240x16xf32, #tpu.memory_space<vmem_shared>>)
      %mul3A_200 = arith.constant 16 : i32
      %mul3A_201 = arith.muli %mul3A_200, %scan3A_11 : i32
      %add3A_202 = arith.constant 3 : i32
      %add3A_203 = arith.addi %mul3A_201, %add3A_202 : i32
      %dma_wait3A_204 = arith.constant 0 : i32
      %dma_wait3A_205 = tpu.memref_slice %arg6[%add3A_203, %dma_wait3A_204] : memref<80x125xi32, #tpu.memory_space<vmem>> -> memref<1x125xi32, #tpu.memory_space<vmem>>
      %dma_wait3A_206 = tpu.memref_squeeze %dma_wait3A_205 : memref<1x125xi32, #tpu.memory_space<vmem>> -> memref<125xi32, #tpu.memory_space<vmem>>
      %dma_wait3A_207 = arith.constant 0 : i32
      %dma_wait3A_208 = arith.constant 0 : i32
      %dma_wait3A_209 = tpu.memref_slice %arg8[%dma_wait3A_207, %dma_wait3A_208] : memref<10240x16xf32, #tpu.memory_space<vmem_shared>> -> memref<10240x16xf32, #tpu.memory_space<vmem_shared>>
      tpu.wait_indirect_dma semaphore(%arg9 : memref<!tpu.dma_semaphore, #tpu.memory_space<semaphore_mem>>) src(%arg7 : memref<125x16xf32, #tpu.memory_space<vmem>>) dst(%dma_wait3A_209 : memref<10240x16xf32, #tpu.memory_space<vmem_shared>>)
      %mul3A_210 = arith.constant 16 : i32
      %mul3A_211 = arith.muli %mul3A_210, %scan3A_11 : i32
      %add3A_212 = arith.constant 4 : i32
      %add3A_213 = arith.addi %mul3A_211, %add3A_212 : i32
      %dma_wait3A_214 = arith.constant 0 : i32
      %dma_wait3A_215 = tpu.memref_slice %arg6[%add3A_213, %dma_wait3A_214] : memref<80x125xi32, #tpu.memory_space<vmem>> -> memref<1x125xi32, #tpu.memory_space<vmem>>
      %dma_wait3A_216 = tpu.memref_squeeze %dma_wait3A_215 : memref<1x125xi32, #tpu.memory_space<vmem>> -> memref<125xi32, #tpu.memory_space<vmem>>
      %dma_wait3A_217 = arith.constant 0 : i32
      %dma_wait3A_218 = arith.constant 0 : i32
      %dma_wait3A_219 = tpu.memref_slice %arg8[%dma_wait3A_217, %dma_wait3A_218] : memref<10240x16xf32, #tpu.memory_space<vmem_shared>> -> memref<10240x16xf32, #tpu.memory_space<vmem_shared>>
      tpu.wait_indirect_dma semaphore(%arg9 : memref<!tpu.dma_semaphore, #tpu.memory_space<semaphore_mem>>) src(%arg7 : memref<125x16xf32, #tpu.memory_space<vmem>>) dst(%dma_wait3A_219 : memref<10240x16xf32, #tpu.memory_space<vmem_shared>>)
      %mul3A_220 = arith.constant 16 : i32
      %mul3A_221 = arith.muli %mul3A_220, %scan3A_11 : i32
      %add3A_222 = arith.constant 5 : i32
      %add3A_223 = arith.addi %mul3A_221, %add3A_222 : i32
      %dma_wait3A_224 = arith.constant 0 : i32
      %dma_wait3A_225 = tpu.memref_slice %arg6[%add3A_223, %dma_wait3A_224] : memref<80x125xi32, #tpu.memory_space<vmem>> -> memref<1x125xi32, #tpu.memory_space<vmem>>
      %dma_wait3A_226 = tpu.memref_squeeze %dma_wait3A_225 : memref<1x125xi32, #tpu.memory_space<vmem>> -> memref<125xi32, #tpu.memory_space<vmem>>
      %dma_wait3A_227 = arith.constant 0 : i32
      %dma_wait3A_228 = arith.constant 0 : i32
      %dma_wait3A_229 = tpu.memref_slice %arg8[%dma_wait3A_227, %dma_wait3A_228] : memref<10240x16xf32, #tpu.memory_space<vmem_shared>> -> memref<10240x16xf32, #tpu.memory_space<vmem_shared>>
      tpu.wait_indirect_dma semaphore(%arg9 : memref<!tpu.dma_semaphore, #tpu.memory_space<semaphore_mem>>) src(%arg7 : memref<125x16xf32, #tpu.memory_space<vmem>>) dst(%dma_wait3A_229 : memref<10240x16xf32, #tpu.memory_space<vmem_shared>>)
      %mul3A_230 = arith.constant 16 : i32
      %mul3A_231 = arith.muli %mul3A_230, %scan3A_11 : i32
      %add3A_232 = arith.constant 6 : i32
      %add3A_233 = arith.addi %mul3A_231, %add3A_232 : i32
      %dma_wait3A_234 = arith.constant 0 : i32
      %dma_wait3A_235 = tpu.memref_slice %arg6[%add3A_233, %dma_wait3A_234] : memref<80x125xi32, #tpu.memory_space<vmem>> -> memref<1x125xi32, #tpu.memory_space<vmem>>
      %dma_wait3A_236 = tpu.memref_squeeze %dma_wait3A_235 : memref<1x125xi32, #tpu.memory_space<vmem>> -> memref<125xi32, #tpu.memory_space<vmem>>
      %dma_wait3A_237 = arith.constant 0 : i32
      %dma_wait3A_238 = arith.constant 0 : i32
      %dma_wait3A_239 = tpu.memref_slice %arg8[%dma_wait3A_237, %dma_wait3A_238] : memref<10240x16xf32, #tpu.memory_space<vmem_shared>> -> memref<10240x16xf32, #tpu.memory_space<vmem_shared>>
      tpu.wait_indirect_dma semaphore(%arg9 : memref<!tpu.dma_semaphore, #tpu.memory_space<semaphore_mem>>) src(%arg7 : memref<125x16xf32, #tpu.memory_space<vmem>>) dst(%dma_wait3A_239 : memref<10240x16xf32, #tpu.memory_space<vmem_shared>>)
      %mul3A_240 = arith.constant 16 : i32
      %mul3A_241 = arith.muli %mul3A_240, %scan3A_11 : i32
      %add3A_242 = arith.constant 7 : i32
      %add3A_243 = arith.addi %mul3A_241, %add3A_242 : i32
      %dma_wait3A_244 = arith.constant 0 : i32
      %dma_wait3A_245 = tpu.memref_slice %arg6[%add3A_243, %dma_wait3A_244] : memref<80x125xi32, #tpu.memory_space<vmem>> -> memref<1x125xi32, #tpu.memory_space<vmem>>
      %dma_wait3A_246 = tpu.memref_squeeze %dma_wait3A_245 : memref<1x125xi32, #tpu.memory_space<vmem>> -> memref<125xi32, #tpu.memory_space<vmem>>
      %dma_wait3A_247 = arith.constant 0 : i32
      %dma_wait3A_248 = arith.constant 0 : i32
      %dma_wait3A_249 = tpu.memref_slice %arg8[%dma_wait3A_247, %dma_wait3A_248] : memref<10240x16xf32, #tpu.memory_space<vmem_shared>> -> memref<10240x16xf32, #tpu.memory_space<vmem_shared>>
      tpu.wait_indirect_dma semaphore(%arg9 : memref<!tpu.dma_semaphore, #tpu.memory_space<semaphore_mem>>) src(%arg7 : memref<125x16xf32, #tpu.memory_space<vmem>>) dst(%dma_wait3A_249 : memref<10240x16xf32, #tpu.memory_space<vmem_shared>>)
      %mul3A_250 = arith.constant 16 : i32
      %mul3A_251 = arith.muli %mul3A_250, %scan3A_11 : i32
      %add3A_252 = arith.constant 8 : i32
      %add3A_253 = arith.addi %mul3A_251, %add3A_252 : i32
      %dma_wait3A_254 = arith.constant 0 : i32
      %dma_wait3A_255 = tpu.memref_slice %arg6[%add3A_253, %dma_wait3A_254] : memref<80x125xi32, #tpu.memory_space<vmem>> -> memref<1x125xi32, #tpu.memory_space<vmem>>
      %dma_wait3A_256 = tpu.memref_squeeze %dma_wait3A_255 : memref<1x125xi32, #tpu.memory_space<vmem>> -> memref<125xi32, #tpu.memory_space<vmem>>
      %dma_wait3A_257 = arith.constant 0 : i32
      %dma_wait3A_258 = arith.constant 0 : i32
      %dma_wait3A_259 = tpu.memref_slice %arg8[%dma_wait3A_257, %dma_wait3A_258] : memref<10240x16xf32, #tpu.memory_space<vmem_shared>> -> memref<10240x16xf32, #tpu.memory_space<vmem_shared>>
      tpu.wait_indirect_dma semaphore(%arg9 : memref<!tpu.dma_semaphore, #tpu.memory_space<semaphore_mem>>) src(%arg7 : memref<125x16xf32, #tpu.memory_space<vmem>>) dst(%dma_wait3A_259 : memref<10240x16xf32, #tpu.memory_space<vmem_shared>>)
      %mul3A_260 = arith.constant 16 : i32
      %mul3A_261 = arith.muli %mul3A_260, %scan3A_11 : i32
      %add3A_262 = arith.constant 9 : i32
      %add3A_263 = arith.addi %mul3A_261, %add3A_262 : i32
      %dma_wait3A_264 = arith.constant 0 : i32
      %dma_wait3A_265 = tpu.memref_slice %arg6[%add3A_263, %dma_wait3A_264] : memref<80x125xi32, #tpu.memory_space<vmem>> -> memref<1x125xi32, #tpu.memory_space<vmem>>
      %dma_wait3A_266 = tpu.memref_squeeze %dma_wait3A_265 : memref<1x125xi32, #tpu.memory_space<vmem>> -> memref<125xi32, #tpu.memory_space<vmem>>
      %dma_wait3A_267 = arith.constant 0 : i32
      %dma_wait3A_268 = arith.constant 0 : i32
      %dma_wait3A_269 = tpu.memref_slice %arg8[%dma_wait3A_267, %dma_wait3A_268] : memref<10240x16xf32, #tpu.memory_space<vmem_shared>> -> memref<10240x16xf32, #tpu.memory_space<vmem_shared>>
      tpu.wait_indirect_dma semaphore(%arg9 : memref<!tpu.dma_semaphore, #tpu.memory_space<semaphore_mem>>) src(%arg7 : memref<125x16xf32, #tpu.memory_space<vmem>>) dst(%dma_wait3A_269 : memref<10240x16xf32, #tpu.memory_space<vmem_shared>>)
      %mul3A_270 = arith.constant 16 : i32
      %mul3A_271 = arith.muli %mul3A_270, %scan3A_11 : i32
      %add3A_272 = arith.constant 10 : i32
      %add3A_273 = arith.addi %mul3A_271, %add3A_272 : i32
      %dma_wait3A_274 = arith.constant 0 : i32
      %dma_wait3A_275 = tpu.memref_slice %arg6[%add3A_273, %dma_wait3A_274] : memref<80x125xi32, #tpu.memory_space<vmem>> -> memref<1x125xi32, #tpu.memory_space<vmem>>
      %dma_wait3A_276 = tpu.memref_squeeze %dma_wait3A_275 : memref<1x125xi32, #tpu.memory_space<vmem>> -> memref<125xi32, #tpu.memory_space<vmem>>
      %dma_wait3A_277 = arith.constant 0 : i32
      %dma_wait3A_278 = arith.constant 0 : i32
      %dma_wait3A_279 = tpu.memref_slice %arg8[%dma_wait3A_277, %dma_wait3A_278] : memref<10240x16xf32, #tpu.memory_space<vmem_shared>> -> memref<10240x16xf32, #tpu.memory_space<vmem_shared>>
      tpu.wait_indirect_dma semaphore(%arg9 : memref<!tpu.dma_semaphore, #tpu.memory_space<semaphore_mem>>) src(%arg7 : memref<125x16xf32, #tpu.memory_space<vmem>>) dst(%dma_wait3A_279 : memref<10240x16xf32, #tpu.memory_space<vmem_shared>>)
      %mul3A_280 = arith.constant 16 : i32
      %mul3A_281 = arith.muli %mul3A_280, %scan3A_11 : i32
      %add3A_282 = arith.constant 11 : i32
      %add3A_283 = arith.addi %mul3A_281, %add3A_282 : i32
      %dma_wait3A_284 = arith.constant 0 : i32
      %dma_wait3A_285 = tpu.memref_slice %arg6[%add3A_283, %dma_wait3A_284] : memref<80x125xi32, #tpu.memory_space<vmem>> -> memref<1x125xi32, #tpu.memory_space<vmem>>
      %dma_wait3A_286 = tpu.memref_squeeze %dma_wait3A_285 : memref<1x125xi32, #tpu.memory_space<vmem>> -> memref<125xi32, #tpu.memory_space<vmem>>
      %dma_wait3A_287 = arith.constant 0 : i32
      %dma_wait3A_288 = arith.constant 0 : i32
      %dma_wait3A_289 = tpu.memref_slice %arg8[%dma_wait3A_287, %dma_wait3A_288] : memref<10240x16xf32, #tpu.memory_space<vmem_shared>> -> memref<10240x16xf32, #tpu.memory_space<vmem_shared>>
      tpu.wait_indirect_dma semaphore(%arg9 : memref<!tpu.dma_semaphore, #tpu.memory_space<semaphore_mem>>) src(%arg7 : memref<125x16xf32, #tpu.memory_space<vmem>>) dst(%dma_wait3A_289 : memref<10240x16xf32, #tpu.memory_space<vmem_shared>>)
      %mul3A_290 = arith.constant 16 : i32
      %mul3A_291 = arith.muli %mul3A_290, %scan3A_11 : i32
      %add3A_292 = arith.constant 12 : i32
      %add3A_293 = arith.addi %mul3A_291, %add3A_292 : i32
      %dma_wait3A_294 = arith.constant 0 : i32
      %dma_wait3A_295 = tpu.memref_slice %arg6[%add3A_293, %dma_wait3A_294] : memref<80x125xi32, #tpu.memory_space<vmem>> -> memref<1x125xi32, #tpu.memory_space<vmem>>
      %dma_wait3A_296 = tpu.memref_squeeze %dma_wait3A_295 : memref<1x125xi32, #tpu.memory_space<vmem>> -> memref<125xi32, #tpu.memory_space<vmem>>
      %dma_wait3A_297 = arith.constant 0 : i32
      %dma_wait3A_298 = arith.constant 0 : i32
      %dma_wait3A_299 = tpu.memref_slice %arg8[%dma_wait3A_297, %dma_wait3A_298] : memref<10240x16xf32, #tpu.memory_space<vmem_shared>> -> memref<10240x16xf32, #tpu.memory_space<vmem_shared>>
      tpu.wait_indirect_dma semaphore(%arg9 : memref<!tpu.dma_semaphore, #tpu.memory_space<semaphore_mem>>) src(%arg7 : memref<125x16xf32, #tpu.memory_space<vmem>>) dst(%dma_wait3A_299 : memref<10240x16xf32, #tpu.memory_space<vmem_shared>>)
      %mul3A_300 = arith.constant 16 : i32
      %mul3A_301 = arith.muli %mul3A_300, %scan3A_11 : i32
      %add3A_302 = arith.constant 13 : i32
      %add3A_303 = arith.addi %mul3A_301, %add3A_302 : i32
      %dma_wait3A_304 = arith.constant 0 : i32
      %dma_wait3A_305 = tpu.memref_slice %arg6[%add3A_303, %dma_wait3A_304] : memref<80x125xi32, #tpu.memory_space<vmem>> -> memref<1x125xi32, #tpu.memory_space<vmem>>
      %dma_wait3A_306 = tpu.memref_squeeze %dma_wait3A_305 : memref<1x125xi32, #tpu.memory_space<vmem>> -> memref<125xi32, #tpu.memory_space<vmem>>
      %dma_wait3A_307 = arith.constant 0 : i32
      %dma_wait3A_308 = arith.constant 0 : i32
      %dma_wait3A_309 = tpu.memref_slice %arg8[%dma_wait3A_307, %dma_wait3A_308] : memref<10240x16xf32, #tpu.memory_space<vmem_shared>> -> memref<10240x16xf32, #tpu.memory_space<vmem_shared>>
      tpu.wait_indirect_dma semaphore(%arg9 : memref<!tpu.dma_semaphore, #tpu.memory_space<semaphore_mem>>) src(%arg7 : memref<125x16xf32, #tpu.memory_space<vmem>>) dst(%dma_wait3A_309 : memref<10240x16xf32, #tpu.memory_space<vmem_shared>>)
      %mul3A_310 = arith.constant 16 : i32
      %mul3A_311 = arith.muli %mul3A_310, %scan3A_11 : i32
      %add3A_312 = arith.constant 14 : i32
      %add3A_313 = arith.addi %mul3A_311, %add3A_312 : i32
      %dma_wait3A_314 = arith.constant 0 : i32
      %dma_wait3A_315 = tpu.memref_slice %arg6[%add3A_313, %dma_wait3A_314] : memref<80x125xi32, #tpu.memory_space<vmem>> -> memref<1x125xi32, #tpu.memory_space<vmem>>
      %dma_wait3A_316 = tpu.memref_squeeze %dma_wait3A_315 : memref<1x125xi32, #tpu.memory_space<vmem>> -> memref<125xi32, #tpu.memory_space<vmem>>
      %dma_wait3A_317 = arith.constant 0 : i32
      %dma_wait3A_318 = arith.constant 0 : i32
      %dma_wait3A_319 = tpu.memref_slice %arg8[%dma_wait3A_317, %dma_wait3A_318] : memref<10240x16xf32, #tpu.memory_space<vmem_shared>> -> memref<10240x16xf32, #tpu.memory_space<vmem_shared>>
      tpu.wait_indirect_dma semaphore(%arg9 : memref<!tpu.dma_semaphore, #tpu.memory_space<semaphore_mem>>) src(%arg7 : memref<125x16xf32, #tpu.memory_space<vmem>>) dst(%dma_wait3A_319 : memref<10240x16xf32, #tpu.memory_space<vmem_shared>>)
      %mul3A_320 = arith.constant 16 : i32
      %mul3A_321 = arith.muli %mul3A_320, %scan3A_11 : i32
      %add3A_322 = arith.constant 15 : i32
      %add3A_323 = arith.addi %mul3A_321, %add3A_322 : i32
      %dma_wait3A_324 = arith.constant 0 : i32
      %dma_wait3A_325 = tpu.memref_slice %arg6[%add3A_323, %dma_wait3A_324] : memref<80x125xi32, #tpu.memory_space<vmem>> -> memref<1x125xi32, #tpu.memory_space<vmem>>
      %dma_wait3A_326 = tpu.memref_squeeze %dma_wait3A_325 : memref<1x125xi32, #tpu.memory_space<vmem>> -> memref<125xi32, #tpu.memory_space<vmem>>
      %dma_wait3A_327 = arith.constant 0 : i32
      %dma_wait3A_328 = arith.constant 0 : i32
      %dma_wait3A_329 = tpu.memref_slice %arg8[%dma_wait3A_327, %dma_wait3A_328] : memref<10240x16xf32, #tpu.memory_space<vmem_shared>> -> memref<10240x16xf32, #tpu.memory_space<vmem_shared>>
      tpu.wait_indirect_dma semaphore(%arg9 : memref<!tpu.dma_semaphore, #tpu.memory_space<semaphore_mem>>) src(%arg7 : memref<125x16xf32, #tpu.memory_space<vmem>>) dst(%dma_wait3A_329 : memref<10240x16xf32, #tpu.memory_space<vmem_shared>>)
    }
    %scan3A_9 = arith.constant 5 : i32
    %barrier3A_10 = arith.constant 0 : index
    tpu.barrier barrier_id(%barrier3A_10)
    "tpu.region"() ({
      %run_scoped3A = tpu.sem_alloc : memref<!tpu.dma_semaphore, #tpu.memory_space<semaphore_mem>>
      %dma_start3A = arith.constant 0 : i32
      %dma_start3A_11 = tpu.memref_slice %arg5[%arg0, %multiple_of3A, %dma_start3A] : memref<2x10240x16xf32, #tpu.memory_space<hbm>> -> memref<1x640x16xf32, #tpu.memory_space<hbm>>
      %dma_start3A_12 = tpu.memref_squeeze %dma_start3A_11 : memref<1x640x16xf32, #tpu.memory_space<hbm>> -> memref<640x16xf32, #tpu.memory_space<hbm>>
      %dma_start3A_13 = arith.constant 0 : i32
      %dma_start3A_14 = tpu.memref_slice %arg8[%multiple_of3A, %dma_start3A_13] : memref<10240x16xf32, #tpu.memory_space<vmem_shared>> -> memref<640x16xf32, #tpu.memory_space<vmem_shared>>
      tpu.enqueue_dma source(%dma_start3A_14 : memref<640x16xf32, #tpu.memory_space<vmem_shared>>) target(%dma_start3A_12 : memref<640x16xf32, #tpu.memory_space<hbm>>) target_semaphore(%run_scoped3A : memref<!tpu.dma_semaphore, #tpu.memory_space<semaphore_mem>>)
      %dma_wait3A = arith.constant 0 : i32
      %dma_wait3A_15 = tpu.memref_slice %arg5[%arg0, %multiple_of3A, %dma_wait3A] : memref<2x10240x16xf32, #tpu.memory_space<hbm>> -> memref<1x640x16xf32, #tpu.memory_space<hbm>>
      %dma_wait3A_16 = tpu.memref_squeeze %dma_wait3A_15 : memref<1x640x16xf32, #tpu.memory_space<hbm>> -> memref<640x16xf32, #tpu.memory_space<hbm>>
      %dma_wait3A_17 = arith.constant 0 : i32
      %dma_wait3A_18 = tpu.memref_slice %arg8[%multiple_of3A, %dma_wait3A_17] : memref<10240x16xf32, #tpu.memory_space<vmem_shared>> -> memref<640x16xf32, #tpu.memory_space<vmem_shared>>
      tpu.wait_dma2 semaphore(%run_scoped3A : memref<!tpu.dma_semaphore, #tpu.memory_space<semaphore_mem>>) src(%dma_wait3A_18 : memref<640x16xf32, #tpu.memory_space<vmem_shared>>) dst(%dma_wait3A_16 : memref<640x16xf32, #tpu.memory_space<hbm>>)
      tpu.yield
    }) : () -> ()
    return
  }
}

module attributes {stable_mosaic.version = 14 : i64} {
  func.func @_mm_body(%arg0: memref<10000x128xf32, #tpu.memory_space<vmem>>, %arg1: memref<128x64xf32, #tpu.memory_space<vmem>>, %arg2: memref<10000x64xf32, #tpu.memory_space<vmem>>) attributes {dimension_semantics = [], scalar_prefetch = 0 : i64, scratch_operands = 0 : i64, tpu.core_type = #tpu.core_type<tc>} {
    %get3A = arith.constant 0 : index
    %get3A_0 = arith.constant 0 : index
    %get3A_1 = vector.load %arg0[%get3A, %get3A_0] : memref<10000x128xf32, #tpu.memory_space<vmem>>, vector<10000x128xf32>
    %get3A_2 = arith.constant 0 : index
    %get3A_3 = arith.constant 0 : index
    %get3A_4 = vector.load %arg1[%get3A_2, %get3A_3] : memref<128x64xf32, #tpu.memory_space<vmem>>, vector<128x64xf32>
    %dot_general3A = arith.constant dense<0.000000e+00> : vector<10000x64xf32>
    %dot_general3A_5 = tpu.matmul %get3A_1, %get3A_4, %dot_general3A {dimension_numbers = #tpu.dot_dimension_numbers<[1], [0], [0], [1], [0, 0, 1, 1], [], []>, transpose_lhs_hint = false} : vector<10000x128xf32>, vector<128x64xf32>, vector<10000x64xf32> -> vector<10000x64xf32>
    %swap3A = arith.constant 0 : index
    %swap3A_6 = arith.constant 0 : index
    %swap3A_7 = vector.load %arg2[%swap3A, %swap3A_6] : memref<10000x64xf32, #tpu.memory_space<vmem>>, vector<10000x64xf32>
    tpu.vector_store %arg2[%swap3A, %swap3A_6], %dot_general3A_5 {strides = array<i32>} : memref<10000x64xf32, #tpu.memory_space<vmem>>, vector<10000x64xf32>,
    return
  }
}

module attributes {stable_mosaic.version = 14 : i64} {
  func.func @_scale_body(%arg0: memref<2x10240x16xf32, #tpu.memory_space<vmem>>, %arg1: memref<10000x64xf32, #tpu.memory_space<vmem>>, %arg2: memref<10240x64xf32, #tpu.memory_space<vmem>>, %arg3: memref<10240x64xf32, #tpu.memory_space<vmem>>) attributes {dimension_semantics = [], scalar_prefetch = 0 : i64, scratch_operands = 0 : i64, tpu.core_type = #tpu.core_type<tc>} {
    %get3A = arith.constant 0 : index
    %get3A_0 = arith.constant 0 : index
    %get3A_1 = arith.constant 0 : index
    %get3A_2 = vector.load %arg0[%get3A, %get3A_0, %get3A_1] : memref<2x10240x16xf32, #tpu.memory_space<vmem>>, vector<1x10240x1xf32>
    %get3A_3 = vector.shape_cast %get3A_2 : vector<1x10240x1xf32> to vector<10240x1xf32>
    %get3A_4 = arith.constant 1 : index
    %get3A_5 = arith.constant 0 : index
    %get3A_6 = arith.constant 0 : index
    %get3A_7 = vector.load %arg0[%get3A_4, %get3A_5, %get3A_6] : memref<2x10240x16xf32, #tpu.memory_space<vmem>>, vector<1x10240x1xf32>
    %get3A_8 = vector.shape_cast %get3A_7 : vector<1x10240x1xf32> to vector<10240x1xf32>
    %add3A = arith.addf %get3A_3, %get3A_8 : vector<10240x1xf32>
    %add3A_9 = arith.constant 1.000000e+00 : f32
    %add3A_10 = vector.broadcast %add3A_9 : f32 to vector<10240x1xf32>
    %add3A_11 = arith.addf %add3A, %add3A_10 : vector<10240x1xf32>
    %rsqrt3A = math.rsqrt %add3A_11 : vector<10240x1xf32>
    %broadcast_in_dim3A = vector.shape_cast %rsqrt3A : vector<10240x1xf32> to vector<10240x1xf32>
    %broadcast_in_dim3A_12 = vector.broadcast %broadcast_in_dim3A : vector<10240x1xf32> to vector<10240x64xf32>
    %swap3A = arith.constant 0 : index
    %swap3A_13 = arith.constant 0 : index
    %swap3A_14 = vector.load %arg3[%swap3A, %swap3A_13] : memref<10240x64xf32, #tpu.memory_space<vmem>>, vector<10240x64xf32>
    tpu.vector_store %arg3[%swap3A, %swap3A_13], %broadcast_in_dim3A_12 {strides = array<i32>} : memref<10240x64xf32, #tpu.memory_space<vmem>>, vector<10240x64xf32>,
    %slice3A = vector.extract_strided_slice %rsqrt3A {offsets = [0, 0], sizes = [10000, 1], strides = [1, 1]} : vector<10240x1xf32> to vector<10000x1xf32>
    %get3A_15 = arith.constant 0 : index
    %get3A_16 = arith.constant 0 : index
    %get3A_17 = vector.load %arg1[%get3A_15, %get3A_16] : memref<10000x64xf32, #tpu.memory_space<vmem>>, vector<10000x64xf32>
    %mul3A = vector.broadcast %slice3A : vector<10000x1xf32> to vector<10000x64xf32>
    %mul3A_18 = arith.mulf %mul3A, %get3A_17 : vector<10000x64xf32>
    %swap3A_19 = arith.constant 0 : index
    %swap3A_20 = arith.constant 0 : index
    %swap3A_21 = vector.load %arg2[%swap3A_19, %swap3A_20] : memref<10240x64xf32, #tpu.memory_space<vmem>>, vector<10000x64xf32>
    tpu.vector_store %arg2[%swap3A_19, %swap3A_20], %mul3A_18 {strides = array<i32>} : memref<10240x64xf32, #tpu.memory_space<vmem>>, vector<10000x64xf32>,
    %broadcast_in_dim3A_22 = arith.constant 0.000000e+00 : f32
    %broadcast_in_dim3A_23 = vector.broadcast %broadcast_in_dim3A_22 : f32 to vector<240x64xf32>
    %swap3A_24 = arith.constant 10000 : index
    %swap3A_25 = arith.constant 0 : index
    %swap3A_26 = vector.load %arg2[%swap3A_24, %swap3A_25] : memref<10240x64xf32, #tpu.memory_space<vmem>>, vector<240x64xf32>
    tpu.vector_store %arg2[%swap3A_24, %swap3A_25], %broadcast_in_dim3A_23 {strides = array<i32>} : memref<10240x64xf32, #tpu.memory_space<vmem>>, vector<240x64xf32>,
    return
  }
}

module attributes {stable_mosaic.version = 14 : i64} {
  func.func @_bn_relu_scale_body(%arg0: memref<10240x64xf32, #tpu.memory_space<vmem>>, %arg1: memref<2x10240x64xf32, #tpu.memory_space<vmem>>, %arg2: memref<1x64xf32, #tpu.memory_space<vmem>>, %arg3: memref<1x64xf32, #tpu.memory_space<vmem>>, %arg4: memref<1x64xf32, #tpu.memory_space<vmem>>, %arg5: memref<10240x64xf32, #tpu.memory_space<vmem>>) attributes {dimension_semantics = [], scalar_prefetch = 0 : i64, scratch_operands = 0 : i64, tpu.core_type = #tpu.core_type<tc>} {
    %get3A = arith.constant 0 : index
    %get3A_0 = arith.constant 0 : index
    %get3A_1 = vector.load %arg0[%get3A, %get3A_0] : memref<10240x64xf32, #tpu.memory_space<vmem>>, vector<10000x64xf32>
    %get3A_2 = arith.constant 0 : index
    %get3A_3 = arith.constant 0 : index
    %get3A_4 = arith.constant 0 : index
    %get3A_5 = vector.load %arg1[%get3A_2, %get3A_3, %get3A_4] : memref<2x10240x64xf32, #tpu.memory_space<vmem>>, vector<1x10000x64xf32>
    %get3A_6 = vector.shape_cast %get3A_5 : vector<1x10000x64xf32> to vector<10000x64xf32>
    %get3A_7 = arith.constant 1 : index
    %get3A_8 = arith.constant 0 : index
    %get3A_9 = arith.constant 0 : index
    %get3A_10 = vector.load %arg1[%get3A_7, %get3A_8, %get3A_9] : memref<2x10240x64xf32, #tpu.memory_space<vmem>>, vector<1x10000x64xf32>
    %get3A_11 = vector.shape_cast %get3A_10 : vector<1x10000x64xf32> to vector<10000x64xf32>
    %add3A = arith.addf %get3A_6, %get3A_11 : vector<10000x64xf32>
    %mul3A = arith.mulf %get3A_1, %add3A : vector<10000x64xf32>
    %get3A_12 = arith.constant 0 : index
    %get3A_13 = arith.constant 0 : index
    %get3A_14 = vector.load %arg4[%get3A_12, %get3A_13] : memref<1x64xf32, #tpu.memory_space<vmem>>, vector<1x64xf32>
    %add3A_15 = vector.broadcast %get3A_14 : vector<1x64xf32> to vector<10000x64xf32>
    %add3A_16 = arith.addf %mul3A, %add3A_15 : vector<10000x64xf32>
    %reduce_sum3A = arith.constant dense<0.000000e+00> : vector<64xf32>
    %reduce_sum3A_17 = vector.multi_reduction <add>, %add3A_16, %reduce_sum3A [0] : vector<10000x64xf32> to vector<64xf32>
    %broadcast_in_dim3A = vector.shape_cast %reduce_sum3A_17 : vector<64xf32> to vector<1x64xf32>
    %div3A = arith.constant 1.000000e+04 : f32
    %div3A_18 = vector.broadcast %div3A : f32 to vector<1x64xf32>
    %div3A_19 = arith.divf %broadcast_in_dim3A, %div3A_18 : vector<1x64xf32>
    %sub3A = vector.broadcast %div3A_19 : vector<1x64xf32> to vector<10000x64xf32>
    %sub3A_20 = arith.subf %add3A_16, %sub3A : vector<10000x64xf32>
    %integer_pow3A = arith.mulf %sub3A_20, %sub3A_20 : vector<10000x64xf32>
    %reduce_sum3A_21 = arith.constant dense<0.000000e+00> : vector<64xf32>
    %reduce_sum3A_22 = vector.multi_reduction <add>, %integer_pow3A, %reduce_sum3A_21 [0] : vector<10000x64xf32> to vector<64xf32>
    %broadcast_in_dim3A_23 = vector.shape_cast %reduce_sum3A_22 : vector<64xf32> to vector<1x64xf32>
    %div3A_24 = arith.constant 1.000000e+04 : f32
    %div3A_25 = vector.broadcast %div3A_24 : f32 to vector<1x64xf32>
    %div3A_26 = arith.divf %broadcast_in_dim3A_23, %div3A_25 : vector<1x64xf32>
    %sub3A_27 = vector.broadcast %div3A_19 : vector<1x64xf32> to vector<10000x64xf32>
    %sub3A_28 = arith.subf %add3A_16, %sub3A_27 : vector<10000x64xf32>
    %add3A_29 = arith.constant 9.99999974E-6 : f32
    %add3A_30 = vector.broadcast %add3A_29 : f32 to vector<1x64xf32>
    %add3A_31 = arith.addf %div3A_26, %add3A_30 : vector<1x64xf32>
    %rsqrt3A = math.rsqrt %add3A_31 : vector<1x64xf32>
    %mul3A_32 = vector.broadcast %rsqrt3A : vector<1x64xf32> to vector<10000x64xf32>
    %mul3A_33 = arith.mulf %sub3A_28, %mul3A_32 : vector<10000x64xf32>
    %get3A_34 = arith.constant 0 : index
    %get3A_35 = arith.constant 0 : index
    %get3A_36 = vector.load %arg2[%get3A_34, %get3A_35] : memref<1x64xf32, #tpu.memory_space<vmem>>, vector<1x64xf32>
    %mul3A_37 = vector.broadcast %get3A_36 : vector<1x64xf32> to vector<10000x64xf32>
    %mul3A_38 = arith.mulf %mul3A_33, %mul3A_37 : vector<10000x64xf32>
    %get3A_39 = arith.constant 0 : index
    %get3A_40 = arith.constant 0 : index
    %get3A_41 = vector.load %arg3[%get3A_39, %get3A_40] : memref<1x64xf32, #tpu.memory_space<vmem>>, vector<1x64xf32>
    %add3A_42 = vector.broadcast %get3A_41 : vector<1x64xf32> to vector<10000x64xf32>
    %add3A_43 = arith.addf %mul3A_38, %add3A_42 : vector<10000x64xf32>
    %max3A = arith.constant 0.000000e+00 : f32
    %max3A_44 = vector.broadcast %max3A : f32 to vector<10000x64xf32>
    %max3A_45 = arith.maximumf %add3A_43, %max3A_44 : vector<10000x64xf32>
    %mul3A_46 = arith.mulf %get3A_1, %max3A_45 : vector<10000x64xf32>
    %swap3A = arith.constant 0 : index
    %swap3A_47 = arith.constant 0 : index
    %swap3A_48 = vector.load %arg5[%swap3A, %swap3A_47] : memref<10240x64xf32, #tpu.memory_space<vmem>>, vector<10000x64xf32>
    tpu.vector_store %arg5[%swap3A, %swap3A_47], %mul3A_46 {strides = array<i32>} : memref<10240x64xf32, #tpu.memory_space<vmem>>, vector<10000x64xf32>,
    %broadcast_in_dim3A_49 = arith.constant 0.000000e+00 : f32
    %broadcast_in_dim3A_50 = vector.broadcast %broadcast_in_dim3A_49 : f32 to vector<240x64xf32>
    %swap3A_51 = arith.constant 10000 : index
    %swap3A_52 = arith.constant 0 : index
    %swap3A_53 = vector.load %arg5[%swap3A_51, %swap3A_52] : memref<10240x64xf32, #tpu.memory_space<vmem>>, vector<240x64xf32>
    tpu.vector_store %arg5[%swap3A_51, %swap3A_52], %broadcast_in_dim3A_50 {strides = array<i32>} : memref<10240x64xf32, #tpu.memory_space<vmem>>, vector<240x64xf32>,
    return
  }
}

module attributes {stable_mosaic.version = 14 : i64} {
  func.func @_layer2_body(%arg0: memref<10240x64xf32, #tpu.memory_space<vmem>>, %arg1: memref<2x10240x64xf32, #tpu.memory_space<vmem>>, %arg2: memref<64x128xf32, #tpu.memory_space<vmem>>, %arg3: memref<1x128xf32, #tpu.memory_space<vmem>>, %arg4: memref<1x128xf32, #tpu.memory_space<vmem>>, %arg5: memref<1x128xf32, #tpu.memory_space<vmem>>, %arg6: memref<128x10xf32, #tpu.memory_space<vmem>>, %arg7: memref<10240x16xf32, #tpu.memory_space<vmem>>) attributes {dimension_semantics = [], scalar_prefetch = 0 : i64, scratch_operands = 0 : i64, tpu.core_type = #tpu.core_type<tc>} {
    %get3A = arith.constant 0 : index
    %get3A_0 = arith.constant 0 : index
    %get3A_1 = vector.load %arg0[%get3A, %get3A_0] : memref<10240x64xf32, #tpu.memory_space<vmem>>, vector<10000x64xf32>
    %get3A_2 = arith.constant 0 : index
    %get3A_3 = arith.constant 0 : index
    %get3A_4 = arith.constant 0 : index
    %get3A_5 = vector.load %arg1[%get3A_2, %get3A_3, %get3A_4] : memref<2x10240x64xf32, #tpu.memory_space<vmem>>, vector<1x10000x64xf32>
    %get3A_6 = vector.shape_cast %get3A_5 : vector<1x10000x64xf32> to vector<10000x64xf32>
    %get3A_7 = arith.constant 1 : index
    %get3A_8 = arith.constant 0 : index
    %get3A_9 = arith.constant 0 : index
    %get3A_10 = vector.load %arg1[%get3A_7, %get3A_8, %get3A_9] : memref<2x10240x64xf32, #tpu.memory_space<vmem>>, vector<1x10000x64xf32>
    %get3A_11 = vector.shape_cast %get3A_10 : vector<1x10000x64xf32> to vector<10000x64xf32>
    %add3A = arith.addf %get3A_6, %get3A_11 : vector<10000x64xf32>
    %mul3A = arith.mulf %get3A_1, %add3A : vector<10000x64xf32>
    %get3A_12 = arith.constant 0 : index
    %get3A_13 = arith.constant 0 : index
    %get3A_14 = vector.load %arg2[%get3A_12, %get3A_13] : memref<64x128xf32, #tpu.memory_space<vmem>>, vector<64x128xf32>
    %dot_general3A = arith.constant dense<0.000000e+00> : vector<10000x128xf32>
    %dot_general3A_15 = tpu.matmul %mul3A, %get3A_14, %dot_general3A {dimension_numbers = #tpu.dot_dimension_numbers<[1], [0], [0], [1], [0, 0, 1, 1], [], []>, transpose_lhs_hint = false} : vector<10000x64xf32>, vector<64x128xf32>, vector<10000x128xf32> -> vector<10000x128xf32>
    %get3A_16 = arith.constant 0 : index
    %get3A_17 = arith.constant 0 : index
    %get3A_18 = vector.load %arg3[%get3A_16, %get3A_17] : memref<1x128xf32, #tpu.memory_space<vmem>>, vector<1x128xf32>
    %add3A_19 = vector.broadcast %get3A_18 : vector<1x128xf32> to vector<10000x128xf32>
    %add3A_20 = arith.addf %dot_general3A_15, %add3A_19 : vector<10000x128xf32>
    %reduce_sum3A = arith.constant dense<0.000000e+00> : vector<128xf32>
    %reduce_sum3A_21 = vector.multi_reduction <add>, %add3A_20, %reduce_sum3A [0] : vector<10000x128xf32> to vector<128xf32>
    %broadcast_in_dim3A = vector.shape_cast %reduce_sum3A_21 : vector<128xf32> to vector<1x128xf32>
    %div3A = arith.constant 1.000000e+04 : f32
    %div3A_22 = vector.broadcast %div3A : f32 to vector<1x128xf32>
    %div3A_23 = arith.divf %broadcast_in_dim3A, %div3A_22 : vector<1x128xf32>
    %sub3A = vector.broadcast %div3A_23 : vector<1x128xf32> to vector<10000x128xf32>
    %sub3A_24 = arith.subf %add3A_20, %sub3A : vector<10000x128xf32>
    %integer_pow3A = arith.mulf %sub3A_24, %sub3A_24 : vector<10000x128xf32>
    %reduce_sum3A_25 = arith.constant dense<0.000000e+00> : vector<128xf32>
    %reduce_sum3A_26 = vector.multi_reduction <add>, %integer_pow3A, %reduce_sum3A_25 [0] : vector<10000x128xf32> to vector<128xf32>
    %broadcast_in_dim3A_27 = vector.shape_cast %reduce_sum3A_26 : vector<128xf32> to vector<1x128xf32>
    %div3A_28 = arith.constant 1.000000e+04 : f32
    %div3A_29 = vector.broadcast %div3A_28 : f32 to vector<1x128xf32>
    %div3A_30 = arith.divf %broadcast_in_dim3A_27, %div3A_29 : vector<1x128xf32>
    %sub3A_31 = vector.broadcast %div3A_23 : vector<1x128xf32> to vector<10000x128xf32>
    %sub3A_32 = arith.subf %add3A_20, %sub3A_31 : vector<10000x128xf32>
    %add3A_33 = arith.constant 9.99999974E-6 : f32
    %add3A_34 = vector.broadcast %add3A_33 : f32 to vector<1x128xf32>
    %add3A_35 = arith.addf %div3A_30, %add3A_34 : vector<1x128xf32>
    %rsqrt3A = math.rsqrt %add3A_35 : vector<1x128xf32>
    %mul3A_36 = vector.broadcast %rsqrt3A : vector<1x128xf32> to vector<10000x128xf32>
    %mul3A_37 = arith.mulf %sub3A_32, %mul3A_36 : vector<10000x128xf32>
    %get3A_38 = arith.constant 0 : index
    %get3A_39 = arith.constant 0 : index
    %get3A_40 = vector.load %arg4[%get3A_38, %get3A_39] : memref<1x128xf32, #tpu.memory_space<vmem>>, vector<1x128xf32>
    %mul3A_41 = vector.broadcast %get3A_40 : vector<1x128xf32> to vector<10000x128xf32>
    %mul3A_42 = arith.mulf %mul3A_37, %mul3A_41 : vector<10000x128xf32>
    %get3A_43 = arith.constant 0 : index
    %get3A_44 = arith.constant 0 : index
    %get3A_45 = vector.load %arg5[%get3A_43, %get3A_44] : memref<1x128xf32, #tpu.memory_space<vmem>>, vector<1x128xf32>
    %add3A_46 = vector.broadcast %get3A_45 : vector<1x128xf32> to vector<10000x128xf32>
    %add3A_47 = arith.addf %mul3A_42, %add3A_46 : vector<10000x128xf32>
    %max3A = arith.constant 0.000000e+00 : f32
    %max3A_48 = vector.broadcast %max3A : f32 to vector<10000x128xf32>
    %max3A_49 = arith.maximumf %add3A_47, %max3A_48 : vector<10000x128xf32>
    %slice3A = vector.extract_strided_slice %get3A_1 {offsets = [0, 0], sizes = [10000, 10], strides = [1, 1]} : vector<10000x64xf32> to vector<10000x10xf32>
    %get3A_50 = arith.constant 0 : index
    %get3A_51 = arith.constant 0 : index
    %get3A_52 = vector.load %arg6[%get3A_50, %get3A_51] : memref<128x10xf32, #tpu.memory_space<vmem>>, vector<128x10xf32>
    %dot_general3A_53 = arith.constant dense<0.000000e+00> : vector<10000x10xf32>
    %dot_general3A_54 = tpu.matmul %max3A_49, %get3A_52, %dot_general3A_53 {dimension_numbers = #tpu.dot_dimension_numbers<[1], [0], [0], [1], [0, 0, 1, 1], [], []>, transpose_lhs_hint = false} : vector<10000x128xf32>, vector<128x10xf32>, vector<10000x10xf32> -> vector<10000x10xf32>
    %mul3A_55 = arith.mulf %slice3A, %dot_general3A_54 : vector<10000x10xf32>
    %swap3A = arith.constant 0 : index
    %swap3A_56 = arith.constant 0 : index
    %swap3A_57 = vector.load %arg7[%swap3A, %swap3A_56] : memref<10240x16xf32, #tpu.memory_space<vmem>>, vector<10000x10xf32>
    tpu.vector_store %arg7[%swap3A, %swap3A_56], %mul3A_55 {strides = array<i32>} : memref<10240x16xf32, #tpu.memory_space<vmem>>, vector<10000x10xf32>,
    %broadcast_in_dim3A_58 = arith.constant 0.000000e+00 : f32
    %broadcast_in_dim3A_59 = vector.broadcast %broadcast_in_dim3A_58 : f32 to vector<10000x6xf32>
    %swap3A_60 = arith.constant 0 : index
    %swap3A_61 = arith.constant 10 : index
    %swap3A_62 = vector.load %arg7[%swap3A_60, %swap3A_61] : memref<10240x16xf32, #tpu.memory_space<vmem>>, vector<10000x6xf32>
    tpu.vector_store %arg7[%swap3A_60, %swap3A_61], %broadcast_in_dim3A_59 {strides = array<i32>} : memref<10240x16xf32, #tpu.memory_space<vmem>>, vector<10000x6xf32>,
    %broadcast_in_dim3A_63 = arith.constant 0.000000e+00 : f32
    %broadcast_in_dim3A_64 = vector.broadcast %broadcast_in_dim3A_63 : f32 to vector<240x16xf32>
    %swap3A_65 = arith.constant 10000 : index
    %swap3A_66 = arith.constant 0 : index
    %swap3A_67 = vector.load %arg7[%swap3A_65, %swap3A_66] : memref<10240x16xf32, #tpu.memory_space<vmem>>, vector<240x16xf32>
    tpu.vector_store %arg7[%swap3A_65, %swap3A_66], %broadcast_in_dim3A_64 {strides = array<i32>} : memref<10240x16xf32, #tpu.memory_space<vmem>>, vector<240x16xf32>,
    return
  }
}

module attributes {stable_mosaic.version = 14 : i64} {
  func.func @_pool_body(%arg0: memref<10240x64xf32, #tpu.memory_space<vmem>>, %arg1: memref<2x10240x16xf32, #tpu.memory_space<vmem>>, %arg2: memref<1x10000xi32, #tpu.memory_space<vmem>>, %arg3: memref<1x10xf32, #tpu.memory_space<vmem>>, %arg4: memref<64x10xf32, #tpu.memory_space<vmem>>) attributes {dimension_semantics = [], scalar_prefetch = 0 : i64, scratch_operands = 0 : i64, tpu.core_type = #tpu.core_type<tc>} {
    %get3A = arith.constant 0 : index
    %get3A_0 = arith.constant 0 : index
    %get3A_1 = vector.load %arg0[%get3A, %get3A_0] : memref<10240x64xf32, #tpu.memory_space<vmem>>, vector<10000x16xf32>
    %get3A_2 = arith.constant 0 : index
    %get3A_3 = arith.constant 0 : index
    %get3A_4 = arith.constant 0 : index
    %get3A_5 = vector.load %arg1[%get3A_2, %get3A_3, %get3A_4] : memref<2x10240x16xf32, #tpu.memory_space<vmem>>, vector<1x10000x16xf32>
    %get3A_6 = vector.shape_cast %get3A_5 : vector<1x10000x16xf32> to vector<10000x16xf32>
    %get3A_7 = arith.constant 1 : index
    %get3A_8 = arith.constant 0 : index
    %get3A_9 = arith.constant 0 : index
    %get3A_10 = vector.load %arg1[%get3A_7, %get3A_8, %get3A_9] : memref<2x10240x16xf32, #tpu.memory_space<vmem>>, vector<1x10000x16xf32>
    %get3A_11 = vector.shape_cast %get3A_10 : vector<1x10000x16xf32> to vector<10000x16xf32>
    %add3A = arith.addf %get3A_6, %get3A_11 : vector<10000x16xf32>
    %mul3A = arith.mulf %get3A_1, %add3A : vector<10000x16xf32>
    %iota3A = tpu.iota {dimensions = array<i32: 0>} : vector<64x1xi32>
    %get3A_12 = arith.constant 0 : index
    %get3A_13 = arith.constant 0 : index
    %get3A_14 = vector.load %arg2[%get3A_12, %get3A_13] : memref<1x10000xi32, #tpu.memory_space<vmem>>, vector<1x10000xi32>
    %eq3A = vector.broadcast %iota3A : vector<64x1xi32> to vector<64x10000xi32>
    %eq3A_15 = vector.broadcast %get3A_14 : vector<1x10000xi32> to vector<64x10000xi32>
    %eq3A_16 = arith.cmpi eq, %eq3A, %eq3A_15 : vector<64x10000xi32>
    %convert_element_type3A = arith.extui %eq3A_16 : vector<64x10000xi1> to vector<64x10000xi32>
    %convert_element_type3A_17 = arith.sitofp %convert_element_type3A : vector<64x10000xi32> to vector<64x10000xf32>
    %dot_general3A = arith.constant dense<0.000000e+00> : vector<64x16xf32>
    %dot_general3A_18 = tpu.matmul %convert_element_type3A_17, %mul3A, %dot_general3A {dimension_numbers = #tpu.dot_dimension_numbers<[1], [0], [0], [1], [0, 0, 1, 1], [], []>, transpose_lhs_hint = false} : vector<64x10000xf32>, vector<10000x16xf32>, vector<64x16xf32> -> vector<64x16xf32>
    %broadcast_in_dim3A = arith.constant 1.000000e+00 : f32
    %broadcast_in_dim3A_19 = vector.broadcast %broadcast_in_dim3A : f32 to vector<10000x1xf32>
    %dot_general3A_20 = arith.constant dense<0.000000e+00> : vector<64x1xf32>
    %dot_general3A_21 = tpu.matmul %convert_element_type3A_17, %broadcast_in_dim3A_19, %dot_general3A_20 {dimension_numbers = #tpu.dot_dimension_numbers<[1], [0], [0], [1], [0, 0, 1, 1], [], []>, transpose_lhs_hint = false} : vector<64x10000xf32>, vector<10000x1xf32>, vector<64x1xf32> -> vector<64x1xf32>
    %slice3A = vector.extract_strided_slice %dot_general3A_18 {offsets = [0, 0], sizes = [64, 10], strides = [1, 1]} : vector<64x16xf32> to vector<64x10xf32>
    %max3A = arith.constant 1.000000e+00 : f32
    %max3A_22 = vector.broadcast %max3A : f32 to vector<64x1xf32>
    %max3A_23 = arith.maximumf %dot_general3A_21, %max3A_22 : vector<64x1xf32>
    %div3A = vector.broadcast %max3A_23 : vector<64x1xf32> to vector<64x10xf32>
    %div3A_24 = arith.divf %slice3A, %div3A : vector<64x10xf32>
    %get3A_25 = arith.constant 0 : index
    %get3A_26 = arith.constant 0 : index
    %get3A_27 = vector.load %arg3[%get3A_25, %get3A_26] : memref<1x10xf32, #tpu.memory_space<vmem>>, vector<1x10xf32>
    %add3A_28 = vector.broadcast %get3A_27 : vector<1x10xf32> to vector<64x10xf32>
    %add3A_29 = arith.addf %div3A_24, %add3A_28 : vector<64x10xf32>
    %reduce_max3A = arith.constant dense<0xFF800000> : vector<64xf32>
    %reduce_max3A_30 = vector.multi_reduction <maximumf>, %add3A_29, %reduce_max3A [1] : vector<64x10xf32> to vector<64xf32>
    %broadcast_in_dim3A_31 = vector.shape_cast %reduce_max3A_30 : vector<64xf32> to vector<64x1xf32>
    %sub3A = vector.broadcast %broadcast_in_dim3A_31 : vector<64x1xf32> to vector<64x10xf32>
    %sub3A_32 = arith.subf %add3A_29, %sub3A : vector<64x10xf32>
    %exp3A = math.exp %sub3A_32 : vector<64x10xf32>
    %reduce_sum3A = arith.constant dense<0.000000e+00> : vector<64xf32>
    %reduce_sum3A_33 = vector.multi_reduction <add>, %exp3A, %reduce_sum3A [1] : vector<64x10xf32> to vector<64xf32>
    %broadcast_in_dim3A_34 = vector.shape_cast %reduce_sum3A_33 : vector<64xf32> to vector<64x1xf32>
    %log3A = math.log %broadcast_in_dim3A_34 : vector<64x1xf32>
    %add3A_35 = arith.addf %log3A, %broadcast_in_dim3A_31 : vector<64x1xf32>
    %sub3A_36 = vector.broadcast %add3A_35 : vector<64x1xf32> to vector<64x10xf32>
    %sub3A_37 = arith.subf %add3A_29, %sub3A_36 : vector<64x10xf32>
    %swap3A = arith.constant 0 : index
    %swap3A_38 = arith.constant 0 : index
    %swap3A_39 = vector.load %arg4[%swap3A, %swap3A_38] : memref<64x10xf32, #tpu.memory_space<vmem>>, vector<64x10xf32>
    tpu.vector_store %arg4[%swap3A, %swap3A_38], %sub3A_37 {strides = array<i32>} : memref<64x10xf32, #tpu.memory_space<vmem>>, vector<64x10xf32>,
    return
  }
}

</mosaic_0001>

<sc_bundles>
// kernel: kernel.11.cloned.1.call-start
scs
__scs_entry_jumppad:
0x0: {  	(pc) =	sbr.rel $0x88, $3  }
0x1: {  	(tag) =	ssettag $0x0;
	lr =	simm.s32 $0x1  }
0x2: {  	[smem:$0x3F94] =	sst lr;
	_ =	strace $0xD0000000  }
0x3: {  	_ = 	snop  }
0x4: {  	_ = 	snop  }
0x5: {  	_ = 	snop  }
0x6: {  	_ = 	snop  }
0x7: {  	_ = 	snop  }
__scs_overlays_trampoline_lowered:
0x8: {  	[smem:$0x3FA3] =	sst s0  }
0x9: {  	[smem:$0x3FA4] =	sst s1  }
0xa: {  	[smem:$0x3FA5] =	sst s2  }
0xb: {  	[smem:$0x3FA6] =	sst s3  }
0xc: {  	[smem:$0x3FA7] =	sst s4  }
0xd: {  	[smem:$0x3FA8] =	sst s5  }
0xe: {  	[smem:$0x3FA9] =	sst s6  }
0xf: {  	[smem:$0x3FAA] =	sst s7  }
0x10: {  	[smem:$0x3FAB] =	sst s8  }
0x11: {  	[smem:$0x3FAC] =	sst s9;
	s0 =	simm.s32 @!p0 $0x0  }
0x12: {  	s1 =	sld [smem:$0x3F92];
	s0 =	simm.s32 @p0 $0x1  }
0x13: {  	[smem:$0x3FAD] =	sst s0;
	s0 =	simm.s32 @!p1 $0x0  }
0x14: {  	s2 =	sld [smem:$0x3F91];
	s0 =	simm.s32 @p1 $0x1  }
0x15: {  	[smem:$0x3FAE] =	sst s0;
	s0 =	simm.s32 @!p2 $0x0  }
0x16: {  	s3 =	sld [smem:$0x3FDB];
	s0 =	simm.s32 @p2 $0x1  }
0x17: {  	s4 =	simm.s32 $0x1BF5;
	[smem:$0x3FB0] =	sst s0  }
0x18: {  	s0 =	sld [smem:$0x3F93];
	_ =	swait.ge [sflag:s4], $0x0  }
0x19: {  	s7 =	sld [smem:$0x3F94]  }
0x1a: {  	s8 =	sadd.s32 $0xFFFFE003, lr  }
0x1b: {  	s9 =	sadd.s32 $0xFFFFFEF7, lr;
	s5 =	simm.s32 $0xFFFFFFFF;
	p2 =	slt.u32 s8, $0xFFFFF086  }
0x1c: {  	p1 =	slt.u32 s9, $0xF7A;
	s5 =	simm.s32 @!p2 $0x0  }
0x1d: {  	s5 =	simm.s32 @p1 $0x1;
	p0 =	seq.s32 s7, s2  }
0x1e: {  	s7 =	smul.u32 @!p0 $0xF7A, s2;
	p2 =	seq.s32 @!p0 s5, $0x0  }
0x1f: {  	s9 =	smul.u32 $0xF7A, s1;
	s8 =	simm.s32 @!p0 $0x1BF5;
	p2 =	por !p2, p0  }
0x20: {  	[sflag:s8] =	ssyncset.s32 @!p0 $0xFFFFF086;
	s6 =	sadd.s32 @!p0 s3, s7;
	s7 =	simm.s32 @!p0 $0x108  }
0x21: {  	s3 =	sadd.s32 s3, s9;
	s6 =	sadd.s32 @!p0 $0x88, s6;
	s7 =	simm.s32 @p2 $0x1082  }
0x22: {  	[simem:s7], [sflag:s8] =	dma.local @!p0 [hbm:s6], $0xF7A  }
0x23: {  	s9 =	sor.u32 $0xD0000000, s2;
	s6 =	simm.s32 $0x108;
	_ =	swait.ge @!p0 [sflag:s8], $0x0  }
0x24: {  	s3 =	sadd.s32 $0x88, s3;
	s6 =	simm.s32 @!p1 $0x1082;
	[sflag:s4] =	ssyncset.s32 $0xFFFFF086  }
0x25: {  	[simem:s6], [sflag:s4] =	dma.local [hbm:s3], $0xF7A  }
0x26: {  	[smem:$0x3F94] =	sst s1;
	(tag) =	ssettag s2;
	_ =	strace s9  }
0x27: {  	s1 =	sld [smem:$0x3FA4]  }
0x28: {  	s2 =	sld [smem:$0x3FA5]  }
0x29: {  	s4 =	sld [smem:$0x3FA7]  }
0x2a: {  	p0 =	seq.s32 s5, $0x0;
	s5 =	sld [smem:$0x3FA8]  }
0x2b: {  	s6 =	sld [smem:$0x3FA9]  }
0x2c: {  	s7 =	sld [smem:$0x3FAA]  }
0x2d: {  	s3 =	simm.s32 $0x108;
	s8 =	sld [smem:$0x3FAB]  }
0x2e: {  	s3 =	simm.s32 @!p0 $0x1082;
	s9 =	sld [smem:$0x3FAC]  }
0x2f: {  	lr =	sadd.s32 s0, s3;
	s0 =	sld [smem:$0x3FA3]  }
0x30: {  	s3 =	sld [smem:$0x3FA6]  }
0x31: {  	[smem:$0x3FAF] =	sst s10  }
0x32: {  	s10 =	sld [smem:$0x3FAD];
	_ =	sdelay $0x3  }
0x33: {  	p0 =	seq.s32 s10, $0x1;
	s10 =	sld [smem:$0x3FAF];
	_ =	sdelay $0x3  }
0x34: {  	[smem:$0x3FAF] =	sst s10  }
0x35: {  	s10 =	sld [smem:$0x3FAE];
	_ =	sdelay $0x3  }
0x36: {  	p1 =	seq.s32 s10, $0x1;
	s10 =	sld [smem:$0x3FAF];
	_ =	sdelay $0x3  }
0x37: {  	[smem:$0x3FAF] =	sst s10  }
0x38: {  	s10 =	sld [smem:$0x3FB0]  }
0x39: {  	_ = 	snop;
	(pc) =	sbr.ind lr, $3  }
0x3a: {  	_ = 	snop  }
0x3b: {  	_ = 	snop  }
0x3c: {  	p2 =	seq.s32 s10, $0x1;
	s10 =	sld [smem:$0x3FAF]  }
0x3d: {  	_ =	shalt  }
0x3e: {  	_ =	shalt  }
0x3f: {  	_ =	shalt  }
0x40: {  	_ =	shalt  }
0x41: {  	_ =	shalt  }
0x42: {  	_ =	shalt  }
0x43: {  	_ =	shalt  }
0x44: {  	_ =	shalt  }
0x45: {  	_ =	shalt  }
0x46: {  	_ =	shalt  }
0x47: {  	_ =	shalt  }
0x48: {  	_ =	shalt  }
0x49: {  	_ =	shalt  }
0x4a: {  	_ =	shalt  }
0x4b: {  	_ =	shalt  }
0x4c: {  	_ =	shalt  }
0x4d: {  	_ =	shalt  }
0x4e: {  	_ =	shalt  }
0x4f: {  	_ =	shalt  }
0x50: {  	_ =	shalt  }
0x51: {  	_ =	shalt  }
0x52: {  	_ =	shalt  }
0x53: {  	_ =	shalt  }
0x54: {  	_ =	shalt  }
0x55: {  	_ =	shalt  }
0x56: {  	_ =	shalt  }
0x57: {  	_ =	shalt  }
0x58: {  	_ =	shalt  }
0x59: {  	_ =	shalt  }
0x5a: {  	_ =	shalt  }
0x5b: {  	_ =	shalt  }
0x5c: {  	_ =	shalt  }
0x5d: {  	_ =	shalt  }
0x5e: {  	_ =	shalt  }
0x5f: {  	_ =	shalt  }
0x60: {  	_ =	shalt  }
0x61: {  	_ =	shalt  }
0x62: {  	_ =	shalt  }
0x63: {  	_ =	shalt  }
0x64: {  	_ =	shalt  }
0x65: {  	_ =	shalt  }
0x66: {  	_ =	shalt  }
0x67: {  	_ =	shalt  }
0x68: {  	_ =	shalt  }
0x69: {  	_ =	shalt  }
0x6a: {  	_ =	shalt  }
0x6b: {  	_ =	shalt  }
0x6c: {  	_ =	shalt  }
0x6d: {  	_ =	shalt  }
0x6e: {  	_ =	shalt  }
0x6f: {  	_ =	shalt  }
0x70: {  	_ =	shalt  }
0x71: {  	_ =	shalt  }
0x72: {  	_ =	shalt  }
0x73: {  	_ =	shalt  }
0x74: {  	_ =	shalt  }
0x75: {  	_ =	shalt  }
0x76: {  	_ =	shalt  }
0x77: {  	_ =	shalt  }
0x78: {  	_ =	shalt  }
0x79: {  	_ =	shalt  }
0x7a: {  	_ =	shalt  }
0x7b: {  	_ =	shalt  }
0x7c: {  	_ =	shalt  }
0x7d: {  	_ =	shalt  }
0x7e: {  	_ =	shalt  }
0x7f: {  	_ =	shalt  }
0x80: {  	_ =	shalt  }
0x81: {  	_ =	shalt  }
0x82: {  	_ =	shalt  }
0x83: {  	_ =	shalt  }
0x84: {  	_ =	shalt  }
0x85: {  	_ =	shalt  }
0x86: {  	_ =	shalt  }
0x87: {  	_ =	shalt  }
.Lfunc_end0:
.L_simem_size_0:
called_computation_lowered:
.L_overlay_start_0:
0x88: {  	s2 =	sld [smem:$0x3FD9]  }
0x89: {  	s3 =	sld [smem:$0x3FFE];
	_ =	sdelay $0x1  }
0x8a: {  	s1 =	srdreg.scid  }
0x8b: {  	s0 =	sand.u32 $0x1, s1  }
0x8c: {  	s17 =	sshll.u32 s0, $0xA;
	s2 =	sadd.s32 s3, s2  }
0x8d: {  	s2 =	sadd.s32 s2, s17  }
0x8e: {  	[smem:$0x3FBB] =	sst s2  }
0x8f: {  	_ = 	snop  }
0x90: {  	s2 =	sld [smem:$0x3FD0];
	(tm) =	ssettm $0x1  }
0x91: {  	s18 =	sld [smem:$0x3FFB];
	_ =	sdelay $0x3  }
0x92: {  	_ =	strace s18  }
0x93: {  	s3 =	sld [smem:$0x3FFC];
	_ =	sdelay $0x3  }
0x94: {  	_ =	strace s3  }
0x95: {  	s3 =	sld [smem:$0x3FFD];
	_ =	sdelay $0x3  }
0x96: {  	_ =	strace s3  }
0x97: {  	_ =	strace $0x8FFFFFFF  }
0x98: {  	s19 =	sld [smem:$0x3FDB];
	_ =	sdelay $0x1  }
0x99: {  	s4 =	simm.s32 $_scs_section_size  }
0x9a: {  	s5 =	simm.s32 $_size__tile_overlayer_lowered;
	s6 =	simm.s32 $_tile_overlayer_lowered  }
0x9b: {  	s22 =	simm.s32 $0x1BFF;
	s21 =	sshll.u32 s6, $0x1;
	s3 =	sadd.s32 s4, s19  }
0x9c: {  	s7 =	simm.s32 $0x0;
	s20 =	sshll.u32 s5, $0x1;
	s5 =	sadd.s32 s21, s3  }
0x9d: {  	[timem:s7], [sflag:s22] =	dma.local [hbm:s5], s20  }
0x9e: {  	_ =	swait.ge [sflag:s22], s20  }
0x9f: {  	s4 =	ssub.s32 $0x0, s20;
	[sflag:s22] =	ssyncset.done $0x0  }
0xa0: {  	[sflag:s22] =	ssyncadd.s32 s4;
	_ =	sdelay $0x1  }
0xa1: {  	s23 =	simm.s32 $0x1B8B  }
0xa2: {  	_ =	swait.ge [sflag:s23], $0x1  }
0xa3: {  	[sflag:s23] =	ssyncset.done $0x0  }
0xa4: {  	s25 =	simm.s32 $0x1B8E;
	s24 =	sld [smem:$0x3FFE];
	[sflag:s23] =	ssyncadd.s32 $0xFFFFFFFF  }
0xa5: {  	s26 =	simm.s32 $execute0_lowered;
	[smem:$0x3FD2] =	sst s25  }
0xa6: {  	s5 =	sshll.u32 s26, $0x1;
	_ =	strace $0x80000046;
	[dreg:$0x1] =	wrdreg $0xFFFFFFFF  }
0xa7: {  	s28 =	simm.s32 $_size_execute0_lowered;
	s3 =	sadd.s32 s3, s5;
	[dreg:$0x0] =	wrdreg $0x0  }
0xa8: {  	s5 =	sshll.u32 s28, $0x1;
	[dreg:$0x2] =	wrdreg s3  }
0xa9: {  	[dreg:$0x3] =	wrdreg s5  }
0xaa: {  	[dreg:$0x4] =	wrdreg $0xC0  }
0xab: {  	_ =	task [dreg:s7], $0x5FFFF  }
0xac: {  	[dreg:$0x1] =	wrdreg $0xFFFFFFFF  }
0xad: {  	[dreg:$0x0] =	wrdreg $0x60  }
0xae: {  	[dreg:$0x2] =	wrdreg s24  }
0xaf: {  	[dreg:$0x3] =	wrdreg s2  }
0xb0: {  	[dreg:$0x4] =	wrdreg $0x2FD00  }
0xb1: {  	[dreg:$0x5] =	wrdreg $0x9  }
0xb2: {  	_ =	task.clear_ibuf [dreg:s7], $0x6FFFF;
	_ =	strace $0x90000046  }
0xb3: {  	s29 =	simm.s32 $0x9;
	_ =	strace $0x80000048  }
0xb4: {  	_ =	swait.ge [sflag:s29], $0x1  }
0xb5: {  	[sflag:s29] =	ssyncadd.s32 $0xFFFFFFFF  }
0xb6: {  	_ =	strace $0x90000048  }
0xb7: {  	_ =	sfence  }
0xb8: {  	s30 =	sld [smem:$0x0];
	_ =	sdelay $0x2  }
0xb9: {  	s31 =	sshll.u32 s1, $0xD;
	s1 =	sshrl.u32 s1, $0x2  }
0xba: {  	s3 =	sand.u32 $0x4000, s31;
	s1 =	sadd.s32 s1, s30  }
0xbb: {  	s0 =	sor.u32 s3, s0;
	s1 =	sshll.u32 s1, $0x11  }
0xbc: {  	s0 =	sor.u32 s1, s0  }
0xbd: {  	s0 =	sadd.s32 $0x8F2B, s0  }
0xbe: {  	[sflag:s0] =	ssyncadd.remote.s32 $0x1  }
0xbf: {  	_ =	sfence.sel $0xFFFF  }
0xc0: {  	[dreg:$0x0] =	wrdreg $0xFFFFFFFF;
	(pc) =	sbr.abs _section_cstart, $3  }
0xc1: {  	[dreg:$0x1] =	wrdreg $0xFFFFFFFF  }
0xc2: {  	_ =	task.clear_ibuf [dreg:s7], $0x2FFFF;
	_ =	strace $0x9FFFFFFF  }
0xc3: {  	(tm) =	ssettm $0x7FFFFFFF  }
tec
execute0_lowered:
.L_overlay_start_1:
0x0: {  	(tag) =	ssettag $0x1  }
0x1: {  	s5 =	rddreg [dreg:$0x0]  }
0x2: {  	s2 =	rddreg [dreg:$0x1]  }
0x3: {  	s3 =	rddreg [dreg:$0x2]  }
0x4: {  	s0 =	rddreg [dreg:$0x3];
	s1 =	stileid.u32  }
0x5: {  	s4 =	srdreg.scid;
	s13 =	simm.s32 $0x7D;
	s14 =	simm.s32 $0x1  }
0x6: {  	s15 =	simm.s32 $0x0;
	s6 =	smul.u32 $0x2800, s1;
	s7 =	sand.u32 $0x1, s4  }
0x7: {  	s8 =	sshll.u32 s1, $0x1;
	s4 =	simm.s32 $0x0;
	s31 =	sshll.u32 s1, $0x6  }
0x8: {  	s9 =	smul.u32 $0x28000, s7;
	s8 =	sor.u32 s7, s8;
	[smem:$0x7FF] =	sst s4  }
0x9: {  	s7 =	ssub.s32 $0x2, s7;
	s10 =	sshrl.u32 s6, $0x3;
	s8 =	smul.u32 $0x2800, s8  }
0xa: {  	_ =	strace $0x80000047;
	s11 =	sshrl.u32 s7, $0x1;
	s12 =	sadd.s32 s6, s3  }
0xb: {  	s10 =	sadd.s32 s10, s5;
	s9 =	sadd.s32 s6, s9;
	s11 =	ssub.s32 s7, s11  }
0xc: {  	s12 =	sshrl.u32 s12, $0x3;
	s8 =	sshrl.u32 s8, $0x3;
	s9 =	sshrl.u32 s9, $0x3  }
0xd: {  	s6 =	sadd.s32 $0x17000, s10;
	s8 =	sadd.s32 s5, s8;
	s9 =	sadd.s32 s9, s5  }
0xe: {  	s10 =	simm.s32 $0x2800;
	s5 =	sadd.s32 $0xD000, s8;
	s7 =	sadd.s32 $0x1C000, s9  }
0xf: {  	s8 =	smax.u32 s11, $0x1;
	s9 =	simm.s32 $0x2;
	s11 =	sor.u32 $0x1C02, s31  }
.LBB2_1:
0x10: {  	[tilespmem:s4], [sflag:$0x2] =	stream.linear.gather [hbm4b:s5+s4], $0x2800, $0x38;
	[tilespmem:$0x57D0] =	vst v63  }
0x11: {  	_ =	swait.ge [sflag:s9], $0x2800  }
0x12: {  	[sflag:s9] =	ssyncset.done $0x0  }
0x13: {  	[sflag:s9] =	ssyncadd.s32 $0xFFFFD800  }
0x14: {  	[tilespmem:s10], [sflag:$0x2] =	stream.linear.gather [hbm4b:s2+s4], $0x7D0, $0x38;
	[tilespmem:$0x57D0] =	vst v63  }
0x15: {  	_ =	swait.ge [sflag:s9], $0x7D0  }
0x16: {  	[sflag:s9] =	ssyncset.done $0x0  }
0x17: {  	[sflag:s9] =	ssyncadd.s32 $0xFFFFF830  }
0x18: {  	[spmem:s12], [sflag:s11] =	dma.local [hbm:s6], $0x500  }
0x19: {  	_ =	swait.ge [sflag:s9], $0x500  }
0x1a: {  	[sflag:s9] =	ssyncset.done $0x0  }
0x1b: {  	[sflag:s9] =	ssyncadd.s32 $0xFFFFFB00  }
0x1c: {  	s16 =	simm.s32 $0x0;
	[bflag:$0x0] =	sbarrier.arrive $0xFFFF  }
0x1d: {  	[spmem:s3] =	stream.indirect.scatter.add.f32 [tilespmem:s10], [sflag:$0x1], $0x10, s16, s13, $0xb8;
	[tilespmem:$0x57D0] =	vst v63  }
0x1e: {  	s31 =	simm.s32 $0x80  }
0x1f: {  	[spmem:s3] =	stream.indirect.scatter.add.f32 [tilespmem:s10], [sflag:$0x1], $0x10, s31, s13, $0xb8;
	[tilespmem:$0x57D0] =	vst v63  }
0x20: {  	s17 =	simm.s32 $0x100  }
0x21: {  	[spmem:s3] =	stream.indirect.scatter.add.f32 [tilespmem:s10], [sflag:$0x1], $0x10, s17, s13, $0xb8;
	[tilespmem:$0x57D0] =	vst v63  }
0x22: {  	s18 =	simm.s32 $0x180  }
0x23: {  	[spmem:s3] =	stream.indirect.scatter.add.f32 [tilespmem:s10], [sflag:$0x1], $0x10, s18, s13, $0xb8;
	[tilespmem:$0x57D0] =	vst v63  }
0x24: {  	s19 =	simm.s32 $0x200  }
0x25: {  	[spmem:s3] =	stream.indirect.scatter.add.f32 [tilespmem:s10], [sflag:$0x1], $0x10, s19, s13, $0xb8;
	[tilespmem:$0x57D0] =	vst v63  }
0x26: {  	s20 =	simm.s32 $0x280  }
0x27: {  	[spmem:s3] =	stream.indirect.scatter.add.f32 [tilespmem:s10], [sflag:$0x1], $0x10, s20, s13, $0xb8;
	[tilespmem:$0x57D0] =	vst v63  }
0x28: {  	s21 =	simm.s32 $0x300  }
0x29: {  	[spmem:s3] =	stream.indirect.scatter.add.f32 [tilespmem:s10], [sflag:$0x1], $0x10, s21, s13, $0xb8;
	[tilespmem:$0x57D0] =	vst v63  }
0x2a: {  	s22 =	simm.s32 $0x380  }
0x2b: {  	[spmem:s3] =	stream.indirect.scatter.add.f32 [tilespmem:s10], [sflag:$0x1], $0x10, s22, s13, $0xb8;
	[tilespmem:$0x57D0] =	vst v63  }
0x2c: {  	s23 =	simm.s32 $0x400  }
0x2d: {  	[spmem:s3] =	stream.indirect.scatter.add.f32 [tilespmem:s10], [sflag:$0x1], $0x10, s23, s13, $0xb8;
	[tilespmem:$0x57D0] =	vst v63  }
0x2e: {  	s24 =	simm.s32 $0x480  }
0x2f: {  	[spmem:s3] =	stream.indirect.scatter.add.f32 [tilespmem:s10], [sflag:$0x1], $0x10, s24, s13, $0xb8;
	[tilespmem:$0x57D0] =	vst v63  }
0x30: {  	s25 =	simm.s32 $0x500  }
0x31: {  	[spmem:s3] =	stream.indirect.scatter.add.f32 [tilespmem:s10], [sflag:$0x1], $0x10, s25, s13, $0xb8;
	[tilespmem:$0x57D0] =	vst v63  }
0x32: {  	s26 =	simm.s32 $0x580  }
0x33: {  	[spmem:s3] =	stream.indirect.scatter.add.f32 [tilespmem:s10], [sflag:$0x1], $0x10, s26, s13, $0xb8;
	[tilespmem:$0x57D0] =	vst v63  }
0x34: {  	s28 =	simm.s32 $0x600  }
0x35: {  	[spmem:s3] =	stream.indirect.scatter.add.f32 [tilespmem:s10], [sflag:$0x1], $0x10, s28, s13, $0xb8;
	[tilespmem:$0x57D0] =	vst v63  }
0x36: {  	s29 =	simm.s32 $0x680  }
0x37: {  	[spmem:s3] =	stream.indirect.scatter.add.f32 [tilespmem:s10], [sflag:$0x1], $0x10, s29, s13, $0xb8;
	[tilespmem:$0x57D0] =	vst v63  }
0x38: {  	s30 =	simm.s32 $0x700  }
0x39: {  	[spmem:s3] =	stream.indirect.scatter.add.f32 [tilespmem:s10], [sflag:$0x1], $0x10, s30, s13, $0xb8;
	[tilespmem:$0x57D0] =	vst v63  }
0x3a: {  	s31 =	simm.s32 $0x780  }
0x3b: {  	[spmem:s3] =	stream.indirect.scatter.add.f32 [tilespmem:s10], [sflag:$0x1], $0x10, s31, s13, $0xb8;
	[tilespmem:$0x57D0] =	vst v63  }
0x3c: {  	_ =	swait.ge [sflag:s14], $0x7D0  }
0x3d: {  	[sflag:s14] =	ssyncset.done $0x0  }
0x3e: {  	[sflag:s14] =	ssyncadd.s32 $0xFFFFF830  }
0x3f: {  	_ =	swait.ge [sflag:s14], $0x7D0  }
0x40: {  	[sflag:s14] =	ssyncset.done $0x0  }
0x41: {  	[sflag:s14] =	ssyncadd.s32 $0xFFFFF830  }
0x42: {  	_ =	swait.ge [sflag:s14], $0x7D0  }
0x43: {  	[sflag:s14] =	ssyncset.done $0x0  }
0x44: {  	[sflag:s14] =	ssyncadd.s32 $0xFFFFF830  }
0x45: {  	_ =	swait.ge [sflag:s14], $0x7D0  }
0x46: {  	[sflag:s14] =	ssyncset.done $0x0  }
0x47: {  	[sflag:s14] =	ssyncadd.s32 $0xFFFFF830  }
0x48: {  	_ =	swait.ge [sflag:s14], $0x7D0  }
0x49: {  	[sflag:s14] =	ssyncset.done $0x0  }
0x4a: {  	[sflag:s14] =	ssyncadd.s32 $0xFFFFF830  }
0x4b: {  	_ =	swait.ge [sflag:s14], $0x7D0  }
0x4c: {  	[sflag:s14] =	ssyncset.done $0x0  }
0x4d: {  	[sflag:s14] =	ssyncadd.s32 $0xFFFFF830  }
0x4e: {  	_ =	swait.ge [sflag:s14], $0x7D0  }
0x4f: {  	[sflag:s14] =	ssyncset.done $0x0  }
0x50: {  	[sflag:s14] =	ssyncadd.s32 $0xFFFFF830  }
0x51: {  	_ =	swait.ge [sflag:s14], $0x7D0  }
0x52: {  	[sflag:s14] =	ssyncset.done $0x0  }
0x53: {  	[sflag:s14] =	ssyncadd.s32 $0xFFFFF830  }
0x54: {  	_ =	swait.ge [sflag:s14], $0x7D0  }
0x55: {  	[sflag:s14] =	ssyncset.done $0x0  }
0x56: {  	[sflag:s14] =	ssyncadd.s32 $0xFFFFF830  }
0x57: {  	_ =	swait.ge [sflag:s14], $0x7D0  }
0x58: {  	[sflag:s14] =	ssyncset.done $0x0  }
0x59: {  	[sflag:s14] =	ssyncadd.s32 $0xFFFFF830  }
0x5a: {  	_ =	swait.ge [sflag:s14], $0x7D0  }
0x5b: {  	[sflag:s14] =	ssyncset.done $0x0  }
0x5c: {  	[sflag:s14] =	ssyncadd.s32 $0xFFFFF830  }
0x5d: {  	_ =	swait.ge [sflag:s14], $0x7D0  }
0x5e: {  	[sflag:s14] =	ssyncset.done $0x0  }
0x5f: {  	[sflag:s14] =	ssyncadd.s32 $0xFFFFF830  }
0x60: {  	_ =	swait.ge [sflag:s14], $0x7D0  }
0x61: {  	[sflag:s14] =	ssyncset.done $0x0  }
0x62: {  	[sflag:s14] =	ssyncadd.s32 $0xFFFFF830  }
0x63: {  	_ =	swait.ge [sflag:s14], $0x7D0  }
0x64: {  	[sflag:s14] =	ssyncset.done $0x0  }
0x65: {  	[sflag:s14] =	ssyncadd.s32 $0xFFFFF830  }
0x66: {  	_ =	swait.ge [sflag:s14], $0x7D0  }
0x67: {  	[sflag:s14] =	ssyncset.done $0x0  }
0x68: {  	[sflag:s14] =	ssyncadd.s32 $0xFFFFF830  }
0x69: {  	_ =	swait.ge [sflag:s14], $0x7D0  }
0x6a: {  	s16 =	simm.s32 $0x2000;
	s19 =	simm.s32 $0x4000;
	[sflag:s14] =	ssyncset.done $0x0  }
.LBB2_2:
0x6b: {  	s18 =	sshra.s32 s16, $0x2  }
0x6c: {  	[sflag:s14] =	ssyncadd.s32 $0xFFFFF830;
	s16 =	smov.u32 s19;
	s17 =	sadd.s32 $0x2000, s19  }
0x6d: {  	[spmem:s3] =	stream.indirect.scatter.add.f32 [tilespmem:s10], [sflag:$0x1], $0x10, s18, s13, $0xb8;
	[tilespmem:$0x57D0] =	vst v63  }
0x6e: {  	p0 =	sne.s32 s19, $0x8000;
	s19 =	sadd.s32 $0x80, s18  }
0x6f: {  	[spmem:s3] =	stream.indirect.scatter.add.f32 [tilespmem:s10], [sflag:$0x1], $0x10, s19, s13, $0xb8;
	[tilespmem:$0x57D0] =	vst v63  }
0x70: {  	s19 =	sadd.s32 $0x100, s18  }
0x71: {  	[spmem:s3] =	stream.indirect.scatter.add.f32 [tilespmem:s10], [sflag:$0x1], $0x10, s19, s13, $0xb8;
	[tilespmem:$0x57D0] =	vst v63  }
0x72: {  	s19 =	sadd.s32 $0x180, s18  }
0x73: {  	[spmem:s3] =	stream.indirect.scatter.add.f32 [tilespmem:s10], [sflag:$0x1], $0x10, s19, s13, $0xb8;
	[tilespmem:$0x57D0] =	vst v63  }
0x74: {  	s19 =	sadd.s32 $0x200, s18  }
0x75: {  	[spmem:s3] =	stream.indirect.scatter.add.f32 [tilespmem:s10], [sflag:$0x1], $0x10, s19, s13, $0xb8;
	[tilespmem:$0x57D0] =	vst v63  }
0x76: {  	s19 =	sadd.s32 $0x280, s18  }
0x77: {  	[spmem:s3] =	stream.indirect.scatter.add.f32 [tilespmem:s10], [sflag:$0x1], $0x10, s19, s13, $0xb8;
	[tilespmem:$0x57D0] =	vst v63  }
0x78: {  	s19 =	sadd.s32 $0x300, s18  }
0x79: {  	[spmem:s3] =	stream.indirect.scatter.add.f32 [tilespmem:s10], [sflag:$0x1], $0x10, s19, s13, $0xb8;
	[tilespmem:$0x57D0] =	vst v63  }
0x7a: {  	s19 =	sadd.s32 $0x380, s18  }
0x7b: {  	[spmem:s3] =	stream.indirect.scatter.add.f32 [tilespmem:s10], [sflag:$0x1], $0x10, s19, s13, $0xb8;
	[tilespmem:$0x57D0] =	vst v63  }
0x7c: {  	s19 =	sadd.s32 $0x400, s18  }
0x7d: {  	[spmem:s3] =	stream.indirect.scatter.add.f32 [tilespmem:s10], [sflag:$0x1], $0x10, s19, s13, $0xb8;
	[tilespmem:$0x57D0] =	vst v63  }
0x7e: {  	s19 =	sadd.s32 $0x480, s18  }
0x7f: {  	[spmem:s3] =	stream.indirect.scatter.add.f32 [tilespmem:s10], [sflag:$0x1], $0x10, s19, s13, $0xb8;
	[tilespmem:$0x57D0] =	vst v63  }
0x80: {  	s19 =	sadd.s32 $0x500, s18  }
0x81: {  	[spmem:s3] =	stream.indirect.scatter.add.f32 [tilespmem:s10], [sflag:$0x1], $0x10, s19, s13, $0xb8;
	[tilespmem:$0x57D0] =	vst v63  }
0x82: {  	s19 =	sadd.s32 $0x580, s18  }
0x83: {  	[spmem:s3] =	stream.indirect.scatter.add.f32 [tilespmem:s10], [sflag:$0x1], $0x10, s19, s13, $0xb8;
	[tilespmem:$0x57D0] =	vst v63  }
0x84: {  	s19 =	sadd.s32 $0x600, s18  }
0x85: {  	[spmem:s3] =	stream.indirect.scatter.add.f32 [tilespmem:s10], [sflag:$0x1], $0x10, s19, s13, $0xb8;
	[tilespmem:$0x57D0] =	vst v63  }
0x86: {  	s19 =	sadd.s32 $0x680, s18  }
0x87: {  	[spmem:s3] =	stream.indirect.scatter.add.f32 [tilespmem:s10], [sflag:$0x1], $0x10, s19, s13, $0xb8;
	[tilespmem:$0x57D0] =	vst v63  }
0x88: {  	s19 =	sadd.s32 $0x700, s18  }
0x89: {  	[spmem:s3] =	stream.indirect.scatter.add.f32 [tilespmem:s10], [sflag:$0x1], $0x10, s19, s13, $0xb8;
	[tilespmem:$0x57D0] =	vst v63  }
0x8a: {  	s18 =	sadd.s32 $0x780, s18  }
0x8b: {  	[spmem:s3] =	stream.indirect.scatter.add.f32 [tilespmem:s10], [sflag:$0x1], $0x10, s18, s13, $0xb8;
	[tilespmem:$0x57D0] =	vst v63  }
0x8c: {  	_ =	swait.ge [sflag:s14], $0x7D0  }
0x8d: {  	[sflag:s14] =	ssyncset.done $0x0  }
0x8e: {  	[sflag:s14] =	ssyncadd.s32 $0xFFFFF830  }
0x8f: {  	_ =	swait.ge [sflag:s14], $0x7D0  }
0x90: {  	[sflag:s14] =	ssyncset.done $0x0  }
0x91: {  	[sflag:s14] =	ssyncadd.s32 $0xFFFFF830  }
0x92: {  	_ =	swait.ge [sflag:s14], $0x7D0  }
0x93: {  	[sflag:s14] =	ssyncset.done $0x0  }
0x94: {  	[sflag:s14] =	ssyncadd.s32 $0xFFFFF830  }
0x95: {  	_ =	swait.ge [sflag:s14], $0x7D0  }
0x96: {  	[sflag:s14] =	ssyncset.done $0x0  }
0x97: {  	[sflag:s14] =	ssyncadd.s32 $0xFFFFF830  }
0x98: {  	_ =	swait.ge [sflag:s14], $0x7D0  }
0x99: {  	[sflag:s14] =	ssyncset.done $0x0  }
0x9a: {  	[sflag:s14] =	ssyncadd.s32 $0xFFFFF830  }
0x9b: {  	_ =	swait.ge [sflag:s14], $0x7D0  }
0x9c: {  	[sflag:s14] =	ssyncset.done $0x0  }
0x9d: {  	[sflag:s14] =	ssyncadd.s32 $0xFFFFF830  }
0x9e: {  	_ =	swait.ge [sflag:s14], $0x7D0  }
0x9f: {  	[sflag:s14] =	ssyncset.done $0x0  }
0xa0: {  	[sflag:s14] =	ssyncadd.s32 $0xFFFFF830  }
0xa1: {  	_ =	swait.ge [sflag:s14], $0x7D0  }
0xa2: {  	[sflag:s14] =	ssyncset.done $0x0  }
0xa3: {  	[sflag:s14] =	ssyncadd.s32 $0xFFFFF830  }
0xa4: {  	_ =	swait.ge [sflag:s14], $0x7D0  }
0xa5: {  	[sflag:s14] =	ssyncset.done $0x0  }
0xa6: {  	[sflag:s14] =	ssyncadd.s32 $0xFFFFF830  }
0xa7: {  	_ =	swait.ge [sflag:s14], $0x7D0  }
0xa8: {  	[sflag:s14] =	ssyncset.done $0x0  }
0xa9: {  	[sflag:s14] =	ssyncadd.s32 $0xFFFFF830  }
0xaa: {  	_ =	swait.ge [sflag:s14], $0x7D0  }
0xab: {  	[sflag:s14] =	ssyncset.done $0x0  }
0xac: {  	[sflag:s14] =	ssyncadd.s32 $0xFFFFF830  }
0xad: {  	_ =	swait.ge [sflag:s14], $0x7D0  }
0xae: {  	[sflag:s14] =	ssyncset.done $0x0  }
0xaf: {  	[sflag:s14] =	ssyncadd.s32 $0xFFFFF830  }
0xb0: {  	_ =	swait.ge [sflag:s14], $0x7D0  }
0xb1: {  	[sflag:s14] =	ssyncset.done $0x0  }
0xb2: {  	[sflag:s14] =	ssyncadd.s32 $0xFFFFF830  }
0xb3: {  	_ =	swait.ge [sflag:s14], $0x7D0  }
0xb4: {  	[sflag:s14] =	ssyncset.done $0x0  }
0xb5: {  	[sflag:s14] =	ssyncadd.s32 $0xFFFFF830  }
.Ltmp0:
0xb6: {  	_ =	swait.ge [sflag:s14], $0x7D0;
	(pc) =	sbr.rel @p0 .LBB2_2-.Ltmp0, $4  }
0xb7: {  	[sflag:s14] =	ssyncset.done $0x0  }
0xb8: {  	[sflag:s14] =	ssyncadd.s32 $0xFFFFF830  }
0xb9: {  	_ =	swait.ge [sflag:s14], $0x7D0  }
0xba: {  	s19 =	smov.u32 s17;
	[sflag:s14] =	ssyncset.done $0x0  }
0xbb: {  	s16 =	sshra.s32 s16, $0x2;
	[sflag:s14] =	ssyncadd.s32 $0xFFFFF830  }
0xbc: {  	[spmem:s3] =	stream.indirect.scatter.add.f32 [tilespmem:s10], [sflag:$0x1], $0x10, s16, s13, $0xb8;
	[tilespmem:$0x57D0] =	vst v63  }
0xbd: {  	s17 =	sadd.s32 $0x80, s16  }
0xbe: {  	[spmem:s3] =	stream.indirect.scatter.add.f32 [tilespmem:s10], [sflag:$0x1], $0x10, s17, s13, $0xb8;
	[tilespmem:$0x57D0] =	vst v63  }
0xbf: {  	s18 =	sadd.s32 $0x100, s16  }
0xc0: {  	[spmem:s3] =	stream.indirect.scatter.add.f32 [tilespmem:s10], [sflag:$0x1], $0x10, s18, s13, $0xb8;
	[tilespmem:$0x57D0] =	vst v63  }
0xc1: {  	s19 =	sadd.s32 $0x180, s16  }
0xc2: {  	[spmem:s3] =	stream.indirect.scatter.add.f32 [tilespmem:s10], [sflag:$0x1], $0x10, s19, s13, $0xb8;
	[tilespmem:$0x57D0] =	vst v63  }
0xc3: {  	s20 =	sadd.s32 $0x200, s16  }
0xc4: {  	[spmem:s3] =	stream.indirect.scatter.add.f32 [tilespmem:s10], [sflag:$0x1], $0x10, s20, s13, $0xb8;
	[tilespmem:$0x57D0] =	vst v63  }
0xc5: {  	s21 =	sadd.s32 $0x280, s16  }
0xc6: {  	[spmem:s3] =	stream.indirect.scatter.add.f32 [tilespmem:s10], [sflag:$0x1], $0x10, s21, s13, $0xb8;
	[tilespmem:$0x57D0] =	vst v63  }
0xc7: {  	s22 =	sadd.s32 $0x300, s16  }
0xc8: {  	[spmem:s3] =	stream.indirect.scatter.add.f32 [tilespmem:s10], [sflag:$0x1], $0x10, s22, s13, $0xb8;
	[tilespmem:$0x57D0] =	vst v63  }
0xc9: {  	s23 =	sadd.s32 $0x380, s16  }
0xca: {  	[spmem:s3] =	stream.indirect.scatter.add.f32 [tilespmem:s10], [sflag:$0x1], $0x10, s23, s13, $0xb8;
	[tilespmem:$0x57D0] =	vst v63  }
0xcb: {  	s24 =	sadd.s32 $0x400, s16  }
0xcc: {  	[spmem:s3] =	stream.indirect.scatter.add.f32 [tilespmem:s10], [sflag:$0x1], $0x10, s24, s13, $0xb8;
	[tilespmem:$0x57D0] =	vst v63  }
0xcd: {  	s25 =	sadd.s32 $0x480, s16  }
0xce: {  	[spmem:s3] =	stream.indirect.scatter.add.f32 [tilespmem:s10], [sflag:$0x1], $0x10, s25, s13, $0xb8;
	[tilespmem:$0x57D0] =	vst v63  }
0xcf: {  	s26 =	sadd.s32 $0x500, s16  }
0xd0: {  	[spmem:s3] =	stream.indirect.scatter.add.f32 [tilespmem:s10], [sflag:$0x1], $0x10, s26, s13, $0xb8;
	[tilespmem:$0x57D0] =	vst v63  }
0xd1: {  	s28 =	sadd.s32 $0x580, s16  }
0xd2: {  	[spmem:s3] =	stream.indirect.scatter.add.f32 [tilespmem:s10], [sflag:$0x1], $0x10, s28, s13, $0xb8;
	[tilespmem:$0x57D0] =	vst v63  }
0xd3: {  	s29 =	sadd.s32 $0x600, s16  }
0xd4: {  	[spmem:s3] =	stream.indirect.scatter.add.f32 [tilespmem:s10], [sflag:$0x1], $0x10, s29, s13, $0xb8;
	[tilespmem:$0x57D0] =	vst v63  }
0xd5: {  	s30 =	sadd.s32 $0x680, s16  }
0xd6: {  	[spmem:s3] =	stream.indirect.scatter.add.f32 [tilespmem:s10], [sflag:$0x1], $0x10, s30, s13, $0xb8;
	[tilespmem:$0x57D0] =	vst v63  }
0xd7: {  	s31 =	sadd.s32 $0x700, s16  }
0xd8: {  	[spmem:s3] =	stream.indirect.scatter.add.f32 [tilespmem:s10], [sflag:$0x1], $0x10, s31, s13, $0xb8;
	[tilespmem:$0x57D0] =	vst v63  }
0xd9: {  	s16 =	sadd.s32 $0x780, s16  }
0xda: {  	[spmem:s3] =	stream.indirect.scatter.add.f32 [tilespmem:s10], [sflag:$0x1], $0x10, s16, s13, $0xb8;
	[tilespmem:$0x57D0] =	vst v63  }
0xdb: {  	_ =	swait.ge [sflag:s14], $0x7D0  }
0xdc: {  	[sflag:s14] =	ssyncset.done $0x0  }
0xdd: {  	[sflag:s14] =	ssyncadd.s32 $0xFFFFF830  }
0xde: {  	_ =	swait.ge [sflag:s14], $0x7D0  }
0xdf: {  	[sflag:s14] =	ssyncset.done $0x0  }
0xe0: {  	[sflag:s14] =	ssyncadd.s32 $0xFFFFF830  }
0xe1: {  	_ =	swait.ge [sflag:s14], $0x7D0  }
0xe2: {  	[sflag:s14] =	ssyncset.done $0x0  }
0xe3: {  	[sflag:s14] =	ssyncadd.s32 $0xFFFFF830  }
0xe4: {  	_ =	swait.ge [sflag:s14], $0x7D0  }
0xe5: {  	[sflag:s14] =	ssyncset.done $0x0  }
0xe6: {  	[sflag:s14] =	ssyncadd.s32 $0xFFFFF830  }
0xe7: {  	_ =	swait.ge [sflag:s14], $0x7D0  }
0xe8: {  	[sflag:s14] =	ssyncset.done $0x0  }
0xe9: {  	[sflag:s14] =	ssyncadd.s32 $0xFFFFF830  }
0xea: {  	_ =	swait.ge [sflag:s14], $0x7D0  }
0xeb: {  	[sflag:s14] =	ssyncset.done $0x0  }
0xec: {  	[sflag:s14] =	ssyncadd.s32 $0xFFFFF830  }
0xed: {  	_ =	swait.ge [sflag:s14], $0x7D0  }
0xee: {  	[sflag:s14] =	ssyncset.done $0x0  }
0xef: {  	[sflag:s14] =	ssyncadd.s32 $0xFFFFF830  }
0xf0: {  	_ =	swait.ge [sflag:s14], $0x7D0  }
0xf1: {  	[sflag:s14] =	ssyncset.done $0x0  }
0xf2: {  	[sflag:s14] =	ssyncadd.s32 $0xFFFFF830  }
0xf3: {  	_ =	swait.ge [sflag:s14], $0x7D0  }
0xf4: {  	[sflag:s14] =	ssyncset.done $0x0  }
0xf5: {  	[sflag:s14] =	ssyncadd.s32 $0xFFFFF830  }
0xf6: {  	_ =	swait.ge [sflag:s14], $0x7D0  }
0xf7: {  	[sflag:s14] =	ssyncset.done $0x0  }
0xf8: {  	[sflag:s14] =	ssyncadd.s32 $0xFFFFF830  }
0xf9: {  	_ =	swait.ge [sflag:s14], $0x7D0  }
0xfa: {  	[sflag:s14] =	ssyncset.done $0x0  }
0xfb: {  	[sflag:s14] =	ssyncadd.s32 $0xFFFFF830  }
0xfc: {  	_ =	swait.ge [sflag:s14], $0x7D0  }
0xfd: {  	[sflag:s14] =	ssyncset.done $0x0  }
0xfe: {  	[sflag:s14] =	ssyncadd.s32 $0xFFFFF830  }
0xff: {  	_ =	swait.ge [sflag:s14], $0x7D0  }
0x100: {  	[sflag:s14] =	ssyncset.done $0x0  }
0x101: {  	[sflag:s14] =	ssyncadd.s32 $0xFFFFF830  }
0x102: {  	_ =	swait.ge [sflag:s14], $0x7D0  }
0x103: {  	[sflag:s14] =	ssyncset.done $0x0  }
0x104: {  	[sflag:s14] =	ssyncadd.s32 $0xFFFFF830  }
0x105: {  	_ =	swait.ge [sflag:s14], $0x7D0  }
0x106: {  	[sflag:s14] =	ssyncset.done $0x0  }
0x107: {  	[sflag:s14] =	ssyncadd.s32 $0xFFFFF830  }
0x108: {  	_ =	swait.ge [sflag:s14], $0x7D0  }
0x109: {  	s15 =	sadd.s32 $0x1, s15;
	[sflag:s14] =	ssyncset.done $0x0  }
0x10a: {  	p0 =	sne.s32 s15, s8;
	[sflag:s14] =	ssyncadd.s32 $0xFFFFF830  }
.Ltmp1:
0x10b: {  	[bflag:$0x0] =	sbarrier.arrive $0xFFFF;
	(pc) =	sbr.rel @p0 .LBB2_1-.Ltmp1, $4  }
0x10c: {  	[hbm:s7], [sflag:s11] =	dma.local [spmem:s12], $0x500  }
0x10d: {  	_ =	swait.ge [sflag:s9], $0x500  }
0x10e: {  	[sflag:s9] =	ssyncset.done $0x0  }
0x10f: {  	[sflag:s9] =	ssyncadd.s32 $0xFFFFFB00  }
0x110: {  	_ =	sfence.sel $0x180000  }
0x111: {  	[bflag:$0x0] =	sbarrier.arrive $0xFFFF  }
0x112: {  	p0 =	sne.s32 s1, $0x0;
	_ =	strace $0x90000047  }
0x113: {  	s0 =	sadd.s32 @!p0 $0x100000, s0;
	[bflag:$0x2] =	sbarrier.arrive $0xFFFF  }
0x114: {  	[sflag:s0] =	ssyncadd.tile.s32 @!p0 $0x1;
	_ =	shalt  }
.Lfunc_end2:
_tile_overlayer_lowered:
.L_overlay_start_2:
0x115: {  	(tag) =	ssettag $0x2  }
0x116: {  	s0 =	rddreg [dreg:$0x0];
	s2 =	stileid.u32  }
0x117: {  	s1 =	rddreg [dreg:$0x1];
	p0 =	sne.s32 s2, $0x0  }
0x118: {  	s3 =	rddreg [dreg:$0x2];
	[bflag:$0x3] =	sbarrier.arrive $0xFFFF;
	s2 =	simm.s32 @!p0 $0x1C02  }
0x119: {  	[timem:s3], [sflag:s2] =	dma.local @!p0 [hbm:s0], s1  }
0x11a: {  	s0 =	simm.s32 @!p0 $0x2  }
0x11b: {  	_ =	swait.ge @!p0 [sflag:s0], s1  }
0x11c: {  	s1 =	ssub.s32 @!p0 $0x0, s1;
	[sflag:s0] =	ssyncset.done @!p0 $0x0  }
0x11d: {  	[sflag:s0] =	ssyncadd.s32 @!p0 s1  }
0x11e: {  	[bflag:$0x3] =	sbarrier.arrive $0xFFFF  }
0x11f: {  	_ =	shalt  }

// kernel: kernel.14.cloned.1.call-start
scs
__scs_entry_jumppad:
0x0: {  	(pc) =	sbr.rel $0x88, $3  }
0x1: {  	(tag) =	ssettag $0x0;
	lr =	simm.s32 $0x1  }
0x2: {  	[smem:$0x3F94] =	sst lr;
	_ =	strace $0xD0000000  }
0x3: {  	_ = 	snop  }
0x4: {  	_ = 	snop  }
0x5: {  	_ = 	snop  }
0x6: {  	_ = 	snop  }
0x7: {  	_ = 	snop  }
__scs_overlays_trampoline_lowered:
0x8: {  	[smem:$0x3FA3] =	sst s0  }
0x9: {  	[smem:$0x3FA4] =	sst s1  }
0xa: {  	[smem:$0x3FA5] =	sst s2  }
0xb: {  	[smem:$0x3FA6] =	sst s3  }
0xc: {  	[smem:$0x3FA7] =	sst s4  }
0xd: {  	[smem:$0x3FA8] =	sst s5  }
0xe: {  	[smem:$0x3FA9] =	sst s6  }
0xf: {  	[smem:$0x3FAA] =	sst s7  }
0x10: {  	[smem:$0x3FAB] =	sst s8  }
0x11: {  	[smem:$0x3FAC] =	sst s9;
	s0 =	simm.s32 @!p0 $0x0  }
0x12: {  	s1 =	sld [smem:$0x3F92];
	s0 =	simm.s32 @p0 $0x1  }
0x13: {  	[smem:$0x3FAD] =	sst s0;
	s0 =	simm.s32 @!p1 $0x0  }
0x14: {  	s2 =	sld [smem:$0x3F91];
	s0 =	simm.s32 @p1 $0x1  }
0x15: {  	[smem:$0x3FAE] =	sst s0;
	s0 =	simm.s32 @!p2 $0x0  }
0x16: {  	s3 =	sld [smem:$0x3FDB];
	s0 =	simm.s32 @p2 $0x1  }
0x17: {  	s4 =	simm.s32 $0x1BF5;
	[smem:$0x3FB0] =	sst s0  }
0x18: {  	s0 =	sld [smem:$0x3F93];
	_ =	swait.ge [sflag:s4], $0x0  }
0x19: {  	s7 =	sld [smem:$0x3F94]  }
0x1a: {  	s8 =	sadd.s32 $0xFFFFE003, lr  }
0x1b: {  	s9 =	sadd.s32 $0xFFFFFEF7, lr;
	s5 =	simm.s32 $0xFFFFFFFF;
	p2 =	slt.u32 s8, $0xFFFFF086  }
0x1c: {  	p1 =	slt.u32 s9, $0xF7A;
	s5 =	simm.s32 @!p2 $0x0  }
0x1d: {  	s5 =	simm.s32 @p1 $0x1;
	p0 =	seq.s32 s7, s2  }
0x1e: {  	s7 =	smul.u32 @!p0 $0xF7A, s2;
	p2 =	seq.s32 @!p0 s5, $0x0  }
0x1f: {  	s9 =	smul.u32 $0xF7A, s1;
	s8 =	simm.s32 @!p0 $0x1BF5;
	p2 =	por !p2, p0  }
0x20: {  	[sflag:s8] =	ssyncset.s32 @!p0 $0xFFFFF086;
	s6 =	sadd.s32 @!p0 s3, s7;
	s7 =	simm.s32 @!p0 $0x108  }
0x21: {  	s3 =	sadd.s32 s3, s9;
	s6 =	sadd.s32 @!p0 $0x88, s6;
	s7 =	simm.s32 @p2 $0x1082  }
0x22: {  	[simem:s7], [sflag:s8] =	dma.local @!p0 [hbm:s6], $0xF7A  }
0x23: {  	s9 =	sor.u32 $0xD0000000, s2;
	s6 =	simm.s32 $0x108;
	_ =	swait.ge @!p0 [sflag:s8], $0x0  }
0x24: {  	s3 =	sadd.s32 $0x88, s3;
	s6 =	simm.s32 @!p1 $0x1082;
	[sflag:s4] =	ssyncset.s32 $0xFFFFF086  }
0x25: {  	[simem:s6], [sflag:s4] =	dma.local [hbm:s3], $0xF7A  }
0x26: {  	[smem:$0x3F94] =	sst s1;
	(tag) =	ssettag s2;
	_ =	strace s9  }
0x27: {  	s1 =	sld [smem:$0x3FA4]  }
0x28: {  	s2 =	sld [smem:$0x3FA5]  }
0x29: {  	s4 =	sld [smem:$0x3FA7]  }
0x2a: {  	p0 =	seq.s32 s5, $0x0;
	s5 =	sld [smem:$0x3FA8]  }
0x2b: {  	s6 =	sld [smem:$0x3FA9]  }
0x2c: {  	s7 =	sld [smem:$0x3FAA]  }
0x2d: {  	s3 =	simm.s32 $0x108;
	s8 =	sld [smem:$0x3FAB]  }
0x2e: {  	s3 =	simm.s32 @!p0 $0x1082;
	s9 =	sld [smem:$0x3FAC]  }
0x2f: {  	lr =	sadd.s32 s0, s3;
	s0 =	sld [smem:$0x3FA3]  }
0x30: {  	s3 =	sld [smem:$0x3FA6]  }
0x31: {  	[smem:$0x3FAF] =	sst s10  }
0x32: {  	s10 =	sld [smem:$0x3FAD];
	_ =	sdelay $0x3  }
0x33: {  	p0 =	seq.s32 s10, $0x1;
	s10 =	sld [smem:$0x3FAF];
	_ =	sdelay $0x3  }
0x34: {  	[smem:$0x3FAF] =	sst s10  }
0x35: {  	s10 =	sld [smem:$0x3FAE];
	_ =	sdelay $0x3  }
0x36: {  	p1 =	seq.s32 s10, $0x1;
	s10 =	sld [smem:$0x3FAF];
	_ =	sdelay $0x3  }
0x37: {  	[smem:$0x3FAF] =	sst s10  }
0x38: {  	s10 =	sld [smem:$0x3FB0]  }
0x39: {  	_ = 	snop;
	(pc) =	sbr.ind lr, $3  }
0x3a: {  	_ = 	snop  }
0x3b: {  	_ = 	snop  }
0x3c: {  	p2 =	seq.s32 s10, $0x1;
	s10 =	sld [smem:$0x3FAF]  }
0x3d: {  	_ =	shalt  }
0x3e: {  	_ =	shalt  }
0x3f: {  	_ =	shalt  }
0x40: {  	_ =	shalt  }
0x41: {  	_ =	shalt  }
0x42: {  	_ =	shalt  }
0x43: {  	_ =	shalt  }
0x44: {  	_ =	shalt  }
0x45: {  	_ =	shalt  }
0x46: {  	_ =	shalt  }
0x47: {  	_ =	shalt  }
0x48: {  	_ =	shalt  }
0x49: {  	_ =	shalt  }
0x4a: {  	_ =	shalt  }
0x4b: {  	_ =	shalt  }
0x4c: {  	_ =	shalt  }
0x4d: {  	_ =	shalt  }
0x4e: {  	_ =	shalt  }
0x4f: {  	_ =	shalt  }
0x50: {  	_ =	shalt  }
0x51: {  	_ =	shalt  }
0x52: {  	_ =	shalt  }
0x53: {  	_ =	shalt  }
0x54: {  	_ =	shalt  }
0x55: {  	_ =	shalt  }
0x56: {  	_ =	shalt  }
0x57: {  	_ =	shalt  }
0x58: {  	_ =	shalt  }
0x59: {  	_ =	shalt  }
0x5a: {  	_ =	shalt  }
0x5b: {  	_ =	shalt  }
0x5c: {  	_ =	shalt  }
0x5d: {  	_ =	shalt  }
0x5e: {  	_ =	shalt  }
0x5f: {  	_ =	shalt  }
0x60: {  	_ =	shalt  }
0x61: {  	_ =	shalt  }
0x62: {  	_ =	shalt  }
0x63: {  	_ =	shalt  }
0x64: {  	_ =	shalt  }
0x65: {  	_ =	shalt  }
0x66: {  	_ =	shalt  }
0x67: {  	_ =	shalt  }
0x68: {  	_ =	shalt  }
0x69: {  	_ =	shalt  }
0x6a: {  	_ =	shalt  }
0x6b: {  	_ =	shalt  }
0x6c: {  	_ =	shalt  }
0x6d: {  	_ =	shalt  }
0x6e: {  	_ =	shalt  }
0x6f: {  	_ =	shalt  }
0x70: {  	_ =	shalt  }
0x71: {  	_ =	shalt  }
0x72: {  	_ =	shalt  }
0x73: {  	_ =	shalt  }
0x74: {  	_ =	shalt  }
0x75: {  	_ =	shalt  }
0x76: {  	_ =	shalt  }
0x77: {  	_ =	shalt  }
0x78: {  	_ =	shalt  }
0x79: {  	_ =	shalt  }
0x7a: {  	_ =	shalt  }
0x7b: {  	_ =	shalt  }
0x7c: {  	_ =	shalt  }
0x7d: {  	_ =	shalt  }
0x7e: {  	_ =	shalt  }
0x7f: {  	_ =	shalt  }
0x80: {  	_ =	shalt  }
0x81: {  	_ =	shalt  }
0x82: {  	_ =	shalt  }
0x83: {  	_ =	shalt  }
0x84: {  	_ =	shalt  }
0x85: {  	_ =	shalt  }
0x86: {  	_ =	shalt  }
0x87: {  	_ =	shalt  }
.Lfunc_end0:
.L_simem_size_0:
called_computation.1_lowered:
.L_overlay_start_0:
0x88: {  	s2 =	sld [smem:$0x3FD9]  }
0x89: {  	s3 =	sld [smem:$0x3FFE];
	_ =	sdelay $0x1  }
0x8a: {  	s1 =	srdreg.scid  }
0x8b: {  	s0 =	sand.u32 $0x1, s1  }
0x8c: {  	s16 =	sshll.u32 s0, $0xA;
	s2 =	sadd.s32 s3, s2  }
0x8d: {  	s2 =	sadd.s32 s2, s16  }
0x8e: {  	[smem:$0x3FBB] =	sst s2  }
0x8f: {  	_ = 	snop  }
0x90: {  	(tm) =	ssettm $0x1  }
0x91: {  	s17 =	sld [smem:$0x3FFB];
	_ =	sdelay $0x3  }
0x92: {  	_ =	strace s17  }
0x93: {  	s2 =	sld [smem:$0x3FFC];
	_ =	sdelay $0x3  }
0x94: {  	_ =	strace s2  }
0x95: {  	s2 =	sld [smem:$0x3FFD];
	_ =	sdelay $0x3  }
0x96: {  	_ =	strace s2  }
0x97: {  	_ =	strace $0x8FFFFFFF  }
0x98: {  	s18 =	sld [smem:$0x3FDB];
	_ =	sdelay $0x1  }
0x99: {  	s19 =	simm.s32 $_scs_section_size  }
0x9a: {  	s4 =	simm.s32 $_size__tile_overlayer_lowered;
	s5 =	simm.s32 $_tile_overlayer_lowered  }
0x9b: {  	s22 =	simm.s32 $0x1BFF;
	s21 =	sshll.u32 s5, $0x1;
	s2 =	sadd.s32 s19, s18  }
0x9c: {  	s6 =	simm.s32 $0x0;
	s20 =	sshll.u32 s4, $0x1;
	s4 =	sadd.s32 s21, s2  }
0x9d: {  	[timem:s6], [sflag:s22] =	dma.local [hbm:s4], s20  }
0x9e: {  	_ =	swait.ge [sflag:s22], s20  }
0x9f: {  	s3 =	ssub.s32 $0x0, s20;
	[sflag:s22] =	ssyncset.done $0x0  }
0xa0: {  	[sflag:s22] =	ssyncadd.s32 s3;
	_ =	sdelay $0x1  }
0xa1: {  	s23 =	simm.s32 $0x1B8B  }
0xa2: {  	_ =	swait.ge [sflag:s23], $0x1  }
0xa3: {  	[sflag:s23] =	ssyncset.done $0x0  }
0xa4: {  	s25 =	simm.s32 $0x1B8E;
	s24 =	sld [smem:$0x3FFE];
	[sflag:s23] =	ssyncadd.s32 $0xFFFFFFFF  }
0xa5: {  	s26 =	simm.s32 $execute0_lowered;
	[smem:$0x3FD2] =	sst s25  }
0xa6: {  	s4 =	sshll.u32 s26, $0x1;
	_ =	strace $0x80000049;
	[dreg:$0x1] =	wrdreg $0xFFFFFFFF  }
0xa7: {  	s28 =	simm.s32 $_size_execute0_lowered;
	s2 =	sadd.s32 s2, s4;
	[dreg:$0x0] =	wrdreg $0x0  }
0xa8: {  	s4 =	sshll.u32 s28, $0x1;
	[dreg:$0x2] =	wrdreg s2  }
0xa9: {  	[dreg:$0x3] =	wrdreg s4  }
0xaa: {  	[dreg:$0x4] =	wrdreg $0xC0  }
0xab: {  	_ =	task [dreg:s6], $0x5FFFF  }
0xac: {  	[dreg:$0x1] =	wrdreg $0xFFFFFFFF  }
0xad: {  	[dreg:$0x0] =	wrdreg $0x60  }
0xae: {  	[dreg:$0x2] =	wrdreg s24  }
0xaf: {  	[dreg:$0x3] =	wrdreg $0x14A000  }
0xb0: {  	[dreg:$0x4] =	wrdreg $0x9  }
0xb1: {  	_ =	task.clear_ibuf [dreg:s6], $0x5FFFF;
	_ =	strace $0x90000049  }
0xb2: {  	s29 =	simm.s32 $0x9;
	_ =	strace $0x8000004B  }
0xb3: {  	_ =	swait.ge [sflag:s29], $0x1  }
0xb4: {  	[sflag:s29] =	ssyncadd.s32 $0xFFFFFFFF  }
0xb5: {  	_ =	strace $0x9000004B  }
0xb6: {  	_ =	sfence  }
0xb7: {  	s30 =	sld [smem:$0x0];
	_ =	sdelay $0x2  }
0xb8: {  	s31 =	sshll.u32 s1, $0xD;
	s1 =	sshrl.u32 s1, $0x2  }
0xb9: {  	s3 =	sand.u32 $0x4000, s31;
	s1 =	sadd.s32 s1, s30  }
0xba: {  	s0 =	sor.u32 s3, s0;
	s1 =	sshll.u32 s1, $0x11  }
0xbb: {  	s0 =	sor.u32 s1, s0  }
0xbc: {  	s0 =	sadd.s32 $0x8F2B, s0  }
0xbd: {  	[sflag:s0] =	ssyncadd.remote.s32 $0x1  }
0xbe: {  	_ =	sfence.sel $0xFFFF  }
0xbf: {  	[dreg:$0x0] =	wrdreg $0xFFFFFFFF;
	(pc) =	sbr.abs _section_cstart, $3  }
0xc0: {  	[dreg:$0x1] =	wrdreg $0xFFFFFFFF  }
0xc1: {  	_ =	task.clear_ibuf [dreg:s6], $0x2FFFF;
	_ =	strace $0x9FFFFFFF  }
0xc2: {  	(tm) =	ssettm $0x7FFFFFFF  }
0xc3: {  	_ =	shalt  }
tec
execute0_lowered:
.L_overlay_start_1:
0x0: {  	(tag) =	ssettag $0x1  }
0x1: {  	s0 =	rddreg [dreg:$0x0]  }
0x2: {  	s2 =	rddreg [dreg:$0x1];
	s1 =	srdreg.scid  }
0x3: {  	s11 =	stileid.u32;
	s4 =	simm.s32 $0x0;
	s14 =	simm.s32 $0x7D  }
0x4: {  	s15 =	simm.s32 $0x5000;
	s19 =	simm.s32 $0x8E80;
	s28 =	simm.s32 $0x10B80  }
0x5: {  	s30 =	simm.s32 $0x12AC0;
	s31 =	simm.s32 $0x1;
	s16 =	simm.s32 $0x8  }
0x6: {  	s29 =	simm.s32 $0x0;
	s1 =	sand.u32 $0x1, s1;
	s3 =	smul.u32 $0xA000, s11  }
0x7: {  	[smem:$0x7FF] =	sst s4;
	s5 =	sshll.u32 s11, $0x1;
	s6 =	sadd.s32 $0x3000, s0  }
0x8: {  	s4 =	sadd.s32 $0x1C000, s0;
	s9 =	sadd.s32 $0x30000, s0;
	s26 =	sshll.u32 s11, $0x6  }
0x9: {  	s11 =	simm.s32 $0x7;
	s20 =	smul.u32 $0xA0000, s1;
	_ =	strace $0x8000004A  }
0xa: {  	s5 =	sor.u32 s1, s5;
	s10 =	ssub.s32 $0x2, s1;
	p0 =	seq.s32 s1, $0x1  }
0xb: {  	s12 =	sor.u32 $0x1C11, s26;
	s1 =	simm.s32 $0x5;
	s8 =	smul.u32 $0x2800, s5  }
0xc: {  	s26 =	simm.s32 $0x10;
	s5 =	smul.u32 $0x500, s5;
	s21 =	sshrl.u32 s10, $0x1  }
0xd: {  	s23 =	sadd.s32 s3, s2;
	s7 =	sadd.s32 s3, s20;
	s3 =	sshrl.u32 s3, $0x3  }
0xe: {  	s13 =	sshrl.u32 s23, $0x3;
	s23 =	simm.s32 $0xCD00;
	s20 =	simm.s32 $0xB  }
0xf: {  	s7 =	sshrl.u32 s7, $0x3;
	s8 =	sshrl.u32 s8, $0x3;
	s5 =	sadd.s32 s6, s5  }
0x10: {  	s0 =	sadd.s32 s7, s0;
	s8 =	sadd.s32 s6, s8;
	s7 =	ssub.s32 s10, s21  }
0x11: {  	[dreg:$0x3] =	wrdreg s5;
	s5 =	smov.u32 s4;
	s22 =	sadd.s32 $0xA000, s8  }
.Ltmp0:
0x12: {  	s0 =	sadd.s32 $0x44000, s0;
	[dreg:$0x4] =	wrdreg s22;
	(pc) =	sbr.rel .LBB2_1-.Ltmp0, $4  }
0x13: {  	s10 =	simm.s32 $0x11;
	s24 =	smax.u32 s7, $0x1;
	[dreg:$0x5] =	wrdreg s0  }
0x14: {  	s21 =	simm.s32 $0xC;
	s5 =	smov.u32 @p0 s9;
	[dreg:$0x6] =	wrdreg s24  }
0x15: {  	s25 =	sadd.s32 s5, s3;
	s0 =	simm.s32 $0x3;
	s22 =	simm.s32 $0xD  }
0x16: {  	s24 =	simm.s32 $0xE;
	[dreg:$0x7] =	wrdreg s25;
	s25 =	simm.s32 $0xF  }
.LBB2_4:
0x17: {  	_ =	swait.ge [sflag:s16], $0x1F40  }
0x18: {  	[sflag:s16] =	ssyncset.done $0x0  }
0x19: {  	s8 =	simm.s32 $0x9;
	[sflag:s16] =	ssyncadd.s32 $0xFFFFE0C0  }
0x1a: {  	[spmem:s2] =	stream.indirect.scatter.add.f32 [tilespmem:s30], [sflag:$0x10], $0x40, s3, s14, $0xb8;
	[tilespmem:$0x1EA00] =	vst v63  }
0x1b: {  	_ =	swait.ge [sflag:s8], $0x1F40  }
0x1c: {  	[sflag:s8] =	ssyncset.done $0x0  }
0x1d: {  	s9 =	simm.s32 $0xA;
	[sflag:s8] =	ssyncadd.s32 $0xFFFFE0C0  }
0x1e: {  	_ =	swait.ge [sflag:s9], $0x1F40  }
0x1f: {  	[sflag:s9] =	ssyncset.done $0x0  }
0x20: {  	[sflag:s9] =	ssyncadd.s32 $0xFFFFE0C0  }
0x21: {  	_ =	swait.ge [sflag:s20], $0x1F40  }
0x22: {  	[sflag:s20] =	ssyncset.done $0x0  }
0x23: {  	[sflag:s20] =	ssyncadd.s32 $0xFFFFE0C0  }
0x24: {  	_ =	swait.ge [sflag:s21], $0x1F40  }
0x25: {  	[sflag:s21] =	ssyncset.done $0x0  }
0x26: {  	[sflag:s21] =	ssyncadd.s32 $0xFFFFE0C0  }
0x27: {  	_ =	swait.ge [sflag:s22], $0x1F40  }
0x28: {  	[sflag:s22] =	ssyncset.done $0x0  }
0x29: {  	[sflag:s22] =	ssyncadd.s32 $0xFFFFE0C0  }
0x2a: {  	_ =	swait.ge [sflag:s24], $0x1F40  }
0x2b: {  	[sflag:s24] =	ssyncset.done $0x0  }
0x2c: {  	[sflag:s24] =	ssyncadd.s32 $0xFFFFE0C0  }
0x2d: {  	_ =	swait.ge [sflag:s25], $0x1F40  }
0x2e: {  	[sflag:s25] =	ssyncset.done $0x0  }
0x2f: {  	[sflag:s25] =	ssyncadd.s32 $0xFFFFE0C0  }
0x30: {  	_ =	swait.ge [sflag:s26], $0x1F40  }
0x31: {  	[sflag:s26] =	ssyncset.done $0x0  }
0x32: {  	[sflag:s26] =	ssyncadd.s32 $0xFFFFE0C0  }
0x33: {  	[bflag:$0x0] =	sbarrier.arrive $0xFFFF  }
0x34: {  	s17 =	rddreg [dreg:$0x5]  }
0x35: {  	[hbm:s17], [sflag:s12] =	dma.local [spmem:s13], $0x1400  }
0x36: {  	_ =	swait.ge [sflag:s10], $0x1400  }
0x37: {  	s29 =	sadd.s32 $0x1, s29;
	s18 =	rddreg [dreg:$0x6]  }
0x38: {  	p0 =	sne.s32 s29, s18  }
.Ltmp1:
0x39: {  	_ = 	snop;
	(pc) =	sbr.rel @!p0 .LBB2_5-.Ltmp1, $3  }
0x3a: {  	_ =	sdelay $0x1  }
0x3b: {  	[sflag:s10] =	ssyncset.done $0x0  }
0x3c: {  	[sflag:s10] =	ssyncadd.s32 $0xFFFFEC00  }
.LBB2_1:
0x3d: {  	s3 =	simm.s32 $0x0;
	s5 =	rddreg [dreg:$0x3]  }
0x3e: {  	[tilespmem:s3], [sflag:$0x11] =	stream.linear.gather [hbm4b:s5+s3], $0x2800, $0x38;
	[tilespmem:$0x1EA00] =	vst v63  }
0x3f: {  	_ =	swait.ge [sflag:s10], $0x2800  }
0x40: {  	[sflag:s10] =	ssyncset.done $0x0  }
0x41: {  	s6 =	simm.s32 $0x2800;
	s7 =	rddreg [dreg:$0x4];
	[sflag:s10] =	ssyncadd.s32 $0xFFFFD800  }
0x42: {  	[tilespmem:s6], [sflag:$0x11] =	stream.linear.gather [hbm4b:s7+s3], $0x2800, $0x38;
	[tilespmem:$0x1EA00] =	vst v63  }
0x43: {  	_ =	swait.ge [sflag:s10], $0x2800  }
0x44: {  	[sflag:s10] =	ssyncset.done $0x0  }
0x45: {  	s8 =	rddreg [dreg:$0x7];
	[sflag:s10] =	ssyncadd.s32 $0xFFFFD800  }
0x46: {  	[spmem:s13], [sflag:s12] =	dma.local [hbm:s8], $0x1400  }
0x47: {  	_ =	swait.ge [sflag:s10], $0x1400  }
0x48: {  	[sflag:s10] =	ssyncset.done $0x0  }
0x49: {  	[sflag:s10] =	ssyncadd.s32 $0xFFFFEC00  }
0x4a: {  	[bflag:$0x0] =	sbarrier.arrive $0xFFFF  }
0x4b: {  	[tilespmem:s15], [sflag:$0x1] =	stream.indirect.gather [hbm4b:s4+s14], $0x40, s3, s14, $0xb8;
	[tilespmem:$0x1EA00] =	vst v63  }
0x4c: {  	s9 =	simm.s32 $0x80;
	s17 =	simm.s32 $0x6F40  }
0x4d: {  	[tilespmem:s17], [sflag:$0x2] =	stream.indirect.gather [hbm4b:s4+s14], $0x40, s9, s14, $0xb8;
	[tilespmem:$0x1EA00] =	vst v63  }
0x4e: {  	s18 =	simm.s32 $0x100  }
0x4f: {  	[tilespmem:s19], [sflag:$0x3] =	stream.indirect.gather [hbm4b:s4+s14], $0x40, s18, s14, $0xb8;
	[tilespmem:$0x1EA00] =	vst v63  }
0x50: {  	s5 =	simm.s32 $0x180;
	s6 =	simm.s32 $0xADC0  }
0x51: {  	[tilespmem:s6], [sflag:$0x4] =	stream.indirect.gather [hbm4b:s4+s14], $0x40, s5, s14, $0xb8;
	[tilespmem:$0x1EA00] =	vst v63  }
0x52: {  	s7 =	simm.s32 $0x200  }
0x53: {  	[tilespmem:s23], [sflag:$0x5] =	stream.indirect.gather [hbm4b:s4+s14], $0x40, s7, s14, $0xb8;
	[tilespmem:$0x1EA00] =	vst v63  }
0x54: {  	s8 =	simm.s32 $0x280;
	s9 =	simm.s32 $0xEC40  }
0x55: {  	[tilespmem:s9], [sflag:$0x6] =	stream.indirect.gather [hbm4b:s4+s14], $0x40, s8, s14, $0xb8;
	[tilespmem:$0x1EA00] =	vst v63  }
0x56: {  	s17 =	simm.s32 $0x300  }
0x57: {  	[tilespmem:s28], [sflag:$0x7] =	stream.indirect.gather [hbm4b:s4+s14], $0x40, s17, s14, $0xb8;
	[tilespmem:$0x1EA00] =	vst v63  }
0x58: {  	s18 =	simm.s32 $0x380;
	s5 =	simm.s32 $0x0  }
0x59: {  	[tilespmem:s30], [sflag:$0x8] =	stream.indirect.gather [hbm4b:s4+s14], $0x40, s18, s14, $0xb8;
	[tilespmem:$0x1EA00] =	vst v63  }
.LBB2_2:
0x5a: {  	_ =	swait.ge [sflag:s31], $0x1F40  }
0x5b: {  	s6 =	sshra.s32 s5, $0x2;
	[sflag:s31] =	ssyncset.done $0x0  }
0x5c: {  	p0 =	seq.s32 s5, $0x9000;
	s3 =	sadd.s32 $0x2800, s6;
	[sflag:s31] =	ssyncadd.s32 $0xFFFFE0C0  }
0x5d: {  	[spmem:s2] =	stream.indirect.scatter.add.f32 [tilespmem:s15], [sflag:$0x9], $0x40, s3, s14, $0xb8;
	[tilespmem:$0x1EA00] =	vst v63  }
0x5e: {  	s3 =	simm.s32 @p0 $0x2  }
0x5f: {  	_ =	swait.ge @p0 [sflag:s3], $0x1F40  }
0x60: {  	s9 =	sshra.s32 @p0 s5, $0x2;
	s8 =	simm.s32 @p0 $0x6F40;
	[sflag:s3] =	ssyncset.done @p0 $0x0  }
0x61: {  	s7 =	sadd.s32 @p0 $0x2880, s9;
	[sflag:s3] =	ssyncadd.s32 @p0 $0xFFFFE0C0;
	s3 =	simm.s32 @p0 $0x7D  }
0x62: {  	[spmem:s2] =	stream.indirect.scatter.add.f32 @p0 [tilespmem:s8], [sflag:$0xA], $0x40, s7, s3, $0xb8;
	[tilespmem:$0x1EA00] =	vst v63  }
0x63: {  	s7 =	simm.s32 @!p0 $0x9  }
0x64: {  	_ =	swait.ge @!p0 [sflag:s7], $0x1F40  }
0x65: {  	[sflag:s7] =	ssyncset.done @!p0 $0x0  }
0x66: {  	[sflag:s7] =	ssyncadd.s32 @!p0 $0xFFFFE0C0;
	s7 =	sshra.s32 @!p0 s5, $0x2  }
0x67: {  	s18 =	simm.s32 @!p0 $0x5000;
	s8 =	simm.s32 @!p0 $0x7D;
	s17 =	sadd.s32 @!p0 $0x400, s7  }
0x68: {  	[tilespmem:s18], [sflag:$0x1] =	stream.indirect.gather @!p0 [hbm4b:s4+s8], $0x40, s17, s8, $0xb8;
	[tilespmem:$0x1EA00] =	vst v63  }
0x69: {  	s17 =	simm.s32 @!p0 $0x2  }
0x6a: {  	_ =	swait.ge @!p0 [sflag:s17], $0x1F40  }
0x6b: {  	[sflag:s17] =	ssyncset.done @!p0 $0x0  }
0x6c: {  	s18 =	simm.s32 @!p0 $0x6F40;
	[sflag:s17] =	ssyncadd.s32 @!p0 $0xFFFFE0C0;
	s17 =	sadd.s32 @!p0 $0x2880, s7  }
0x6d: {  	[spmem:s2] =	stream.indirect.scatter.add.f32 @!p0 [tilespmem:s18], [sflag:$0xA], $0x40, s17, s8, $0xb8;
	[tilespmem:$0x1EA00] =	vst v63  }
0x6e: {  	s17 =	simm.s32 @!p0 $0xA  }
0x6f: {  	_ =	swait.ge @!p0 [sflag:s17], $0x1F40  }
0x70: {  	[sflag:s17] =	ssyncset.done @!p0 $0x0  }
0x71: {  	[sflag:s17] =	ssyncadd.s32 @!p0 $0xFFFFE0C0;
	s17 =	sadd.s32 @!p0 $0x480, s7  }
0x72: {  	[tilespmem:s18], [sflag:$0x2] =	stream.indirect.gather @!p0 [hbm4b:s4+s8], $0x40, s17, s8, $0xb8;
	[tilespmem:$0x1EA00] =	vst v63  }
0x73: {  	_ =	swait.ge [sflag:s0], $0x1F40  }
0x74: {  	[sflag:s0] =	ssyncset.done $0x0  }
0x75: {  	s18 =	sadd.s32 $0x2900, s6;
	s17 =	simm.s32 @p0 $0x4;
	[sflag:s0] =	ssyncadd.s32 $0xFFFFE0C0  }
0x76: {  	[spmem:s2] =	stream.indirect.scatter.add.f32 [tilespmem:s19], [sflag:$0xB], $0x40, s18, s14, $0xb8;
	[tilespmem:$0x1EA00] =	vst v63  }
0x77: {  	_ =	swait.ge @p0 [sflag:s17], $0x1F40  }
0x78: {  	[sflag:s17] =	ssyncset.done @p0 $0x0  }
0x79: {  	s18 =	simm.s32 @p0 $0xADC0;
	[sflag:s17] =	ssyncadd.s32 @p0 $0xFFFFE0C0;
	s17 =	sadd.s32 @p0 $0x2980, s9  }
0x7a: {  	[spmem:s2] =	stream.indirect.scatter.add.f32 @p0 [tilespmem:s18], [sflag:$0xC], $0x40, s17, s3, $0xb8;
	[tilespmem:$0x1EA00] =	vst v63  }
0x7b: {  	s17 =	simm.s32 @!p0 $0xB  }
0x7c: {  	_ =	swait.ge @!p0 [sflag:s17], $0x1F40  }
0x7d: {  	[sflag:s17] =	ssyncset.done @!p0 $0x0  }
0x7e: {  	s18 =	simm.s32 @!p0 $0x8E80;
	[sflag:s17] =	ssyncadd.s32 @!p0 $0xFFFFE0C0;
	s17 =	sadd.s32 @!p0 $0x500, s7  }
0x7f: {  	[tilespmem:s18], [sflag:$0x3] =	stream.indirect.gather @!p0 [hbm4b:s4+s8], $0x40, s17, s8, $0xb8;
	[tilespmem:$0x1EA00] =	vst v63  }
0x80: {  	s17 =	simm.s32 @!p0 $0x4  }
0x81: {  	_ =	swait.ge @!p0 [sflag:s17], $0x1F40  }
0x82: {  	[sflag:s17] =	ssyncset.done @!p0 $0x0  }
0x83: {  	s18 =	simm.s32 @!p0 $0xADC0;
	[sflag:s17] =	ssyncadd.s32 @!p0 $0xFFFFE0C0;
	s17 =	sadd.s32 @!p0 $0x2980, s7  }
0x84: {  	[spmem:s2] =	stream.indirect.scatter.add.f32 @!p0 [tilespmem:s18], [sflag:$0xC], $0x40, s17, s8, $0xb8;
	[tilespmem:$0x1EA00] =	vst v63  }
0x85: {  	s17 =	simm.s32 @!p0 $0xC  }
0x86: {  	_ =	swait.ge @!p0 [sflag:s17], $0x1F40  }
0x87: {  	[sflag:s17] =	ssyncset.done @!p0 $0x0  }
0x88: {  	[sflag:s17] =	ssyncadd.s32 @!p0 $0xFFFFE0C0;
	s17 =	sadd.s32 @!p0 $0x580, s7  }
0x89: {  	[tilespmem:s18], [sflag:$0x4] =	stream.indirect.gather @!p0 [hbm4b:s4+s8], $0x40, s17, s8, $0xb8;
	[tilespmem:$0x1EA00] =	vst v63  }
0x8a: {  	_ =	swait.ge [sflag:s1], $0x1F40  }
0x8b: {  	[sflag:s1] =	ssyncset.done $0x0  }
0x8c: {  	s18 =	sadd.s32 $0x2A00, s6;
	s17 =	simm.s32 @p0 $0x6;
	[sflag:s1] =	ssyncadd.s32 $0xFFFFE0C0  }
0x8d: {  	[spmem:s2] =	stream.indirect.scatter.add.f32 [tilespmem:s23], [sflag:$0xD], $0x40, s18, s14, $0xb8;
	[tilespmem:$0x1EA00] =	vst v63  }
0x8e: {  	_ =	swait.ge @p0 [sflag:s17], $0x1F40  }
0x8f: {  	[sflag:s17] =	ssyncset.done @p0 $0x0  }
0x90: {  	s9 =	sadd.s32 @p0 $0x2A80, s9;
	[sflag:s17] =	ssyncadd.s32 @p0 $0xFFFFE0C0;
	s17 =	simm.s32 @p0 $0xEC40  }
0x91: {  	[spmem:s2] =	stream.indirect.scatter.add.f32 @p0 [tilespmem:s17], [sflag:$0xE], $0x40, s9, s3, $0xb8;
	[tilespmem:$0x1EA00] =	vst v63  }
0x92: {  	s3 =	simm.s32 @!p0 $0xD  }
0x93: {  	_ =	swait.ge @!p0 [sflag:s3], $0x1F40  }
0x94: {  	[sflag:s3] =	ssyncset.done @!p0 $0x0  }
0x95: {  	s9 =	simm.s32 @!p0 $0xCD00;
	[sflag:s3] =	ssyncadd.s32 @!p0 $0xFFFFE0C0;
	s3 =	sadd.s32 @!p0 $0x600, s7  }
0x96: {  	[tilespmem:s9], [sflag:$0x5] =	stream.indirect.gather @!p0 [hbm4b:s4+s8], $0x40, s3, s8, $0xb8;
	[tilespmem:$0x1EA00] =	vst v63  }
0x97: {  	s3 =	simm.s32 @!p0 $0x6  }
0x98: {  	_ =	swait.ge @!p0 [sflag:s3], $0x1F40  }
0x99: {  	[sflag:s3] =	ssyncset.done @!p0 $0x0  }
0x9a: {  	s9 =	simm.s32 @!p0 $0xEC40;
	[sflag:s3] =	ssyncadd.s32 @!p0 $0xFFFFE0C0;
	s3 =	sadd.s32 @!p0 $0x2A80, s7  }
0x9b: {  	[spmem:s2] =	stream.indirect.scatter.add.f32 @!p0 [tilespmem:s9], [sflag:$0xE], $0x40, s3, s8, $0xb8;
	[tilespmem:$0x1EA00] =	vst v63  }
0x9c: {  	s3 =	simm.s32 @!p0 $0xE  }
0x9d: {  	_ =	swait.ge @!p0 [sflag:s3], $0x1F40  }
0x9e: {  	[sflag:s3] =	ssyncset.done @!p0 $0x0  }
0x9f: {  	[sflag:s3] =	ssyncadd.s32 @!p0 $0xFFFFE0C0;
	s3 =	sadd.s32 @!p0 $0x680, s7  }
0xa0: {  	[tilespmem:s9], [sflag:$0x6] =	stream.indirect.gather @!p0 [hbm4b:s4+s8], $0x40, s3, s8, $0xb8;
	[tilespmem:$0x1EA00] =	vst v63  }
.Ltmp2:
0xa1: {  	_ = 	snop;
	(pc) =	sbr.rel @p0 .LBB2_4-.Ltmp2, $4  }
0xa2: {  	_ =	swait.ge [sflag:s11], $0x1F40  }
0xa3: {  	[sflag:s11] =	ssyncset.done $0x0  }
0xa4: {  	s18 =	sadd.s32 $0x2B00, s6;
	s3 =	sadd.s32 $0x2B80, s6;
	[sflag:s11] =	ssyncadd.s32 $0xFFFFE0C0  }
0xa5: {  	[spmem:s2] =	stream.indirect.scatter.add.f32 [tilespmem:s28], [sflag:$0xF], $0x40, s18, s14, $0xb8;
	[tilespmem:$0x1EA00] =	vst v63  }
0xa6: {  	_ =	swait.ge [sflag:s25], $0x1F40  }
0xa7: {  	[sflag:s25] =	ssyncset.done $0x0  }
0xa8: {  	s7 =	sadd.s32 $0x700, s6;
	[sflag:s25] =	ssyncadd.s32 $0xFFFFE0C0  }
0xa9: {  	[tilespmem:s28], [sflag:$0x7] =	stream.indirect.gather [hbm4b:s4+s14], $0x40, s7, s14, $0xb8;
	[tilespmem:$0x1EA00] =	vst v63  }
0xaa: {  	_ =	swait.ge [sflag:s16], $0x1F40  }
0xab: {  	[sflag:s16] =	ssyncset.done $0x0  }
0xac: {  	[sflag:s16] =	ssyncadd.s32 $0xFFFFE0C0  }
0xad: {  	[spmem:s2] =	stream.indirect.scatter.add.f32 [tilespmem:s30], [sflag:$0x10], $0x40, s3, s14, $0xb8;
	[tilespmem:$0x1EA00] =	vst v63  }
.Ltmp3:
0xae: {  	_ = 	snop;
	(pc) =	sbr.rel .LBB2_2-.Ltmp3, $4  }
0xaf: {  	_ =	swait.ge [sflag:s26], $0x1F40  }
0xb0: {  	[sflag:s26] =	ssyncset.done $0x0  }
0xb1: {  	s18 =	sadd.s32 $0x780, s6;
	s5 =	sadd.s32 $0x1000, s5;
	[sflag:s26] =	ssyncadd.s32 $0xFFFFE0C0  }
0xb2: {  	[tilespmem:s30], [sflag:$0x8] =	stream.indirect.gather [hbm4b:s4+s14], $0x40, s18, s14, $0xb8;
	[tilespmem:$0x1EA00] =	vst v63  }
.LBB2_5:
0xb3: {  	_ =	sfence.sel $0x180000  }
0xb4: {  	[bflag:$0x0] =	sbarrier.arrive $0xFFFF  }
0xb5: {  	_ =	strace $0x9000004A  }
0xb6: {  	s0 =	stileid.u32;
	[bflag:$0x2] =	sbarrier.arrive $0xFFFF  }
0xb7: {  	p0 =	sne.s32 s0, $0x0;
	s0 =	rddreg [dreg:$0x2]  }
0xb8: {  	s0 =	sadd.s32 @!p0 $0x100000, s0  }
0xb9: {  	[sflag:s0] =	ssyncadd.tile.s32 @!p0 $0x1;
	_ =	shalt  }
.Lfunc_end2:
_tile_overlayer_lowered:
.L_overlay_start_2:
0xba: {  	(tag) =	ssettag $0x2  }
0xbb: {  	s0 =	rddreg [dreg:$0x0];
	s2 =	stileid.u32  }
0xbc: {  	s1 =	rddreg [dreg:$0x1];
	p0 =	sne.s32 s2, $0x0  }
0xbd: {  	s3 =	rddreg [dreg:$0x2];
	[bflag:$0x3] =	sbarrier.arrive $0xFFFF;
	s2 =	simm.s32 @!p0 $0x1C11  }
0xbe: {  	[timem:s3], [sflag:s2] =	dma.local @!p0 [hbm:s0], s1  }
0xbf: {  	s0 =	simm.s32 @!p0 $0x11  }
0xc0: {  	_ =	swait.ge @!p0 [sflag:s0], s1  }
0xc1: {  	s1 =	ssub.s32 @!p0 $0x0, s1;
	[sflag:s0] =	ssyncset.done @!p0 $0x0  }
0xc2: {  	[sflag:s0] =	ssyncadd.s32 @!p0 s1  }
0xc3: {  	[bflag:$0x3] =	sbarrier.arrive $0xFFFF  }
0xc4: {  	_ =	shalt  }

// kernel: kernel.17.cloned.1.call-start
scs
__scs_entry_jumppad:
0x0: {  	(pc) =	sbr.rel $0x88, $3  }
0x1: {  	(tag) =	ssettag $0x0;
	lr =	simm.s32 $0x1  }
0x2: {  	[smem:$0x3F94] =	sst lr;
	_ =	strace $0xD0000000  }
0x3: {  	_ = 	snop  }
0x4: {  	_ = 	snop  }
0x5: {  	_ = 	snop  }
0x6: {  	_ = 	snop  }
0x7: {  	_ = 	snop  }
__scs_overlays_trampoline_lowered:
0x8: {  	[smem:$0x3FA3] =	sst s0  }
0x9: {  	[smem:$0x3FA4] =	sst s1  }
0xa: {  	[smem:$0x3FA5] =	sst s2  }
0xb: {  	[smem:$0x3FA6] =	sst s3  }
0xc: {  	[smem:$0x3FA7] =	sst s4  }
0xd: {  	[smem:$0x3FA8] =	sst s5  }
0xe: {  	[smem:$0x3FA9] =	sst s6  }
0xf: {  	[smem:$0x3FAA] =	sst s7  }
0x10: {  	[smem:$0x3FAB] =	sst s8  }
0x11: {  	[smem:$0x3FAC] =	sst s9;
	s0 =	simm.s32 @!p0 $0x0  }
0x12: {  	s1 =	sld [smem:$0x3F92];
	s0 =	simm.s32 @p0 $0x1  }
0x13: {  	[smem:$0x3FAD] =	sst s0;
	s0 =	simm.s32 @!p1 $0x0  }
0x14: {  	s2 =	sld [smem:$0x3F91];
	s0 =	simm.s32 @p1 $0x1  }
0x15: {  	[smem:$0x3FAE] =	sst s0;
	s0 =	simm.s32 @!p2 $0x0  }
0x16: {  	s3 =	sld [smem:$0x3FDB];
	s0 =	simm.s32 @p2 $0x1  }
0x17: {  	s4 =	simm.s32 $0x1BF5;
	[smem:$0x3FB0] =	sst s0  }
0x18: {  	s0 =	sld [smem:$0x3F93];
	_ =	swait.ge [sflag:s4], $0x0  }
0x19: {  	s7 =	sld [smem:$0x3F94]  }
0x1a: {  	s8 =	sadd.s32 $0xFFFFE003, lr  }
0x1b: {  	s9 =	sadd.s32 $0xFFFFFEF7, lr;
	s5 =	simm.s32 $0xFFFFFFFF;
	p2 =	slt.u32 s8, $0xFFFFF086  }
0x1c: {  	p1 =	slt.u32 s9, $0xF7A;
	s5 =	simm.s32 @!p2 $0x0  }
0x1d: {  	s5 =	simm.s32 @p1 $0x1;
	p0 =	seq.s32 s7, s2  }
0x1e: {  	s7 =	smul.u32 @!p0 $0xF7A, s2;
	p2 =	seq.s32 @!p0 s5, $0x0  }
0x1f: {  	s9 =	smul.u32 $0xF7A, s1;
	s8 =	simm.s32 @!p0 $0x1BF5;
	p2 =	por !p2, p0  }
0x20: {  	[sflag:s8] =	ssyncset.s32 @!p0 $0xFFFFF086;
	s6 =	sadd.s32 @!p0 s3, s7;
	s7 =	simm.s32 @!p0 $0x108  }
0x21: {  	s3 =	sadd.s32 s3, s9;
	s6 =	sadd.s32 @!p0 $0x88, s6;
	s7 =	simm.s32 @p2 $0x1082  }
0x22: {  	[simem:s7], [sflag:s8] =	dma.local @!p0 [hbm:s6], $0xF7A  }
0x23: {  	s9 =	sor.u32 $0xD0000000, s2;
	s6 =	simm.s32 $0x108;
	_ =	swait.ge @!p0 [sflag:s8], $0x0  }
0x24: {  	s3 =	sadd.s32 $0x88, s3;
	s6 =	simm.s32 @!p1 $0x1082;
	[sflag:s4] =	ssyncset.s32 $0xFFFFF086  }
0x25: {  	[simem:s6], [sflag:s4] =	dma.local [hbm:s3], $0xF7A  }
0x26: {  	[smem:$0x3F94] =	sst s1;
	(tag) =	ssettag s2;
	_ =	strace s9  }
0x27: {  	s1 =	sld [smem:$0x3FA4]  }
0x28: {  	s2 =	sld [smem:$0x3FA5]  }
0x29: {  	s4 =	sld [smem:$0x3FA7]  }
0x2a: {  	p0 =	seq.s32 s5, $0x0;
	s5 =	sld [smem:$0x3FA8]  }
0x2b: {  	s6 =	sld [smem:$0x3FA9]  }
0x2c: {  	s7 =	sld [smem:$0x3FAA]  }
0x2d: {  	s3 =	simm.s32 $0x108;
	s8 =	sld [smem:$0x3FAB]  }
0x2e: {  	s3 =	simm.s32 @!p0 $0x1082;
	s9 =	sld [smem:$0x3FAC]  }
0x2f: {  	lr =	sadd.s32 s0, s3;
	s0 =	sld [smem:$0x3FA3]  }
0x30: {  	s3 =	sld [smem:$0x3FA6]  }
0x31: {  	[smem:$0x3FAF] =	sst s10  }
0x32: {  	s10 =	sld [smem:$0x3FAD];
	_ =	sdelay $0x3  }
0x33: {  	p0 =	seq.s32 s10, $0x1;
	s10 =	sld [smem:$0x3FAF];
	_ =	sdelay $0x3  }
0x34: {  	[smem:$0x3FAF] =	sst s10  }
0x35: {  	s10 =	sld [smem:$0x3FAE];
	_ =	sdelay $0x3  }
0x36: {  	p1 =	seq.s32 s10, $0x1;
	s10 =	sld [smem:$0x3FAF];
	_ =	sdelay $0x3  }
0x37: {  	[smem:$0x3FAF] =	sst s10  }
0x38: {  	s10 =	sld [smem:$0x3FB0]  }
0x39: {  	_ = 	snop;
	(pc) =	sbr.ind lr, $3  }
0x3a: {  	_ = 	snop  }
0x3b: {  	_ = 	snop  }
0x3c: {  	p2 =	seq.s32 s10, $0x1;
	s10 =	sld [smem:$0x3FAF]  }
0x3d: {  	_ =	shalt  }
0x3e: {  	_ =	shalt  }
0x3f: {  	_ =	shalt  }
0x40: {  	_ =	shalt  }
0x41: {  	_ =	shalt  }
0x42: {  	_ =	shalt  }
0x43: {  	_ =	shalt  }
0x44: {  	_ =	shalt  }
0x45: {  	_ =	shalt  }
0x46: {  	_ =	shalt  }
0x47: {  	_ =	shalt  }
0x48: {  	_ =	shalt  }
0x49: {  	_ =	shalt  }
0x4a: {  	_ =	shalt  }
0x4b: {  	_ =	shalt  }
0x4c: {  	_ =	shalt  }
0x4d: {  	_ =	shalt  }
0x4e: {  	_ =	shalt  }
0x4f: {  	_ =	shalt  }
0x50: {  	_ =	shalt  }
0x51: {  	_ =	shalt  }
0x52: {  	_ =	shalt  }
0x53: {  	_ =	shalt  }
0x54: {  	_ =	shalt  }
0x55: {  	_ =	shalt  }
0x56: {  	_ =	shalt  }
0x57: {  	_ =	shalt  }
0x58: {  	_ =	shalt  }
0x59: {  	_ =	shalt  }
0x5a: {  	_ =	shalt  }
0x5b: {  	_ =	shalt  }
0x5c: {  	_ =	shalt  }
0x5d: {  	_ =	shalt  }
0x5e: {  	_ =	shalt  }
0x5f: {  	_ =	shalt  }
0x60: {  	_ =	shalt  }
0x61: {  	_ =	shalt  }
0x62: {  	_ =	shalt  }
0x63: {  	_ =	shalt  }
0x64: {  	_ =	shalt  }
0x65: {  	_ =	shalt  }
0x66: {  	_ =	shalt  }
0x67: {  	_ =	shalt  }
0x68: {  	_ =	shalt  }
0x69: {  	_ =	shalt  }
0x6a: {  	_ =	shalt  }
0x6b: {  	_ =	shalt  }
0x6c: {  	_ =	shalt  }
0x6d: {  	_ =	shalt  }
0x6e: {  	_ =	shalt  }
0x6f: {  	_ =	shalt  }
0x70: {  	_ =	shalt  }
0x71: {  	_ =	shalt  }
0x72: {  	_ =	shalt  }
0x73: {  	_ =	shalt  }
0x74: {  	_ =	shalt  }
0x75: {  	_ =	shalt  }
0x76: {  	_ =	shalt  }
0x77: {  	_ =	shalt  }
0x78: {  	_ =	shalt  }
0x79: {  	_ =	shalt  }
0x7a: {  	_ =	shalt  }
0x7b: {  	_ =	shalt  }
0x7c: {  	_ =	shalt  }
0x7d: {  	_ =	shalt  }
0x7e: {  	_ =	shalt  }
0x7f: {  	_ =	shalt  }
0x80: {  	_ =	shalt  }
0x81: {  	_ =	shalt  }
0x82: {  	_ =	shalt  }
0x83: {  	_ =	shalt  }
0x84: {  	_ =	shalt  }
0x85: {  	_ =	shalt  }
0x86: {  	_ =	shalt  }
0x87: {  	_ =	shalt  }
.Lfunc_end0:
.L_simem_size_0:
called_computation.2_lowered:
.L_overlay_start_0:
0x88: {  	s2 =	sld [smem:$0x3FD9]  }
0x89: {  	s3 =	sld [smem:$0x3FFE];
	_ =	sdelay $0x1  }
0x8a: {  	s1 =	srdreg.scid  }
0x8b: {  	s0 =	sand.u32 $0x1, s1  }
0x8c: {  	s16 =	sshll.u32 s0, $0xA;
	s2 =	sadd.s32 s3, s2  }
0x8d: {  	s2 =	sadd.s32 s2, s16  }
0x8e: {  	[smem:$0x3FBB] =	sst s2  }
0x8f: {  	_ = 	snop  }
0x90: {  	(tm) =	ssettm $0x1  }
0x91: {  	s17 =	sld [smem:$0x3FFB];
	_ =	sdelay $0x3  }
0x92: {  	_ =	strace s17  }
0x93: {  	s2 =	sld [smem:$0x3FFC];
	_ =	sdelay $0x3  }
0x94: {  	_ =	strace s2  }
0x95: {  	s2 =	sld [smem:$0x3FFD];
	_ =	sdelay $0x3  }
0x96: {  	_ =	strace s2  }
0x97: {  	_ =	strace $0x8FFFFFFF  }
0x98: {  	s18 =	sld [smem:$0x3FDB];
	_ =	sdelay $0x1  }
0x99: {  	s19 =	simm.s32 $_scs_section_size  }
0x9a: {  	s4 =	simm.s32 $_size__tile_overlayer_lowered;
	s5 =	simm.s32 $_tile_overlayer_lowered  }
0x9b: {  	s22 =	simm.s32 $0x1BFF;
	s21 =	sshll.u32 s5, $0x1;
	s2 =	sadd.s32 s19, s18  }
0x9c: {  	s6 =	simm.s32 $0x0;
	s20 =	sshll.u32 s4, $0x1;
	s4 =	sadd.s32 s21, s2  }
0x9d: {  	[timem:s6], [sflag:s22] =	dma.local [hbm:s4], s20  }
0x9e: {  	_ =	swait.ge [sflag:s22], s20  }
0x9f: {  	s3 =	ssub.s32 $0x0, s20;
	[sflag:s22] =	ssyncset.done $0x0  }
0xa0: {  	[sflag:s22] =	ssyncadd.s32 s3;
	_ =	sdelay $0x1  }
0xa1: {  	s23 =	simm.s32 $0x1B8B  }
0xa2: {  	_ =	swait.ge [sflag:s23], $0x1  }
0xa3: {  	[sflag:s23] =	ssyncset.done $0x0  }
0xa4: {  	s25 =	simm.s32 $0x1B8E;
	s24 =	sld [smem:$0x3FFE];
	[sflag:s23] =	ssyncadd.s32 $0xFFFFFFFF  }
0xa5: {  	s26 =	simm.s32 $execute0_lowered;
	[smem:$0x3FD2] =	sst s25  }
0xa6: {  	s4 =	sshll.u32 s26, $0x1;
	_ =	strace $0x8000004C;
	[dreg:$0x1] =	wrdreg $0xFFFFFFFF  }
0xa7: {  	s28 =	simm.s32 $_size_execute0_lowered;
	s2 =	sadd.s32 s2, s4;
	[dreg:$0x0] =	wrdreg $0x0  }
0xa8: {  	s4 =	sshll.u32 s28, $0x1;
	[dreg:$0x2] =	wrdreg s2  }
0xa9: {  	[dreg:$0x3] =	wrdreg s4  }
0xaa: {  	[dreg:$0x4] =	wrdreg $0xC0  }
0xab: {  	_ =	task [dreg:s6], $0x5FFFF  }
0xac: {  	[dreg:$0x1] =	wrdreg $0xFFFFFFFF  }
0xad: {  	[dreg:$0x0] =	wrdreg $0x60  }
0xae: {  	[dreg:$0x2] =	wrdreg s24  }
0xaf: {  	[dreg:$0x3] =	wrdreg $0x14A000  }
0xb0: {  	[dreg:$0x4] =	wrdreg $0x9  }
0xb1: {  	_ =	task.clear_ibuf [dreg:s6], $0x5FFFF;
	_ =	strace $0x9000004C  }
0xb2: {  	s29 =	simm.s32 $0x9;
	_ =	strace $0x8000004E  }
0xb3: {  	_ =	swait.ge [sflag:s29], $0x1  }
0xb4: {  	[sflag:s29] =	ssyncadd.s32 $0xFFFFFFFF  }
0xb5: {  	_ =	strace $0x9000004E  }
0xb6: {  	_ =	sfence  }
0xb7: {  	s30 =	sld [smem:$0x0];
	_ =	sdelay $0x2  }
0xb8: {  	s31 =	sshll.u32 s1, $0xD;
	s1 =	sshrl.u32 s1, $0x2  }
0xb9: {  	s3 =	sand.u32 $0x4000, s31;
	s1 =	sadd.s32 s1, s30  }
0xba: {  	s0 =	sor.u32 s3, s0;
	s1 =	sshll.u32 s1, $0x11  }
0xbb: {  	s0 =	sor.u32 s1, s0  }
0xbc: {  	s0 =	sadd.s32 $0x8F2B, s0  }
0xbd: {  	[sflag:s0] =	ssyncadd.remote.s32 $0x1  }
0xbe: {  	_ =	sfence.sel $0xFFFF  }
0xbf: {  	[dreg:$0x0] =	wrdreg $0xFFFFFFFF;
	(pc) =	sbr.abs _section_cstart, $3  }
0xc0: {  	[dreg:$0x1] =	wrdreg $0xFFFFFFFF  }
0xc1: {  	_ =	task.clear_ibuf [dreg:s6], $0x2FFFF;
	_ =	strace $0x9FFFFFFF  }
0xc2: {  	(tm) =	ssettm $0x7FFFFFFF  }
0xc3: {  	_ =	shalt  }
tec
execute0_lowered:
.L_overlay_start_1:
0x0: {  	(tag) =	ssettag $0x1  }
0x1: {  	s0 =	rddreg [dreg:$0x0]  }
0x2: {  	s2 =	rddreg [dreg:$0x1];
	s1 =	srdreg.scid  }
0x3: {  	s11 =	stileid.u32;
	s4 =	simm.s32 $0x0;
	s14 =	simm.s32 $0x7D  }
0x4: {  	s15 =	simm.s32 $0x5000;
	s19 =	simm.s32 $0x8E80;
	s28 =	simm.s32 $0x10B80  }
0x5: {  	s30 =	simm.s32 $0x12AC0;
	s31 =	simm.s32 $0x1;
	s16 =	simm.s32 $0x8  }
0x6: {  	s29 =	simm.s32 $0x0;
	s1 =	sand.u32 $0x1, s1;
	s3 =	smul.u32 $0xA000, s11  }
0x7: {  	[smem:$0x7FF] =	sst s4;
	s5 =	sshll.u32 s11, $0x1;
	s6 =	sadd.s32 $0x3000, s0  }
0x8: {  	s4 =	sadd.s32 $0x1C000, s0;
	s9 =	sadd.s32 $0x30000, s0;
	s26 =	sshll.u32 s11, $0x6  }
0x9: {  	s11 =	simm.s32 $0x7;
	s20 =	smul.u32 $0xA0000, s1;
	_ =	strace $0x8000004D  }
0xa: {  	s5 =	sor.u32 s1, s5;
	s10 =	ssub.s32 $0x2, s1;
	p0 =	seq.s32 s1, $0x1  }
0xb: {  	s12 =	sor.u32 $0x1C11, s26;
	s1 =	simm.s32 $0x5;
	s8 =	smul.u32 $0x2800, s5  }
0xc: {  	s26 =	simm.s32 $0x10;
	s5 =	smul.u32 $0x500, s5;
	s21 =	sshrl.u32 s10, $0x1  }
0xd: {  	s23 =	sadd.s32 s3, s2;
	s7 =	sadd.s32 s3, s20;
	s3 =	sshrl.u32 s3, $0x3  }
0xe: {  	s13 =	sshrl.u32 s23, $0x3;
	s23 =	simm.s32 $0xCD00;
	s20 =	simm.s32 $0xB  }
0xf: {  	s7 =	sshrl.u32 s7, $0x3;
	s8 =	sshrl.u32 s8, $0x3;
	s5 =	sadd.s32 s6, s5  }
0x10: {  	s0 =	sadd.s32 s7, s0;
	s8 =	sadd.s32 s6, s8;
	s7 =	ssub.s32 s10, s21  }
0x11: {  	[dreg:$0x3] =	wrdreg s5;
	s5 =	smov.u32 s4;
	s22 =	sadd.s32 $0xA000, s8  }
.Ltmp0:
0x12: {  	s0 =	sadd.s32 $0x44000, s0;
	[dreg:$0x4] =	wrdreg s22;
	(pc) =	sbr.rel .LBB2_1-.Ltmp0, $4  }
0x13: {  	s10 =	simm.s32 $0x11;
	s24 =	smax.u32 s7, $0x1;
	[dreg:$0x5] =	wrdreg s0  }
0x14: {  	s21 =	simm.s32 $0xC;
	s5 =	smov.u32 @p0 s9;
	[dreg:$0x6] =	wrdreg s24  }
0x15: {  	s25 =	sadd.s32 s5, s3;
	s0 =	simm.s32 $0x3;
	s22 =	simm.s32 $0xD  }
0x16: {  	s24 =	simm.s32 $0xE;
	[dreg:$0x7] =	wrdreg s25;
	s25 =	simm.s32 $0xF  }
.LBB2_4:
0x17: {  	_ =	swait.ge [sflag:s16], $0x1F40  }
0x18: {  	[sflag:s16] =	ssyncset.done $0x0  }
0x19: {  	s8 =	simm.s32 $0x9;
	[sflag:s16] =	ssyncadd.s32 $0xFFFFE0C0  }
0x1a: {  	[spmem:s2] =	stream.indirect.scatter.add.f32 [tilespmem:s30], [sflag:$0x10], $0x40, s3, s14, $0xb8;
	[tilespmem:$0x1EA00] =	vst v63  }
0x1b: {  	_ =	swait.ge [sflag:s8], $0x1F40  }
0x1c: {  	[sflag:s8] =	ssyncset.done $0x0  }
0x1d: {  	s9 =	simm.s32 $0xA;
	[sflag:s8] =	ssyncadd.s32 $0xFFFFE0C0  }
0x1e: {  	_ =	swait.ge [sflag:s9], $0x1F40  }
0x1f: {  	[sflag:s9] =	ssyncset.done $0x0  }
0x20: {  	[sflag:s9] =	ssyncadd.s32 $0xFFFFE0C0  }
0x21: {  	_ =	swait.ge [sflag:s20], $0x1F40  }
0x22: {  	[sflag:s20] =	ssyncset.done $0x0  }
0x23: {  	[sflag:s20] =	ssyncadd.s32 $0xFFFFE0C0  }
0x24: {  	_ =	swait.ge [sflag:s21], $0x1F40  }
0x25: {  	[sflag:s21] =	ssyncset.done $0x0  }
0x26: {  	[sflag:s21] =	ssyncadd.s32 $0xFFFFE0C0  }
0x27: {  	_ =	swait.ge [sflag:s22], $0x1F40  }
0x28: {  	[sflag:s22] =	ssyncset.done $0x0  }
0x29: {  	[sflag:s22] =	ssyncadd.s32 $0xFFFFE0C0  }
0x2a: {  	_ =	swait.ge [sflag:s24], $0x1F40  }
0x2b: {  	[sflag:s24] =	ssyncset.done $0x0  }
0x2c: {  	[sflag:s24] =	ssyncadd.s32 $0xFFFFE0C0  }
0x2d: {  	_ =	swait.ge [sflag:s25], $0x1F40  }
0x2e: {  	[sflag:s25] =	ssyncset.done $0x0  }
0x2f: {  	[sflag:s25] =	ssyncadd.s32 $0xFFFFE0C0  }
0x30: {  	_ =	swait.ge [sflag:s26], $0x1F40  }
0x31: {  	[sflag:s26] =	ssyncset.done $0x0  }
0x32: {  	[sflag:s26] =	ssyncadd.s32 $0xFFFFE0C0  }
0x33: {  	[bflag:$0x0] =	sbarrier.arrive $0xFFFF  }
0x34: {  	s17 =	rddreg [dreg:$0x5]  }
0x35: {  	[hbm:s17], [sflag:s12] =	dma.local [spmem:s13], $0x1400  }
0x36: {  	_ =	swait.ge [sflag:s10], $0x1400  }
0x37: {  	s29 =	sadd.s32 $0x1, s29;
	s18 =	rddreg [dreg:$0x6]  }
0x38: {  	p0 =	sne.s32 s29, s18  }
.Ltmp1:
0x39: {  	_ = 	snop;
	(pc) =	sbr.rel @!p0 .LBB2_5-.Ltmp1, $3  }
0x3a: {  	_ =	sdelay $0x1  }
0x3b: {  	[sflag:s10] =	ssyncset.done $0x0  }
0x3c: {  	[sflag:s10] =	ssyncadd.s32 $0xFFFFEC00  }
.LBB2_1:
0x3d: {  	s3 =	simm.s32 $0x0;
	s5 =	rddreg [dreg:$0x3]  }
0x3e: {  	[tilespmem:s3], [sflag:$0x11] =	stream.linear.gather [hbm4b:s5+s3], $0x2800, $0x38;
	[tilespmem:$0x1EA00] =	vst v63  }
0x3f: {  	_ =	swait.ge [sflag:s10], $0x2800  }
0x40: {  	[sflag:s10] =	ssyncset.done $0x0  }
0x41: {  	s6 =	simm.s32 $0x2800;
	s7 =	rddreg [dreg:$0x4];
	[sflag:s10] =	ssyncadd.s32 $0xFFFFD800  }
0x42: {  	[tilespmem:s6], [sflag:$0x11] =	stream.linear.gather [hbm4b:s7+s3], $0x2800, $0x38;
	[tilespmem:$0x1EA00] =	vst v63  }
0x43: {  	_ =	swait.ge [sflag:s10], $0x2800  }
0x44: {  	[sflag:s10] =	ssyncset.done $0x0  }
0x45: {  	s8 =	rddreg [dreg:$0x7];
	[sflag:s10] =	ssyncadd.s32 $0xFFFFD800  }
0x46: {  	[spmem:s13], [sflag:s12] =	dma.local [hbm:s8], $0x1400  }
0x47: {  	_ =	swait.ge [sflag:s10], $0x1400  }
0x48: {  	[sflag:s10] =	ssyncset.done $0x0  }
0x49: {  	[sflag:s10] =	ssyncadd.s32 $0xFFFFEC00  }
0x4a: {  	[bflag:$0x0] =	sbarrier.arrive $0xFFFF  }
0x4b: {  	[tilespmem:s15], [sflag:$0x1] =	stream.indirect.gather [hbm4b:s4+s14], $0x40, s3, s14, $0xb8;
	[tilespmem:$0x1EA00] =	vst v63  }
0x4c: {  	s9 =	simm.s32 $0x80;
	s17 =	simm.s32 $0x6F40  }
0x4d: {  	[tilespmem:s17], [sflag:$0x2] =	stream.indirect.gather [hbm4b:s4+s14], $0x40, s9, s14, $0xb8;
	[tilespmem:$0x1EA00] =	vst v63  }
0x4e: {  	s18 =	simm.s32 $0x100  }
0x4f: {  	[tilespmem:s19], [sflag:$0x3] =	stream.indirect.gather [hbm4b:s4+s14], $0x40, s18, s14, $0xb8;
	[tilespmem:$0x1EA00] =	vst v63  }
0x50: {  	s5 =	simm.s32 $0x180;
	s6 =	simm.s32 $0xADC0  }
0x51: {  	[tilespmem:s6], [sflag:$0x4] =	stream.indirect.gather [hbm4b:s4+s14], $0x40, s5, s14, $0xb8;
	[tilespmem:$0x1EA00] =	vst v63  }
0x52: {  	s7 =	simm.s32 $0x200  }
0x53: {  	[tilespmem:s23], [sflag:$0x5] =	stream.indirect.gather [hbm4b:s4+s14], $0x40, s7, s14, $0xb8;
	[tilespmem:$0x1EA00] =	vst v63  }
0x54: {  	s8 =	simm.s32 $0x280;
	s9 =	simm.s32 $0xEC40  }
0x55: {  	[tilespmem:s9], [sflag:$0x6] =	stream.indirect.gather [hbm4b:s4+s14], $0x40, s8, s14, $0xb8;
	[tilespmem:$0x1EA00] =	vst v63  }
0x56: {  	s17 =	simm.s32 $0x300  }
0x57: {  	[tilespmem:s28], [sflag:$0x7] =	stream.indirect.gather [hbm4b:s4+s14], $0x40, s17, s14, $0xb8;
	[tilespmem:$0x1EA00] =	vst v63  }
0x58: {  	s18 =	simm.s32 $0x380;
	s5 =	simm.s32 $0x0  }
0x59: {  	[tilespmem:s30], [sflag:$0x8] =	stream.indirect.gather [hbm4b:s4+s14], $0x40, s18, s14, $0xb8;
	[tilespmem:$0x1EA00] =	vst v63  }
.LBB2_2:
0x5a: {  	_ =	swait.ge [sflag:s31], $0x1F40  }
0x5b: {  	s6 =	sshra.s32 s5, $0x2;
	[sflag:s31] =	ssyncset.done $0x0  }
0x5c: {  	p0 =	seq.s32 s5, $0x9000;
	s3 =	sadd.s32 $0x2800, s6;
	[sflag:s31] =	ssyncadd.s32 $0xFFFFE0C0  }
0x5d: {  	[spmem:s2] =	stream.indirect.scatter.add.f32 [tilespmem:s15], [sflag:$0x9], $0x40, s3, s14, $0xb8;
	[tilespmem:$0x1EA00] =	vst v63  }
0x5e: {  	s3 =	simm.s32 @p0 $0x2  }
0x5f: {  	_ =	swait.ge @p0 [sflag:s3], $0x1F40  }
0x60: {  	s9 =	sshra.s32 @p0 s5, $0x2;
	s8 =	simm.s32 @p0 $0x6F40;
	[sflag:s3] =	ssyncset.done @p0 $0x0  }
0x61: {  	s7 =	sadd.s32 @p0 $0x2880, s9;
	[sflag:s3] =	ssyncadd.s32 @p0 $0xFFFFE0C0;
	s3 =	simm.s32 @p0 $0x7D  }
0x62: {  	[spmem:s2] =	stream.indirect.scatter.add.f32 @p0 [tilespmem:s8], [sflag:$0xA], $0x40, s7, s3, $0xb8;
	[tilespmem:$0x1EA00] =	vst v63  }
0x63: {  	s7 =	simm.s32 @!p0 $0x9  }
0x64: {  	_ =	swait.ge @!p0 [sflag:s7], $0x1F40  }
0x65: {  	[sflag:s7] =	ssyncset.done @!p0 $0x0  }
0x66: {  	[sflag:s7] =	ssyncadd.s32 @!p0 $0xFFFFE0C0;
	s7 =	sshra.s32 @!p0 s5, $0x2  }
0x67: {  	s18 =	simm.s32 @!p0 $0x5000;
	s8 =	simm.s32 @!p0 $0x7D;
	s17 =	sadd.s32 @!p0 $0x400, s7  }
0x68: {  	[tilespmem:s18], [sflag:$0x1] =	stream.indirect.gather @!p0 [hbm4b:s4+s8], $0x40, s17, s8, $0xb8;
	[tilespmem:$0x1EA00] =	vst v63  }
0x69: {  	s17 =	simm.s32 @!p0 $0x2  }
0x6a: {  	_ =	swait.ge @!p0 [sflag:s17], $0x1F40  }
0x6b: {  	[sflag:s17] =	ssyncset.done @!p0 $0x0  }
0x6c: {  	s18 =	simm.s32 @!p0 $0x6F40;
	[sflag:s17] =	ssyncadd.s32 @!p0 $0xFFFFE0C0;
	s17 =	sadd.s32 @!p0 $0x2880, s7  }
0x6d: {  	[spmem:s2] =	stream.indirect.scatter.add.f32 @!p0 [tilespmem:s18], [sflag:$0xA], $0x40, s17, s8, $0xb8;
	[tilespmem:$0x1EA00] =	vst v63  }
0x6e: {  	s17 =	simm.s32 @!p0 $0xA  }
0x6f: {  	_ =	swait.ge @!p0 [sflag:s17], $0x1F40  }
0x70: {  	[sflag:s17] =	ssyncset.done @!p0 $0x0  }
0x71: {  	[sflag:s17] =	ssyncadd.s32 @!p0 $0xFFFFE0C0;
	s17 =	sadd.s32 @!p0 $0x480, s7  }
0x72: {  	[tilespmem:s18], [sflag:$0x2] =	stream.indirect.gather @!p0 [hbm4b:s4+s8], $0x40, s17, s8, $0xb8;
	[tilespmem:$0x1EA00] =	vst v63  }
0x73: {  	_ =	swait.ge [sflag:s0], $0x1F40  }
0x74: {  	[sflag:s0] =	ssyncset.done $0x0  }
0x75: {  	s18 =	sadd.s32 $0x2900, s6;
	s17 =	simm.s32 @p0 $0x4;
	[sflag:s0] =	ssyncadd.s32 $0xFFFFE0C0  }
0x76: {  	[spmem:s2] =	stream.indirect.scatter.add.f32 [tilespmem:s19], [sflag:$0xB], $0x40, s18, s14, $0xb8;
	[tilespmem:$0x1EA00] =	vst v63  }
0x77: {  	_ =	swait.ge @p0 [sflag:s17], $0x1F40  }
0x78: {  	[sflag:s17] =	ssyncset.done @p0 $0x0  }
0x79: {  	s18 =	simm.s32 @p0 $0xADC0;
	[sflag:s17] =	ssyncadd.s32 @p0 $0xFFFFE0C0;
	s17 =	sadd.s32 @p0 $0x2980, s9  }
0x7a: {  	[spmem:s2] =	stream.indirect.scatter.add.f32 @p0 [tilespmem:s18], [sflag:$0xC], $0x40, s17, s3, $0xb8;
	[tilespmem:$0x1EA00] =	vst v63  }
0x7b: {  	s17 =	simm.s32 @!p0 $0xB  }
0x7c: {  	_ =	swait.ge @!p0 [sflag:s17], $0x1F40  }
0x7d: {  	[sflag:s17] =	ssyncset.done @!p0 $0x0  }
0x7e: {  	s18 =	simm.s32 @!p0 $0x8E80;
	[sflag:s17] =	ssyncadd.s32 @!p0 $0xFFFFE0C0;
	s17 =	sadd.s32 @!p0 $0x500, s7  }
0x7f: {  	[tilespmem:s18], [sflag:$0x3] =	stream.indirect.gather @!p0 [hbm4b:s4+s8], $0x40, s17, s8, $0xb8;
	[tilespmem:$0x1EA00] =	vst v63  }
0x80: {  	s17 =	simm.s32 @!p0 $0x4  }
0x81: {  	_ =	swait.ge @!p0 [sflag:s17], $0x1F40  }
0x82: {  	[sflag:s17] =	ssyncset.done @!p0 $0x0  }
0x83: {  	s18 =	simm.s32 @!p0 $0xADC0;
	[sflag:s17] =	ssyncadd.s32 @!p0 $0xFFFFE0C0;
	s17 =	sadd.s32 @!p0 $0x2980, s7  }
0x84: {  	[spmem:s2] =	stream.indirect.scatter.add.f32 @!p0 [tilespmem:s18], [sflag:$0xC], $0x40, s17, s8, $0xb8;
	[tilespmem:$0x1EA00] =	vst v63  }
0x85: {  	s17 =	simm.s32 @!p0 $0xC  }
0x86: {  	_ =	swait.ge @!p0 [sflag:s17], $0x1F40  }
0x87: {  	[sflag:s17] =	ssyncset.done @!p0 $0x0  }
0x88: {  	[sflag:s17] =	ssyncadd.s32 @!p0 $0xFFFFE0C0;
	s17 =	sadd.s32 @!p0 $0x580, s7  }
0x89: {  	[tilespmem:s18], [sflag:$0x4] =	stream.indirect.gather @!p0 [hbm4b:s4+s8], $0x40, s17, s8, $0xb8;
	[tilespmem:$0x1EA00] =	vst v63  }
0x8a: {  	_ =	swait.ge [sflag:s1], $0x1F40  }
0x8b: {  	[sflag:s1] =	ssyncset.done $0x0  }
0x8c: {  	s18 =	sadd.s32 $0x2A00, s6;
	s17 =	simm.s32 @p0 $0x6;
	[sflag:s1] =	ssyncadd.s32 $0xFFFFE0C0  }
0x8d: {  	[spmem:s2] =	stream.indirect.scatter.add.f32 [tilespmem:s23], [sflag:$0xD], $0x40, s18, s14, $0xb8;
	[tilespmem:$0x1EA00] =	vst v63  }
0x8e: {  	_ =	swait.ge @p0 [sflag:s17], $0x1F40  }
0x8f: {  	[sflag:s17] =	ssyncset.done @p0 $0x0  }
0x90: {  	s9 =	sadd.s32 @p0 $0x2A80, s9;
	[sflag:s17] =	ssyncadd.s32 @p0 $0xFFFFE0C0;
	s17 =	simm.s32 @p0 $0xEC40  }
0x91: {  	[spmem:s2] =	stream.indirect.scatter.add.f32 @p0 [tilespmem:s17], [sflag:$0xE], $0x40, s9, s3, $0xb8;
	[tilespmem:$0x1EA00] =	vst v63  }
0x92: {  	s3 =	simm.s32 @!p0 $0xD  }
0x93: {  	_ =	swait.ge @!p0 [sflag:s3], $0x1F40  }
0x94: {  	[sflag:s3] =	ssyncset.done @!p0 $0x0  }
0x95: {  	s9 =	simm.s32 @!p0 $0xCD00;
	[sflag:s3] =	ssyncadd.s32 @!p0 $0xFFFFE0C0;
	s3 =	sadd.s32 @!p0 $0x600, s7  }
0x96: {  	[tilespmem:s9], [sflag:$0x5] =	stream.indirect.gather @!p0 [hbm4b:s4+s8], $0x40, s3, s8, $0xb8;
	[tilespmem:$0x1EA00] =	vst v63  }
0x97: {  	s3 =	simm.s32 @!p0 $0x6  }
0x98: {  	_ =	swait.ge @!p0 [sflag:s3], $0x1F40  }
0x99: {  	[sflag:s3] =	ssyncset.done @!p0 $0x0  }
0x9a: {  	s9 =	simm.s32 @!p0 $0xEC40;
	[sflag:s3] =	ssyncadd.s32 @!p0 $0xFFFFE0C0;
	s3 =	sadd.s32 @!p0 $0x2A80, s7  }
0x9b: {  	[spmem:s2] =	stream.indirect.scatter.add.f32 @!p0 [tilespmem:s9], [sflag:$0xE], $0x40, s3, s8, $0xb8;
	[tilespmem:$0x1EA00] =	vst v63  }
0x9c: {  	s3 =	simm.s32 @!p0 $0xE  }
0x9d: {  	_ =	swait.ge @!p0 [sflag:s3], $0x1F40  }
0x9e: {  	[sflag:s3] =	ssyncset.done @!p0 $0x0  }
0x9f: {  	[sflag:s3] =	ssyncadd.s32 @!p0 $0xFFFFE0C0;
	s3 =	sadd.s32 @!p0 $0x680, s7  }
0xa0: {  	[tilespmem:s9], [sflag:$0x6] =	stream.indirect.gather @!p0 [hbm4b:s4+s8], $0x40, s3, s8, $0xb8;
	[tilespmem:$0x1EA00] =	vst v63  }
.Ltmp2:
0xa1: {  	_ = 	snop;
	(pc) =	sbr.rel @p0 .LBB2_4-.Ltmp2, $4  }
0xa2: {  	_ =	swait.ge [sflag:s11], $0x1F40  }
0xa3: {  	[sflag:s11] =	ssyncset.done $0x0  }
0xa4: {  	s18 =	sadd.s32 $0x2B00, s6;
	s3 =	sadd.s32 $0x2B80, s6;
	[sflag:s11] =	ssyncadd.s32 $0xFFFFE0C0  }
0xa5: {  	[spmem:s2] =	stream.indirect.scatter.add.f32 [tilespmem:s28], [sflag:$0xF], $0x40, s18, s14, $0xb8;
	[tilespmem:$0x1EA00] =	vst v63  }
0xa6: {  	_ =	swait.ge [sflag:s25], $0x1F40  }
0xa7: {  	[sflag:s25] =	ssyncset.done $0x0  }
0xa8: {  	s7 =	sadd.s32 $0x700, s6;
	[sflag:s25] =	ssyncadd.s32 $0xFFFFE0C0  }
0xa9: {  	[tilespmem:s28], [sflag:$0x7] =	stream.indirect.gather [hbm4b:s4+s14], $0x40, s7, s14, $0xb8;
	[tilespmem:$0x1EA00] =	vst v63  }
0xaa: {  	_ =	swait.ge [sflag:s16], $0x1F40  }
0xab: {  	[sflag:s16] =	ssyncset.done $0x0  }
0xac: {  	[sflag:s16] =	ssyncadd.s32 $0xFFFFE0C0  }
0xad: {  	[spmem:s2] =	stream.indirect.scatter.add.f32 [tilespmem:s30], [sflag:$0x10], $0x40, s3, s14, $0xb8;
	[tilespmem:$0x1EA00] =	vst v63  }
.Ltmp3:
0xae: {  	_ = 	snop;
	(pc) =	sbr.rel .LBB2_2-.Ltmp3, $4  }
0xaf: {  	_ =	swait.ge [sflag:s26], $0x1F40  }
0xb0: {  	[sflag:s26] =	ssyncset.done $0x0  }
0xb1: {  	s18 =	sadd.s32 $0x780, s6;
	s5 =	sadd.s32 $0x1000, s5;
	[sflag:s26] =	ssyncadd.s32 $0xFFFFE0C0  }
0xb2: {  	[tilespmem:s30], [sflag:$0x8] =	stream.indirect.gather [hbm4b:s4+s14], $0x40, s18, s14, $0xb8;
	[tilespmem:$0x1EA00] =	vst v63  }
.LBB2_5:
0xb3: {  	_ =	sfence.sel $0x180000  }
0xb4: {  	[bflag:$0x0] =	sbarrier.arrive $0xFFFF  }
0xb5: {  	_ =	strace $0x9000004D  }
0xb6: {  	s0 =	stileid.u32;
	[bflag:$0x2] =	sbarrier.arrive $0xFFFF  }
0xb7: {  	p0 =	sne.s32 s0, $0x0;
	s0 =	rddreg [dreg:$0x2]  }
0xb8: {  	s0 =	sadd.s32 @!p0 $0x100000, s0  }
0xb9: {  	[sflag:s0] =	ssyncadd.tile.s32 @!p0 $0x1;
	_ =	shalt  }
.Lfunc_end2:
_tile_overlayer_lowered:
.L_overlay_start_2:
0xba: {  	(tag) =	ssettag $0x2  }
0xbb: {  	s0 =	rddreg [dreg:$0x0];
	s2 =	stileid.u32  }
0xbc: {  	s1 =	rddreg [dreg:$0x1];
	p0 =	sne.s32 s2, $0x0  }
0xbd: {  	s3 =	rddreg [dreg:$0x2];
	[bflag:$0x3] =	sbarrier.arrive $0xFFFF;
	s2 =	simm.s32 @!p0 $0x1C11  }
0xbe: {  	[timem:s3], [sflag:s2] =	dma.local @!p0 [hbm:s0], s1  }
0xbf: {  	s0 =	simm.s32 @!p0 $0x11  }
0xc0: {  	_ =	swait.ge @!p0 [sflag:s0], s1  }
0xc1: {  	s1 =	ssub.s32 @!p0 $0x0, s1;
	[sflag:s0] =	ssyncset.done @!p0 $0x0  }
0xc2: {  	[sflag:s0] =	ssyncadd.s32 @!p0 s1  }
0xc3: {  	[bflag:$0x3] =	sbarrier.arrive $0xFFFF  }
0xc4: {  	_ =	shalt  }

// kernel: kernel.20.cloned.1.call-start
scs
__scs_entry_jumppad:
0x0: {  	(pc) =	sbr.rel $0x88, $3  }
0x1: {  	(tag) =	ssettag $0x0;
	lr =	simm.s32 $0x1  }
0x2: {  	[smem:$0x3F94] =	sst lr;
	_ =	strace $0xD0000000  }
0x3: {  	_ = 	snop  }
0x4: {  	_ = 	snop  }
0x5: {  	_ = 	snop  }
0x6: {  	_ = 	snop  }
0x7: {  	_ = 	snop  }
__scs_overlays_trampoline_lowered:
0x8: {  	[smem:$0x3FA3] =	sst s0  }
0x9: {  	[smem:$0x3FA4] =	sst s1  }
0xa: {  	[smem:$0x3FA5] =	sst s2  }
0xb: {  	[smem:$0x3FA6] =	sst s3  }
0xc: {  	[smem:$0x3FA7] =	sst s4  }
0xd: {  	[smem:$0x3FA8] =	sst s5  }
0xe: {  	[smem:$0x3FA9] =	sst s6  }
0xf: {  	[smem:$0x3FAA] =	sst s7  }
0x10: {  	[smem:$0x3FAB] =	sst s8  }
0x11: {  	[smem:$0x3FAC] =	sst s9;
	s0 =	simm.s32 @!p0 $0x0  }
0x12: {  	s1 =	sld [smem:$0x3F92];
	s0 =	simm.s32 @p0 $0x1  }
0x13: {  	[smem:$0x3FAD] =	sst s0;
	s0 =	simm.s32 @!p1 $0x0  }
0x14: {  	s2 =	sld [smem:$0x3F91];
	s0 =	simm.s32 @p1 $0x1  }
0x15: {  	[smem:$0x3FAE] =	sst s0;
	s0 =	simm.s32 @!p2 $0x0  }
0x16: {  	s3 =	sld [smem:$0x3FDB];
	s0 =	simm.s32 @p2 $0x1  }
0x17: {  	s4 =	simm.s32 $0x1BF5;
	[smem:$0x3FB0] =	sst s0  }
0x18: {  	s0 =	sld [smem:$0x3F93];
	_ =	swait.ge [sflag:s4], $0x0  }
0x19: {  	s7 =	sld [smem:$0x3F94]  }
0x1a: {  	s8 =	sadd.s32 $0xFFFFE003, lr  }
0x1b: {  	s9 =	sadd.s32 $0xFFFFFEF7, lr;
	s5 =	simm.s32 $0xFFFFFFFF;
	p2 =	slt.u32 s8, $0xFFFFF086  }
0x1c: {  	p1 =	slt.u32 s9, $0xF7A;
	s5 =	simm.s32 @!p2 $0x0  }
0x1d: {  	s5 =	simm.s32 @p1 $0x1;
	p0 =	seq.s32 s7, s2  }
0x1e: {  	s7 =	smul.u32 @!p0 $0xF7A, s2;
	p2 =	seq.s32 @!p0 s5, $0x0  }
0x1f: {  	s9 =	smul.u32 $0xF7A, s1;
	s8 =	simm.s32 @!p0 $0x1BF5;
	p2 =	por !p2, p0  }
0x20: {  	[sflag:s8] =	ssyncset.s32 @!p0 $0xFFFFF086;
	s6 =	sadd.s32 @!p0 s3, s7;
	s7 =	simm.s32 @!p0 $0x108  }
0x21: {  	s3 =	sadd.s32 s3, s9;
	s6 =	sadd.s32 @!p0 $0x88, s6;
	s7 =	simm.s32 @p2 $0x1082  }
0x22: {  	[simem:s7], [sflag:s8] =	dma.local @!p0 [hbm:s6], $0xF7A  }
0x23: {  	s9 =	sor.u32 $0xD0000000, s2;
	s6 =	simm.s32 $0x108;
	_ =	swait.ge @!p0 [sflag:s8], $0x0  }
0x24: {  	s3 =	sadd.s32 $0x88, s3;
	s6 =	simm.s32 @!p1 $0x1082;
	[sflag:s4] =	ssyncset.s32 $0xFFFFF086  }
0x25: {  	[simem:s6], [sflag:s4] =	dma.local [hbm:s3], $0xF7A  }
0x26: {  	[smem:$0x3F94] =	sst s1;
	(tag) =	ssettag s2;
	_ =	strace s9  }
0x27: {  	s1 =	sld [smem:$0x3FA4]  }
0x28: {  	s2 =	sld [smem:$0x3FA5]  }
0x29: {  	s4 =	sld [smem:$0x3FA7]  }
0x2a: {  	p0 =	seq.s32 s5, $0x0;
	s5 =	sld [smem:$0x3FA8]  }
0x2b: {  	s6 =	sld [smem:$0x3FA9]  }
0x2c: {  	s7 =	sld [smem:$0x3FAA]  }
0x2d: {  	s3 =	simm.s32 $0x108;
	s8 =	sld [smem:$0x3FAB]  }
0x2e: {  	s3 =	simm.s32 @!p0 $0x1082;
	s9 =	sld [smem:$0x3FAC]  }
0x2f: {  	lr =	sadd.s32 s0, s3;
	s0 =	sld [smem:$0x3FA3]  }
0x30: {  	s3 =	sld [smem:$0x3FA6]  }
0x31: {  	[smem:$0x3FAF] =	sst s10  }
0x32: {  	s10 =	sld [smem:$0x3FAD];
	_ =	sdelay $0x3  }
0x33: {  	p0 =	seq.s32 s10, $0x1;
	s10 =	sld [smem:$0x3FAF];
	_ =	sdelay $0x3  }
0x34: {  	[smem:$0x3FAF] =	sst s10  }
0x35: {  	s10 =	sld [smem:$0x3FAE];
	_ =	sdelay $0x3  }
0x36: {  	p1 =	seq.s32 s10, $0x1;
	s10 =	sld [smem:$0x3FAF];
	_ =	sdelay $0x3  }
0x37: {  	[smem:$0x3FAF] =	sst s10  }
0x38: {  	s10 =	sld [smem:$0x3FB0]  }
0x39: {  	_ = 	snop;
	(pc) =	sbr.ind lr, $3  }
0x3a: {  	_ = 	snop  }
0x3b: {  	_ = 	snop  }
0x3c: {  	p2 =	seq.s32 s10, $0x1;
	s10 =	sld [smem:$0x3FAF]  }
0x3d: {  	_ =	shalt  }
0x3e: {  	_ =	shalt  }
0x3f: {  	_ =	shalt  }
0x40: {  	_ =	shalt  }
0x41: {  	_ =	shalt  }
0x42: {  	_ =	shalt  }
0x43: {  	_ =	shalt  }
0x44: {  	_ =	shalt  }
0x45: {  	_ =	shalt  }
0x46: {  	_ =	shalt  }
0x47: {  	_ =	shalt  }
0x48: {  	_ =	shalt  }
0x49: {  	_ =	shalt  }
0x4a: {  	_ =	shalt  }
0x4b: {  	_ =	shalt  }
0x4c: {  	_ =	shalt  }
0x4d: {  	_ =	shalt  }
0x4e: {  	_ =	shalt  }
0x4f: {  	_ =	shalt  }
0x50: {  	_ =	shalt  }
0x51: {  	_ =	shalt  }
0x52: {  	_ =	shalt  }
0x53: {  	_ =	shalt  }
0x54: {  	_ =	shalt  }
0x55: {  	_ =	shalt  }
0x56: {  	_ =	shalt  }
0x57: {  	_ =	shalt  }
0x58: {  	_ =	shalt  }
0x59: {  	_ =	shalt  }
0x5a: {  	_ =	shalt  }
0x5b: {  	_ =	shalt  }
0x5c: {  	_ =	shalt  }
0x5d: {  	_ =	shalt  }
0x5e: {  	_ =	shalt  }
0x5f: {  	_ =	shalt  }
0x60: {  	_ =	shalt  }
0x61: {  	_ =	shalt  }
0x62: {  	_ =	shalt  }
0x63: {  	_ =	shalt  }
0x64: {  	_ =	shalt  }
0x65: {  	_ =	shalt  }
0x66: {  	_ =	shalt  }
0x67: {  	_ =	shalt  }
0x68: {  	_ =	shalt  }
0x69: {  	_ =	shalt  }
0x6a: {  	_ =	shalt  }
0x6b: {  	_ =	shalt  }
0x6c: {  	_ =	shalt  }
0x6d: {  	_ =	shalt  }
0x6e: {  	_ =	shalt  }
0x6f: {  	_ =	shalt  }
0x70: {  	_ =	shalt  }
0x71: {  	_ =	shalt  }
0x72: {  	_ =	shalt  }
0x73: {  	_ =	shalt  }
0x74: {  	_ =	shalt  }
0x75: {  	_ =	shalt  }
0x76: {  	_ =	shalt  }
0x77: {  	_ =	shalt  }
0x78: {  	_ =	shalt  }
0x79: {  	_ =	shalt  }
0x7a: {  	_ =	shalt  }
0x7b: {  	_ =	shalt  }
0x7c: {  	_ =	shalt  }
0x7d: {  	_ =	shalt  }
0x7e: {  	_ =	shalt  }
0x7f: {  	_ =	shalt  }
0x80: {  	_ =	shalt  }
0x81: {  	_ =	shalt  }
0x82: {  	_ =	shalt  }
0x83: {  	_ =	shalt  }
0x84: {  	_ =	shalt  }
0x85: {  	_ =	shalt  }
0x86: {  	_ =	shalt  }
0x87: {  	_ =	shalt  }
.Lfunc_end0:
.L_simem_size_0:
called_computation.3_lowered:
.L_overlay_start_0:
0x88: {  	s2 =	sld [smem:$0x3FD9]  }
0x89: {  	s3 =	sld [smem:$0x3FFE];
	_ =	sdelay $0x1  }
0x8a: {  	s1 =	srdreg.scid  }
0x8b: {  	s0 =	sand.u32 $0x1, s1  }
0x8c: {  	s16 =	sshll.u32 s0, $0xA;
	s2 =	sadd.s32 s3, s2  }
0x8d: {  	s2 =	sadd.s32 s2, s16  }
0x8e: {  	[smem:$0x3FBB] =	sst s2  }
0x8f: {  	_ = 	snop  }
0x90: {  	(tm) =	ssettm $0x1  }
0x91: {  	s17 =	sld [smem:$0x3FFB];
	_ =	sdelay $0x3  }
0x92: {  	_ =	strace s17  }
0x93: {  	s2 =	sld [smem:$0x3FFC];
	_ =	sdelay $0x3  }
0x94: {  	_ =	strace s2  }
0x95: {  	s2 =	sld [smem:$0x3FFD];
	_ =	sdelay $0x3  }
0x96: {  	_ =	strace s2  }
0x97: {  	_ =	strace $0x8FFFFFFF  }
0x98: {  	s18 =	sld [smem:$0x3FDB];
	_ =	sdelay $0x1  }
0x99: {  	s19 =	simm.s32 $_scs_section_size  }
0x9a: {  	s4 =	simm.s32 $_size__tile_overlayer_lowered;
	s5 =	simm.s32 $_tile_overlayer_lowered  }
0x9b: {  	s22 =	simm.s32 $0x1BFF;
	s21 =	sshll.u32 s5, $0x1;
	s2 =	sadd.s32 s19, s18  }
0x9c: {  	s6 =	simm.s32 $0x0;
	s20 =	sshll.u32 s4, $0x1;
	s4 =	sadd.s32 s21, s2  }
0x9d: {  	[timem:s6], [sflag:s22] =	dma.local [hbm:s4], s20  }
0x9e: {  	_ =	swait.ge [sflag:s22], s20  }
0x9f: {  	s3 =	ssub.s32 $0x0, s20;
	[sflag:s22] =	ssyncset.done $0x0  }
0xa0: {  	[sflag:s22] =	ssyncadd.s32 s3;
	_ =	sdelay $0x1  }
0xa1: {  	s23 =	simm.s32 $0x1B8B  }
0xa2: {  	_ =	swait.ge [sflag:s23], $0x1  }
0xa3: {  	[sflag:s23] =	ssyncset.done $0x0  }
0xa4: {  	s25 =	simm.s32 $0x1B8E;
	s24 =	sld [smem:$0x3FFE];
	[sflag:s23] =	ssyncadd.s32 $0xFFFFFFFF  }
0xa5: {  	s26 =	simm.s32 $execute0_lowered;
	[smem:$0x3FD2] =	sst s25  }
0xa6: {  	s4 =	sshll.u32 s26, $0x1;
	_ =	strace $0x8000004F;
	[dreg:$0x1] =	wrdreg $0xFFFFFFFF  }
0xa7: {  	s28 =	simm.s32 $_size_execute0_lowered;
	s2 =	sadd.s32 s2, s4;
	[dreg:$0x0] =	wrdreg $0x0  }
0xa8: {  	s4 =	sshll.u32 s28, $0x1;
	[dreg:$0x2] =	wrdreg s2  }
0xa9: {  	[dreg:$0x3] =	wrdreg s4  }
0xaa: {  	[dreg:$0x4] =	wrdreg $0xC0  }
0xab: {  	_ =	task [dreg:s6], $0x5FFFF  }
0xac: {  	[dreg:$0x1] =	wrdreg $0xFFFFFFFF  }
0xad: {  	[dreg:$0x0] =	wrdreg $0x60  }
0xae: {  	[dreg:$0x2] =	wrdreg s24  }
0xaf: {  	[dreg:$0x3] =	wrdreg $0x8E800  }
0xb0: {  	[dreg:$0x4] =	wrdreg $0x9  }
0xb1: {  	_ =	task.clear_ibuf [dreg:s6], $0x5FFFF;
	_ =	strace $0x9000004F  }
0xb2: {  	s29 =	simm.s32 $0x9;
	_ =	strace $0x80000051  }
0xb3: {  	_ =	swait.ge [sflag:s29], $0x1  }
0xb4: {  	[sflag:s29] =	ssyncadd.s32 $0xFFFFFFFF  }
0xb5: {  	_ =	strace $0x90000051  }
0xb6: {  	_ =	sfence  }
0xb7: {  	s30 =	sld [smem:$0x0];
	_ =	sdelay $0x2  }
0xb8: {  	s31 =	sshll.u32 s1, $0xD;
	s1 =	sshrl.u32 s1, $0x2  }
0xb9: {  	s3 =	sand.u32 $0x4000, s31;
	s1 =	sadd.s32 s1, s30  }
0xba: {  	s0 =	sor.u32 s3, s0;
	s1 =	sshll.u32 s1, $0x11  }
0xbb: {  	s0 =	sor.u32 s1, s0  }
0xbc: {  	s0 =	sadd.s32 $0x8F2B, s0  }
0xbd: {  	[sflag:s0] =	ssyncadd.remote.s32 $0x1  }
0xbe: {  	_ =	sfence.sel $0xFFFF  }
0xbf: {  	[dreg:$0x0] =	wrdreg $0xFFFFFFFF;
	(pc) =	sbr.abs _section_cstart, $3  }
0xc0: {  	[dreg:$0x1] =	wrdreg $0xFFFFFFFF  }
0xc1: {  	_ =	task.clear_ibuf [dreg:s6], $0x2FFFF;
	_ =	strace $0x9FFFFFFF  }
0xc2: {  	(tm) =	ssettm $0x7FFFFFFF  }
0xc3: {  	_ =	shalt  }
tec
execute0_lowered:
.L_overlay_start_1:
0x0: {  	(tag) =	ssettag $0x1  }
0x1: {  	s0 =	rddreg [dreg:$0x0]  }
0x2: {  	s2 =	rddreg [dreg:$0x1];
	s1 =	srdreg.scid  }
0x3: {  	s11 =	stileid.u32;
	s4 =	simm.s32 $0x0;
	s14 =	simm.s32 $0x7D  }
0x4: {  	s15 =	simm.s32 $0x5000;
	s19 =	simm.s32 $0x5FA0;
	s28 =	simm.s32 $0x7EE0  }
0x5: {  	s30 =	simm.s32 $0x86B0;
	s31 =	simm.s32 $0x1;
	s16 =	simm.s32 $0x8  }
0x6: {  	s29 =	simm.s32 $0x0;
	s1 =	sand.u32 $0x1, s1;
	s3 =	smul.u32 $0x2800, s11  }
0x7: {  	[smem:$0x7FF] =	sst s4;
	s5 =	sshll.u32 s11, $0x1;
	s6 =	sadd.s32 $0x3000, s0  }
0x8: {  	s4 =	sadd.s32 $0x1C000, s0;
	s9 =	sadd.s32 $0x17000, s0;
	s26 =	sshll.u32 s11, $0x6  }
0x9: {  	s11 =	simm.s32 $0x7;
	s20 =	smul.u32 $0x28000, s1;
	_ =	strace $0x80000050  }
0xa: {  	s5 =	sor.u32 s1, s5;
	s10 =	ssub.s32 $0x2, s1;
	p0 =	seq.s32 s1, $0x1  }
0xb: {  	s12 =	sor.u32 $0x1C11, s26;
	s1 =	simm.s32 $0x5;
	s8 =	smul.u32 $0x2800, s5  }
0xc: {  	s26 =	simm.s32 $0x10;
	s5 =	smul.u32 $0x500, s5;
	s21 =	sshrl.u32 s10, $0x1  }
0xd: {  	s23 =	sadd.s32 s3, s2;
	s7 =	sadd.s32 s3, s20;
	s3 =	sshrl.u32 s3, $0x3  }
0xe: {  	s13 =	sshrl.u32 s23, $0x3;
	s23 =	simm.s32 $0x6F40;
	s20 =	simm.s32 $0xB  }
0xf: {  	s7 =	sshrl.u32 s7, $0x3;
	s8 =	sshrl.u32 s8, $0x3;
	s5 =	sadd.s32 s6, s5  }
0x10: {  	s0 =	sadd.s32 s7, s0;
	s8 =	sadd.s32 s6, s8;
	s7 =	ssub.s32 s10, s21  }
0x11: {  	[dreg:$0x3] =	wrdreg s5;
	s5 =	smov.u32 s4;
	s22 =	sadd.s32 $0xA000, s8  }
.Ltmp0:
0x12: {  	s0 =	sadd.s32 $0x21000, s0;
	[dreg:$0x4] =	wrdreg s22;
	(pc) =	sbr.rel .LBB2_1-.Ltmp0, $4  }
0x13: {  	s10 =	simm.s32 $0x11;
	s24 =	smax.u32 s7, $0x1;
	[dreg:$0x5] =	wrdreg s0  }
0x14: {  	s21 =	simm.s32 $0xC;
	s5 =	smov.u32 @p0 s9;
	[dreg:$0x6] =	wrdreg s24  }
0x15: {  	s25 =	sadd.s32 s5, s3;
	s0 =	simm.s32 $0x3;
	s22 =	simm.s32 $0xD  }
0x16: {  	s24 =	simm.s32 $0xE;
	[dreg:$0x7] =	wrdreg s25;
	s25 =	simm.s32 $0xF  }
.LBB2_4:
0x17: {  	_ =	swait.ge [sflag:s16], $0x7D0  }
0x18: {  	[sflag:s16] =	ssyncset.done $0x0  }
0x19: {  	s8 =	simm.s32 $0x9;
	[sflag:s16] =	ssyncadd.s32 $0xFFFFF830  }
0x1a: {  	[spmem:s2] =	stream.indirect.scatter.add.f32 [tilespmem:s30], [sflag:$0x10], $0x10, s3, s14, $0xb8;
	[tilespmem:$0xB680] =	vst v63  }
0x1b: {  	_ =	swait.ge [sflag:s8], $0x7D0  }
0x1c: {  	[sflag:s8] =	ssyncset.done $0x0  }
0x1d: {  	s9 =	simm.s32 $0xA;
	[sflag:s8] =	ssyncadd.s32 $0xFFFFF830  }
0x1e: {  	_ =	swait.ge [sflag:s9], $0x7D0  }
0x1f: {  	[sflag:s9] =	ssyncset.done $0x0  }
0x20: {  	[sflag:s9] =	ssyncadd.s32 $0xFFFFF830  }
0x21: {  	_ =	swait.ge [sflag:s20], $0x7D0  }
0x22: {  	[sflag:s20] =	ssyncset.done $0x0  }
0x23: {  	[sflag:s20] =	ssyncadd.s32 $0xFFFFF830  }
0x24: {  	_ =	swait.ge [sflag:s21], $0x7D0  }
0x25: {  	[sflag:s21] =	ssyncset.done $0x0  }
0x26: {  	[sflag:s21] =	ssyncadd.s32 $0xFFFFF830  }
0x27: {  	_ =	swait.ge [sflag:s22], $0x7D0  }
0x28: {  	[sflag:s22] =	ssyncset.done $0x0  }
0x29: {  	[sflag:s22] =	ssyncadd.s32 $0xFFFFF830  }
0x2a: {  	_ =	swait.ge [sflag:s24], $0x7D0  }
0x2b: {  	[sflag:s24] =	ssyncset.done $0x0  }
0x2c: {  	[sflag:s24] =	ssyncadd.s32 $0xFFFFF830  }
0x2d: {  	_ =	swait.ge [sflag:s25], $0x7D0  }
0x2e: {  	[sflag:s25] =	ssyncset.done $0x0  }
0x2f: {  	[sflag:s25] =	ssyncadd.s32 $0xFFFFF830  }
0x30: {  	_ =	swait.ge [sflag:s26], $0x7D0  }
0x31: {  	[sflag:s26] =	ssyncset.done $0x0  }
0x32: {  	[sflag:s26] =	ssyncadd.s32 $0xFFFFF830  }
0x33: {  	[bflag:$0x0] =	sbarrier.arrive $0xFFFF  }
0x34: {  	s17 =	rddreg [dreg:$0x5]  }
0x35: {  	[hbm:s17], [sflag:s12] =	dma.local [spmem:s13], $0x500  }
0x36: {  	_ =	swait.ge [sflag:s10], $0x500  }
0x37: {  	s29 =	sadd.s32 $0x1, s29;
	s18 =	rddreg [dreg:$0x6]  }
0x38: {  	p0 =	sne.s32 s29, s18  }
.Ltmp1:
0x39: {  	_ = 	snop;
	(pc) =	sbr.rel @!p0 .LBB2_5-.Ltmp1, $3  }
0x3a: {  	_ =	sdelay $0x1  }
0x3b: {  	[sflag:s10] =	ssyncset.done $0x0  }
0x3c: {  	[sflag:s10] =	ssyncadd.s32 $0xFFFFFB00  }
.LBB2_1:
0x3d: {  	s3 =	simm.s32 $0x0;
	s5 =	rddreg [dreg:$0x3]  }
0x3e: {  	[tilespmem:s3], [sflag:$0x11] =	stream.linear.gather [hbm4b:s5+s3], $0x2800, $0x38;
	[tilespmem:$0xB680] =	vst v63  }
0x3f: {  	_ =	swait.ge [sflag:s10], $0x2800  }
0x40: {  	[sflag:s10] =	ssyncset.done $0x0  }
0x41: {  	s6 =	simm.s32 $0x2800;
	s7 =	rddreg [dreg:$0x4];
	[sflag:s10] =	ssyncadd.s32 $0xFFFFD800  }
0x42: {  	[tilespmem:s6], [sflag:$0x11] =	stream.linear.gather [hbm4b:s7+s3], $0x2800, $0x38;
	[tilespmem:$0xB680] =	vst v63  }
0x43: {  	_ =	swait.ge [sflag:s10], $0x2800  }
0x44: {  	[sflag:s10] =	ssyncset.done $0x0  }
0x45: {  	s8 =	rddreg [dreg:$0x7];
	[sflag:s10] =	ssyncadd.s32 $0xFFFFD800  }
0x46: {  	[spmem:s13], [sflag:s12] =	dma.local [hbm:s8], $0x500  }
0x47: {  	_ =	swait.ge [sflag:s10], $0x500  }
0x48: {  	[sflag:s10] =	ssyncset.done $0x0  }
0x49: {  	[sflag:s10] =	ssyncadd.s32 $0xFFFFFB00  }
0x4a: {  	[bflag:$0x0] =	sbarrier.arrive $0xFFFF  }
0x4b: {  	[tilespmem:s15], [sflag:$0x1] =	stream.indirect.gather [hbm4b:s4+s14], $0x10, s3, s14, $0xb8;
	[tilespmem:$0xB680] =	vst v63  }
0x4c: {  	s9 =	simm.s32 $0x80;
	s17 =	simm.s32 $0x57D0  }
0x4d: {  	[tilespmem:s17], [sflag:$0x2] =	stream.indirect.gather [hbm4b:s4+s14], $0x10, s9, s14, $0xb8;
	[tilespmem:$0xB680] =	vst v63  }
0x4e: {  	s18 =	simm.s32 $0x100  }
0x4f: {  	[tilespmem:s19], [sflag:$0x3] =	stream.indirect.gather [hbm4b:s4+s14], $0x10, s18, s14, $0xb8;
	[tilespmem:$0xB680] =	vst v63  }
0x50: {  	s5 =	simm.s32 $0x180;
	s6 =	simm.s32 $0x6770  }
0x51: {  	[tilespmem:s6], [sflag:$0x4] =	stream.indirect.gather [hbm4b:s4+s14], $0x10, s5, s14, $0xb8;
	[tilespmem:$0xB680] =	vst v63  }
0x52: {  	s7 =	simm.s32 $0x200  }
0x53: {  	[tilespmem:s23], [sflag:$0x5] =	stream.indirect.gather [hbm4b:s4+s14], $0x10, s7, s14, $0xb8;
	[tilespmem:$0xB680] =	vst v63  }
0x54: {  	s8 =	simm.s32 $0x280;
	s9 =	simm.s32 $0x7710  }
0x55: {  	[tilespmem:s9], [sflag:$0x6] =	stream.indirect.gather [hbm4b:s4+s14], $0x10, s8, s14, $0xb8;
	[tilespmem:$0xB680] =	vst v63  }
0x56: {  	s17 =	simm.s32 $0x300  }
0x57: {  	[tilespmem:s28], [sflag:$0x7] =	stream.indirect.gather [hbm4b:s4+s14], $0x10, s17, s14, $0xb8;
	[tilespmem:$0xB680] =	vst v63  }
0x58: {  	s18 =	simm.s32 $0x380;
	s5 =	simm.s32 $0x0  }
0x59: {  	[tilespmem:s30], [sflag:$0x8] =	stream.indirect.gather [hbm4b:s4+s14], $0x10, s18, s14, $0xb8;
	[tilespmem:$0xB680] =	vst v63  }
.LBB2_2:
0x5a: {  	_ =	swait.ge [sflag:s31], $0x7D0  }
0x5b: {  	s6 =	sshra.s32 s5, $0x2;
	[sflag:s31] =	ssyncset.done $0x0  }
0x5c: {  	p0 =	seq.s32 s5, $0x9000;
	s3 =	sadd.s32 $0x2800, s6;
	[sflag:s31] =	ssyncadd.s32 $0xFFFFF830  }
0x5d: {  	[spmem:s2] =	stream.indirect.scatter.add.f32 [tilespmem:s15], [sflag:$0x9], $0x10, s3, s14, $0xb8;
	[tilespmem:$0xB680] =	vst v63  }
0x5e: {  	s3 =	simm.s32 @p0 $0x2  }
0x5f: {  	_ =	swait.ge @p0 [sflag:s3], $0x7D0  }
0x60: {  	s9 =	sshra.s32 @p0 s5, $0x2;
	s8 =	simm.s32 @p0 $0x57D0;
	[sflag:s3] =	ssyncset.done @p0 $0x0  }
0x61: {  	s7 =	sadd.s32 @p0 $0x2880, s9;
	[sflag:s3] =	ssyncadd.s32 @p0 $0xFFFFF830;
	s3 =	simm.s32 @p0 $0x7D  }
0x62: {  	[spmem:s2] =	stream.indirect.scatter.add.f32 @p0 [tilespmem:s8], [sflag:$0xA], $0x10, s7, s3, $0xb8;
	[tilespmem:$0xB680] =	vst v63  }
0x63: {  	s7 =	simm.s32 @!p0 $0x9  }
0x64: {  	_ =	swait.ge @!p0 [sflag:s7], $0x7D0  }
0x65: {  	[sflag:s7] =	ssyncset.done @!p0 $0x0  }
0x66: {  	[sflag:s7] =	ssyncadd.s32 @!p0 $0xFFFFF830;
	s7 =	sshra.s32 @!p0 s5, $0x2  }
0x67: {  	s18 =	simm.s32 @!p0 $0x5000;
	s8 =	simm.s32 @!p0 $0x7D;
	s17 =	sadd.s32 @!p0 $0x400, s7  }
0x68: {  	[tilespmem:s18], [sflag:$0x1] =	stream.indirect.gather @!p0 [hbm4b:s4+s8], $0x10, s17, s8, $0xb8;
	[tilespmem:$0xB680] =	vst v63  }
0x69: {  	s17 =	simm.s32 @!p0 $0x2  }
0x6a: {  	_ =	swait.ge @!p0 [sflag:s17], $0x7D0  }
0x6b: {  	[sflag:s17] =	ssyncset.done @!p0 $0x0  }
0x6c: {  	s18 =	simm.s32 @!p0 $0x57D0;
	[sflag:s17] =	ssyncadd.s32 @!p0 $0xFFFFF830;
	s17 =	sadd.s32 @!p0 $0x2880, s7  }
0x6d: {  	[spmem:s2] =	stream.indirect.scatter.add.f32 @!p0 [tilespmem:s18], [sflag:$0xA], $0x10, s17, s8, $0xb8;
	[tilespmem:$0xB680] =	vst v63  }
0x6e: {  	s17 =	simm.s32 @!p0 $0xA  }
0x6f: {  	_ =	swait.ge @!p0 [sflag:s17], $0x7D0  }
0x70: {  	[sflag:s17] =	ssyncset.done @!p0 $0x0  }
0x71: {  	[sflag:s17] =	ssyncadd.s32 @!p0 $0xFFFFF830;
	s17 =	sadd.s32 @!p0 $0x480, s7  }
0x72: {  	[tilespmem:s18], [sflag:$0x2] =	stream.indirect.gather @!p0 [hbm4b:s4+s8], $0x10, s17, s8, $0xb8;
	[tilespmem:$0xB680] =	vst v63  }
0x73: {  	_ =	swait.ge [sflag:s0], $0x7D0  }
0x74: {  	[sflag:s0] =	ssyncset.done $0x0  }
0x75: {  	s18 =	sadd.s32 $0x2900, s6;
	s17 =	simm.s32 @p0 $0x4;
	[sflag:s0] =	ssyncadd.s32 $0xFFFFF830  }
0x76: {  	[spmem:s2] =	stream.indirect.scatter.add.f32 [tilespmem:s19], [sflag:$0xB], $0x10, s18, s14, $0xb8;
	[tilespmem:$0xB680] =	vst v63  }
0x77: {  	_ =	swait.ge @p0 [sflag:s17], $0x7D0  }
0x78: {  	[sflag:s17] =	ssyncset.done @p0 $0x0  }
0x79: {  	s18 =	simm.s32 @p0 $0x6770;
	[sflag:s17] =	ssyncadd.s32 @p0 $0xFFFFF830;
	s17 =	sadd.s32 @p0 $0x2980, s9  }
0x7a: {  	[spmem:s2] =	stream.indirect.scatter.add.f32 @p0 [tilespmem:s18], [sflag:$0xC], $0x10, s17, s3, $0xb8;
	[tilespmem:$0xB680] =	vst v63  }
0x7b: {  	s17 =	simm.s32 @!p0 $0xB  }
0x7c: {  	_ =	swait.ge @!p0 [sflag:s17], $0x7D0  }
0x7d: {  	[sflag:s17] =	ssyncset.done @!p0 $0x0  }
0x7e: {  	s18 =	simm.s32 @!p0 $0x5FA0;
	[sflag:s17] =	ssyncadd.s32 @!p0 $0xFFFFF830;
	s17 =	sadd.s32 @!p0 $0x500, s7  }
0x7f: {  	[tilespmem:s18], [sflag:$0x3] =	stream.indirect.gather @!p0 [hbm4b:s4+s8], $0x10, s17, s8, $0xb8;
	[tilespmem:$0xB680] =	vst v63  }
0x80: {  	s17 =	simm.s32 @!p0 $0x4  }
0x81: {  	_ =	swait.ge @!p0 [sflag:s17], $0x7D0  }
0x82: {  	[sflag:s17] =	ssyncset.done @!p0 $0x0  }
0x83: {  	s18 =	simm.s32 @!p0 $0x6770;
	[sflag:s17] =	ssyncadd.s32 @!p0 $0xFFFFF830;
	s17 =	sadd.s32 @!p0 $0x2980, s7  }
0x84: {  	[spmem:s2] =	stream.indirect.scatter.add.f32 @!p0 [tilespmem:s18], [sflag:$0xC], $0x10, s17, s8, $0xb8;
	[tilespmem:$0xB680] =	vst v63  }
0x85: {  	s17 =	simm.s32 @!p0 $0xC  }
0x86: {  	_ =	swait.ge @!p0 [sflag:s17], $0x7D0  }
0x87: {  	[sflag:s17] =	ssyncset.done @!p0 $0x0  }
0x88: {  	[sflag:s17] =	ssyncadd.s32 @!p0 $0xFFFFF830;
	s17 =	sadd.s32 @!p0 $0x580, s7  }
0x89: {  	[tilespmem:s18], [sflag:$0x4] =	stream.indirect.gather @!p0 [hbm4b:s4+s8], $0x10, s17, s8, $0xb8;
	[tilespmem:$0xB680] =	vst v63  }
0x8a: {  	_ =	swait.ge [sflag:s1], $0x7D0  }
0x8b: {  	[sflag:s1] =	ssyncset.done $0x0  }
0x8c: {  	s18 =	sadd.s32 $0x2A00, s6;
	s17 =	simm.s32 @p0 $0x6;
	[sflag:s1] =	ssyncadd.s32 $0xFFFFF830  }
0x8d: {  	[spmem:s2] =	stream.indirect.scatter.add.f32 [tilespmem:s23], [sflag:$0xD], $0x10, s18, s14, $0xb8;
	[tilespmem:$0xB680] =	vst v63  }
0x8e: {  	_ =	swait.ge @p0 [sflag:s17], $0x7D0  }
0x8f: {  	[sflag:s17] =	ssyncset.done @p0 $0x0  }
0x90: {  	s9 =	sadd.s32 @p0 $0x2A80, s9;
	[sflag:s17] =	ssyncadd.s32 @p0 $0xFFFFF830;
	s17 =	simm.s32 @p0 $0x7710  }
0x91: {  	[spmem:s2] =	stream.indirect.scatter.add.f32 @p0 [tilespmem:s17], [sflag:$0xE], $0x10, s9, s3, $0xb8;
	[tilespmem:$0xB680] =	vst v63  }
0x92: {  	s3 =	simm.s32 @!p0 $0xD  }
0x93: {  	_ =	swait.ge @!p0 [sflag:s3], $0x7D0  }
0x94: {  	[sflag:s3] =	ssyncset.done @!p0 $0x0  }
0x95: {  	s9 =	simm.s32 @!p0 $0x6F40;
	[sflag:s3] =	ssyncadd.s32 @!p0 $0xFFFFF830;
	s3 =	sadd.s32 @!p0 $0x600, s7  }
0x96: {  	[tilespmem:s9], [sflag:$0x5] =	stream.indirect.gather @!p0 [hbm4b:s4+s8], $0x10, s3, s8, $0xb8;
	[tilespmem:$0xB680] =	vst v63  }
0x97: {  	s3 =	simm.s32 @!p0 $0x6  }
0x98: {  	_ =	swait.ge @!p0 [sflag:s3], $0x7D0  }
0x99: {  	[sflag:s3] =	ssyncset.done @!p0 $0x0  }
0x9a: {  	s9 =	simm.s32 @!p0 $0x7710;
	[sflag:s3] =	ssyncadd.s32 @!p0 $0xFFFFF830;
	s3 =	sadd.s32 @!p0 $0x2A80, s7  }
0x9b: {  	[spmem:s2] =	stream.indirect.scatter.add.f32 @!p0 [tilespmem:s9], [sflag:$0xE], $0x10, s3, s8, $0xb8;
	[tilespmem:$0xB680] =	vst v63  }
0x9c: {  	s3 =	simm.s32 @!p0 $0xE  }
0x9d: {  	_ =	swait.ge @!p0 [sflag:s3], $0x7D0  }
0x9e: {  	[sflag:s3] =	ssyncset.done @!p0 $0x0  }
0x9f: {  	[sflag:s3] =	ssyncadd.s32 @!p0 $0xFFFFF830;
	s3 =	sadd.s32 @!p0 $0x680, s7  }
0xa0: {  	[tilespmem:s9], [sflag:$0x6] =	stream.indirect.gather @!p0 [hbm4b:s4+s8], $0x10, s3, s8, $0xb8;
	[tilespmem:$0xB680] =	vst v63  }
.Ltmp2:
0xa1: {  	_ = 	snop;
	(pc) =	sbr.rel @p0 .LBB2_4-.Ltmp2, $4  }
0xa2: {  	_ =	swait.ge [sflag:s11], $0x7D0  }
0xa3: {  	[sflag:s11] =	ssyncset.done $0x0  }
0xa4: {  	s18 =	sadd.s32 $0x2B00, s6;
	s3 =	sadd.s32 $0x2B80, s6;
	[sflag:s11] =	ssyncadd.s32 $0xFFFFF830  }
0xa5: {  	[spmem:s2] =	stream.indirect.scatter.add.f32 [tilespmem:s28], [sflag:$0xF], $0x10, s18, s14, $0xb8;
	[tilespmem:$0xB680] =	vst v63  }
0xa6: {  	_ =	swait.ge [sflag:s25], $0x7D0  }
0xa7: {  	[sflag:s25] =	ssyncset.done $0x0  }
0xa8: {  	s7 =	sadd.s32 $0x700, s6;
	[sflag:s25] =	ssyncadd.s32 $0xFFFFF830  }
0xa9: {  	[tilespmem:s28], [sflag:$0x7] =	stream.indirect.gather [hbm4b:s4+s14], $0x10, s7, s14, $0xb8;
	[tilespmem:$0xB680] =	vst v63  }
0xaa: {  	_ =	swait.ge [sflag:s16], $0x7D0  }
0xab: {  	[sflag:s16] =	ssyncset.done $0x0  }
0xac: {  	[sflag:s16] =	ssyncadd.s32 $0xFFFFF830  }
0xad: {  	[spmem:s2] =	stream.indirect.scatter.add.f32 [tilespmem:s30], [sflag:$0x10], $0x10, s3, s14, $0xb8;
	[tilespmem:$0xB680] =	vst v63  }
.Ltmp3:
0xae: {  	_ = 	snop;
	(pc) =	sbr.rel .LBB2_2-.Ltmp3, $4  }
0xaf: {  	_ =	swait.ge [sflag:s26], $0x7D0  }
0xb0: {  	[sflag:s26] =	ssyncset.done $0x0  }
0xb1: {  	s18 =	sadd.s32 $0x780, s6;
	s5 =	sadd.s32 $0x1000, s5;
	[sflag:s26] =	ssyncadd.s32 $0xFFFFF830  }
0xb2: {  	[tilespmem:s30], [sflag:$0x8] =	stream.indirect.gather [hbm4b:s4+s14], $0x10, s18, s14, $0xb8;
	[tilespmem:$0xB680] =	vst v63  }
.LBB2_5:
0xb3: {  	_ =	sfence.sel $0x180000  }
0xb4: {  	[bflag:$0x0] =	sbarrier.arrive $0xFFFF  }
0xb5: {  	_ =	strace $0x90000050  }
0xb6: {  	s0 =	stileid.u32;
	[bflag:$0x2] =	sbarrier.arrive $0xFFFF  }
0xb7: {  	p0 =	sne.s32 s0, $0x0;
	s0 =	rddreg [dreg:$0x2]  }
0xb8: {  	s0 =	sadd.s32 @!p0 $0x100000, s0  }
0xb9: {  	[sflag:s0] =	ssyncadd.tile.s32 @!p0 $0x1;
	_ =	shalt  }
.Lfunc_end2:
_tile_overlayer_lowered:
.L_overlay_start_2:
0xba: {  	(tag) =	ssettag $0x2  }
0xbb: {  	s0 =	rddreg [dreg:$0x0];
	s2 =	stileid.u32  }
0xbc: {  	s1 =	rddreg [dreg:$0x1];
	p0 =	sne.s32 s2, $0x0  }
0xbd: {  	s3 =	rddreg [dreg:$0x2];
	[bflag:$0x3] =	sbarrier.arrive $0xFFFF;
	s2 =	simm.s32 @!p0 $0x1C11  }
0xbe: {  	[timem:s3], [sflag:s2] =	dma.local @!p0 [hbm:s0], s1  }
0xbf: {  	s0 =	simm.s32 @!p0 $0x11  }
0xc0: {  	_ =	swait.ge @!p0 [sflag:s0], s1  }
0xc1: {  	s1 =	ssub.s32 @!p0 $0x0, s1;
	[sflag:s0] =	ssyncset.done @!p0 $0x0  }
0xc2: {  	[sflag:s0] =	ssyncadd.s32 @!p0 s1  }
0xc3: {  	[bflag:$0x3] =	sbarrier.arrive $0xFFFF  }
0xc4: {  	_ =	shalt  }

</sc_bundles>
